<compile_context>
chip_gen: v7x
topology: tpu7x:2x2x1
jax: 0.10.2.dev20260603
libtpu: 0.0.44.dev20260713+nightly
codegen_flags: <defaults>
</compile_context>

<pallas_src>
import dataclasses

import jax
import jax.numpy as jnp
import numpy as np
from jax import lax
from jax.experimental import pallas as pl
from jax.experimental.pallas import tpu as pltpu
from jax.experimental.pallas import tpu_sc as plsc

K = 64
ROWS = 64
COLS = 32768
CAP = 512
CAP2 = 128
NVREG = COLS // 16
NC = 2
NS = 16
ROWS_PER_W = ROWS // (NC * NS)
MININT = np.int32(-2147483648)
BIG = np.int32(2**31 - 1)


def _mono(v):
    b = plsc.bitcast(v, jnp.int32)
    return b ^ (lax.shift_right_arithmetic(b, 31) | MININT)


def _mono_u(v):
    return plsc.bitcast(_mono(v), jnp.uint32)


def _find_cross(h, acc, need):
    rh = lax.rev(h, (0,))
    cs = plsc.cumsum(rh)
    cond = (cs + acc) >= need
    j = jnp.max(plsc.all_reduce_ffs(cond))
    lane = 15 - j
    iota = lax.iota(jnp.int32, 16)
    above = acc + jnp.sum(jnp.where(iota == jnp.broadcast_to(j, (16,)),
                                    cs - rh, 0))
    return lane, above


def _select_bin(hist_v, totals_v, need):
    iota16 = lax.iota(jnp.int32, 16)
    lane0 = iota16 == 0

    @plsc.parallel_loop(0, 256, unroll=4)
    def _(c):
        h = hist_v[pl.ds(c * 16, 16)]
        tot = jnp.broadcast_to(jnp.sum(h), (16,))
        plsc.store_scatter(totals_v, [jnp.broadcast_to(c, (16,))], tot,
                           mask=lane0)

    def cscan(j, carry):
        acc, kstar, found = carry
        kk = 15 - j
        s = jnp.sum(totals_v[pl.ds(kk * 16, 16)])
        cond = jnp.logical_and(jnp.logical_not(found), (acc + s) >= need)
        kstar = jnp.where(cond, kk, kstar)
        acc = jnp.where(jnp.logical_or(cond, found), acc, acc + s)
        found = jnp.logical_or(found, cond)
        return acc, kstar, found

    acc0, kstar, _ = lax.fori_loop(
        0, 16, cscan, (jnp.int32(0), jnp.int32(0), False))

    tv = totals_v[pl.ds(kstar * 16, 16)]
    lane_c, acc1 = _find_cross(tv, acc0, need)
    cstar = kstar * 16 + lane_c

    hf = hist_v[pl.ds(cstar * 16, 16)]
    lane_f, above = _find_cross(hf, acc1, need)
    return cstar * 16 + lane_f, above


def _sc_body(x_hbm, vals_hbm, idx_hbm,
             row0_v, row1_v, hist_v, totals_v, cm_v, ci_v, c2m_v, c2i_v,
             vout_v, iout_v, sem0, sem1):
    wid = lax.axis_index("s") * NC + lax.axis_index("c")
    r0 = wid * ROWS_PER_W

    QTR = COLS // 4
    cps = [
        [pltpu.async_copy(x_hbm.at[r0 + rr, pl.ds(c * QTR, QTR)],
                          (row0_v if rr == 0 else row1_v).at[
                              pl.ds(c * QTR, QTR)],
                          sem0 if rr == 0 else sem1)
         for c in range(4)]
        for rr in range(ROWS_PER_W)
    ]

    iota16 = lax.iota(jnp.int32, 16)
    lane0 = iota16 == 0
    ones = jnp.ones((16,), jnp.int32)
    zeros = jnp.zeros((16,), jnp.int32)

    for rr in range(ROWS_PER_W):
        row_v = row0_v if rr == 0 else row1_v

        @plsc.parallel_loop(0, 256, unroll=8)
        def _(i):
            hist_v[pl.ds(i * 16, 16)] = zeros

        @plsc.parallel_loop(0, CAP // 16, unroll=8)
        def _(i):
            cm_v[pl.ds(i * 16, 16)] = zeros
            ci_v[pl.ds(i * 16, 16)] = zeros

        @plsc.parallel_loop(0, CAP2 // 16)
        def _(i):
            c2m_v[pl.ds(i * 16, 16)] = zeros
            c2i_v[pl.ds(i * 16, 16)] = zeros

        for c in range(4):
            cps[rr][c].wait()

            @plsc.parallel_loop(c * (NVREG // 4), (c + 1) * (NVREG // 4),
                                unroll=8)
            def _(i):
                mu = _mono_u(row_v[pl.ds(i * 16, 16)])
                binf = plsc.bitcast(mu >> jnp.uint32(20), jnp.int32)
                plsc.addupdate_scatter(hist_v, [binf], ones)

        bstar, above1 = _select_bin(hist_v, totals_v, K)
        tlo = jnp.broadcast_to(lax.shift_left(bstar, 20), (16,))
        tlo_u = plsc.bitcast(tlo, jnp.uint32)

        @plsc.parallel_loop(0, NVREG, unroll=8, carry=zeros)
        def p2(i, off_v):
            mu = _mono_u(row_v[pl.ds(i * 16, 16)])
            m = mu >= tlo_u
            pos = off_v + plsc.cumsum(m.astype(jnp.int32)) - 1
            pos = jnp.minimum(pos, jnp.int32(CAP - 1))
            idxv = iota16 + jnp.broadcast_to(i * 16, (16,))
            plsc.store_scatter(cm_v, [pos], plsc.bitcast(mu, jnp.int32),
                               mask=m)
            plsc.store_scatter(ci_v, [pos], idxv, mask=m)
            return off_v + plsc.all_reduce_population_count(m)

        @plsc.parallel_loop(0, 256, unroll=8)
        def _(i):
            hist_v[pl.ds(i * 16, 16)] = zeros

        bstar_u = plsc.bitcast(jnp.broadcast_to(bstar, (16,)), jnp.uint32)

        @plsc.parallel_loop(0, CAP // 16, unroll=4)
        def _(i):
            mu = plsc.bitcast(cm_v[pl.ds(i * 16, 16)], jnp.uint32)
            iseq = (mu >> jnp.uint32(20)) == bstar_u
            bin2 = plsc.bitcast((mu >> jnp.uint32(8)), jnp.int32) & 0xFFF
            plsc.addupdate_scatter(hist_v, [bin2], ones, mask=iseq)

        b2star, _ = _select_bin(hist_v, totals_v, K - above1)
        tlo2 = jnp.broadcast_to(
            lax.shift_left(bstar, 20) | lax.shift_left(b2star, 8), (16,))
        tlo2_u = plsc.bitcast(tlo2, jnp.uint32)

        @plsc.parallel_loop(0, CAP // 16, unroll=4, carry=zeros)
        def p3(i, off_v):
            mono = cm_v[pl.ds(i * 16, 16)]
            mu = plsc.bitcast(mono, jnp.uint32)
            m = mu >= tlo2_u
            pos = off_v + plsc.cumsum(m.astype(jnp.int32)) - 1
            pos = jnp.minimum(pos, jnp.int32(CAP2 - 1))
            plsc.store_scatter(c2m_v, [pos], mono, mask=m)
            plsc.store_scatter(c2i_v, [pos], ci_v[pl.ds(i * 16, 16)], mask=m)
            return off_v + plsc.all_reduce_population_count(m)

        NV2 = CAP2 // 16
        carry0 = tuple(c2m_v[pl.ds(j * 16, 16)] ^ MININT for j in range(NV2))

        @pl.loop(0, K, init_carry=carry0)
        def _(t, vs):
            m01 = jnp.maximum(vs[0], vs[1])
            m23 = jnp.maximum(vs[2], vs[3])
            m45 = jnp.maximum(vs[4], vs[5])
            m67 = jnp.maximum(vs[6], vs[7])
            mx = jnp.maximum(jnp.maximum(m01, m23), jnp.maximum(m45, m67))
            mxs = jnp.broadcast_to(jnp.max(mx), (16,))
            pos = jnp.full((16,), BIG, jnp.int32)
            for j in range(NV2):
                f = plsc.all_reduce_ffs(vs[j] == mxs)
                pj = jnp.where(f < 16, f + jnp.int32(j * 16), BIG)
                pos = jnp.minimum(pos, pj)
            idx_sel = plsc.load_gather(c2i_v, [pos])
            mono_sel = mxs ^ MININT
            dec = mono_sel ^ (~lax.shift_right_arithmetic(mono_sel, 31)
                             | MININT)
            tb = jnp.broadcast_to(t, (16,))
            plsc.store_scatter(vout_v, [tb],
                               plsc.bitcast(dec, jnp.float32), mask=lane0)
            plsc.store_scatter(iout_v, [tb], idx_sel, mask=lane0)
            new_vs = tuple(
                jnp.where((iota16 + jnp.int32(j * 16)) == pos, MININT, vs[j])
                for j in range(NV2))
            return new_vs

        pltpu.sync_copy(vout_v, vals_hbm.at[r0 + rr])
        pltpu.sync_copy(iout_v, idx_hbm.at[r0 + rr])


def kernel(x):
    mesh = plsc.VectorSubcoreMesh(
        core_axis_name="c", subcore_axis_name="s", num_cores=NC,
        num_subcores=NS)
    cp = pltpu.CompilerParams()
    if "needs_layout_passes" in pltpu.CompilerParams.__dataclass_fields__:
        cp = dataclasses.replace(cp, needs_layout_passes=False)
    kern = pl.kernel(
        _sc_body,
        out_type=[
            jax.ShapeDtypeStruct((ROWS, K), jnp.float32),
            jax.ShapeDtypeStruct((ROWS, K), jnp.int32),
        ],
        mesh=mesh,
        scratch_types=[
            pltpu.VMEM((COLS,), jnp.float32),
            pltpu.VMEM((COLS,), jnp.float32),
            pltpu.VMEM((4096,), jnp.int32),
            pltpu.VMEM((256,), jnp.int32),
            pltpu.VMEM((CAP,), jnp.int32),
            pltpu.VMEM((CAP,), jnp.int32),
            pltpu.VMEM((CAP2,), jnp.int32),
            pltpu.VMEM((CAP2,), jnp.int32),
            pltpu.VMEM((K,), jnp.float32),
            pltpu.VMEM((K,), jnp.int32),
            pltpu.SemaphoreType.DMA,
            pltpu.SemaphoreType.DMA,
        ],
        compiler_params=cp,
    )
    vals, idx = kern(x)
    return vals, idx

# --- scband reference (transcript-rebuilt; emitter-appended) ---
"""Pipeline reference for scband-topk-28398323761779 (READ-ONLY COPY).

The authoritative reference and input builder live on the scoring server;
editing this copy changes nothing except your own understanding.
"""

import jax, jax.numpy as jnp
import numpy as np

K = 64

def setup_inputs(seed: int = 0) -> dict:
    key = jax.random.key(seed)
    x = jax.random.normal(key, (64, 32768), dtype=jnp.float32)
    return {"x": x}

def reference(x):
    # Topk with k=64, dim=-1, largest=True, sorted=True,
    # return_values=True, return_indices=True -> returns (values, indices)
    values, indices = jax.lax.top_k(x, K)
    return values, indices

if __name__ == "__main__":
    import jax
    _d = setup_inputs()
    print(jax.jit(kernel)(*tuple(_d.values())))

</pallas_src>

<mosaic_0001>
#map = affine_map<(d0, d1) -> (0, 0)>
module attributes {stable_mosaic.version = 14 : i64} {
  func.func @_sc_body(%arg0: i32, %arg1: i32, %arg2: memref<64x32768xf32, #tpu.memory_space<hbm>>, %arg3: memref<64x64xf32, #tpu.memory_space<hbm>>, %arg4: memref<64x64xi32, #tpu.memory_space<hbm>>, %arg5: memref<32768xf32, #tpu.memory_space<vmem>>, %arg6: memref<32768xf32, #tpu.memory_space<vmem>>, %arg7: memref<4096xi32, #tpu.memory_space<vmem>>, %arg8: memref<256xi32, #tpu.memory_space<vmem>>, %arg9: memref<512xi32, #tpu.memory_space<vmem>>, %arg10: memref<512xi32, #tpu.memory_space<vmem>>, %arg11: memref<128xi32, #tpu.memory_space<vmem>>, %arg12: memref<128xi32, #tpu.memory_space<vmem>>, %arg13: memref<64xf32, #tpu.memory_space<vmem>>, %arg14: memref<64xi32, #tpu.memory_space<vmem>>, %arg15: memref<!tpu.dma_semaphore, #tpu.memory_space<semaphore_mem>>, %arg16: memref<!tpu.dma_semaphore, #tpu.memory_space<semaphore_mem>>) attributes {dimension_semantics = [#tpu.dimension_semantics<core_parallel>, #tpu.dimension_semantics<subcore_parallel>], iteration_bounds = array<i64: 2, 16>, scalar_prefetch = 0 : i64, scratch_operands = 12 : i64, tpu.core_type = #tpu.core_type<sc_vector_subcore>, window_params = [{transform_indices = #map}, {transform_indices = #map}, {transform_indices = #map}]} {
    %mul3A = arith.constant 2 : i32
    %mul3A_0 = arith.muli %arg1, %mul3A : i32
    %add3A = arith.addi %mul3A_0, %arg0 : i32
    %mul3A_1 = arith.constant 2 : i32
    %mul3A_2 = arith.muli %add3A, %mul3A_1 : i32
    %add3A_3 = arith.constant 0 : i32
    %add3A_4 = arith.addi %mul3A_2, %add3A_3 : i32
    %dma_start3A = arith.constant 0 : i32
    %dma_start3A_5 = tpu.memref_slice %arg5[%dma_start3A] : memref<32768xf32, #tpu.memory_space<vmem>> -> memref<8192xf32, #tpu.memory_space<vmem>>
    %dma_start3A_6 = arith.constant 0 : i32
    %dma_start3A_7 = tpu.memref_slice %arg2[%add3A_4, %dma_start3A_6] : memref<64x32768xf32, #tpu.memory_space<hbm>> -> memref<1x8192xf32, #tpu.memory_space<hbm>>
    %dma_start3A_8 = tpu.memref_squeeze %dma_start3A_7 : memref<1x8192xf32, #tpu.memory_space<hbm>> -> memref<8192xf32, #tpu.memory_space<hbm>>
    %dma_start3A_9 = arith.constant 0 : i32
    %dma_start3A_10 = tpu.memref_slice %arg5[%dma_start3A_9] : memref<32768xf32, #tpu.memory_space<vmem>> -> memref<8192xf32, #tpu.memory_space<vmem>>
    %dma_start3A_11 = arith.constant 0 : i32
    %dma_start3A_12 = tpu.memref_slice %arg2[%add3A_4, %dma_start3A_11] : memref<64x32768xf32, #tpu.memory_space<hbm>> -> memref<1x8192xf32, #tpu.memory_space<hbm>>
    %dma_start3A_13 = tpu.memref_squeeze %dma_start3A_12 : memref<1x8192xf32, #tpu.memory_space<hbm>> -> memref<8192xf32, #tpu.memory_space<hbm>>
    tpu.enqueue_dma source(%dma_start3A_13 : memref<8192xf32, #tpu.memory_space<hbm>>) target(%dma_start3A_10 : memref<8192xf32, #tpu.memory_space<vmem>>) target_semaphore(%arg15 : memref<!tpu.dma_semaphore, #tpu.memory_space<semaphore_mem>>)
    %add3A_14 = arith.constant 0 : i32
    %add3A_15 = arith.addi %mul3A_2, %add3A_14 : i32
    %dma_start3A_16 = arith.constant 8192 : i32
    %dma_start3A_17 = tpu.memref_slice %arg5[%dma_start3A_16] : memref<32768xf32, #tpu.memory_space<vmem>> -> memref<8192xf32, #tpu.memory_space<vmem>>
    %dma_start3A_18 = arith.constant 8192 : i32
    %dma_start3A_19 = tpu.memref_slice %arg2[%add3A_15, %dma_start3A_18] : memref<64x32768xf32, #tpu.memory_space<hbm>> -> memref<1x8192xf32, #tpu.memory_space<hbm>>
    %dma_start3A_20 = tpu.memref_squeeze %dma_start3A_19 : memref<1x8192xf32, #tpu.memory_space<hbm>> -> memref<8192xf32, #tpu.memory_space<hbm>>
    %dma_start3A_21 = arith.constant 8192 : i32
    %dma_start3A_22 = tpu.memref_slice %arg5[%dma_start3A_21] : memref<32768xf32, #tpu.memory_space<vmem>> -> memref<8192xf32, #tpu.memory_space<vmem>>
    %dma_start3A_23 = arith.constant 8192 : i32
    %dma_start3A_24 = tpu.memref_slice %arg2[%add3A_15, %dma_start3A_23] : memref<64x32768xf32, #tpu.memory_space<hbm>> -> memref<1x8192xf32, #tpu.memory_space<hbm>>
    %dma_start3A_25 = tpu.memref_squeeze %dma_start3A_24 : memref<1x8192xf32, #tpu.memory_space<hbm>> -> memref<8192xf32, #tpu.memory_space<hbm>>
    tpu.enqueue_dma source(%dma_start3A_25 : memref<8192xf32, #tpu.memory_space<hbm>>) target(%dma_start3A_22 : memref<8192xf32, #tpu.memory_space<vmem>>) target_semaphore(%arg15 : memref<!tpu.dma_semaphore, #tpu.memory_space<semaphore_mem>>)
    %add3A_26 = arith.constant 0 : i32
    %add3A_27 = arith.addi %mul3A_2, %add3A_26 : i32
    %dma_start3A_28 = arith.constant 16384 : i32
    %dma_start3A_29 = tpu.memref_slice %arg5[%dma_start3A_28] : memref<32768xf32, #tpu.memory_space<vmem>> -> memref<8192xf32, #tpu.memory_space<vmem>>
    %dma_start3A_30 = arith.constant 16384 : i32
    %dma_start3A_31 = tpu.memref_slice %arg2[%add3A_27, %dma_start3A_30] : memref<64x32768xf32, #tpu.memory_space<hbm>> -> memref<1x8192xf32, #tpu.memory_space<hbm>>
    %dma_start3A_32 = tpu.memref_squeeze %dma_start3A_31 : memref<1x8192xf32, #tpu.memory_space<hbm>> -> memref<8192xf32, #tpu.memory_space<hbm>>
    %dma_start3A_33 = arith.constant 16384 : i32
    %dma_start3A_34 = tpu.memref_slice %arg5[%dma_start3A_33] : memref<32768xf32, #tpu.memory_space<vmem>> -> memref<8192xf32, #tpu.memory_space<vmem>>
    %dma_start3A_35 = arith.constant 16384 : i32
    %dma_start3A_36 = tpu.memref_slice %arg2[%add3A_27, %dma_start3A_35] : memref<64x32768xf32, #tpu.memory_space<hbm>> -> memref<1x8192xf32, #tpu.memory_space<hbm>>
    %dma_start3A_37 = tpu.memref_squeeze %dma_start3A_36 : memref<1x8192xf32, #tpu.memory_space<hbm>> -> memref<8192xf32, #tpu.memory_space<hbm>>
    tpu.enqueue_dma source(%dma_start3A_37 : memref<8192xf32, #tpu.memory_space<hbm>>) target(%dma_start3A_34 : memref<8192xf32, #tpu.memory_space<vmem>>) target_semaphore(%arg15 : memref<!tpu.dma_semaphore, #tpu.memory_space<semaphore_mem>>)
    %add3A_38 = arith.constant 0 : i32
    %add3A_39 = arith.addi %mul3A_2, %add3A_38 : i32
    %dma_start3A_40 = arith.constant 24576 : i32
    %dma_start3A_41 = tpu.memref_slice %arg5[%dma_start3A_40] : memref<32768xf32, #tpu.memory_space<vmem>> -> memref<8192xf32, #tpu.memory_space<vmem>>
    %dma_start3A_42 = arith.constant 24576 : i32
    %dma_start3A_43 = tpu.memref_slice %arg2[%add3A_39, %dma_start3A_42] : memref<64x32768xf32, #tpu.memory_space<hbm>> -> memref<1x8192xf32, #tpu.memory_space<hbm>>
    %dma_start3A_44 = tpu.memref_squeeze %dma_start3A_43 : memref<1x8192xf32, #tpu.memory_space<hbm>> -> memref<8192xf32, #tpu.memory_space<hbm>>
    %dma_start3A_45 = arith.constant 24576 : i32
    %dma_start3A_46 = tpu.memref_slice %arg5[%dma_start3A_45] : memref<32768xf32, #tpu.memory_space<vmem>> -> memref<8192xf32, #tpu.memory_space<vmem>>
    %dma_start3A_47 = arith.constant 24576 : i32
    %dma_start3A_48 = tpu.memref_slice %arg2[%add3A_39, %dma_start3A_47] : memref<64x32768xf32, #tpu.memory_space<hbm>> -> memref<1x8192xf32, #tpu.memory_space<hbm>>
    %dma_start3A_49 = tpu.memref_squeeze %dma_start3A_48 : memref<1x8192xf32, #tpu.memory_space<hbm>> -> memref<8192xf32, #tpu.memory_space<hbm>>
    tpu.enqueue_dma source(%dma_start3A_49 : memref<8192xf32, #tpu.memory_space<hbm>>) target(%dma_start3A_46 : memref<8192xf32, #tpu.memory_space<vmem>>) target_semaphore(%arg15 : memref<!tpu.dma_semaphore, #tpu.memory_space<semaphore_mem>>)
    %add3A_50 = arith.constant 1 : i32
    %add3A_51 = arith.addi %mul3A_2, %add3A_50 : i32
    %dma_start3A_52 = arith.constant 0 : i32
    %dma_start3A_53 = tpu.memref_slice %arg6[%dma_start3A_52] : memref<32768xf32, #tpu.memory_space<vmem>> -> memref<8192xf32, #tpu.memory_space<vmem>>
    %dma_start3A_54 = arith.constant 0 : i32
    %dma_start3A_55 = tpu.memref_slice %arg2[%add3A_51, %dma_start3A_54] : memref<64x32768xf32, #tpu.memory_space<hbm>> -> memref<1x8192xf32, #tpu.memory_space<hbm>>
    %dma_start3A_56 = tpu.memref_squeeze %dma_start3A_55 : memref<1x8192xf32, #tpu.memory_space<hbm>> -> memref<8192xf32, #tpu.memory_space<hbm>>
    %dma_start3A_57 = arith.constant 0 : i32
    %dma_start3A_58 = tpu.memref_slice %arg6[%dma_start3A_57] : memref<32768xf32, #tpu.memory_space<vmem>> -> memref<8192xf32, #tpu.memory_space<vmem>>
    %dma_start3A_59 = arith.constant 0 : i32
    %dma_start3A_60 = tpu.memref_slice %arg2[%add3A_51, %dma_start3A_59] : memref<64x32768xf32, #tpu.memory_space<hbm>> -> memref<1x8192xf32, #tpu.memory_space<hbm>>
    %dma_start3A_61 = tpu.memref_squeeze %dma_start3A_60 : memref<1x8192xf32, #tpu.memory_space<hbm>> -> memref<8192xf32, #tpu.memory_space<hbm>>
    tpu.enqueue_dma source(%dma_start3A_61 : memref<8192xf32, #tpu.memory_space<hbm>>) target(%dma_start3A_58 : memref<8192xf32, #tpu.memory_space<vmem>>) target_semaphore(%arg16 : memref<!tpu.dma_semaphore, #tpu.memory_space<semaphore_mem>>)
    %add3A_62 = arith.constant 1 : i32
    %add3A_63 = arith.addi %mul3A_2, %add3A_62 : i32
    %dma_start3A_64 = arith.constant 8192 : i32
    %dma_start3A_65 = tpu.memref_slice %arg6[%dma_start3A_64] : memref<32768xf32, #tpu.memory_space<vmem>> -> memref<8192xf32, #tpu.memory_space<vmem>>
    %dma_start3A_66 = arith.constant 8192 : i32
    %dma_start3A_67 = tpu.memref_slice %arg2[%add3A_63, %dma_start3A_66] : memref<64x32768xf32, #tpu.memory_space<hbm>> -> memref<1x8192xf32, #tpu.memory_space<hbm>>
    %dma_start3A_68 = tpu.memref_squeeze %dma_start3A_67 : memref<1x8192xf32, #tpu.memory_space<hbm>> -> memref<8192xf32, #tpu.memory_space<hbm>>
    %dma_start3A_69 = arith.constant 8192 : i32
    %dma_start3A_70 = tpu.memref_slice %arg6[%dma_start3A_69] : memref<32768xf32, #tpu.memory_space<vmem>> -> memref<8192xf32, #tpu.memory_space<vmem>>
    %dma_start3A_71 = arith.constant 8192 : i32
    %dma_start3A_72 = tpu.memref_slice %arg2[%add3A_63, %dma_start3A_71] : memref<64x32768xf32, #tpu.memory_space<hbm>> -> memref<1x8192xf32, #tpu.memory_space<hbm>>
    %dma_start3A_73 = tpu.memref_squeeze %dma_start3A_72 : memref<1x8192xf32, #tpu.memory_space<hbm>> -> memref<8192xf32, #tpu.memory_space<hbm>>
    tpu.enqueue_dma source(%dma_start3A_73 : memref<8192xf32, #tpu.memory_space<hbm>>) target(%dma_start3A_70 : memref<8192xf32, #tpu.memory_space<vmem>>) target_semaphore(%arg16 : memref<!tpu.dma_semaphore, #tpu.memory_space<semaphore_mem>>)
    %add3A_74 = arith.constant 1 : i32
    %add3A_75 = arith.addi %mul3A_2, %add3A_74 : i32
    %dma_start3A_76 = arith.constant 16384 : i32
    %dma_start3A_77 = tpu.memref_slice %arg6[%dma_start3A_76] : memref<32768xf32, #tpu.memory_space<vmem>> -> memref<8192xf32, #tpu.memory_space<vmem>>
    %dma_start3A_78 = arith.constant 16384 : i32
    %dma_start3A_79 = tpu.memref_slice %arg2[%add3A_75, %dma_start3A_78] : memref<64x32768xf32, #tpu.memory_space<hbm>> -> memref<1x8192xf32, #tpu.memory_space<hbm>>
    %dma_start3A_80 = tpu.memref_squeeze %dma_start3A_79 : memref<1x8192xf32, #tpu.memory_space<hbm>> -> memref<8192xf32, #tpu.memory_space<hbm>>
    %dma_start3A_81 = arith.constant 16384 : i32
    %dma_start3A_82 = tpu.memref_slice %arg6[%dma_start3A_81] : memref<32768xf32, #tpu.memory_space<vmem>> -> memref<8192xf32, #tpu.memory_space<vmem>>
    %dma_start3A_83 = arith.constant 16384 : i32
    %dma_start3A_84 = tpu.memref_slice %arg2[%add3A_75, %dma_start3A_83] : memref<64x32768xf32, #tpu.memory_space<hbm>> -> memref<1x8192xf32, #tpu.memory_space<hbm>>
    %dma_start3A_85 = tpu.memref_squeeze %dma_start3A_84 : memref<1x8192xf32, #tpu.memory_space<hbm>> -> memref<8192xf32, #tpu.memory_space<hbm>>
    tpu.enqueue_dma source(%dma_start3A_85 : memref<8192xf32, #tpu.memory_space<hbm>>) target(%dma_start3A_82 : memref<8192xf32, #tpu.memory_space<vmem>>) target_semaphore(%arg16 : memref<!tpu.dma_semaphore, #tpu.memory_space<semaphore_mem>>)
    %add3A_86 = arith.constant 1 : i32
    %add3A_87 = arith.addi %mul3A_2, %add3A_86 : i32
    %dma_start3A_88 = arith.constant 24576 : i32
    %dma_start3A_89 = tpu.memref_slice %arg6[%dma_start3A_88] : memref<32768xf32, #tpu.memory_space<vmem>> -> memref<8192xf32, #tpu.memory_space<vmem>>
    %dma_start3A_90 = arith.constant 24576 : i32
    %dma_start3A_91 = tpu.memref_slice %arg2[%add3A_87, %dma_start3A_90] : memref<64x32768xf32, #tpu.memory_space<hbm>> -> memref<1x8192xf32, #tpu.memory_space<hbm>>
    %dma_start3A_92 = tpu.memref_squeeze %dma_start3A_91 : memref<1x8192xf32, #tpu.memory_space<hbm>> -> memref<8192xf32, #tpu.memory_space<hbm>>
    %dma_start3A_93 = arith.constant 24576 : i32
    %dma_start3A_94 = tpu.memref_slice %arg6[%dma_start3A_93] : memref<32768xf32, #tpu.memory_space<vmem>> -> memref<8192xf32, #tpu.memory_space<vmem>>
    %dma_start3A_95 = arith.constant 24576 : i32
    %dma_start3A_96 = tpu.memref_slice %arg2[%add3A_87, %dma_start3A_95] : memref<64x32768xf32, #tpu.memory_space<hbm>> -> memref<1x8192xf32, #tpu.memory_space<hbm>>
    %dma_start3A_97 = tpu.memref_squeeze %dma_start3A_96 : memref<1x8192xf32, #tpu.memory_space<hbm>> -> memref<8192xf32, #tpu.memory_space<hbm>>
    tpu.enqueue_dma source(%dma_start3A_97 : memref<8192xf32, #tpu.memory_space<hbm>>) target(%dma_start3A_94 : memref<8192xf32, #tpu.memory_space<vmem>>) target_semaphore(%arg16 : memref<!tpu.dma_semaphore, #tpu.memory_space<semaphore_mem>>)
    %iota3A = tpu.iota {dimensions = array<i32: 0>} : vector<16xi32>
    %eq3A = arith.constant 0 : i32
    %eq3A_98 = vector.broadcast %eq3A : i32 to vector<16xi32>
    %eq3A_99 = arith.cmpi eq, %iota3A, %eq3A_98 : vector<16xi32>
    %broadcast_in_dim3A = arith.constant 1 : i32
    %broadcast_in_dim3A_100 = vector.broadcast %broadcast_in_dim3A : i32 to vector<16xi32>
    %broadcast_in_dim3A_101 = arith.constant 0 : i32
    %broadcast_in_dim3A_102 = vector.broadcast %broadcast_in_dim3A_101 : i32 to vector<16xi32>
    %parallel_loop3A = arith.constant 0 : i32
    %parallel_loop3A_103 = arith.constant 256 : i32
    %parallel_loop3A_104 = arith.constant 1 : i32
    scf.for %parallel_loop3A_770 = %parallel_loop3A to %parallel_loop3A_103 step %parallel_loop3A_104  : i32 {
      %parallel_loop3A_771 = arith.constant 16 : i32
      %parallel_loop3A_772 = arith.muli %parallel_loop3A_770, %parallel_loop3A_771 : i32
      %parallel_loop3A_773 = arith.index_cast %parallel_loop3A_772 : i32 to index
      %parallel_loop3A_774 = tpu.vector_load %arg7[%parallel_loop3A_773] {strides = array<i32>} : memref<4096xi32, #tpu.memory_space<vmem>>, vector<16xi32>,
      tpu.vector_store %arg7[%parallel_loop3A_773], %broadcast_in_dim3A_102 {strides = array<i32>} : memref<4096xi32, #tpu.memory_space<vmem>>, vector<16xi32>,
    } {sc.loop_unroll_factor = 8 : i64, sc.parallel_access}
    %parallel_loop3A_105 = arith.constant 0 : i32
    %parallel_loop3A_106 = arith.constant 32 : i32
    %parallel_loop3A_107 = arith.constant 1 : i32
    scf.for %parallel_loop3A_770 = %parallel_loop3A_105 to %parallel_loop3A_106 step %parallel_loop3A_107  : i32 {
      %parallel_loop3A_771 = arith.constant 16 : i32
      %parallel_loop3A_772 = arith.muli %parallel_loop3A_770, %parallel_loop3A_771 : i32
      %parallel_loop3A_773 = arith.index_cast %parallel_loop3A_772 : i32 to index
      %parallel_loop3A_774 = tpu.vector_load %arg9[%parallel_loop3A_773] {strides = array<i32>} : memref<512xi32, #tpu.memory_space<vmem>>, vector<16xi32>,
      tpu.vector_store %arg9[%parallel_loop3A_773], %broadcast_in_dim3A_102 {strides = array<i32>} : memref<512xi32, #tpu.memory_space<vmem>>, vector<16xi32>,
      %parallel_loop3A_775 = arith.constant 16 : i32
      %parallel_loop3A_776 = arith.muli %parallel_loop3A_770, %parallel_loop3A_775 : i32
      %parallel_loop3A_777 = arith.index_cast %parallel_loop3A_776 : i32 to index
      %parallel_loop3A_778 = tpu.vector_load %arg10[%parallel_loop3A_777] {strides = array<i32>} : memref<512xi32, #tpu.memory_space<vmem>>, vector<16xi32>,
      tpu.vector_store %arg10[%parallel_loop3A_777], %broadcast_in_dim3A_102 {strides = array<i32>} : memref<512xi32, #tpu.memory_space<vmem>>, vector<16xi32>,
    } {sc.loop_unroll_factor = 8 : i64, sc.parallel_access}
    %parallel_loop3A_108 = arith.constant 0 : i32
    %parallel_loop3A_109 = arith.constant 8 : i32
    %parallel_loop3A_110 = arith.constant 1 : i32
    scf.for %parallel_loop3A_770 = %parallel_loop3A_108 to %parallel_loop3A_109 step %parallel_loop3A_110  : i32 {
      %parallel_loop3A_771 = arith.constant 16 : i32
      %parallel_loop3A_772 = arith.muli %parallel_loop3A_770, %parallel_loop3A_771 : i32
      %parallel_loop3A_773 = arith.index_cast %parallel_loop3A_772 : i32 to index
      %parallel_loop3A_774 = tpu.vector_load %arg11[%parallel_loop3A_773] {strides = array<i32>} : memref<128xi32, #tpu.memory_space<vmem>>, vector<16xi32>,
      tpu.vector_store %arg11[%parallel_loop3A_773], %broadcast_in_dim3A_102 {strides = array<i32>} : memref<128xi32, #tpu.memory_space<vmem>>, vector<16xi32>,
      %parallel_loop3A_775 = arith.constant 16 : i32
      %parallel_loop3A_776 = arith.muli %parallel_loop3A_770, %parallel_loop3A_775 : i32
      %parallel_loop3A_777 = arith.index_cast %parallel_loop3A_776 : i32 to index
      %parallel_loop3A_778 = tpu.vector_load %arg12[%parallel_loop3A_777] {strides = array<i32>} : memref<128xi32, #tpu.memory_space<vmem>>, vector<16xi32>,
      tpu.vector_store %arg12[%parallel_loop3A_777], %broadcast_in_dim3A_102 {strides = array<i32>} : memref<128xi32, #tpu.memory_space<vmem>>, vector<16xi32>,
    } {sc.loop_unroll_factor = 1 : i64, sc.parallel_access}
    %dma_wait3A = arith.constant 0 : i32
    %dma_wait3A_111 = tpu.memref_slice %arg5[%dma_wait3A] : memref<32768xf32, #tpu.memory_space<vmem>> -> memref<8192xf32, #tpu.memory_space<vmem>>
    %dma_wait3A_112 = arith.constant 0 : i32
    %dma_wait3A_113 = tpu.memref_slice %arg2[%add3A_4, %dma_wait3A_112] : memref<64x32768xf32, #tpu.memory_space<hbm>> -> memref<1x8192xf32, #tpu.memory_space<hbm>>
    %dma_wait3A_114 = tpu.memref_squeeze %dma_wait3A_113 : memref<1x8192xf32, #tpu.memory_space<hbm>> -> memref<8192xf32, #tpu.memory_space<hbm>>
    %dma_wait3A_115 = arith.constant 0 : i32
    %dma_wait3A_116 = tpu.memref_slice %arg5[%dma_wait3A_115] : memref<32768xf32, #tpu.memory_space<vmem>> -> memref<8192xf32, #tpu.memory_space<vmem>>
    %dma_wait3A_117 = arith.constant 0 : i32
    %dma_wait3A_118 = tpu.memref_slice %arg2[%add3A_4, %dma_wait3A_117] : memref<64x32768xf32, #tpu.memory_space<hbm>> -> memref<1x8192xf32, #tpu.memory_space<hbm>>
    %dma_wait3A_119 = tpu.memref_squeeze %dma_wait3A_118 : memref<1x8192xf32, #tpu.memory_space<hbm>> -> memref<8192xf32, #tpu.memory_space<hbm>>
    tpu.wait_dma2 semaphore(%arg15 : memref<!tpu.dma_semaphore, #tpu.memory_space<semaphore_mem>>) src(%dma_wait3A_119 : memref<8192xf32, #tpu.memory_space<hbm>>) dst(%dma_wait3A_116 : memref<8192xf32, #tpu.memory_space<vmem>>)
    %parallel_loop3A_120 = arith.constant 0 : i32
    %parallel_loop3A_121 = arith.constant 512 : i32
    %parallel_loop3A_122 = arith.constant 1 : i32
    scf.for %parallel_loop3A_770 = %parallel_loop3A_120 to %parallel_loop3A_121 step %parallel_loop3A_122  : i32 {
      %parallel_loop3A_771 = arith.constant 16 : i32
      %parallel_loop3A_772 = arith.muli %parallel_loop3A_770, %parallel_loop3A_771 : i32
      %parallel_loop3A_773 = arith.index_cast %parallel_loop3A_772 : i32 to index
      %parallel_loop3A_774 = tpu.vector_load %arg5[%parallel_loop3A_773] {strides = array<i32>} : memref<32768xf32, #tpu.memory_space<vmem>>, vector<16xf32>,
      %parallel_loop3A_775 = vector.bitcast %parallel_loop3A_774 : vector<16xf32> to vector<16xi32>
      %parallel_loop3A_776 = arith.constant 31 : i32
      %parallel_loop3A_777 = vector.broadcast %parallel_loop3A_776 : i32 to vector<16xi32>
      %parallel_loop3A_778 = arith.shrsi %parallel_loop3A_775, %parallel_loop3A_777 : vector<16xi32>
      %parallel_loop3A_779 = arith.constant -2147483648 : i32
      %parallel_loop3A_780 = vector.broadcast %parallel_loop3A_779 : i32 to vector<16xi32>
      %parallel_loop3A_781 = arith.ori %parallel_loop3A_778, %parallel_loop3A_780 : vector<16xi32>
      %parallel_loop3A_782 = arith.xori %parallel_loop3A_775, %parallel_loop3A_781 : vector<16xi32>
      %parallel_loop3A_783 = vector.bitcast %parallel_loop3A_782 : vector<16xi32> to vector<16xi32>
      %parallel_loop3A_784 = arith.constant 20 : i32
      %parallel_loop3A_785 = vector.broadcast %parallel_loop3A_784 : i32 to vector<16xi32>
      %parallel_loop3A_786 = arith.shrui %parallel_loop3A_783, %parallel_loop3A_785 : vector<16xi32>
      %parallel_loop3A_787 = vector.bitcast %parallel_loop3A_786 : vector<16xi32> to vector<16xi32>
      tpu.vector_store_idx %arg7[%parallel_loop3A_787], %broadcast_in_dim3A_100 {add = true} : memref<4096xi32, #tpu.memory_space<vmem>>[vector<16xi32>], vector<16xi32>,
    } {sc.loop_unroll_factor = 8 : i64, sc.parallel_access}
    %dma_wait3A_123 = arith.constant 8192 : i32
    %dma_wait3A_124 = tpu.memref_slice %arg5[%dma_wait3A_123] : memref<32768xf32, #tpu.memory_space<vmem>> -> memref<8192xf32, #tpu.memory_space<vmem>>
    %dma_wait3A_125 = arith.constant 8192 : i32
    %dma_wait3A_126 = tpu.memref_slice %arg2[%add3A_15, %dma_wait3A_125] : memref<64x32768xf32, #tpu.memory_space<hbm>> -> memref<1x8192xf32, #tpu.memory_space<hbm>>
    %dma_wait3A_127 = tpu.memref_squeeze %dma_wait3A_126 : memref<1x8192xf32, #tpu.memory_space<hbm>> -> memref<8192xf32, #tpu.memory_space<hbm>>
    %dma_wait3A_128 = arith.constant 8192 : i32
    %dma_wait3A_129 = tpu.memref_slice %arg5[%dma_wait3A_128] : memref<32768xf32, #tpu.memory_space<vmem>> -> memref<8192xf32, #tpu.memory_space<vmem>>
    %dma_wait3A_130 = arith.constant 8192 : i32
    %dma_wait3A_131 = tpu.memref_slice %arg2[%add3A_15, %dma_wait3A_130] : memref<64x32768xf32, #tpu.memory_space<hbm>> -> memref<1x8192xf32, #tpu.memory_space<hbm>>
    %dma_wait3A_132 = tpu.memref_squeeze %dma_wait3A_131 : memref<1x8192xf32, #tpu.memory_space<hbm>> -> memref<8192xf32, #tpu.memory_space<hbm>>
    tpu.wait_dma2 semaphore(%arg15 : memref<!tpu.dma_semaphore, #tpu.memory_space<semaphore_mem>>) src(%dma_wait3A_132 : memref<8192xf32, #tpu.memory_space<hbm>>) dst(%dma_wait3A_129 : memref<8192xf32, #tpu.memory_space<vmem>>)
    %parallel_loop3A_133 = arith.constant 512 : i32
    %parallel_loop3A_134 = arith.constant 1024 : i32
    %parallel_loop3A_135 = arith.constant 1 : i32
    scf.for %parallel_loop3A_770 = %parallel_loop3A_133 to %parallel_loop3A_134 step %parallel_loop3A_135  : i32 {
      %parallel_loop3A_771 = arith.constant 16 : i32
      %parallel_loop3A_772 = arith.muli %parallel_loop3A_770, %parallel_loop3A_771 : i32
      %parallel_loop3A_773 = arith.index_cast %parallel_loop3A_772 : i32 to index
      %parallel_loop3A_774 = tpu.vector_load %arg5[%parallel_loop3A_773] {strides = array<i32>} : memref<32768xf32, #tpu.memory_space<vmem>>, vector<16xf32>,
      %parallel_loop3A_775 = vector.bitcast %parallel_loop3A_774 : vector<16xf32> to vector<16xi32>
      %parallel_loop3A_776 = arith.constant 31 : i32
      %parallel_loop3A_777 = vector.broadcast %parallel_loop3A_776 : i32 to vector<16xi32>
      %parallel_loop3A_778 = arith.shrsi %parallel_loop3A_775, %parallel_loop3A_777 : vector<16xi32>
      %parallel_loop3A_779 = arith.constant -2147483648 : i32
      %parallel_loop3A_780 = vector.broadcast %parallel_loop3A_779 : i32 to vector<16xi32>
      %parallel_loop3A_781 = arith.ori %parallel_loop3A_778, %parallel_loop3A_780 : vector<16xi32>
      %parallel_loop3A_782 = arith.xori %parallel_loop3A_775, %parallel_loop3A_781 : vector<16xi32>
      %parallel_loop3A_783 = vector.bitcast %parallel_loop3A_782 : vector<16xi32> to vector<16xi32>
      %parallel_loop3A_784 = arith.constant 20 : i32
      %parallel_loop3A_785 = vector.broadcast %parallel_loop3A_784 : i32 to vector<16xi32>
      %parallel_loop3A_786 = arith.shrui %parallel_loop3A_783, %parallel_loop3A_785 : vector<16xi32>
      %parallel_loop3A_787 = vector.bitcast %parallel_loop3A_786 : vector<16xi32> to vector<16xi32>
      tpu.vector_store_idx %arg7[%parallel_loop3A_787], %broadcast_in_dim3A_100 {add = true} : memref<4096xi32, #tpu.memory_space<vmem>>[vector<16xi32>], vector<16xi32>,
    } {sc.loop_unroll_factor = 8 : i64, sc.parallel_access}
    %dma_wait3A_136 = arith.constant 16384 : i32
    %dma_wait3A_137 = tpu.memref_slice %arg5[%dma_wait3A_136] : memref<32768xf32, #tpu.memory_space<vmem>> -> memref<8192xf32, #tpu.memory_space<vmem>>
    %dma_wait3A_138 = arith.constant 16384 : i32
    %dma_wait3A_139 = tpu.memref_slice %arg2[%add3A_27, %dma_wait3A_138] : memref<64x32768xf32, #tpu.memory_space<hbm>> -> memref<1x8192xf32, #tpu.memory_space<hbm>>
    %dma_wait3A_140 = tpu.memref_squeeze %dma_wait3A_139 : memref<1x8192xf32, #tpu.memory_space<hbm>> -> memref<8192xf32, #tpu.memory_space<hbm>>
    %dma_wait3A_141 = arith.constant 16384 : i32
    %dma_wait3A_142 = tpu.memref_slice %arg5[%dma_wait3A_141] : memref<32768xf32, #tpu.memory_space<vmem>> -> memref<8192xf32, #tpu.memory_space<vmem>>
    %dma_wait3A_143 = arith.constant 16384 : i32
    %dma_wait3A_144 = tpu.memref_slice %arg2[%add3A_27, %dma_wait3A_143] : memref<64x32768xf32, #tpu.memory_space<hbm>> -> memref<1x8192xf32, #tpu.memory_space<hbm>>
    %dma_wait3A_145 = tpu.memref_squeeze %dma_wait3A_144 : memref<1x8192xf32, #tpu.memory_space<hbm>> -> memref<8192xf32, #tpu.memory_space<hbm>>
    tpu.wait_dma2 semaphore(%arg15 : memref<!tpu.dma_semaphore, #tpu.memory_space<semaphore_mem>>) src(%dma_wait3A_145 : memref<8192xf32, #tpu.memory_space<hbm>>) dst(%dma_wait3A_142 : memref<8192xf32, #tpu.memory_space<vmem>>)
    %parallel_loop3A_146 = arith.constant 1024 : i32
    %parallel_loop3A_147 = arith.constant 1536 : i32
    %parallel_loop3A_148 = arith.constant 1 : i32
    scf.for %parallel_loop3A_770 = %parallel_loop3A_146 to %parallel_loop3A_147 step %parallel_loop3A_148  : i32 {
      %parallel_loop3A_771 = arith.constant 16 : i32
      %parallel_loop3A_772 = arith.muli %parallel_loop3A_770, %parallel_loop3A_771 : i32
      %parallel_loop3A_773 = arith.index_cast %parallel_loop3A_772 : i32 to index
      %parallel_loop3A_774 = tpu.vector_load %arg5[%parallel_loop3A_773] {strides = array<i32>} : memref<32768xf32, #tpu.memory_space<vmem>>, vector<16xf32>,
      %parallel_loop3A_775 = vector.bitcast %parallel_loop3A_774 : vector<16xf32> to vector<16xi32>
      %parallel_loop3A_776 = arith.constant 31 : i32
      %parallel_loop3A_777 = vector.broadcast %parallel_loop3A_776 : i32 to vector<16xi32>
      %parallel_loop3A_778 = arith.shrsi %parallel_loop3A_775, %parallel_loop3A_777 : vector<16xi32>
      %parallel_loop3A_779 = arith.constant -2147483648 : i32
      %parallel_loop3A_780 = vector.broadcast %parallel_loop3A_779 : i32 to vector<16xi32>
      %parallel_loop3A_781 = arith.ori %parallel_loop3A_778, %parallel_loop3A_780 : vector<16xi32>
      %parallel_loop3A_782 = arith.xori %parallel_loop3A_775, %parallel_loop3A_781 : vector<16xi32>
      %parallel_loop3A_783 = vector.bitcast %parallel_loop3A_782 : vector<16xi32> to vector<16xi32>
      %parallel_loop3A_784 = arith.constant 20 : i32
      %parallel_loop3A_785 = vector.broadcast %parallel_loop3A_784 : i32 to vector<16xi32>
      %parallel_loop3A_786 = arith.shrui %parallel_loop3A_783, %parallel_loop3A_785 : vector<16xi32>
      %parallel_loop3A_787 = vector.bitcast %parallel_loop3A_786 : vector<16xi32> to vector<16xi32>
      tpu.vector_store_idx %arg7[%parallel_loop3A_787], %broadcast_in_dim3A_100 {add = true} : memref<4096xi32, #tpu.memory_space<vmem>>[vector<16xi32>], vector<16xi32>,
    } {sc.loop_unroll_factor = 8 : i64, sc.parallel_access}
    %dma_wait3A_149 = arith.constant 24576 : i32
    %dma_wait3A_150 = tpu.memref_slice %arg5[%dma_wait3A_149] : memref<32768xf32, #tpu.memory_space<vmem>> -> memref<8192xf32, #tpu.memory_space<vmem>>
    %dma_wait3A_151 = arith.constant 24576 : i32
    %dma_wait3A_152 = tpu.memref_slice %arg2[%add3A_39, %dma_wait3A_151] : memref<64x32768xf32, #tpu.memory_space<hbm>> -> memref<1x8192xf32, #tpu.memory_space<hbm>>
    %dma_wait3A_153 = tpu.memref_squeeze %dma_wait3A_152 : memref<1x8192xf32, #tpu.memory_space<hbm>> -> memref<8192xf32, #tpu.memory_space<hbm>>
    %dma_wait3A_154 = arith.constant 24576 : i32
    %dma_wait3A_155 = tpu.memref_slice %arg5[%dma_wait3A_154] : memref<32768xf32, #tpu.memory_space<vmem>> -> memref<8192xf32, #tpu.memory_space<vmem>>
    %dma_wait3A_156 = arith.constant 24576 : i32
    %dma_wait3A_157 = tpu.memref_slice %arg2[%add3A_39, %dma_wait3A_156] : memref<64x32768xf32, #tpu.memory_space<hbm>> -> memref<1x8192xf32, #tpu.memory_space<hbm>>
    %dma_wait3A_158 = tpu.memref_squeeze %dma_wait3A_157 : memref<1x8192xf32, #tpu.memory_space<hbm>> -> memref<8192xf32, #tpu.memory_space<hbm>>
    tpu.wait_dma2 semaphore(%arg15 : memref<!tpu.dma_semaphore, #tpu.memory_space<semaphore_mem>>) src(%dma_wait3A_158 : memref<8192xf32, #tpu.memory_space<hbm>>) dst(%dma_wait3A_155 : memref<8192xf32, #tpu.memory_space<vmem>>)
    %parallel_loop3A_159 = arith.constant 1536 : i32
    %parallel_loop3A_160 = arith.constant 2048 : i32
    %parallel_loop3A_161 = arith.constant 1 : i32
    scf.for %parallel_loop3A_770 = %parallel_loop3A_159 to %parallel_loop3A_160 step %parallel_loop3A_161  : i32 {
      %parallel_loop3A_771 = arith.constant 16 : i32
      %parallel_loop3A_772 = arith.muli %parallel_loop3A_770, %parallel_loop3A_771 : i32
      %parallel_loop3A_773 = arith.index_cast %parallel_loop3A_772 : i32 to index
      %parallel_loop3A_774 = tpu.vector_load %arg5[%parallel_loop3A_773] {strides = array<i32>} : memref<32768xf32, #tpu.memory_space<vmem>>, vector<16xf32>,
      %parallel_loop3A_775 = vector.bitcast %parallel_loop3A_774 : vector<16xf32> to vector<16xi32>
      %parallel_loop3A_776 = arith.constant 31 : i32
      %parallel_loop3A_777 = vector.broadcast %parallel_loop3A_776 : i32 to vector<16xi32>
      %parallel_loop3A_778 = arith.shrsi %parallel_loop3A_775, %parallel_loop3A_777 : vector<16xi32>
      %parallel_loop3A_779 = arith.constant -2147483648 : i32
      %parallel_loop3A_780 = vector.broadcast %parallel_loop3A_779 : i32 to vector<16xi32>
      %parallel_loop3A_781 = arith.ori %parallel_loop3A_778, %parallel_loop3A_780 : vector<16xi32>
      %parallel_loop3A_782 = arith.xori %parallel_loop3A_775, %parallel_loop3A_781 : vector<16xi32>
      %parallel_loop3A_783 = vector.bitcast %parallel_loop3A_782 : vector<16xi32> to vector<16xi32>
      %parallel_loop3A_784 = arith.constant 20 : i32
      %parallel_loop3A_785 = vector.broadcast %parallel_loop3A_784 : i32 to vector<16xi32>
      %parallel_loop3A_786 = arith.shrui %parallel_loop3A_783, %parallel_loop3A_785 : vector<16xi32>
      %parallel_loop3A_787 = vector.bitcast %parallel_loop3A_786 : vector<16xi32> to vector<16xi32>
      tpu.vector_store_idx %arg7[%parallel_loop3A_787], %broadcast_in_dim3A_100 {add = true} : memref<4096xi32, #tpu.memory_space<vmem>>[vector<16xi32>], vector<16xi32>,
    } {sc.loop_unroll_factor = 8 : i64, sc.parallel_access}
    %iota3A_162 = tpu.iota {dimensions = array<i32: 0>} : vector<16xi32>
    %eq3A_163 = arith.constant 0 : i32
    %eq3A_164 = vector.broadcast %eq3A_163 : i32 to vector<16xi32>
    %eq3A_165 = arith.cmpi eq, %iota3A_162, %eq3A_164 : vector<16xi32>
    %parallel_loop3A_166 = arith.constant 0 : i32
    %parallel_loop3A_167 = arith.constant 256 : i32
    %parallel_loop3A_168 = arith.constant 1 : i32
    scf.for %parallel_loop3A_770 = %parallel_loop3A_166 to %parallel_loop3A_167 step %parallel_loop3A_168  : i32 {
      %parallel_loop3A_771 = arith.constant 16 : i32
      %parallel_loop3A_772 = arith.muli %parallel_loop3A_770, %parallel_loop3A_771 : i32
      %parallel_loop3A_773 = arith.index_cast %parallel_loop3A_772 : i32 to index
      %parallel_loop3A_774 = tpu.vector_load %arg7[%parallel_loop3A_773] {strides = array<i32>} : memref<4096xi32, #tpu.memory_space<vmem>>, vector<16xi32>,
      %parallel_loop3A_775 = arith.constant true
      %parallel_loop3A_776 = vector.broadcast %parallel_loop3A_775 : i1 to vector<16xi1>
      %parallel_loop3A_777 = tpu.scan <sum>, %parallel_loop3A_774 masked %parallel_loop3A_776 : vector<16xi32>, vector<16xi1> -> vector<16xi32>
      %parallel_loop3A_778 = vector.extract %parallel_loop3A_777[15] : i32 from vector<16xi32>
      %parallel_loop3A_779 = vector.broadcast %parallel_loop3A_778 : i32 to vector<16xi32>
      %parallel_loop3A_780 = vector.broadcast %parallel_loop3A_770 : i32 to vector<16xi32>
      tpu.vector_store_idx %arg8[%parallel_loop3A_780], %parallel_loop3A_779 masked %eq3A_165 : memref<256xi32, #tpu.memory_space<vmem>>[vector<16xi32>], vector<16xi32>, vector<16xi1>
    } {sc.loop_unroll_factor = 4 : i64, sc.parallel_access}
    %scan3A = arith.constant 0 : i32
    %scan3A_169 = arith.constant 0 : i32
    %scan3A_170 = arith.constant false
    %scan3A_171 = arith.constant 0 : i32
    %scan3A_172 = arith.constant 16 : i32
    %scan3A_173 = arith.addi %scan3A_171, %scan3A_172 : i32
    %scan3A_174 = arith.constant 1 : i32
    %scan3A_175:3 = scf.for %scan3A_770 = %scan3A_171 to %scan3A_173 step %scan3A_174 iter_args(%scan3A_771 = %scan3A, %scan3A_772 = %scan3A_169, %scan3A_773 = %scan3A_170) -> (i32, i32, i1)  : i32 {
      %sub3A_774 = arith.constant 15 : i32
      %sub3A_775 = arith.subi %sub3A_774, %scan3A_770 : i32
      %mul3A_776 = arith.constant 16 : i32
      %mul3A_777 = arith.muli %sub3A_775, %mul3A_776 : i32
      %get3A_778 = arith.index_cast %mul3A_777 : i32 to index
      %get3A_779 = tpu.vector_load %arg8[%get3A_778] {strides = array<i32>} : memref<256xi32, #tpu.memory_space<vmem>>, vector<16xi32>,
      %reduce_sum3A_780 = arith.constant true
      %reduce_sum3A_781 = vector.broadcast %reduce_sum3A_780 : i1 to vector<16xi1>
      %reduce_sum3A_782 = tpu.scan <sum>, %get3A_779 masked %reduce_sum3A_781 : vector<16xi32>, vector<16xi1> -> vector<16xi32>
      %reduce_sum3A_783 = vector.extract %reduce_sum3A_782[15] : i32 from vector<16xi32>
      %not3A = arith.constant true
      %not3A_784 = arith.xori %scan3A_773, %not3A : i1
      %add3A_785 = arith.addi %scan3A_771, %reduce_sum3A_783 : i32
      %ge3A_786 = arith.constant 64 : i32
      %ge3A_787 = arith.cmpi sge, %add3A_785, %ge3A_786 : i32
      %and3A = arith.andi %not3A_784, %ge3A_787 : i1
      %select_n3A_788 = arith.select %and3A, %sub3A_775, %scan3A_772 : i32
      %or3A_789 = arith.ori %and3A, %scan3A_773 : i1
      %add3A_790 = arith.addi %scan3A_771, %reduce_sum3A_783 : i32
      %select_n3A_791 = arith.select %or3A_789, %scan3A_771, %add3A_790 : i32
      %or3A_792 = arith.ori %scan3A_773, %and3A : i1
      scf.yield %select_n3A_791, %select_n3A_788, %or3A_792 : i32, i32, i1
    }
    %scan3A_176 = arith.constant 16 : i32
    %mul3A_177 = arith.constant 16 : i32
    %mul3A_178 = arith.muli %scan3A_175#1, %mul3A_177 : i32
    %get3A = arith.index_cast %mul3A_178 : i32 to index
    %get3A_179 = tpu.vector_load %arg8[%get3A] {strides = array<i32>} : memref<256xi32, #tpu.memory_space<vmem>>, vector<16xi32>,
    %rev3A = arith.constant 15 : i32
    %rev3A_180 = vector.broadcast %rev3A : i32 to vector<16xi32>
    %rev3A_181 = tpu.iota {dimensions = array<i32: 0>} : vector<16xi32>
    %rev3A_182 = arith.subi %rev3A_180, %rev3A_181 : vector<16xi32>
    %rev3A_183 = tpu.dynamic_gather %get3A_179[%rev3A_182] in [0] : vector<16xi32>, vector<16xi32> -> vector<16xi32>
    %broadcast_in_dim3A_184 = arith.constant true
    %broadcast_in_dim3A_185 = vector.broadcast %broadcast_in_dim3A_184 : i1 to vector<16xi1>
    %masked_cumsum3A = tpu.scan <sum>, %rev3A_183 masked %broadcast_in_dim3A_185 : vector<16xi32>, vector<16xi1> -> vector<16xi32>
    %add3A_186 = vector.broadcast %scan3A_175#0 : i32 to vector<16xi32>
    %add3A_187 = arith.addi %masked_cumsum3A, %add3A_186 : vector<16xi32>
    %ge3A = arith.constant 64 : i32
    %ge3A_188 = vector.broadcast %ge3A : i32 to vector<16xi32>
    %ge3A_189 = arith.cmpi sge, %add3A_187, %ge3A_188 : vector<16xi32>
    %all_reduce_ffs3A = tpu.all_reduce %ge3A_189 {dim = 0 : i64, kind = #tpu.reduction_kind<find_first_set>} : vector<16xi1> -> vector<16xi32>
    %reduce_max3A = arith.constant true
    %reduce_max3A_190 = vector.broadcast %reduce_max3A : i1 to vector<16xi1>
    %reduce_max3A_191 = arith.constant -2147483648 : i32
    %reduce_max3A_192 = vector.broadcast %reduce_max3A_191 : i32 to vector<16xi32>
    %reduce_max3A_193 = arith.xori %all_reduce_ffs3A, %reduce_max3A_192 : vector<16xi32>
    %reduce_max3A_194 = tpu.scan <max>, %reduce_max3A_193 masked %reduce_max3A_190 : vector<16xi32>, vector<16xi1> -> vector<16xi32>
    %reduce_max3A_195 = arith.xori %reduce_max3A_194, %reduce_max3A_192 : vector<16xi32>
    %reduce_max3A_196 = vector.extract %reduce_max3A_195[15] : i32 from vector<16xi32>
    %sub3A = arith.constant 15 : i32
    %sub3A_197 = arith.subi %sub3A, %reduce_max3A_196 : i32
    %iota3A_198 = tpu.iota {dimensions = array<i32: 0>} : vector<16xi32>
    %broadcast_in_dim3A_199 = vector.broadcast %reduce_max3A_196 : i32 to vector<16xi32>
    %eq3A_200 = arith.cmpi eq, %iota3A_198, %broadcast_in_dim3A_199 : vector<16xi32>
    %sub3A_201 = arith.subi %masked_cumsum3A, %rev3A_183 : vector<16xi32>
    %jit3A = arith.constant 0 : i32
    %broadcast_in_dim3A_202 = vector.broadcast %jit3A : i32 to vector<16xi32>
    %select_n3A = arith.select %eq3A_200, %sub3A_201, %broadcast_in_dim3A_202 : vector<16xi1>, vector<16xi32>
    %reduce_sum3A = arith.constant true
    %reduce_sum3A_203 = vector.broadcast %reduce_sum3A : i1 to vector<16xi1>
    %reduce_sum3A_204 = tpu.scan <sum>, %select_n3A masked %reduce_sum3A_203 : vector<16xi32>, vector<16xi1> -> vector<16xi32>
    %reduce_sum3A_205 = vector.extract %reduce_sum3A_204[15] : i32 from vector<16xi32>
    %add3A_206 = arith.addi %scan3A_175#0, %reduce_sum3A_205 : i32
    %mul3A_207 = arith.constant 16 : i32
    %mul3A_208 = arith.muli %scan3A_175#1, %mul3A_207 : i32
    %add3A_209 = arith.addi %mul3A_208, %sub3A_197 : i32
    %mul3A_210 = arith.constant 16 : i32
    %mul3A_211 = arith.muli %add3A_209, %mul3A_210 : i32
    %get3A_212 = arith.index_cast %mul3A_211 : i32 to index
    %get3A_213 = tpu.vector_load %arg7[%get3A_212] {strides = array<i32>} : memref<4096xi32, #tpu.memory_space<vmem>>, vector<16xi32>,
    %rev3A_214 = arith.constant 15 : i32
    %rev3A_215 = vector.broadcast %rev3A_214 : i32 to vector<16xi32>
    %rev3A_216 = tpu.iota {dimensions = array<i32: 0>} : vector<16xi32>
    %rev3A_217 = arith.subi %rev3A_215, %rev3A_216 : vector<16xi32>
    %rev3A_218 = tpu.dynamic_gather %get3A_213[%rev3A_217] in [0] : vector<16xi32>, vector<16xi32> -> vector<16xi32>
    %broadcast_in_dim3A_219 = arith.constant true
    %broadcast_in_dim3A_220 = vector.broadcast %broadcast_in_dim3A_219 : i1 to vector<16xi1>
    %masked_cumsum3A_221 = tpu.scan <sum>, %rev3A_218 masked %broadcast_in_dim3A_220 : vector<16xi32>, vector<16xi1> -> vector<16xi32>
    %add3A_222 = vector.broadcast %add3A_206 : i32 to vector<16xi32>
    %add3A_223 = arith.addi %masked_cumsum3A_221, %add3A_222 : vector<16xi32>
    %ge3A_224 = arith.constant 64 : i32
    %ge3A_225 = vector.broadcast %ge3A_224 : i32 to vector<16xi32>
    %ge3A_226 = arith.cmpi sge, %add3A_223, %ge3A_225 : vector<16xi32>
    %all_reduce_ffs3A_227 = tpu.all_reduce %ge3A_226 {dim = 0 : i64, kind = #tpu.reduction_kind<find_first_set>} : vector<16xi1> -> vector<16xi32>
    %reduce_max3A_228 = arith.constant true
    %reduce_max3A_229 = vector.broadcast %reduce_max3A_228 : i1 to vector<16xi1>
    %reduce_max3A_230 = arith.constant -2147483648 : i32
    %reduce_max3A_231 = vector.broadcast %reduce_max3A_230 : i32 to vector<16xi32>
    %reduce_max3A_232 = arith.xori %all_reduce_ffs3A_227, %reduce_max3A_231 : vector<16xi32>
    %reduce_max3A_233 = tpu.scan <max>, %reduce_max3A_232 masked %reduce_max3A_229 : vector<16xi32>, vector<16xi1> -> vector<16xi32>
    %reduce_max3A_234 = arith.xori %reduce_max3A_233, %reduce_max3A_231 : vector<16xi32>
    %reduce_max3A_235 = vector.extract %reduce_max3A_234[15] : i32 from vector<16xi32>
    %sub3A_236 = arith.constant 15 : i32
    %sub3A_237 = arith.subi %sub3A_236, %reduce_max3A_235 : i32
    %iota3A_238 = tpu.iota {dimensions = array<i32: 0>} : vector<16xi32>
    %broadcast_in_dim3A_239 = vector.broadcast %reduce_max3A_235 : i32 to vector<16xi32>
    %eq3A_240 = arith.cmpi eq, %iota3A_238, %broadcast_in_dim3A_239 : vector<16xi32>
    %sub3A_241 = arith.subi %masked_cumsum3A_221, %rev3A_218 : vector<16xi32>
    %jit3A_242 = arith.constant 0 : i32
    %broadcast_in_dim3A_243 = vector.broadcast %jit3A_242 : i32 to vector<16xi32>
    %select_n3A_244 = arith.select %eq3A_240, %sub3A_241, %broadcast_in_dim3A_243 : vector<16xi1>, vector<16xi32>
    %reduce_sum3A_245 = arith.constant true
    %reduce_sum3A_246 = vector.broadcast %reduce_sum3A_245 : i1 to vector<16xi1>
    %reduce_sum3A_247 = tpu.scan <sum>, %select_n3A_244 masked %reduce_sum3A_246 : vector<16xi32>, vector<16xi1> -> vector<16xi32>
    %reduce_sum3A_248 = vector.extract %reduce_sum3A_247[15] : i32 from vector<16xi32>
    %add3A_249 = arith.addi %add3A_206, %reduce_sum3A_248 : i32
    %mul3A_250 = arith.constant 16 : i32
    %mul3A_251 = arith.muli %add3A_209, %mul3A_250 : i32
    %add3A_252 = arith.addi %mul3A_251, %sub3A_237 : i32
    %shift_left3A = arith.constant 20 : i32
    %shift_left3A_253 = arith.shli %add3A_252, %shift_left3A : i32
    %broadcast_in_dim3A_254 = vector.broadcast %shift_left3A_253 : i32 to vector<16xi32>
    %bitcast3A = vector.bitcast %broadcast_in_dim3A_254 : vector<16xi32> to vector<16xi32>
    %parallel_loop3A_255 = arith.constant 0 : i32
    %parallel_loop3A_256 = arith.constant 2048 : i32
    %parallel_loop3A_257 = arith.constant 1 : i32
    %parallel_loop3A_258 = scf.for %parallel_loop3A_770 = %parallel_loop3A_255 to %parallel_loop3A_256 step %parallel_loop3A_257 iter_args(%parallel_loop3A_771 = %broadcast_in_dim3A_102) -> (vector<16xi32>)  : i32 {
      %parallel_loop3A_772 = arith.constant 16 : i32
      %parallel_loop3A_773 = arith.muli %parallel_loop3A_770, %parallel_loop3A_772 : i32
      %parallel_loop3A_774 = arith.index_cast %parallel_loop3A_773 : i32 to index
      %parallel_loop3A_775 = tpu.vector_load %arg5[%parallel_loop3A_774] {strides = array<i32>} : memref<32768xf32, #tpu.memory_space<vmem>>, vector<16xf32>,
      %parallel_loop3A_776 = vector.bitcast %parallel_loop3A_775 : vector<16xf32> to vector<16xi32>
      %parallel_loop3A_777 = arith.constant 31 : i32
      %parallel_loop3A_778 = vector.broadcast %parallel_loop3A_777 : i32 to vector<16xi32>
      %parallel_loop3A_779 = arith.shrsi %parallel_loop3A_776, %parallel_loop3A_778 : vector<16xi32>
      %parallel_loop3A_780 = arith.constant -2147483648 : i32
      %parallel_loop3A_781 = vector.broadcast %parallel_loop3A_780 : i32 to vector<16xi32>
      %parallel_loop3A_782 = arith.ori %parallel_loop3A_779, %parallel_loop3A_781 : vector<16xi32>
      %parallel_loop3A_783 = arith.xori %parallel_loop3A_776, %parallel_loop3A_782 : vector<16xi32>
      %parallel_loop3A_784 = vector.bitcast %parallel_loop3A_783 : vector<16xi32> to vector<16xi32>
      %parallel_loop3A_785 = arith.cmpi uge, %parallel_loop3A_784, %bitcast3A : vector<16xi32>
      %parallel_loop3A_786 = arith.extui %parallel_loop3A_785 : vector<16xi1> to vector<16xi32>
      %parallel_loop3A_787 = arith.constant true
      %parallel_loop3A_788 = vector.broadcast %parallel_loop3A_787 : i1 to vector<16xi1>
      %parallel_loop3A_789 = tpu.scan <sum>, %parallel_loop3A_786 masked %parallel_loop3A_788 : vector<16xi32>, vector<16xi1> -> vector<16xi32>
      %parallel_loop3A_790 = arith.addi %parallel_loop3A_771, %parallel_loop3A_789 : vector<16xi32>
      %parallel_loop3A_791 = arith.constant 1 : i32
      %parallel_loop3A_792 = vector.broadcast %parallel_loop3A_791 : i32 to vector<16xi32>
      %parallel_loop3A_793 = arith.subi %parallel_loop3A_790, %parallel_loop3A_792 : vector<16xi32>
      %parallel_loop3A_794 = arith.constant 511 : i32
      %parallel_loop3A_795 = vector.broadcast %parallel_loop3A_794 : i32 to vector<16xi32>
      %parallel_loop3A_796 = arith.minsi %parallel_loop3A_793, %parallel_loop3A_795 : vector<16xi32>
      %parallel_loop3A_797 = arith.constant 16 : i32
      %parallel_loop3A_798 = arith.muli %parallel_loop3A_770, %parallel_loop3A_797 : i32
      %parallel_loop3A_799 = vector.broadcast %parallel_loop3A_798 : i32 to vector<16xi32>
      %parallel_loop3A_800 = arith.addi %iota3A, %parallel_loop3A_799 : vector<16xi32>
      %parallel_loop3A_801 = vector.bitcast %parallel_loop3A_784 : vector<16xi32> to vector<16xi32>
      tpu.vector_store_idx %arg9[%parallel_loop3A_796], %parallel_loop3A_801 masked %parallel_loop3A_785 : memref<512xi32, #tpu.memory_space<vmem>>[vector<16xi32>], vector<16xi32>, vector<16xi1>
      tpu.vector_store_idx %arg10[%parallel_loop3A_796], %parallel_loop3A_800 masked %parallel_loop3A_785 : memref<512xi32, #tpu.memory_space<vmem>>[vector<16xi32>], vector<16xi32>, vector<16xi1>
      %parallel_loop3A_802 = tpu.all_reduce %parallel_loop3A_785 {dim = 0 : i64, kind = #tpu.reduction_kind<sum>} : vector<16xi1> -> vector<16xi32>
      %parallel_loop3A_803 = arith.addi %parallel_loop3A_771, %parallel_loop3A_802 : vector<16xi32>
      scf.yield %parallel_loop3A_803 : vector<16xi32>
    } {sc.loop_unroll_factor = 8 : i64, sc.parallel_access}
    %parallel_loop3A_259 = arith.constant 0 : i32
    %parallel_loop3A_260 = arith.constant 256 : i32
    %parallel_loop3A_261 = arith.constant 1 : i32
    scf.for %parallel_loop3A_770 = %parallel_loop3A_259 to %parallel_loop3A_260 step %parallel_loop3A_261  : i32 {
      %parallel_loop3A_771 = arith.constant 16 : i32
      %parallel_loop3A_772 = arith.muli %parallel_loop3A_770, %parallel_loop3A_771 : i32
      %parallel_loop3A_773 = arith.index_cast %parallel_loop3A_772 : i32 to index
      %parallel_loop3A_774 = tpu.vector_load %arg7[%parallel_loop3A_773] {strides = array<i32>} : memref<4096xi32, #tpu.memory_space<vmem>>, vector<16xi32>,
      tpu.vector_store %arg7[%parallel_loop3A_773], %broadcast_in_dim3A_102 {strides = array<i32>} : memref<4096xi32, #tpu.memory_space<vmem>>, vector<16xi32>,
    } {sc.loop_unroll_factor = 8 : i64, sc.parallel_access}
    %broadcast_in_dim3A_262 = vector.broadcast %add3A_252 : i32 to vector<16xi32>
    %bitcast3A_263 = vector.bitcast %broadcast_in_dim3A_262 : vector<16xi32> to vector<16xi32>
    %parallel_loop3A_264 = arith.constant 0 : i32
    %parallel_loop3A_265 = arith.constant 32 : i32
    %parallel_loop3A_266 = arith.constant 1 : i32
    scf.for %parallel_loop3A_770 = %parallel_loop3A_264 to %parallel_loop3A_265 step %parallel_loop3A_266  : i32 {
      %parallel_loop3A_771 = arith.constant 16 : i32
      %parallel_loop3A_772 = arith.muli %parallel_loop3A_770, %parallel_loop3A_771 : i32
      %parallel_loop3A_773 = arith.index_cast %parallel_loop3A_772 : i32 to index
      %parallel_loop3A_774 = tpu.vector_load %arg9[%parallel_loop3A_773] {strides = array<i32>} : memref<512xi32, #tpu.memory_space<vmem>>, vector<16xi32>,
      %parallel_loop3A_775 = vector.bitcast %parallel_loop3A_774 : vector<16xi32> to vector<16xi32>
      %parallel_loop3A_776 = arith.constant 20 : i32
      %parallel_loop3A_777 = vector.broadcast %parallel_loop3A_776 : i32 to vector<16xi32>
      %parallel_loop3A_778 = arith.shrui %parallel_loop3A_775, %parallel_loop3A_777 : vector<16xi32>
      %parallel_loop3A_779 = arith.cmpi eq, %parallel_loop3A_778, %bitcast3A_263 : vector<16xi32>
      %parallel_loop3A_780 = arith.constant 8 : i32
      %parallel_loop3A_781 = vector.broadcast %parallel_loop3A_780 : i32 to vector<16xi32>
      %parallel_loop3A_782 = arith.shrui %parallel_loop3A_775, %parallel_loop3A_781 : vector<16xi32>
      %parallel_loop3A_783 = vector.bitcast %parallel_loop3A_782 : vector<16xi32> to vector<16xi32>
      %parallel_loop3A_784 = arith.constant 4095 : i32
      %parallel_loop3A_785 = vector.broadcast %parallel_loop3A_784 : i32 to vector<16xi32>
      %parallel_loop3A_786 = arith.andi %parallel_loop3A_783, %parallel_loop3A_785 : vector<16xi32>
      tpu.vector_store_idx %arg7[%parallel_loop3A_786], %broadcast_in_dim3A_100 masked %parallel_loop3A_779 {add = true} : memref<4096xi32, #tpu.memory_space<vmem>>[vector<16xi32>], vector<16xi32>, vector<16xi1>
    } {sc.loop_unroll_factor = 4 : i64, sc.parallel_access}
    %sub3A_267 = arith.constant 64 : i32
    %sub3A_268 = arith.subi %sub3A_267, %add3A_249 : i32
    %iota3A_269 = tpu.iota {dimensions = array<i32: 0>} : vector<16xi32>
    %eq3A_270 = arith.constant 0 : i32
    %eq3A_271 = vector.broadcast %eq3A_270 : i32 to vector<16xi32>
    %eq3A_272 = arith.cmpi eq, %iota3A_269, %eq3A_271 : vector<16xi32>
    %parallel_loop3A_273 = arith.constant 0 : i32
    %parallel_loop3A_274 = arith.constant 256 : i32
    %parallel_loop3A_275 = arith.constant 1 : i32
    scf.for %parallel_loop3A_770 = %parallel_loop3A_273 to %parallel_loop3A_274 step %parallel_loop3A_275  : i32 {
      %parallel_loop3A_771 = arith.constant 16 : i32
      %parallel_loop3A_772 = arith.muli %parallel_loop3A_770, %parallel_loop3A_771 : i32
      %parallel_loop3A_773 = arith.index_cast %parallel_loop3A_772 : i32 to index
      %parallel_loop3A_774 = tpu.vector_load %arg7[%parallel_loop3A_773] {strides = array<i32>} : memref<4096xi32, #tpu.memory_space<vmem>>, vector<16xi32>,
      %parallel_loop3A_775 = arith.constant true
      %parallel_loop3A_776 = vector.broadcast %parallel_loop3A_775 : i1 to vector<16xi1>
      %parallel_loop3A_777 = tpu.scan <sum>, %parallel_loop3A_774 masked %parallel_loop3A_776 : vector<16xi32>, vector<16xi1> -> vector<16xi32>
      %parallel_loop3A_778 = vector.extract %parallel_loop3A_777[15] : i32 from vector<16xi32>
      %parallel_loop3A_779 = vector.broadcast %parallel_loop3A_778 : i32 to vector<16xi32>
      %parallel_loop3A_780 = vector.broadcast %parallel_loop3A_770 : i32 to vector<16xi32>
      tpu.vector_store_idx %arg8[%parallel_loop3A_780], %parallel_loop3A_779 masked %eq3A_272 : memref<256xi32, #tpu.memory_space<vmem>>[vector<16xi32>], vector<16xi32>, vector<16xi1>
    } {sc.loop_unroll_factor = 4 : i64, sc.parallel_access}
    %scan3A_276 = arith.constant 0 : i32
    %scan3A_277 = arith.constant 0 : i32
    %scan3A_278 = arith.constant false
    %scan3A_279 = arith.constant 0 : i32
    %scan3A_280 = arith.constant 16 : i32
    %scan3A_281 = arith.addi %scan3A_279, %scan3A_280 : i32
    %scan3A_282 = arith.constant 1 : i32
    %scan3A_283:3 = scf.for %scan3A_770 = %scan3A_279 to %scan3A_281 step %scan3A_282 iter_args(%scan3A_771 = %scan3A_276, %scan3A_772 = %scan3A_277, %scan3A_773 = %scan3A_278) -> (i32, i32, i1)  : i32 {
      %sub3A_774 = arith.constant 15 : i32
      %sub3A_775 = arith.subi %sub3A_774, %scan3A_770 : i32
      %mul3A_776 = arith.constant 16 : i32
      %mul3A_777 = arith.muli %sub3A_775, %mul3A_776 : i32
      %get3A_778 = arith.index_cast %mul3A_777 : i32 to index
      %get3A_779 = tpu.vector_load %arg8[%get3A_778] {strides = array<i32>} : memref<256xi32, #tpu.memory_space<vmem>>, vector<16xi32>,
      %reduce_sum3A_780 = arith.constant true
      %reduce_sum3A_781 = vector.broadcast %reduce_sum3A_780 : i1 to vector<16xi1>
      %reduce_sum3A_782 = tpu.scan <sum>, %get3A_779 masked %reduce_sum3A_781 : vector<16xi32>, vector<16xi1> -> vector<16xi32>
      %reduce_sum3A_783 = vector.extract %reduce_sum3A_782[15] : i32 from vector<16xi32>
      %not3A = arith.constant true
      %not3A_784 = arith.xori %scan3A_773, %not3A : i1
      %add3A_785 = arith.addi %scan3A_771, %reduce_sum3A_783 : i32
      %ge3A_786 = arith.cmpi sge, %add3A_785, %sub3A_268 : i32
      %and3A = arith.andi %not3A_784, %ge3A_786 : i1
      %select_n3A_787 = arith.select %and3A, %sub3A_775, %scan3A_772 : i32
      %or3A_788 = arith.ori %and3A, %scan3A_773 : i1
      %add3A_789 = arith.addi %scan3A_771, %reduce_sum3A_783 : i32
      %select_n3A_790 = arith.select %or3A_788, %scan3A_771, %add3A_789 : i32
      %or3A_791 = arith.ori %scan3A_773, %and3A : i1
      scf.yield %select_n3A_790, %select_n3A_787, %or3A_791 : i32, i32, i1
    }
    %scan3A_284 = arith.constant 16 : i32
    %mul3A_285 = arith.constant 16 : i32
    %mul3A_286 = arith.muli %scan3A_283#1, %mul3A_285 : i32
    %get3A_287 = arith.index_cast %mul3A_286 : i32 to index
    %get3A_288 = tpu.vector_load %arg8[%get3A_287] {strides = array<i32>} : memref<256xi32, #tpu.memory_space<vmem>>, vector<16xi32>,
    %rev3A_289 = arith.constant 15 : i32
    %rev3A_290 = vector.broadcast %rev3A_289 : i32 to vector<16xi32>
    %rev3A_291 = tpu.iota {dimensions = array<i32: 0>} : vector<16xi32>
    %rev3A_292 = arith.subi %rev3A_290, %rev3A_291 : vector<16xi32>
    %rev3A_293 = tpu.dynamic_gather %get3A_288[%rev3A_292] in [0] : vector<16xi32>, vector<16xi32> -> vector<16xi32>
    %broadcast_in_dim3A_294 = arith.constant true
    %broadcast_in_dim3A_295 = vector.broadcast %broadcast_in_dim3A_294 : i1 to vector<16xi1>
    %masked_cumsum3A_296 = tpu.scan <sum>, %rev3A_293 masked %broadcast_in_dim3A_295 : vector<16xi32>, vector<16xi1> -> vector<16xi32>
    %add3A_297 = vector.broadcast %scan3A_283#0 : i32 to vector<16xi32>
    %add3A_298 = arith.addi %masked_cumsum3A_296, %add3A_297 : vector<16xi32>
    %ge3A_299 = vector.broadcast %sub3A_268 : i32 to vector<16xi32>
    %ge3A_300 = arith.cmpi sge, %add3A_298, %ge3A_299 : vector<16xi32>
    %all_reduce_ffs3A_301 = tpu.all_reduce %ge3A_300 {dim = 0 : i64, kind = #tpu.reduction_kind<find_first_set>} : vector<16xi1> -> vector<16xi32>
    %reduce_max3A_302 = arith.constant true
    %reduce_max3A_303 = vector.broadcast %reduce_max3A_302 : i1 to vector<16xi1>
    %reduce_max3A_304 = arith.constant -2147483648 : i32
    %reduce_max3A_305 = vector.broadcast %reduce_max3A_304 : i32 to vector<16xi32>
    %reduce_max3A_306 = arith.xori %all_reduce_ffs3A_301, %reduce_max3A_305 : vector<16xi32>
    %reduce_max3A_307 = tpu.scan <max>, %reduce_max3A_306 masked %reduce_max3A_303 : vector<16xi32>, vector<16xi1> -> vector<16xi32>
    %reduce_max3A_308 = arith.xori %reduce_max3A_307, %reduce_max3A_305 : vector<16xi32>
    %reduce_max3A_309 = vector.extract %reduce_max3A_308[15] : i32 from vector<16xi32>
    %sub3A_310 = arith.constant 15 : i32
    %sub3A_311 = arith.subi %sub3A_310, %reduce_max3A_309 : i32
    %iota3A_312 = tpu.iota {dimensions = array<i32: 0>} : vector<16xi32>
    %broadcast_in_dim3A_313 = vector.broadcast %reduce_max3A_309 : i32 to vector<16xi32>
    %eq3A_314 = arith.cmpi eq, %iota3A_312, %broadcast_in_dim3A_313 : vector<16xi32>
    %sub3A_315 = arith.subi %masked_cumsum3A_296, %rev3A_293 : vector<16xi32>
    %jit3A_316 = arith.constant 0 : i32
    %broadcast_in_dim3A_317 = vector.broadcast %jit3A_316 : i32 to vector<16xi32>
    %select_n3A_318 = arith.select %eq3A_314, %sub3A_315, %broadcast_in_dim3A_317 : vector<16xi1>, vector<16xi32>
    %reduce_sum3A_319 = arith.constant true
    %reduce_sum3A_320 = vector.broadcast %reduce_sum3A_319 : i1 to vector<16xi1>
    %reduce_sum3A_321 = tpu.scan <sum>, %select_n3A_318 masked %reduce_sum3A_320 : vector<16xi32>, vector<16xi1> -> vector<16xi32>
    %reduce_sum3A_322 = vector.extract %reduce_sum3A_321[15] : i32 from vector<16xi32>
    %add3A_323 = arith.addi %scan3A_283#0, %reduce_sum3A_322 : i32
    %mul3A_324 = arith.constant 16 : i32
    %mul3A_325 = arith.muli %scan3A_283#1, %mul3A_324 : i32
    %add3A_326 = arith.addi %mul3A_325, %sub3A_311 : i32
    %mul3A_327 = arith.constant 16 : i32
    %mul3A_328 = arith.muli %add3A_326, %mul3A_327 : i32
    %get3A_329 = arith.index_cast %mul3A_328 : i32 to index
    %get3A_330 = tpu.vector_load %arg7[%get3A_329] {strides = array<i32>} : memref<4096xi32, #tpu.memory_space<vmem>>, vector<16xi32>,
    %rev3A_331 = arith.constant 15 : i32
    %rev3A_332 = vector.broadcast %rev3A_331 : i32 to vector<16xi32>
    %rev3A_333 = tpu.iota {dimensions = array<i32: 0>} : vector<16xi32>
    %rev3A_334 = arith.subi %rev3A_332, %rev3A_333 : vector<16xi32>
    %rev3A_335 = tpu.dynamic_gather %get3A_330[%rev3A_334] in [0] : vector<16xi32>, vector<16xi32> -> vector<16xi32>
    %broadcast_in_dim3A_336 = arith.constant true
    %broadcast_in_dim3A_337 = vector.broadcast %broadcast_in_dim3A_336 : i1 to vector<16xi1>
    %masked_cumsum3A_338 = tpu.scan <sum>, %rev3A_335 masked %broadcast_in_dim3A_337 : vector<16xi32>, vector<16xi1> -> vector<16xi32>
    %add3A_339 = vector.broadcast %add3A_323 : i32 to vector<16xi32>
    %add3A_340 = arith.addi %masked_cumsum3A_338, %add3A_339 : vector<16xi32>
    %ge3A_341 = vector.broadcast %sub3A_268 : i32 to vector<16xi32>
    %ge3A_342 = arith.cmpi sge, %add3A_340, %ge3A_341 : vector<16xi32>
    %all_reduce_ffs3A_343 = tpu.all_reduce %ge3A_342 {dim = 0 : i64, kind = #tpu.reduction_kind<find_first_set>} : vector<16xi1> -> vector<16xi32>
    %reduce_max3A_344 = arith.constant true
    %reduce_max3A_345 = vector.broadcast %reduce_max3A_344 : i1 to vector<16xi1>
    %reduce_max3A_346 = arith.constant -2147483648 : i32
    %reduce_max3A_347 = vector.broadcast %reduce_max3A_346 : i32 to vector<16xi32>
    %reduce_max3A_348 = arith.xori %all_reduce_ffs3A_343, %reduce_max3A_347 : vector<16xi32>
    %reduce_max3A_349 = tpu.scan <max>, %reduce_max3A_348 masked %reduce_max3A_345 : vector<16xi32>, vector<16xi1> -> vector<16xi32>
    %reduce_max3A_350 = arith.xori %reduce_max3A_349, %reduce_max3A_347 : vector<16xi32>
    %reduce_max3A_351 = vector.extract %reduce_max3A_350[15] : i32 from vector<16xi32>
    %sub3A_352 = arith.constant 15 : i32
    %sub3A_353 = arith.subi %sub3A_352, %reduce_max3A_351 : i32
    %iota3A_354 = tpu.iota {dimensions = array<i32: 0>} : vector<16xi32>
    %broadcast_in_dim3A_355 = vector.broadcast %reduce_max3A_351 : i32 to vector<16xi32>
    %eq3A_356 = arith.cmpi eq, %iota3A_354, %broadcast_in_dim3A_355 : vector<16xi32>
    %sub3A_357 = arith.subi %masked_cumsum3A_338, %rev3A_335 : vector<16xi32>
    %jit3A_358 = arith.constant 0 : i32
    %broadcast_in_dim3A_359 = vector.broadcast %jit3A_358 : i32 to vector<16xi32>
    %select_n3A_360 = arith.select %eq3A_356, %sub3A_357, %broadcast_in_dim3A_359 : vector<16xi1>, vector<16xi32>
    %reduce_sum3A_361 = arith.constant true
    %reduce_sum3A_362 = vector.broadcast %reduce_sum3A_361 : i1 to vector<16xi1>
    %reduce_sum3A_363 = tpu.scan <sum>, %select_n3A_360 masked %reduce_sum3A_362 : vector<16xi32>, vector<16xi1> -> vector<16xi32>
    %reduce_sum3A_364 = vector.extract %reduce_sum3A_363[15] : i32 from vector<16xi32>
    %add3A_365 = arith.addi %add3A_323, %reduce_sum3A_364 : i32
    %mul3A_366 = arith.constant 16 : i32
    %mul3A_367 = arith.muli %add3A_326, %mul3A_366 : i32
    %add3A_368 = arith.addi %mul3A_367, %sub3A_353 : i32
    %shift_left3A_369 = arith.constant 20 : i32
    %shift_left3A_370 = arith.shli %add3A_252, %shift_left3A_369 : i32
    %shift_left3A_371 = arith.constant 8 : i32
    %shift_left3A_372 = arith.shli %add3A_368, %shift_left3A_371 : i32
    %or3A = arith.ori %shift_left3A_370, %shift_left3A_372 : i32
    %broadcast_in_dim3A_373 = vector.broadcast %or3A : i32 to vector<16xi32>
    %bitcast3A_374 = vector.bitcast %broadcast_in_dim3A_373 : vector<16xi32> to vector<16xi32>
    %parallel_loop3A_375 = arith.constant 0 : i32
    %parallel_loop3A_376 = arith.constant 32 : i32
    %parallel_loop3A_377 = arith.constant 1 : i32
    %parallel_loop3A_378 = scf.for %parallel_loop3A_770 = %parallel_loop3A_375 to %parallel_loop3A_376 step %parallel_loop3A_377 iter_args(%parallel_loop3A_771 = %broadcast_in_dim3A_102) -> (vector<16xi32>)  : i32 {
      %parallel_loop3A_772 = arith.constant 16 : i32
      %parallel_loop3A_773 = arith.muli %parallel_loop3A_770, %parallel_loop3A_772 : i32
      %parallel_loop3A_774 = arith.index_cast %parallel_loop3A_773 : i32 to index
      %parallel_loop3A_775 = tpu.vector_load %arg9[%parallel_loop3A_774] {strides = array<i32>} : memref<512xi32, #tpu.memory_space<vmem>>, vector<16xi32>,
      %parallel_loop3A_776 = vector.bitcast %parallel_loop3A_775 : vector<16xi32> to vector<16xi32>
      %parallel_loop3A_777 = arith.cmpi uge, %parallel_loop3A_776, %bitcast3A_374 : vector<16xi32>
      %parallel_loop3A_778 = arith.extui %parallel_loop3A_777 : vector<16xi1> to vector<16xi32>
      %parallel_loop3A_779 = arith.constant true
      %parallel_loop3A_780 = vector.broadcast %parallel_loop3A_779 : i1 to vector<16xi1>
      %parallel_loop3A_781 = tpu.scan <sum>, %parallel_loop3A_778 masked %parallel_loop3A_780 : vector<16xi32>, vector<16xi1> -> vector<16xi32>
      %parallel_loop3A_782 = arith.addi %parallel_loop3A_771, %parallel_loop3A_781 : vector<16xi32>
      %parallel_loop3A_783 = arith.constant 1 : i32
      %parallel_loop3A_784 = vector.broadcast %parallel_loop3A_783 : i32 to vector<16xi32>
      %parallel_loop3A_785 = arith.subi %parallel_loop3A_782, %parallel_loop3A_784 : vector<16xi32>
      %parallel_loop3A_786 = arith.constant 127 : i32
      %parallel_loop3A_787 = vector.broadcast %parallel_loop3A_786 : i32 to vector<16xi32>
      %parallel_loop3A_788 = arith.minsi %parallel_loop3A_785, %parallel_loop3A_787 : vector<16xi32>
      tpu.vector_store_idx %arg11[%parallel_loop3A_788], %parallel_loop3A_775 masked %parallel_loop3A_777 : memref<128xi32, #tpu.memory_space<vmem>>[vector<16xi32>], vector<16xi32>, vector<16xi1>
      %parallel_loop3A_789 = arith.constant 16 : i32
      %parallel_loop3A_790 = arith.muli %parallel_loop3A_770, %parallel_loop3A_789 : i32
      %parallel_loop3A_791 = arith.index_cast %parallel_loop3A_790 : i32 to index
      %parallel_loop3A_792 = tpu.vector_load %arg10[%parallel_loop3A_791] {strides = array<i32>} : memref<512xi32, #tpu.memory_space<vmem>>, vector<16xi32>,
      tpu.vector_store_idx %arg12[%parallel_loop3A_788], %parallel_loop3A_792 masked %parallel_loop3A_777 : memref<128xi32, #tpu.memory_space<vmem>>[vector<16xi32>], vector<16xi32>, vector<16xi1>
      %parallel_loop3A_793 = tpu.all_reduce %parallel_loop3A_777 {dim = 0 : i64, kind = #tpu.reduction_kind<sum>} : vector<16xi1> -> vector<16xi32>
      %parallel_loop3A_794 = arith.addi %parallel_loop3A_771, %parallel_loop3A_793 : vector<16xi32>
      scf.yield %parallel_loop3A_794 : vector<16xi32>
    } {sc.loop_unroll_factor = 4 : i64, sc.parallel_access}
    %get3A_379 = arith.constant 0 : index
    %get3A_380 = tpu.vector_load %arg11[%get3A_379] {strides = array<i32>} : memref<128xi32, #tpu.memory_space<vmem>>, vector<16xi32>,
    %xor3A = arith.constant -2147483648 : i32
    %xor3A_381 = vector.broadcast %xor3A : i32 to vector<16xi32>
    %xor3A_382 = arith.xori %get3A_380, %xor3A_381 : vector<16xi32>
    %get3A_383 = arith.constant 16 : index
    %get3A_384 = tpu.vector_load %arg11[%get3A_383] {strides = array<i32>} : memref<128xi32, #tpu.memory_space<vmem>>, vector<16xi32>,
    %xor3A_385 = arith.constant -2147483648 : i32
    %xor3A_386 = vector.broadcast %xor3A_385 : i32 to vector<16xi32>
    %xor3A_387 = arith.xori %get3A_384, %xor3A_386 : vector<16xi32>
    %get3A_388 = arith.constant 32 : index
    %get3A_389 = tpu.vector_load %arg11[%get3A_388] {strides = array<i32>} : memref<128xi32, #tpu.memory_space<vmem>>, vector<16xi32>,
    %xor3A_390 = arith.constant -2147483648 : i32
    %xor3A_391 = vector.broadcast %xor3A_390 : i32 to vector<16xi32>
    %xor3A_392 = arith.xori %get3A_389, %xor3A_391 : vector<16xi32>
    %get3A_393 = arith.constant 48 : index
    %get3A_394 = tpu.vector_load %arg11[%get3A_393] {strides = array<i32>} : memref<128xi32, #tpu.memory_space<vmem>>, vector<16xi32>,
    %xor3A_395 = arith.constant -2147483648 : i32
    %xor3A_396 = vector.broadcast %xor3A_395 : i32 to vector<16xi32>
    %xor3A_397 = arith.xori %get3A_394, %xor3A_396 : vector<16xi32>
    %get3A_398 = arith.constant 64 : index
    %get3A_399 = tpu.vector_load %arg11[%get3A_398] {strides = array<i32>} : memref<128xi32, #tpu.memory_space<vmem>>, vector<16xi32>,
    %xor3A_400 = arith.constant -2147483648 : i32
    %xor3A_401 = vector.broadcast %xor3A_400 : i32 to vector<16xi32>
    %xor3A_402 = arith.xori %get3A_399, %xor3A_401 : vector<16xi32>
    %get3A_403 = arith.constant 80 : index
    %get3A_404 = tpu.vector_load %arg11[%get3A_403] {strides = array<i32>} : memref<128xi32, #tpu.memory_space<vmem>>, vector<16xi32>,
    %xor3A_405 = arith.constant -2147483648 : i32
    %xor3A_406 = vector.broadcast %xor3A_405 : i32 to vector<16xi32>
    %xor3A_407 = arith.xori %get3A_404, %xor3A_406 : vector<16xi32>
    %get3A_408 = arith.constant 96 : index
    %get3A_409 = tpu.vector_load %arg11[%get3A_408] {strides = array<i32>} : memref<128xi32, #tpu.memory_space<vmem>>, vector<16xi32>,
    %xor3A_410 = arith.constant -2147483648 : i32
    %xor3A_411 = vector.broadcast %xor3A_410 : i32 to vector<16xi32>
    %xor3A_412 = arith.xori %get3A_409, %xor3A_411 : vector<16xi32>
    %get3A_413 = arith.constant 112 : index
    %get3A_414 = tpu.vector_load %arg11[%get3A_413] {strides = array<i32>} : memref<128xi32, #tpu.memory_space<vmem>>, vector<16xi32>,
    %xor3A_415 = arith.constant -2147483648 : i32
    %xor3A_416 = vector.broadcast %xor3A_415 : i32 to vector<16xi32>
    %xor3A_417 = arith.xori %get3A_414, %xor3A_416 : vector<16xi32>
    %scan3A_418 = arith.constant 0 : i32
    %scan3A_419 = arith.constant 64 : i32
    %scan3A_420 = arith.addi %scan3A_418, %scan3A_419 : i32
    %scan3A_421 = arith.constant 1 : i32
    %scan3A_422:8 = scf.for %scan3A_770 = %scan3A_418 to %scan3A_420 step %scan3A_421 iter_args(%scan3A_771 = %xor3A_382, %scan3A_772 = %xor3A_387, %scan3A_773 = %xor3A_392, %scan3A_774 = %xor3A_397, %scan3A_775 = %xor3A_402, %scan3A_776 = %xor3A_407, %scan3A_777 = %xor3A_412, %scan3A_778 = %xor3A_417) -> (vector<16xi32>, vector<16xi32>, vector<16xi32>, vector<16xi32>, vector<16xi32>, vector<16xi32>, vector<16xi32>, vector<16xi32>)  : i32 {
      %mul3A_779 = arith.constant 1 : i32
      %mul3A_780 = arith.muli %scan3A_770, %mul3A_779 : i32
      %add3A_781 = arith.constant 0 : i32
      %add3A_782 = arith.addi %add3A_781, %mul3A_780 : i32
      %max3A = arith.maxsi %scan3A_771, %scan3A_772 : vector<16xi32>
      %max3A_783 = arith.maxsi %scan3A_773, %scan3A_774 : vector<16xi32>
      %max3A_784 = arith.maxsi %scan3A_775, %scan3A_776 : vector<16xi32>
      %max3A_785 = arith.maxsi %scan3A_777, %scan3A_778 : vector<16xi32>
      %max3A_786 = arith.maxsi %max3A, %max3A_783 : vector<16xi32>
      %max3A_787 = arith.maxsi %max3A_784, %max3A_785 : vector<16xi32>
      %max3A_788 = arith.maxsi %max3A_786, %max3A_787 : vector<16xi32>
      %reduce_max3A_789 = arith.constant true
      %reduce_max3A_790 = vector.broadcast %reduce_max3A_789 : i1 to vector<16xi1>
      %reduce_max3A_791 = arith.constant -2147483648 : i32
      %reduce_max3A_792 = vector.broadcast %reduce_max3A_791 : i32 to vector<16xi32>
      %reduce_max3A_793 = arith.xori %max3A_788, %reduce_max3A_792 : vector<16xi32>
      %reduce_max3A_794 = tpu.scan <max>, %reduce_max3A_793 masked %reduce_max3A_790 : vector<16xi32>, vector<16xi1> -> vector<16xi32>
      %reduce_max3A_795 = arith.xori %reduce_max3A_794, %reduce_max3A_792 : vector<16xi32>
      %reduce_max3A_796 = vector.extract %reduce_max3A_795[15] : i32 from vector<16xi32>
      %broadcast_in_dim3A_797 = vector.broadcast %reduce_max3A_796 : i32 to vector<16xi32>
      %broadcast_in_dim3A_798 = arith.constant 2147483647 : i32
      %broadcast_in_dim3A_799 = vector.broadcast %broadcast_in_dim3A_798 : i32 to vector<16xi32>
      %eq3A_800 = arith.cmpi eq, %scan3A_771, %broadcast_in_dim3A_797 : vector<16xi32>
      %all_reduce_ffs3A_801 = tpu.all_reduce %eq3A_800 {dim = 0 : i64, kind = #tpu.reduction_kind<find_first_set>} : vector<16xi1> -> vector<16xi32>
      %lt3A = arith.constant 16 : i32
      %lt3A_802 = vector.broadcast %lt3A : i32 to vector<16xi32>
      %lt3A_803 = arith.cmpi slt, %all_reduce_ffs3A_801, %lt3A_802 : vector<16xi32>
      %add3A_804 = arith.constant 0 : i32
      %add3A_805 = vector.broadcast %add3A_804 : i32 to vector<16xi32>
      %add3A_806 = arith.addi %all_reduce_ffs3A_801, %add3A_805 : vector<16xi32>
      %jit3A_807 = arith.constant 2147483647 : i32
      %broadcast_in_dim3A_808 = vector.broadcast %jit3A_807 : i32 to vector<16xi32>
      %select_n3A_809 = arith.select %lt3A_803, %add3A_806, %broadcast_in_dim3A_808 : vector<16xi1>, vector<16xi32>
      %min3A = arith.minsi %broadcast_in_dim3A_799, %select_n3A_809 : vector<16xi32>
      %eq3A_810 = arith.cmpi eq, %scan3A_772, %broadcast_in_dim3A_797 : vector<16xi32>
      %all_reduce_ffs3A_811 = tpu.all_reduce %eq3A_810 {dim = 0 : i64, kind = #tpu.reduction_kind<find_first_set>} : vector<16xi1> -> vector<16xi32>
      %lt3A_812 = arith.constant 16 : i32
      %lt3A_813 = vector.broadcast %lt3A_812 : i32 to vector<16xi32>
      %lt3A_814 = arith.cmpi slt, %all_reduce_ffs3A_811, %lt3A_813 : vector<16xi32>
      %add3A_815 = arith.constant 16 : i32
      %add3A_816 = vector.broadcast %add3A_815 : i32 to vector<16xi32>
      %add3A_817 = arith.addi %all_reduce_ffs3A_811, %add3A_816 : vector<16xi32>
      %jit3A_818 = arith.constant 2147483647 : i32
      %broadcast_in_dim3A_819 = vector.broadcast %jit3A_818 : i32 to vector<16xi32>
      %select_n3A_820 = arith.select %lt3A_814, %add3A_817, %broadcast_in_dim3A_819 : vector<16xi1>, vector<16xi32>
      %min3A_821 = arith.minsi %min3A, %select_n3A_820 : vector<16xi32>
      %eq3A_822 = arith.cmpi eq, %scan3A_773, %broadcast_in_dim3A_797 : vector<16xi32>
      %all_reduce_ffs3A_823 = tpu.all_reduce %eq3A_822 {dim = 0 : i64, kind = #tpu.reduction_kind<find_first_set>} : vector<16xi1> -> vector<16xi32>
      %lt3A_824 = arith.constant 16 : i32
      %lt3A_825 = vector.broadcast %lt3A_824 : i32 to vector<16xi32>
      %lt3A_826 = arith.cmpi slt, %all_reduce_ffs3A_823, %lt3A_825 : vector<16xi32>
      %add3A_827 = arith.constant 32 : i32
      %add3A_828 = vector.broadcast %add3A_827 : i32 to vector<16xi32>
      %add3A_829 = arith.addi %all_reduce_ffs3A_823, %add3A_828 : vector<16xi32>
      %jit3A_830 = arith.constant 2147483647 : i32
      %broadcast_in_dim3A_831 = vector.broadcast %jit3A_830 : i32 to vector<16xi32>
      %select_n3A_832 = arith.select %lt3A_826, %add3A_829, %broadcast_in_dim3A_831 : vector<16xi1>, vector<16xi32>
      %min3A_833 = arith.minsi %min3A_821, %select_n3A_832 : vector<16xi32>
      %eq3A_834 = arith.cmpi eq, %scan3A_774, %broadcast_in_dim3A_797 : vector<16xi32>
      %all_reduce_ffs3A_835 = tpu.all_reduce %eq3A_834 {dim = 0 : i64, kind = #tpu.reduction_kind<find_first_set>} : vector<16xi1> -> vector<16xi32>
      %lt3A_836 = arith.constant 16 : i32
      %lt3A_837 = vector.broadcast %lt3A_836 : i32 to vector<16xi32>
      %lt3A_838 = arith.cmpi slt, %all_reduce_ffs3A_835, %lt3A_837 : vector<16xi32>
      %add3A_839 = arith.constant 48 : i32
      %add3A_840 = vector.broadcast %add3A_839 : i32 to vector<16xi32>
      %add3A_841 = arith.addi %all_reduce_ffs3A_835, %add3A_840 : vector<16xi32>
      %jit3A_842 = arith.constant 2147483647 : i32
      %broadcast_in_dim3A_843 = vector.broadcast %jit3A_842 : i32 to vector<16xi32>
      %select_n3A_844 = arith.select %lt3A_838, %add3A_841, %broadcast_in_dim3A_843 : vector<16xi1>, vector<16xi32>
      %min3A_845 = arith.minsi %min3A_833, %select_n3A_844 : vector<16xi32>
      %eq3A_846 = arith.cmpi eq, %scan3A_775, %broadcast_in_dim3A_797 : vector<16xi32>
      %all_reduce_ffs3A_847 = tpu.all_reduce %eq3A_846 {dim = 0 : i64, kind = #tpu.reduction_kind<find_first_set>} : vector<16xi1> -> vector<16xi32>
      %lt3A_848 = arith.constant 16 : i32
      %lt3A_849 = vector.broadcast %lt3A_848 : i32 to vector<16xi32>
      %lt3A_850 = arith.cmpi slt, %all_reduce_ffs3A_847, %lt3A_849 : vector<16xi32>
      %add3A_851 = arith.constant 64 : i32
      %add3A_852 = vector.broadcast %add3A_851 : i32 to vector<16xi32>
      %add3A_853 = arith.addi %all_reduce_ffs3A_847, %add3A_852 : vector<16xi32>
      %jit3A_854 = arith.constant 2147483647 : i32
      %broadcast_in_dim3A_855 = vector.broadcast %jit3A_854 : i32 to vector<16xi32>
      %select_n3A_856 = arith.select %lt3A_850, %add3A_853, %broadcast_in_dim3A_855 : vector<16xi1>, vector<16xi32>
      %min3A_857 = arith.minsi %min3A_845, %select_n3A_856 : vector<16xi32>
      %eq3A_858 = arith.cmpi eq, %scan3A_776, %broadcast_in_dim3A_797 : vector<16xi32>
      %all_reduce_ffs3A_859 = tpu.all_reduce %eq3A_858 {dim = 0 : i64, kind = #tpu.reduction_kind<find_first_set>} : vector<16xi1> -> vector<16xi32>
      %lt3A_860 = arith.constant 16 : i32
      %lt3A_861 = vector.broadcast %lt3A_860 : i32 to vector<16xi32>
      %lt3A_862 = arith.cmpi slt, %all_reduce_ffs3A_859, %lt3A_861 : vector<16xi32>
      %add3A_863 = arith.constant 80 : i32
      %add3A_864 = vector.broadcast %add3A_863 : i32 to vector<16xi32>
      %add3A_865 = arith.addi %all_reduce_ffs3A_859, %add3A_864 : vector<16xi32>
      %jit3A_866 = arith.constant 2147483647 : i32
      %broadcast_in_dim3A_867 = vector.broadcast %jit3A_866 : i32 to vector<16xi32>
      %select_n3A_868 = arith.select %lt3A_862, %add3A_865, %broadcast_in_dim3A_867 : vector<16xi1>, vector<16xi32>
      %min3A_869 = arith.minsi %min3A_857, %select_n3A_868 : vector<16xi32>
      %eq3A_870 = arith.cmpi eq, %scan3A_777, %broadcast_in_dim3A_797 : vector<16xi32>
      %all_reduce_ffs3A_871 = tpu.all_reduce %eq3A_870 {dim = 0 : i64, kind = #tpu.reduction_kind<find_first_set>} : vector<16xi1> -> vector<16xi32>
      %lt3A_872 = arith.constant 16 : i32
      %lt3A_873 = vector.broadcast %lt3A_872 : i32 to vector<16xi32>
      %lt3A_874 = arith.cmpi slt, %all_reduce_ffs3A_871, %lt3A_873 : vector<16xi32>
      %add3A_875 = arith.constant 96 : i32
      %add3A_876 = vector.broadcast %add3A_875 : i32 to vector<16xi32>
      %add3A_877 = arith.addi %all_reduce_ffs3A_871, %add3A_876 : vector<16xi32>
      %jit3A_878 = arith.constant 2147483647 : i32
      %broadcast_in_dim3A_879 = vector.broadcast %jit3A_878 : i32 to vector<16xi32>
      %select_n3A_880 = arith.select %lt3A_874, %add3A_877, %broadcast_in_dim3A_879 : vector<16xi1>, vector<16xi32>
      %min3A_881 = arith.minsi %min3A_869, %select_n3A_880 : vector<16xi32>
      %eq3A_882 = arith.cmpi eq, %scan3A_778, %broadcast_in_dim3A_797 : vector<16xi32>
      %all_reduce_ffs3A_883 = tpu.all_reduce %eq3A_882 {dim = 0 : i64, kind = #tpu.reduction_kind<find_first_set>} : vector<16xi1> -> vector<16xi32>
      %lt3A_884 = arith.constant 16 : i32
      %lt3A_885 = vector.broadcast %lt3A_884 : i32 to vector<16xi32>
      %lt3A_886 = arith.cmpi slt, %all_reduce_ffs3A_883, %lt3A_885 : vector<16xi32>
      %add3A_887 = arith.constant 112 : i32
      %add3A_888 = vector.broadcast %add3A_887 : i32 to vector<16xi32>
      %add3A_889 = arith.addi %all_reduce_ffs3A_883, %add3A_888 : vector<16xi32>
      %jit3A_890 = arith.constant 2147483647 : i32
      %broadcast_in_dim3A_891 = vector.broadcast %jit3A_890 : i32 to vector<16xi32>
      %select_n3A_892 = arith.select %lt3A_886, %add3A_889, %broadcast_in_dim3A_891 : vector<16xi1>, vector<16xi32>
      %min3A_893 = arith.minsi %min3A_881, %select_n3A_892 : vector<16xi32>
      %gather3A = tpu.vector_load_idx %arg12[%min3A_893] : memref<128xi32, #tpu.memory_space<vmem>>[vector<16xi32>], vector<16xi32>,
      %xor3A_894 = arith.constant -2147483648 : i32
      %xor3A_895 = vector.broadcast %xor3A_894 : i32 to vector<16xi32>
      %xor3A_896 = arith.xori %broadcast_in_dim3A_797, %xor3A_895 : vector<16xi32>
      %shift_right_arithmetic3A = arith.constant 31 : i32
      %shift_right_arithmetic3A_897 = vector.broadcast %shift_right_arithmetic3A : i32 to vector<16xi32>
      %shift_right_arithmetic3A_898 = arith.shrsi %xor3A_896, %shift_right_arithmetic3A_897 : vector<16xi32>
      %not3A = arith.constant dense<-1> : vector<16xi32>
      %not3A_899 = arith.xori %shift_right_arithmetic3A_898, %not3A : vector<16xi32>
      %or3A_900 = arith.constant -2147483648 : i32
      %or3A_901 = vector.broadcast %or3A_900 : i32 to vector<16xi32>
      %or3A_902 = arith.ori %not3A_899, %or3A_901 : vector<16xi32>
      %xor3A_903 = arith.xori %xor3A_896, %or3A_902 : vector<16xi32>
      %broadcast_in_dim3A_904 = vector.broadcast %add3A_782 : i32 to vector<16xi32>
      %bitcast3A_905 = vector.bitcast %xor3A_903 : vector<16xi32> to vector<16xf32>
      tpu.vector_store_idx %arg13[%broadcast_in_dim3A_904], %bitcast3A_905 masked %eq3A_99 : memref<64xf32, #tpu.memory_space<vmem>>[vector<16xi32>], vector<16xf32>, vector<16xi1>
      tpu.vector_store_idx %arg14[%broadcast_in_dim3A_904], %gather3A masked %eq3A_99 : memref<64xi32, #tpu.memory_space<vmem>>[vector<16xi32>], vector<16xi32>, vector<16xi1>
      %add3A_906 = arith.constant 0 : i32
      %add3A_907 = vector.broadcast %add3A_906 : i32 to vector<16xi32>
      %add3A_908 = arith.addi %iota3A, %add3A_907 : vector<16xi32>
      %eq3A_909 = arith.cmpi eq, %add3A_908, %min3A_893 : vector<16xi32>
      %jit3A_910 = arith.constant -2147483648 : i32
      %broadcast_in_dim3A_911 = vector.broadcast %jit3A_910 : i32 to vector<16xi32>
      %select_n3A_912 = arith.select %eq3A_909, %broadcast_in_dim3A_911, %scan3A_771 : vector<16xi1>, vector<16xi32>
      %add3A_913 = arith.constant 16 : i32
      %add3A_914 = vector.broadcast %add3A_913 : i32 to vector<16xi32>
      %add3A_915 = arith.addi %iota3A, %add3A_914 : vector<16xi32>
      %eq3A_916 = arith.cmpi eq, %add3A_915, %min3A_893 : vector<16xi32>
      %jit3A_917 = arith.constant -2147483648 : i32
      %broadcast_in_dim3A_918 = vector.broadcast %jit3A_917 : i32 to vector<16xi32>
      %select_n3A_919 = arith.select %eq3A_916, %broadcast_in_dim3A_918, %scan3A_772 : vector<16xi1>, vector<16xi32>
      %add3A_920 = arith.constant 32 : i32
      %add3A_921 = vector.broadcast %add3A_920 : i32 to vector<16xi32>
      %add3A_922 = arith.addi %iota3A, %add3A_921 : vector<16xi32>
      %eq3A_923 = arith.cmpi eq, %add3A_922, %min3A_893 : vector<16xi32>
      %jit3A_924 = arith.constant -2147483648 : i32
      %broadcast_in_dim3A_925 = vector.broadcast %jit3A_924 : i32 to vector<16xi32>
      %select_n3A_926 = arith.select %eq3A_923, %broadcast_in_dim3A_925, %scan3A_773 : vector<16xi1>, vector<16xi32>
      %add3A_927 = arith.constant 48 : i32
      %add3A_928 = vector.broadcast %add3A_927 : i32 to vector<16xi32>
      %add3A_929 = arith.addi %iota3A, %add3A_928 : vector<16xi32>
      %eq3A_930 = arith.cmpi eq, %add3A_929, %min3A_893 : vector<16xi32>
      %jit3A_931 = arith.constant -2147483648 : i32
      %broadcast_in_dim3A_932 = vector.broadcast %jit3A_931 : i32 to vector<16xi32>
      %select_n3A_933 = arith.select %eq3A_930, %broadcast_in_dim3A_932, %scan3A_774 : vector<16xi1>, vector<16xi32>
      %add3A_934 = arith.constant 64 : i32
      %add3A_935 = vector.broadcast %add3A_934 : i32 to vector<16xi32>
      %add3A_936 = arith.addi %iota3A, %add3A_935 : vector<16xi32>
      %eq3A_937 = arith.cmpi eq, %add3A_936, %min3A_893 : vector<16xi32>
      %jit3A_938 = arith.constant -2147483648 : i32
      %broadcast_in_dim3A_939 = vector.broadcast %jit3A_938 : i32 to vector<16xi32>
      %select_n3A_940 = arith.select %eq3A_937, %broadcast_in_dim3A_939, %scan3A_775 : vector<16xi1>, vector<16xi32>
      %add3A_941 = arith.constant 80 : i32
      %add3A_942 = vector.broadcast %add3A_941 : i32 to vector<16xi32>
      %add3A_943 = arith.addi %iota3A, %add3A_942 : vector<16xi32>
      %eq3A_944 = arith.cmpi eq, %add3A_943, %min3A_893 : vector<16xi32>
      %jit3A_945 = arith.constant -2147483648 : i32
      %broadcast_in_dim3A_946 = vector.broadcast %jit3A_945 : i32 to vector<16xi32>
      %select_n3A_947 = arith.select %eq3A_944, %broadcast_in_dim3A_946, %scan3A_776 : vector<16xi1>, vector<16xi32>
      %add3A_948 = arith.constant 96 : i32
      %add3A_949 = vector.broadcast %add3A_948 : i32 to vector<16xi32>
      %add3A_950 = arith.addi %iota3A, %add3A_949 : vector<16xi32>
      %eq3A_951 = arith.cmpi eq, %add3A_950, %min3A_893 : vector<16xi32>
      %jit3A_952 = arith.constant -2147483648 : i32
      %broadcast_in_dim3A_953 = vector.broadcast %jit3A_952 : i32 to vector<16xi32>
      %select_n3A_954 = arith.select %eq3A_951, %broadcast_in_dim3A_953, %scan3A_777 : vector<16xi1>, vector<16xi32>
      %add3A_955 = arith.constant 112 : i32
      %add3A_956 = vector.broadcast %add3A_955 : i32 to vector<16xi32>
      %add3A_957 = arith.addi %iota3A, %add3A_956 : vector<16xi32>
      %eq3A_958 = arith.cmpi eq, %add3A_957, %min3A_893 : vector<16xi32>
      %jit3A_959 = arith.constant -2147483648 : i32
      %broadcast_in_dim3A_960 = vector.broadcast %jit3A_959 : i32 to vector<16xi32>
      %select_n3A_961 = arith.select %eq3A_958, %broadcast_in_dim3A_960, %scan3A_778 : vector<16xi1>, vector<16xi32>
      scf.yield %select_n3A_912, %select_n3A_919, %select_n3A_926, %select_n3A_933, %select_n3A_940, %select_n3A_947, %select_n3A_954, %select_n3A_961 : vector<16xi32>, vector<16xi32>, vector<16xi32>, vector<16xi32>, vector<16xi32>, vector<16xi32>, vector<16xi32>, vector<16xi32>
    }
    %scan3A_423 = arith.constant 64 : i32
    %add3A_424 = arith.constant 0 : i32
    %add3A_425 = arith.addi %mul3A_2, %add3A_424 : i32
    "tpu.region"() ({
      %run_scoped3A = tpu.sem_alloc : memref<!tpu.dma_semaphore, #tpu.memory_space<semaphore_mem>>
      %dma_start3A_770 = arith.constant 0 : i32
      %dma_start3A_771 = tpu.memref_slice %arg3[%add3A_425, %dma_start3A_770] : memref<64x64xf32, #tpu.memory_space<hbm>> -> memref<1x64xf32, #tpu.memory_space<hbm>>
      %dma_start3A_772 = tpu.memref_squeeze %dma_start3A_771 : memref<1x64xf32, #tpu.memory_space<hbm>> -> memref<64xf32, #tpu.memory_space<hbm>>
      %dma_start3A_773 = arith.constant 0 : i32
      %dma_start3A_774 = tpu.memref_slice %arg3[%add3A_425, %dma_start3A_773] : memref<64x64xf32, #tpu.memory_space<hbm>> -> memref<1x64xf32, #tpu.memory_space<hbm>>
      %dma_start3A_775 = tpu.memref_squeeze %dma_start3A_774 : memref<1x64xf32, #tpu.memory_space<hbm>> -> memref<64xf32, #tpu.memory_space<hbm>>
      tpu.enqueue_dma source(%arg13 : memref<64xf32, #tpu.memory_space<vmem>>) target(%dma_start3A_775 : memref<64xf32, #tpu.memory_space<hbm>>) target_semaphore(%run_scoped3A : memref<!tpu.dma_semaphore, #tpu.memory_space<semaphore_mem>>)
      %dma_wait3A_776 = arith.constant 0 : i32
      %dma_wait3A_777 = tpu.memref_slice %arg3[%add3A_425, %dma_wait3A_776] : memref<64x64xf32, #tpu.memory_space<hbm>> -> memref<1x64xf32, #tpu.memory_space<hbm>>
      %dma_wait3A_778 = tpu.memref_squeeze %dma_wait3A_777 : memref<1x64xf32, #tpu.memory_space<hbm>> -> memref<64xf32, #tpu.memory_space<hbm>>
      %dma_wait3A_779 = arith.constant 0 : i32
      %dma_wait3A_780 = tpu.memref_slice %arg3[%add3A_425, %dma_wait3A_779] : memref<64x64xf32, #tpu.memory_space<hbm>> -> memref<1x64xf32, #tpu.memory_space<hbm>>
      %dma_wait3A_781 = tpu.memref_squeeze %dma_wait3A_780 : memref<1x64xf32, #tpu.memory_space<hbm>> -> memref<64xf32, #tpu.memory_space<hbm>>
      tpu.wait_dma2 semaphore(%run_scoped3A : memref<!tpu.dma_semaphore, #tpu.memory_space<semaphore_mem>>) src(%arg13 : memref<64xf32, #tpu.memory_space<vmem>>) dst(%dma_wait3A_781 : memref<64xf32, #tpu.memory_space<hbm>>)
      tpu.yield
    }) : () -> ()
    %add3A_426 = arith.constant 0 : i32
    %add3A_427 = arith.addi %mul3A_2, %add3A_426 : i32
    "tpu.region"() ({
      %run_scoped3A = tpu.sem_alloc : memref<!tpu.dma_semaphore, #tpu.memory_space<semaphore_mem>>
      %dma_start3A_770 = arith.constant 0 : i32
      %dma_start3A_771 = tpu.memref_slice %arg4[%add3A_427, %dma_start3A_770] : memref<64x64xi32, #tpu.memory_space<hbm>> -> memref<1x64xi32, #tpu.memory_space<hbm>>
      %dma_start3A_772 = tpu.memref_squeeze %dma_start3A_771 : memref<1x64xi32, #tpu.memory_space<hbm>> -> memref<64xi32, #tpu.memory_space<hbm>>
      %dma_start3A_773 = arith.constant 0 : i32
      %dma_start3A_774 = tpu.memref_slice %arg4[%add3A_427, %dma_start3A_773] : memref<64x64xi32, #tpu.memory_space<hbm>> -> memref<1x64xi32, #tpu.memory_space<hbm>>
      %dma_start3A_775 = tpu.memref_squeeze %dma_start3A_774 : memref<1x64xi32, #tpu.memory_space<hbm>> -> memref<64xi32, #tpu.memory_space<hbm>>
      tpu.enqueue_dma source(%arg14 : memref<64xi32, #tpu.memory_space<vmem>>) target(%dma_start3A_775 : memref<64xi32, #tpu.memory_space<hbm>>) target_semaphore(%run_scoped3A : memref<!tpu.dma_semaphore, #tpu.memory_space<semaphore_mem>>)
      %dma_wait3A_776 = arith.constant 0 : i32
      %dma_wait3A_777 = tpu.memref_slice %arg4[%add3A_427, %dma_wait3A_776] : memref<64x64xi32, #tpu.memory_space<hbm>> -> memref<1x64xi32, #tpu.memory_space<hbm>>
      %dma_wait3A_778 = tpu.memref_squeeze %dma_wait3A_777 : memref<1x64xi32, #tpu.memory_space<hbm>> -> memref<64xi32, #tpu.memory_space<hbm>>
      %dma_wait3A_779 = arith.constant 0 : i32
      %dma_wait3A_780 = tpu.memref_slice %arg4[%add3A_427, %dma_wait3A_779] : memref<64x64xi32, #tpu.memory_space<hbm>> -> memref<1x64xi32, #tpu.memory_space<hbm>>
      %dma_wait3A_781 = tpu.memref_squeeze %dma_wait3A_780 : memref<1x64xi32, #tpu.memory_space<hbm>> -> memref<64xi32, #tpu.memory_space<hbm>>
      tpu.wait_dma2 semaphore(%run_scoped3A : memref<!tpu.dma_semaphore, #tpu.memory_space<semaphore_mem>>) src(%arg14 : memref<64xi32, #tpu.memory_space<vmem>>) dst(%dma_wait3A_781 : memref<64xi32, #tpu.memory_space<hbm>>)
      tpu.yield
    }) : () -> ()
    %parallel_loop3A_428 = arith.constant 0 : i32
    %parallel_loop3A_429 = arith.constant 256 : i32
    %parallel_loop3A_430 = arith.constant 1 : i32
    scf.for %parallel_loop3A_770 = %parallel_loop3A_428 to %parallel_loop3A_429 step %parallel_loop3A_430  : i32 {
      %parallel_loop3A_771 = arith.constant 16 : i32
      %parallel_loop3A_772 = arith.muli %parallel_loop3A_770, %parallel_loop3A_771 : i32
      %parallel_loop3A_773 = arith.index_cast %parallel_loop3A_772 : i32 to index
      %parallel_loop3A_774 = tpu.vector_load %arg7[%parallel_loop3A_773] {strides = array<i32>} : memref<4096xi32, #tpu.memory_space<vmem>>, vector<16xi32>,
      tpu.vector_store %arg7[%parallel_loop3A_773], %broadcast_in_dim3A_102 {strides = array<i32>} : memref<4096xi32, #tpu.memory_space<vmem>>, vector<16xi32>,
    } {sc.loop_unroll_factor = 8 : i64, sc.parallel_access}
    %parallel_loop3A_431 = arith.constant 0 : i32
    %parallel_loop3A_432 = arith.constant 32 : i32
    %parallel_loop3A_433 = arith.constant 1 : i32
    scf.for %parallel_loop3A_770 = %parallel_loop3A_431 to %parallel_loop3A_432 step %parallel_loop3A_433  : i32 {
      %parallel_loop3A_771 = arith.constant 16 : i32
      %parallel_loop3A_772 = arith.muli %parallel_loop3A_770, %parallel_loop3A_771 : i32
      %parallel_loop3A_773 = arith.index_cast %parallel_loop3A_772 : i32 to index
      %parallel_loop3A_774 = tpu.vector_load %arg9[%parallel_loop3A_773] {strides = array<i32>} : memref<512xi32, #tpu.memory_space<vmem>>, vector<16xi32>,
      tpu.vector_store %arg9[%parallel_loop3A_773], %broadcast_in_dim3A_102 {strides = array<i32>} : memref<512xi32, #tpu.memory_space<vmem>>, vector<16xi32>,
      %parallel_loop3A_775 = arith.constant 16 : i32
      %parallel_loop3A_776 = arith.muli %parallel_loop3A_770, %parallel_loop3A_775 : i32
      %parallel_loop3A_777 = arith.index_cast %parallel_loop3A_776 : i32 to index
      %parallel_loop3A_778 = tpu.vector_load %arg10[%parallel_loop3A_777] {strides = array<i32>} : memref<512xi32, #tpu.memory_space<vmem>>, vector<16xi32>,
      tpu.vector_store %arg10[%parallel_loop3A_777], %broadcast_in_dim3A_102 {strides = array<i32>} : memref<512xi32, #tpu.memory_space<vmem>>, vector<16xi32>,
    } {sc.loop_unroll_factor = 8 : i64, sc.parallel_access}
    %parallel_loop3A_434 = arith.constant 0 : i32
    %parallel_loop3A_435 = arith.constant 8 : i32
    %parallel_loop3A_436 = arith.constant 1 : i32
    scf.for %parallel_loop3A_770 = %parallel_loop3A_434 to %parallel_loop3A_435 step %parallel_loop3A_436  : i32 {
      %parallel_loop3A_771 = arith.constant 16 : i32
      %parallel_loop3A_772 = arith.muli %parallel_loop3A_770, %parallel_loop3A_771 : i32
      %parallel_loop3A_773 = arith.index_cast %parallel_loop3A_772 : i32 to index
      %parallel_loop3A_774 = tpu.vector_load %arg11[%parallel_loop3A_773] {strides = array<i32>} : memref<128xi32, #tpu.memory_space<vmem>>, vector<16xi32>,
      tpu.vector_store %arg11[%parallel_loop3A_773], %broadcast_in_dim3A_102 {strides = array<i32>} : memref<128xi32, #tpu.memory_space<vmem>>, vector<16xi32>,
      %parallel_loop3A_775 = arith.constant 16 : i32
      %parallel_loop3A_776 = arith.muli %parallel_loop3A_770, %parallel_loop3A_775 : i32
      %parallel_loop3A_777 = arith.index_cast %parallel_loop3A_776 : i32 to index
      %parallel_loop3A_778 = tpu.vector_load %arg12[%parallel_loop3A_777] {strides = array<i32>} : memref<128xi32, #tpu.memory_space<vmem>>, vector<16xi32>,
      tpu.vector_store %arg12[%parallel_loop3A_777], %broadcast_in_dim3A_102 {strides = array<i32>} : memref<128xi32, #tpu.memory_space<vmem>>, vector<16xi32>,
    } {sc.loop_unroll_factor = 1 : i64, sc.parallel_access}
    %dma_wait3A_437 = arith.constant 0 : i32
    %dma_wait3A_438 = tpu.memref_slice %arg6[%dma_wait3A_437] : memref<32768xf32, #tpu.memory_space<vmem>> -> memref<8192xf32, #tpu.memory_space<vmem>>
    %dma_wait3A_439 = arith.constant 0 : i32
    %dma_wait3A_440 = tpu.memref_slice %arg2[%add3A_51, %dma_wait3A_439] : memref<64x32768xf32, #tpu.memory_space<hbm>> -> memref<1x8192xf32, #tpu.memory_space<hbm>>
    %dma_wait3A_441 = tpu.memref_squeeze %dma_wait3A_440 : memref<1x8192xf32, #tpu.memory_space<hbm>> -> memref<8192xf32, #tpu.memory_space<hbm>>
    %dma_wait3A_442 = arith.constant 0 : i32
    %dma_wait3A_443 = tpu.memref_slice %arg6[%dma_wait3A_442] : memref<32768xf32, #tpu.memory_space<vmem>> -> memref<8192xf32, #tpu.memory_space<vmem>>
    %dma_wait3A_444 = arith.constant 0 : i32
    %dma_wait3A_445 = tpu.memref_slice %arg2[%add3A_51, %dma_wait3A_444] : memref<64x32768xf32, #tpu.memory_space<hbm>> -> memref<1x8192xf32, #tpu.memory_space<hbm>>
    %dma_wait3A_446 = tpu.memref_squeeze %dma_wait3A_445 : memref<1x8192xf32, #tpu.memory_space<hbm>> -> memref<8192xf32, #tpu.memory_space<hbm>>
    tpu.wait_dma2 semaphore(%arg16 : memref<!tpu.dma_semaphore, #tpu.memory_space<semaphore_mem>>) src(%dma_wait3A_446 : memref<8192xf32, #tpu.memory_space<hbm>>) dst(%dma_wait3A_443 : memref<8192xf32, #tpu.memory_space<vmem>>)
    %parallel_loop3A_447 = arith.constant 0 : i32
    %parallel_loop3A_448 = arith.constant 512 : i32
    %parallel_loop3A_449 = arith.constant 1 : i32
    scf.for %parallel_loop3A_770 = %parallel_loop3A_447 to %parallel_loop3A_448 step %parallel_loop3A_449  : i32 {
      %parallel_loop3A_771 = arith.constant 16 : i32
      %parallel_loop3A_772 = arith.muli %parallel_loop3A_770, %parallel_loop3A_771 : i32
      %parallel_loop3A_773 = arith.index_cast %parallel_loop3A_772 : i32 to index
      %parallel_loop3A_774 = tpu.vector_load %arg6[%parallel_loop3A_773] {strides = array<i32>} : memref<32768xf32, #tpu.memory_space<vmem>>, vector<16xf32>,
      %parallel_loop3A_775 = vector.bitcast %parallel_loop3A_774 : vector<16xf32> to vector<16xi32>
      %parallel_loop3A_776 = arith.constant 31 : i32
      %parallel_loop3A_777 = vector.broadcast %parallel_loop3A_776 : i32 to vector<16xi32>
      %parallel_loop3A_778 = arith.shrsi %parallel_loop3A_775, %parallel_loop3A_777 : vector<16xi32>
      %parallel_loop3A_779 = arith.constant -2147483648 : i32
      %parallel_loop3A_780 = vector.broadcast %parallel_loop3A_779 : i32 to vector<16xi32>
      %parallel_loop3A_781 = arith.ori %parallel_loop3A_778, %parallel_loop3A_780 : vector<16xi32>
      %parallel_loop3A_782 = arith.xori %parallel_loop3A_775, %parallel_loop3A_781 : vector<16xi32>
      %parallel_loop3A_783 = vector.bitcast %parallel_loop3A_782 : vector<16xi32> to vector<16xi32>
      %parallel_loop3A_784 = arith.constant 20 : i32
      %parallel_loop3A_785 = vector.broadcast %parallel_loop3A_784 : i32 to vector<16xi32>
      %parallel_loop3A_786 = arith.shrui %parallel_loop3A_783, %parallel_loop3A_785 : vector<16xi32>
      %parallel_loop3A_787 = vector.bitcast %parallel_loop3A_786 : vector<16xi32> to vector<16xi32>
      tpu.vector_store_idx %arg7[%parallel_loop3A_787], %broadcast_in_dim3A_100 {add = true} : memref<4096xi32, #tpu.memory_space<vmem>>[vector<16xi32>], vector<16xi32>,
    } {sc.loop_unroll_factor = 8 : i64, sc.parallel_access}
    %dma_wait3A_450 = arith.constant 8192 : i32
    %dma_wait3A_451 = tpu.memref_slice %arg6[%dma_wait3A_450] : memref<32768xf32, #tpu.memory_space<vmem>> -> memref<8192xf32, #tpu.memory_space<vmem>>
    %dma_wait3A_452 = arith.constant 8192 : i32
    %dma_wait3A_453 = tpu.memref_slice %arg2[%add3A_63, %dma_wait3A_452] : memref<64x32768xf32, #tpu.memory_space<hbm>> -> memref<1x8192xf32, #tpu.memory_space<hbm>>
    %dma_wait3A_454 = tpu.memref_squeeze %dma_wait3A_453 : memref<1x8192xf32, #tpu.memory_space<hbm>> -> memref<8192xf32, #tpu.memory_space<hbm>>
    %dma_wait3A_455 = arith.constant 8192 : i32
    %dma_wait3A_456 = tpu.memref_slice %arg6[%dma_wait3A_455] : memref<32768xf32, #tpu.memory_space<vmem>> -> memref<8192xf32, #tpu.memory_space<vmem>>
    %dma_wait3A_457 = arith.constant 8192 : i32
    %dma_wait3A_458 = tpu.memref_slice %arg2[%add3A_63, %dma_wait3A_457] : memref<64x32768xf32, #tpu.memory_space<hbm>> -> memref<1x8192xf32, #tpu.memory_space<hbm>>
    %dma_wait3A_459 = tpu.memref_squeeze %dma_wait3A_458 : memref<1x8192xf32, #tpu.memory_space<hbm>> -> memref<8192xf32, #tpu.memory_space<hbm>>
    tpu.wait_dma2 semaphore(%arg16 : memref<!tpu.dma_semaphore, #tpu.memory_space<semaphore_mem>>) src(%dma_wait3A_459 : memref<8192xf32, #tpu.memory_space<hbm>>) dst(%dma_wait3A_456 : memref<8192xf32, #tpu.memory_space<vmem>>)
    %parallel_loop3A_460 = arith.constant 512 : i32
    %parallel_loop3A_461 = arith.constant 1024 : i32
    %parallel_loop3A_462 = arith.constant 1 : i32
    scf.for %parallel_loop3A_770 = %parallel_loop3A_460 to %parallel_loop3A_461 step %parallel_loop3A_462  : i32 {
      %parallel_loop3A_771 = arith.constant 16 : i32
      %parallel_loop3A_772 = arith.muli %parallel_loop3A_770, %parallel_loop3A_771 : i32
      %parallel_loop3A_773 = arith.index_cast %parallel_loop3A_772 : i32 to index
      %parallel_loop3A_774 = tpu.vector_load %arg6[%parallel_loop3A_773] {strides = array<i32>} : memref<32768xf32, #tpu.memory_space<vmem>>, vector<16xf32>,
      %parallel_loop3A_775 = vector.bitcast %parallel_loop3A_774 : vector<16xf32> to vector<16xi32>
      %parallel_loop3A_776 = arith.constant 31 : i32
      %parallel_loop3A_777 = vector.broadcast %parallel_loop3A_776 : i32 to vector<16xi32>
      %parallel_loop3A_778 = arith.shrsi %parallel_loop3A_775, %parallel_loop3A_777 : vector<16xi32>
      %parallel_loop3A_779 = arith.constant -2147483648 : i32
      %parallel_loop3A_780 = vector.broadcast %parallel_loop3A_779 : i32 to vector<16xi32>
      %parallel_loop3A_781 = arith.ori %parallel_loop3A_778, %parallel_loop3A_780 : vector<16xi32>
      %parallel_loop3A_782 = arith.xori %parallel_loop3A_775, %parallel_loop3A_781 : vector<16xi32>
      %parallel_loop3A_783 = vector.bitcast %parallel_loop3A_782 : vector<16xi32> to vector<16xi32>
      %parallel_loop3A_784 = arith.constant 20 : i32
      %parallel_loop3A_785 = vector.broadcast %parallel_loop3A_784 : i32 to vector<16xi32>
      %parallel_loop3A_786 = arith.shrui %parallel_loop3A_783, %parallel_loop3A_785 : vector<16xi32>
      %parallel_loop3A_787 = vector.bitcast %parallel_loop3A_786 : vector<16xi32> to vector<16xi32>
      tpu.vector_store_idx %arg7[%parallel_loop3A_787], %broadcast_in_dim3A_100 {add = true} : memref<4096xi32, #tpu.memory_space<vmem>>[vector<16xi32>], vector<16xi32>,
    } {sc.loop_unroll_factor = 8 : i64, sc.parallel_access}
    %dma_wait3A_463 = arith.constant 16384 : i32
    %dma_wait3A_464 = tpu.memref_slice %arg6[%dma_wait3A_463] : memref<32768xf32, #tpu.memory_space<vmem>> -> memref<8192xf32, #tpu.memory_space<vmem>>
    %dma_wait3A_465 = arith.constant 16384 : i32
    %dma_wait3A_466 = tpu.memref_slice %arg2[%add3A_75, %dma_wait3A_465] : memref<64x32768xf32, #tpu.memory_space<hbm>> -> memref<1x8192xf32, #tpu.memory_space<hbm>>
    %dma_wait3A_467 = tpu.memref_squeeze %dma_wait3A_466 : memref<1x8192xf32, #tpu.memory_space<hbm>> -> memref<8192xf32, #tpu.memory_space<hbm>>
    %dma_wait3A_468 = arith.constant 16384 : i32
    %dma_wait3A_469 = tpu.memref_slice %arg6[%dma_wait3A_468] : memref<32768xf32, #tpu.memory_space<vmem>> -> memref<8192xf32, #tpu.memory_space<vmem>>
    %dma_wait3A_470 = arith.constant 16384 : i32
    %dma_wait3A_471 = tpu.memref_slice %arg2[%add3A_75, %dma_wait3A_470] : memref<64x32768xf32, #tpu.memory_space<hbm>> -> memref<1x8192xf32, #tpu.memory_space<hbm>>
    %dma_wait3A_472 = tpu.memref_squeeze %dma_wait3A_471 : memref<1x8192xf32, #tpu.memory_space<hbm>> -> memref<8192xf32, #tpu.memory_space<hbm>>
    tpu.wait_dma2 semaphore(%arg16 : memref<!tpu.dma_semaphore, #tpu.memory_space<semaphore_mem>>) src(%dma_wait3A_472 : memref<8192xf32, #tpu.memory_space<hbm>>) dst(%dma_wait3A_469 : memref<8192xf32, #tpu.memory_space<vmem>>)
    %parallel_loop3A_473 = arith.constant 1024 : i32
    %parallel_loop3A_474 = arith.constant 1536 : i32
    %parallel_loop3A_475 = arith.constant 1 : i32
    scf.for %parallel_loop3A_770 = %parallel_loop3A_473 to %parallel_loop3A_474 step %parallel_loop3A_475  : i32 {
      %parallel_loop3A_771 = arith.constant 16 : i32
      %parallel_loop3A_772 = arith.muli %parallel_loop3A_770, %parallel_loop3A_771 : i32
      %parallel_loop3A_773 = arith.index_cast %parallel_loop3A_772 : i32 to index
      %parallel_loop3A_774 = tpu.vector_load %arg6[%parallel_loop3A_773] {strides = array<i32>} : memref<32768xf32, #tpu.memory_space<vmem>>, vector<16xf32>,
      %parallel_loop3A_775 = vector.bitcast %parallel_loop3A_774 : vector<16xf32> to vector<16xi32>
      %parallel_loop3A_776 = arith.constant 31 : i32
      %parallel_loop3A_777 = vector.broadcast %parallel_loop3A_776 : i32 to vector<16xi32>
      %parallel_loop3A_778 = arith.shrsi %parallel_loop3A_775, %parallel_loop3A_777 : vector<16xi32>
      %parallel_loop3A_779 = arith.constant -2147483648 : i32
      %parallel_loop3A_780 = vector.broadcast %parallel_loop3A_779 : i32 to vector<16xi32>
      %parallel_loop3A_781 = arith.ori %parallel_loop3A_778, %parallel_loop3A_780 : vector<16xi32>
      %parallel_loop3A_782 = arith.xori %parallel_loop3A_775, %parallel_loop3A_781 : vector<16xi32>
      %parallel_loop3A_783 = vector.bitcast %parallel_loop3A_782 : vector<16xi32> to vector<16xi32>
      %parallel_loop3A_784 = arith.constant 20 : i32
      %parallel_loop3A_785 = vector.broadcast %parallel_loop3A_784 : i32 to vector<16xi32>
      %parallel_loop3A_786 = arith.shrui %parallel_loop3A_783, %parallel_loop3A_785 : vector<16xi32>
      %parallel_loop3A_787 = vector.bitcast %parallel_loop3A_786 : vector<16xi32> to vector<16xi32>
      tpu.vector_store_idx %arg7[%parallel_loop3A_787], %broadcast_in_dim3A_100 {add = true} : memref<4096xi32, #tpu.memory_space<vmem>>[vector<16xi32>], vector<16xi32>,
    } {sc.loop_unroll_factor = 8 : i64, sc.parallel_access}
    %dma_wait3A_476 = arith.constant 24576 : i32
    %dma_wait3A_477 = tpu.memref_slice %arg6[%dma_wait3A_476] : memref<32768xf32, #tpu.memory_space<vmem>> -> memref<8192xf32, #tpu.memory_space<vmem>>
    %dma_wait3A_478 = arith.constant 24576 : i32
    %dma_wait3A_479 = tpu.memref_slice %arg2[%add3A_87, %dma_wait3A_478] : memref<64x32768xf32, #tpu.memory_space<hbm>> -> memref<1x8192xf32, #tpu.memory_space<hbm>>
    %dma_wait3A_480 = tpu.memref_squeeze %dma_wait3A_479 : memref<1x8192xf32, #tpu.memory_space<hbm>> -> memref<8192xf32, #tpu.memory_space<hbm>>
    %dma_wait3A_481 = arith.constant 24576 : i32
    %dma_wait3A_482 = tpu.memref_slice %arg6[%dma_wait3A_481] : memref<32768xf32, #tpu.memory_space<vmem>> -> memref<8192xf32, #tpu.memory_space<vmem>>
    %dma_wait3A_483 = arith.constant 24576 : i32
    %dma_wait3A_484 = tpu.memref_slice %arg2[%add3A_87, %dma_wait3A_483] : memref<64x32768xf32, #tpu.memory_space<hbm>> -> memref<1x8192xf32, #tpu.memory_space<hbm>>
    %dma_wait3A_485 = tpu.memref_squeeze %dma_wait3A_484 : memref<1x8192xf32, #tpu.memory_space<hbm>> -> memref<8192xf32, #tpu.memory_space<hbm>>
    tpu.wait_dma2 semaphore(%arg16 : memref<!tpu.dma_semaphore, #tpu.memory_space<semaphore_mem>>) src(%dma_wait3A_485 : memref<8192xf32, #tpu.memory_space<hbm>>) dst(%dma_wait3A_482 : memref<8192xf32, #tpu.memory_space<vmem>>)
    %parallel_loop3A_486 = arith.constant 1536 : i32
    %parallel_loop3A_487 = arith.constant 2048 : i32
    %parallel_loop3A_488 = arith.constant 1 : i32
    scf.for %parallel_loop3A_770 = %parallel_loop3A_486 to %parallel_loop3A_487 step %parallel_loop3A_488  : i32 {
      %parallel_loop3A_771 = arith.constant 16 : i32
      %parallel_loop3A_772 = arith.muli %parallel_loop3A_770, %parallel_loop3A_771 : i32
      %parallel_loop3A_773 = arith.index_cast %parallel_loop3A_772 : i32 to index
      %parallel_loop3A_774 = tpu.vector_load %arg6[%parallel_loop3A_773] {strides = array<i32>} : memref<32768xf32, #tpu.memory_space<vmem>>, vector<16xf32>,
      %parallel_loop3A_775 = vector.bitcast %parallel_loop3A_774 : vector<16xf32> to vector<16xi32>
      %parallel_loop3A_776 = arith.constant 31 : i32
      %parallel_loop3A_777 = vector.broadcast %parallel_loop3A_776 : i32 to vector<16xi32>
      %parallel_loop3A_778 = arith.shrsi %parallel_loop3A_775, %parallel_loop3A_777 : vector<16xi32>
      %parallel_loop3A_779 = arith.constant -2147483648 : i32
      %parallel_loop3A_780 = vector.broadcast %parallel_loop3A_779 : i32 to vector<16xi32>
      %parallel_loop3A_781 = arith.ori %parallel_loop3A_778, %parallel_loop3A_780 : vector<16xi32>
      %parallel_loop3A_782 = arith.xori %parallel_loop3A_775, %parallel_loop3A_781 : vector<16xi32>
      %parallel_loop3A_783 = vector.bitcast %parallel_loop3A_782 : vector<16xi32> to vector<16xi32>
      %parallel_loop3A_784 = arith.constant 20 : i32
      %parallel_loop3A_785 = vector.broadcast %parallel_loop3A_784 : i32 to vector<16xi32>
      %parallel_loop3A_786 = arith.shrui %parallel_loop3A_783, %parallel_loop3A_785 : vector<16xi32>
      %parallel_loop3A_787 = vector.bitcast %parallel_loop3A_786 : vector<16xi32> to vector<16xi32>
      tpu.vector_store_idx %arg7[%parallel_loop3A_787], %broadcast_in_dim3A_100 {add = true} : memref<4096xi32, #tpu.memory_space<vmem>>[vector<16xi32>], vector<16xi32>,
    } {sc.loop_unroll_factor = 8 : i64, sc.parallel_access}
    %iota3A_489 = tpu.iota {dimensions = array<i32: 0>} : vector<16xi32>
    %eq3A_490 = arith.constant 0 : i32
    %eq3A_491 = vector.broadcast %eq3A_490 : i32 to vector<16xi32>
    %eq3A_492 = arith.cmpi eq, %iota3A_489, %eq3A_491 : vector<16xi32>
    %parallel_loop3A_493 = arith.constant 0 : i32
    %parallel_loop3A_494 = arith.constant 256 : i32
    %parallel_loop3A_495 = arith.constant 1 : i32
    scf.for %parallel_loop3A_770 = %parallel_loop3A_493 to %parallel_loop3A_494 step %parallel_loop3A_495  : i32 {
      %parallel_loop3A_771 = arith.constant 16 : i32
      %parallel_loop3A_772 = arith.muli %parallel_loop3A_770, %parallel_loop3A_771 : i32
      %parallel_loop3A_773 = arith.index_cast %parallel_loop3A_772 : i32 to index
      %parallel_loop3A_774 = tpu.vector_load %arg7[%parallel_loop3A_773] {strides = array<i32>} : memref<4096xi32, #tpu.memory_space<vmem>>, vector<16xi32>,
      %parallel_loop3A_775 = arith.constant true
      %parallel_loop3A_776 = vector.broadcast %parallel_loop3A_775 : i1 to vector<16xi1>
      %parallel_loop3A_777 = tpu.scan <sum>, %parallel_loop3A_774 masked %parallel_loop3A_776 : vector<16xi32>, vector<16xi1> -> vector<16xi32>
      %parallel_loop3A_778 = vector.extract %parallel_loop3A_777[15] : i32 from vector<16xi32>
      %parallel_loop3A_779 = vector.broadcast %parallel_loop3A_778 : i32 to vector<16xi32>
      %parallel_loop3A_780 = vector.broadcast %parallel_loop3A_770 : i32 to vector<16xi32>
      tpu.vector_store_idx %arg8[%parallel_loop3A_780], %parallel_loop3A_779 masked %eq3A_492 : memref<256xi32, #tpu.memory_space<vmem>>[vector<16xi32>], vector<16xi32>, vector<16xi1>
    } {sc.loop_unroll_factor = 4 : i64, sc.parallel_access}
    %scan3A_496 = arith.constant 0 : i32
    %scan3A_497 = arith.constant 0 : i32
    %scan3A_498 = arith.constant false
    %scan3A_499 = arith.constant 0 : i32
    %scan3A_500 = arith.constant 16 : i32
    %scan3A_501 = arith.addi %scan3A_499, %scan3A_500 : i32
    %scan3A_502 = arith.constant 1 : i32
    %scan3A_503:3 = scf.for %scan3A_770 = %scan3A_499 to %scan3A_501 step %scan3A_502 iter_args(%scan3A_771 = %scan3A_496, %scan3A_772 = %scan3A_497, %scan3A_773 = %scan3A_498) -> (i32, i32, i1)  : i32 {
      %sub3A_774 = arith.constant 15 : i32
      %sub3A_775 = arith.subi %sub3A_774, %scan3A_770 : i32
      %mul3A_776 = arith.constant 16 : i32
      %mul3A_777 = arith.muli %sub3A_775, %mul3A_776 : i32
      %get3A_778 = arith.index_cast %mul3A_777 : i32 to index
      %get3A_779 = tpu.vector_load %arg8[%get3A_778] {strides = array<i32>} : memref<256xi32, #tpu.memory_space<vmem>>, vector<16xi32>,
      %reduce_sum3A_780 = arith.constant true
      %reduce_sum3A_781 = vector.broadcast %reduce_sum3A_780 : i1 to vector<16xi1>
      %reduce_sum3A_782 = tpu.scan <sum>, %get3A_779 masked %reduce_sum3A_781 : vector<16xi32>, vector<16xi1> -> vector<16xi32>
      %reduce_sum3A_783 = vector.extract %reduce_sum3A_782[15] : i32 from vector<16xi32>
      %not3A = arith.constant true
      %not3A_784 = arith.xori %scan3A_773, %not3A : i1
      %add3A_785 = arith.addi %scan3A_771, %reduce_sum3A_783 : i32
      %ge3A_786 = arith.constant 64 : i32
      %ge3A_787 = arith.cmpi sge, %add3A_785, %ge3A_786 : i32
      %and3A = arith.andi %not3A_784, %ge3A_787 : i1
      %select_n3A_788 = arith.select %and3A, %sub3A_775, %scan3A_772 : i32
      %or3A_789 = arith.ori %and3A, %scan3A_773 : i1
      %add3A_790 = arith.addi %scan3A_771, %reduce_sum3A_783 : i32
      %select_n3A_791 = arith.select %or3A_789, %scan3A_771, %add3A_790 : i32
      %or3A_792 = arith.ori %scan3A_773, %and3A : i1
      scf.yield %select_n3A_791, %select_n3A_788, %or3A_792 : i32, i32, i1
    }
    %scan3A_504 = arith.constant 16 : i32
    %mul3A_505 = arith.constant 16 : i32
    %mul3A_506 = arith.muli %scan3A_503#1, %mul3A_505 : i32
    %get3A_507 = arith.index_cast %mul3A_506 : i32 to index
    %get3A_508 = tpu.vector_load %arg8[%get3A_507] {strides = array<i32>} : memref<256xi32, #tpu.memory_space<vmem>>, vector<16xi32>,
    %rev3A_509 = arith.constant 15 : i32
    %rev3A_510 = vector.broadcast %rev3A_509 : i32 to vector<16xi32>
    %rev3A_511 = tpu.iota {dimensions = array<i32: 0>} : vector<16xi32>
    %rev3A_512 = arith.subi %rev3A_510, %rev3A_511 : vector<16xi32>
    %rev3A_513 = tpu.dynamic_gather %get3A_508[%rev3A_512] in [0] : vector<16xi32>, vector<16xi32> -> vector<16xi32>
    %broadcast_in_dim3A_514 = arith.constant true
    %broadcast_in_dim3A_515 = vector.broadcast %broadcast_in_dim3A_514 : i1 to vector<16xi1>
    %masked_cumsum3A_516 = tpu.scan <sum>, %rev3A_513 masked %broadcast_in_dim3A_515 : vector<16xi32>, vector<16xi1> -> vector<16xi32>
    %add3A_517 = vector.broadcast %scan3A_503#0 : i32 to vector<16xi32>
    %add3A_518 = arith.addi %masked_cumsum3A_516, %add3A_517 : vector<16xi32>
    %ge3A_519 = arith.constant 64 : i32
    %ge3A_520 = vector.broadcast %ge3A_519 : i32 to vector<16xi32>
    %ge3A_521 = arith.cmpi sge, %add3A_518, %ge3A_520 : vector<16xi32>
    %all_reduce_ffs3A_522 = tpu.all_reduce %ge3A_521 {dim = 0 : i64, kind = #tpu.reduction_kind<find_first_set>} : vector<16xi1> -> vector<16xi32>
    %reduce_max3A_523 = arith.constant true
    %reduce_max3A_524 = vector.broadcast %reduce_max3A_523 : i1 to vector<16xi1>
    %reduce_max3A_525 = arith.constant -2147483648 : i32
    %reduce_max3A_526 = vector.broadcast %reduce_max3A_525 : i32 to vector<16xi32>
    %reduce_max3A_527 = arith.xori %all_reduce_ffs3A_522, %reduce_max3A_526 : vector<16xi32>
    %reduce_max3A_528 = tpu.scan <max>, %reduce_max3A_527 masked %reduce_max3A_524 : vector<16xi32>, vector<16xi1> -> vector<16xi32>
    %reduce_max3A_529 = arith.xori %reduce_max3A_528, %reduce_max3A_526 : vector<16xi32>
    %reduce_max3A_530 = vector.extract %reduce_max3A_529[15] : i32 from vector<16xi32>
    %sub3A_531 = arith.constant 15 : i32
    %sub3A_532 = arith.subi %sub3A_531, %reduce_max3A_530 : i32
    %iota3A_533 = tpu.iota {dimensions = array<i32: 0>} : vector<16xi32>
    %broadcast_in_dim3A_534 = vector.broadcast %reduce_max3A_530 : i32 to vector<16xi32>
    %eq3A_535 = arith.cmpi eq, %iota3A_533, %broadcast_in_dim3A_534 : vector<16xi32>
    %sub3A_536 = arith.subi %masked_cumsum3A_516, %rev3A_513 : vector<16xi32>
    %jit3A_537 = arith.constant 0 : i32
    %broadcast_in_dim3A_538 = vector.broadcast %jit3A_537 : i32 to vector<16xi32>
    %select_n3A_539 = arith.select %eq3A_535, %sub3A_536, %broadcast_in_dim3A_538 : vector<16xi1>, vector<16xi32>
    %reduce_sum3A_540 = arith.constant true
    %reduce_sum3A_541 = vector.broadcast %reduce_sum3A_540 : i1 to vector<16xi1>
    %reduce_sum3A_542 = tpu.scan <sum>, %select_n3A_539 masked %reduce_sum3A_541 : vector<16xi32>, vector<16xi1> -> vector<16xi32>
    %reduce_sum3A_543 = vector.extract %reduce_sum3A_542[15] : i32 from vector<16xi32>
    %add3A_544 = arith.addi %scan3A_503#0, %reduce_sum3A_543 : i32
    %mul3A_545 = arith.constant 16 : i32
    %mul3A_546 = arith.muli %scan3A_503#1, %mul3A_545 : i32
    %add3A_547 = arith.addi %mul3A_546, %sub3A_532 : i32
    %mul3A_548 = arith.constant 16 : i32
    %mul3A_549 = arith.muli %add3A_547, %mul3A_548 : i32
    %get3A_550 = arith.index_cast %mul3A_549 : i32 to index
    %get3A_551 = tpu.vector_load %arg7[%get3A_550] {strides = array<i32>} : memref<4096xi32, #tpu.memory_space<vmem>>, vector<16xi32>,
    %rev3A_552 = arith.constant 15 : i32
    %rev3A_553 = vector.broadcast %rev3A_552 : i32 to vector<16xi32>
    %rev3A_554 = tpu.iota {dimensions = array<i32: 0>} : vector<16xi32>
    %rev3A_555 = arith.subi %rev3A_553, %rev3A_554 : vector<16xi32>
    %rev3A_556 = tpu.dynamic_gather %get3A_551[%rev3A_555] in [0] : vector<16xi32>, vector<16xi32> -> vector<16xi32>
    %broadcast_in_dim3A_557 = arith.constant true
    %broadcast_in_dim3A_558 = vector.broadcast %broadcast_in_dim3A_557 : i1 to vector<16xi1>
    %masked_cumsum3A_559 = tpu.scan <sum>, %rev3A_556 masked %broadcast_in_dim3A_558 : vector<16xi32>, vector<16xi1> -> vector<16xi32>
    %add3A_560 = vector.broadcast %add3A_544 : i32 to vector<16xi32>
    %add3A_561 = arith.addi %masked_cumsum3A_559, %add3A_560 : vector<16xi32>
    %ge3A_562 = arith.constant 64 : i32
    %ge3A_563 = vector.broadcast %ge3A_562 : i32 to vector<16xi32>
    %ge3A_564 = arith.cmpi sge, %add3A_561, %ge3A_563 : vector<16xi32>
    %all_reduce_ffs3A_565 = tpu.all_reduce %ge3A_564 {dim = 0 : i64, kind = #tpu.reduction_kind<find_first_set>} : vector<16xi1> -> vector<16xi32>
    %reduce_max3A_566 = arith.constant true
    %reduce_max3A_567 = vector.broadcast %reduce_max3A_566 : i1 to vector<16xi1>
    %reduce_max3A_568 = arith.constant -2147483648 : i32
    %reduce_max3A_569 = vector.broadcast %reduce_max3A_568 : i32 to vector<16xi32>
    %reduce_max3A_570 = arith.xori %all_reduce_ffs3A_565, %reduce_max3A_569 : vector<16xi32>
    %reduce_max3A_571 = tpu.scan <max>, %reduce_max3A_570 masked %reduce_max3A_567 : vector<16xi32>, vector<16xi1> -> vector<16xi32>
    %reduce_max3A_572 = arith.xori %reduce_max3A_571, %reduce_max3A_569 : vector<16xi32>
    %reduce_max3A_573 = vector.extract %reduce_max3A_572[15] : i32 from vector<16xi32>
    %sub3A_574 = arith.constant 15 : i32
    %sub3A_575 = arith.subi %sub3A_574, %reduce_max3A_573 : i32
    %iota3A_576 = tpu.iota {dimensions = array<i32: 0>} : vector<16xi32>
    %broadcast_in_dim3A_577 = vector.broadcast %reduce_max3A_573 : i32 to vector<16xi32>
    %eq3A_578 = arith.cmpi eq, %iota3A_576, %broadcast_in_dim3A_577 : vector<16xi32>
    %sub3A_579 = arith.subi %masked_cumsum3A_559, %rev3A_556 : vector<16xi32>
    %jit3A_580 = arith.constant 0 : i32
    %broadcast_in_dim3A_581 = vector.broadcast %jit3A_580 : i32 to vector<16xi32>
    %select_n3A_582 = arith.select %eq3A_578, %sub3A_579, %broadcast_in_dim3A_581 : vector<16xi1>, vector<16xi32>
    %reduce_sum3A_583 = arith.constant true
    %reduce_sum3A_584 = vector.broadcast %reduce_sum3A_583 : i1 to vector<16xi1>
    %reduce_sum3A_585 = tpu.scan <sum>, %select_n3A_582 masked %reduce_sum3A_584 : vector<16xi32>, vector<16xi1> -> vector<16xi32>
    %reduce_sum3A_586 = vector.extract %reduce_sum3A_585[15] : i32 from vector<16xi32>
    %add3A_587 = arith.addi %add3A_544, %reduce_sum3A_586 : i32
    %mul3A_588 = arith.constant 16 : i32
    %mul3A_589 = arith.muli %add3A_547, %mul3A_588 : i32
    %add3A_590 = arith.addi %mul3A_589, %sub3A_575 : i32
    %shift_left3A_591 = arith.constant 20 : i32
    %shift_left3A_592 = arith.shli %add3A_590, %shift_left3A_591 : i32
    %broadcast_in_dim3A_593 = vector.broadcast %shift_left3A_592 : i32 to vector<16xi32>
    %bitcast3A_594 = vector.bitcast %broadcast_in_dim3A_593 : vector<16xi32> to vector<16xi32>
    %parallel_loop3A_595 = arith.constant 0 : i32
    %parallel_loop3A_596 = arith.constant 2048 : i32
    %parallel_loop3A_597 = arith.constant 1 : i32
    %parallel_loop3A_598 = scf.for %parallel_loop3A_770 = %parallel_loop3A_595 to %parallel_loop3A_596 step %parallel_loop3A_597 iter_args(%parallel_loop3A_771 = %broadcast_in_dim3A_102) -> (vector<16xi32>)  : i32 {
      %parallel_loop3A_772 = arith.constant 16 : i32
      %parallel_loop3A_773 = arith.muli %parallel_loop3A_770, %parallel_loop3A_772 : i32
      %parallel_loop3A_774 = arith.index_cast %parallel_loop3A_773 : i32 to index
      %parallel_loop3A_775 = tpu.vector_load %arg6[%parallel_loop3A_774] {strides = array<i32>} : memref<32768xf32, #tpu.memory_space<vmem>>, vector<16xf32>,
      %parallel_loop3A_776 = vector.bitcast %parallel_loop3A_775 : vector<16xf32> to vector<16xi32>
      %parallel_loop3A_777 = arith.constant 31 : i32
      %parallel_loop3A_778 = vector.broadcast %parallel_loop3A_777 : i32 to vector<16xi32>
      %parallel_loop3A_779 = arith.shrsi %parallel_loop3A_776, %parallel_loop3A_778 : vector<16xi32>
      %parallel_loop3A_780 = arith.constant -2147483648 : i32
      %parallel_loop3A_781 = vector.broadcast %parallel_loop3A_780 : i32 to vector<16xi32>
      %parallel_loop3A_782 = arith.ori %parallel_loop3A_779, %parallel_loop3A_781 : vector<16xi32>
      %parallel_loop3A_783 = arith.xori %parallel_loop3A_776, %parallel_loop3A_782 : vector<16xi32>
      %parallel_loop3A_784 = vector.bitcast %parallel_loop3A_783 : vector<16xi32> to vector<16xi32>
      %parallel_loop3A_785 = arith.cmpi uge, %parallel_loop3A_784, %bitcast3A_594 : vector<16xi32>
      %parallel_loop3A_786 = arith.extui %parallel_loop3A_785 : vector<16xi1> to vector<16xi32>
      %parallel_loop3A_787 = arith.constant true
      %parallel_loop3A_788 = vector.broadcast %parallel_loop3A_787 : i1 to vector<16xi1>
      %parallel_loop3A_789 = tpu.scan <sum>, %parallel_loop3A_786 masked %parallel_loop3A_788 : vector<16xi32>, vector<16xi1> -> vector<16xi32>
      %parallel_loop3A_790 = arith.addi %parallel_loop3A_771, %parallel_loop3A_789 : vector<16xi32>
      %parallel_loop3A_791 = arith.constant 1 : i32
      %parallel_loop3A_792 = vector.broadcast %parallel_loop3A_791 : i32 to vector<16xi32>
      %parallel_loop3A_793 = arith.subi %parallel_loop3A_790, %parallel_loop3A_792 : vector<16xi32>
      %parallel_loop3A_794 = arith.constant 511 : i32
      %parallel_loop3A_795 = vector.broadcast %parallel_loop3A_794 : i32 to vector<16xi32>
      %parallel_loop3A_796 = arith.minsi %parallel_loop3A_793, %parallel_loop3A_795 : vector<16xi32>
      %parallel_loop3A_797 = arith.constant 16 : i32
      %parallel_loop3A_798 = arith.muli %parallel_loop3A_770, %parallel_loop3A_797 : i32
      %parallel_loop3A_799 = vector.broadcast %parallel_loop3A_798 : i32 to vector<16xi32>
      %parallel_loop3A_800 = arith.addi %iota3A, %parallel_loop3A_799 : vector<16xi32>
      %parallel_loop3A_801 = vector.bitcast %parallel_loop3A_784 : vector<16xi32> to vector<16xi32>
      tpu.vector_store_idx %arg9[%parallel_loop3A_796], %parallel_loop3A_801 masked %parallel_loop3A_785 : memref<512xi32, #tpu.memory_space<vmem>>[vector<16xi32>], vector<16xi32>, vector<16xi1>
      tpu.vector_store_idx %arg10[%parallel_loop3A_796], %parallel_loop3A_800 masked %parallel_loop3A_785 : memref<512xi32, #tpu.memory_space<vmem>>[vector<16xi32>], vector<16xi32>, vector<16xi1>
      %parallel_loop3A_802 = tpu.all_reduce %parallel_loop3A_785 {dim = 0 : i64, kind = #tpu.reduction_kind<sum>} : vector<16xi1> -> vector<16xi32>
      %parallel_loop3A_803 = arith.addi %parallel_loop3A_771, %parallel_loop3A_802 : vector<16xi32>
      scf.yield %parallel_loop3A_803 : vector<16xi32>
    } {sc.loop_unroll_factor = 8 : i64, sc.parallel_access}
    %parallel_loop3A_599 = arith.constant 0 : i32
    %parallel_loop3A_600 = arith.constant 256 : i32
    %parallel_loop3A_601 = arith.constant 1 : i32
    scf.for %parallel_loop3A_770 = %parallel_loop3A_599 to %parallel_loop3A_600 step %parallel_loop3A_601  : i32 {
      %parallel_loop3A_771 = arith.constant 16 : i32
      %parallel_loop3A_772 = arith.muli %parallel_loop3A_770, %parallel_loop3A_771 : i32
      %parallel_loop3A_773 = arith.index_cast %parallel_loop3A_772 : i32 to index
      %parallel_loop3A_774 = tpu.vector_load %arg7[%parallel_loop3A_773] {strides = array<i32>} : memref<4096xi32, #tpu.memory_space<vmem>>, vector<16xi32>,
      tpu.vector_store %arg7[%parallel_loop3A_773], %broadcast_in_dim3A_102 {strides = array<i32>} : memref<4096xi32, #tpu.memory_space<vmem>>, vector<16xi32>,
    } {sc.loop_unroll_factor = 8 : i64, sc.parallel_access}
    %broadcast_in_dim3A_602 = vector.broadcast %add3A_590 : i32 to vector<16xi32>
    %bitcast3A_603 = vector.bitcast %broadcast_in_dim3A_602 : vector<16xi32> to vector<16xi32>
    %parallel_loop3A_604 = arith.constant 0 : i32
    %parallel_loop3A_605 = arith.constant 32 : i32
    %parallel_loop3A_606 = arith.constant 1 : i32
    scf.for %parallel_loop3A_770 = %parallel_loop3A_604 to %parallel_loop3A_605 step %parallel_loop3A_606  : i32 {
      %parallel_loop3A_771 = arith.constant 16 : i32
      %parallel_loop3A_772 = arith.muli %parallel_loop3A_770, %parallel_loop3A_771 : i32
      %parallel_loop3A_773 = arith.index_cast %parallel_loop3A_772 : i32 to index
      %parallel_loop3A_774 = tpu.vector_load %arg9[%parallel_loop3A_773] {strides = array<i32>} : memref<512xi32, #tpu.memory_space<vmem>>, vector<16xi32>,
      %parallel_loop3A_775 = vector.bitcast %parallel_loop3A_774 : vector<16xi32> to vector<16xi32>
      %parallel_loop3A_776 = arith.constant 20 : i32
      %parallel_loop3A_777 = vector.broadcast %parallel_loop3A_776 : i32 to vector<16xi32>
      %parallel_loop3A_778 = arith.shrui %parallel_loop3A_775, %parallel_loop3A_777 : vector<16xi32>
      %parallel_loop3A_779 = arith.cmpi eq, %parallel_loop3A_778, %bitcast3A_603 : vector<16xi32>
      %parallel_loop3A_780 = arith.constant 8 : i32
      %parallel_loop3A_781 = vector.broadcast %parallel_loop3A_780 : i32 to vector<16xi32>
      %parallel_loop3A_782 = arith.shrui %parallel_loop3A_775, %parallel_loop3A_781 : vector<16xi32>
      %parallel_loop3A_783 = vector.bitcast %parallel_loop3A_782 : vector<16xi32> to vector<16xi32>
      %parallel_loop3A_784 = arith.constant 4095 : i32
      %parallel_loop3A_785 = vector.broadcast %parallel_loop3A_784 : i32 to vector<16xi32>
      %parallel_loop3A_786 = arith.andi %parallel_loop3A_783, %parallel_loop3A_785 : vector<16xi32>
      tpu.vector_store_idx %arg7[%parallel_loop3A_786], %broadcast_in_dim3A_100 masked %parallel_loop3A_779 {add = true} : memref<4096xi32, #tpu.memory_space<vmem>>[vector<16xi32>], vector<16xi32>, vector<16xi1>
    } {sc.loop_unroll_factor = 4 : i64, sc.parallel_access}
    %sub3A_607 = arith.constant 64 : i32
    %sub3A_608 = arith.subi %sub3A_607, %add3A_587 : i32
    %iota3A_609 = tpu.iota {dimensions = array<i32: 0>} : vector<16xi32>
    %eq3A_610 = arith.constant 0 : i32
    %eq3A_611 = vector.broadcast %eq3A_610 : i32 to vector<16xi32>
    %eq3A_612 = arith.cmpi eq, %iota3A_609, %eq3A_611 : vector<16xi32>
    %parallel_loop3A_613 = arith.constant 0 : i32
    %parallel_loop3A_614 = arith.constant 256 : i32
    %parallel_loop3A_615 = arith.constant 1 : i32
    scf.for %parallel_loop3A_770 = %parallel_loop3A_613 to %parallel_loop3A_614 step %parallel_loop3A_615  : i32 {
      %parallel_loop3A_771 = arith.constant 16 : i32
      %parallel_loop3A_772 = arith.muli %parallel_loop3A_770, %parallel_loop3A_771 : i32
      %parallel_loop3A_773 = arith.index_cast %parallel_loop3A_772 : i32 to index
      %parallel_loop3A_774 = tpu.vector_load %arg7[%parallel_loop3A_773] {strides = array<i32>} : memref<4096xi32, #tpu.memory_space<vmem>>, vector<16xi32>,
      %parallel_loop3A_775 = arith.constant true
      %parallel_loop3A_776 = vector.broadcast %parallel_loop3A_775 : i1 to vector<16xi1>
      %parallel_loop3A_777 = tpu.scan <sum>, %parallel_loop3A_774 masked %parallel_loop3A_776 : vector<16xi32>, vector<16xi1> -> vector<16xi32>
      %parallel_loop3A_778 = vector.extract %parallel_loop3A_777[15] : i32 from vector<16xi32>
      %parallel_loop3A_779 = vector.broadcast %parallel_loop3A_778 : i32 to vector<16xi32>
      %parallel_loop3A_780 = vector.broadcast %parallel_loop3A_770 : i32 to vector<16xi32>
      tpu.vector_store_idx %arg8[%parallel_loop3A_780], %parallel_loop3A_779 masked %eq3A_612 : memref<256xi32, #tpu.memory_space<vmem>>[vector<16xi32>], vector<16xi32>, vector<16xi1>
    } {sc.loop_unroll_factor = 4 : i64, sc.parallel_access}
    %scan3A_616 = arith.constant 0 : i32
    %scan3A_617 = arith.constant 0 : i32
    %scan3A_618 = arith.constant false
    %scan3A_619 = arith.constant 0 : i32
    %scan3A_620 = arith.constant 16 : i32
    %scan3A_621 = arith.addi %scan3A_619, %scan3A_620 : i32
    %scan3A_622 = arith.constant 1 : i32
    %scan3A_623:3 = scf.for %scan3A_770 = %scan3A_619 to %scan3A_621 step %scan3A_622 iter_args(%scan3A_771 = %scan3A_616, %scan3A_772 = %scan3A_617, %scan3A_773 = %scan3A_618) -> (i32, i32, i1)  : i32 {
      %sub3A_774 = arith.constant 15 : i32
      %sub3A_775 = arith.subi %sub3A_774, %scan3A_770 : i32
      %mul3A_776 = arith.constant 16 : i32
      %mul3A_777 = arith.muli %sub3A_775, %mul3A_776 : i32
      %get3A_778 = arith.index_cast %mul3A_777 : i32 to index
      %get3A_779 = tpu.vector_load %arg8[%get3A_778] {strides = array<i32>} : memref<256xi32, #tpu.memory_space<vmem>>, vector<16xi32>,
      %reduce_sum3A_780 = arith.constant true
      %reduce_sum3A_781 = vector.broadcast %reduce_sum3A_780 : i1 to vector<16xi1>
      %reduce_sum3A_782 = tpu.scan <sum>, %get3A_779 masked %reduce_sum3A_781 : vector<16xi32>, vector<16xi1> -> vector<16xi32>
      %reduce_sum3A_783 = vector.extract %reduce_sum3A_782[15] : i32 from vector<16xi32>
      %not3A = arith.constant true
      %not3A_784 = arith.xori %scan3A_773, %not3A : i1
      %add3A_785 = arith.addi %scan3A_771, %reduce_sum3A_783 : i32
      %ge3A_786 = arith.cmpi sge, %add3A_785, %sub3A_608 : i32
      %and3A = arith.andi %not3A_784, %ge3A_786 : i1
      %select_n3A_787 = arith.select %and3A, %sub3A_775, %scan3A_772 : i32
      %or3A_788 = arith.ori %and3A, %scan3A_773 : i1
      %add3A_789 = arith.addi %scan3A_771, %reduce_sum3A_783 : i32
      %select_n3A_790 = arith.select %or3A_788, %scan3A_771, %add3A_789 : i32
      %or3A_791 = arith.ori %scan3A_773, %and3A : i1
      scf.yield %select_n3A_790, %select_n3A_787, %or3A_791 : i32, i32, i1
    }
    %scan3A_624 = arith.constant 16 : i32
    %mul3A_625 = arith.constant 16 : i32
    %mul3A_626 = arith.muli %scan3A_623#1, %mul3A_625 : i32
    %get3A_627 = arith.index_cast %mul3A_626 : i32 to index
    %get3A_628 = tpu.vector_load %arg8[%get3A_627] {strides = array<i32>} : memref<256xi32, #tpu.memory_space<vmem>>, vector<16xi32>,
    %rev3A_629 = arith.constant 15 : i32
    %rev3A_630 = vector.broadcast %rev3A_629 : i32 to vector<16xi32>
    %rev3A_631 = tpu.iota {dimensions = array<i32: 0>} : vector<16xi32>
    %rev3A_632 = arith.subi %rev3A_630, %rev3A_631 : vector<16xi32>
    %rev3A_633 = tpu.dynamic_gather %get3A_628[%rev3A_632] in [0] : vector<16xi32>, vector<16xi32> -> vector<16xi32>
    %broadcast_in_dim3A_634 = arith.constant true
    %broadcast_in_dim3A_635 = vector.broadcast %broadcast_in_dim3A_634 : i1 to vector<16xi1>
    %masked_cumsum3A_636 = tpu.scan <sum>, %rev3A_633 masked %broadcast_in_dim3A_635 : vector<16xi32>, vector<16xi1> -> vector<16xi32>
    %add3A_637 = vector.broadcast %scan3A_623#0 : i32 to vector<16xi32>
    %add3A_638 = arith.addi %masked_cumsum3A_636, %add3A_637 : vector<16xi32>
    %ge3A_639 = vector.broadcast %sub3A_608 : i32 to vector<16xi32>
    %ge3A_640 = arith.cmpi sge, %add3A_638, %ge3A_639 : vector<16xi32>
    %all_reduce_ffs3A_641 = tpu.all_reduce %ge3A_640 {dim = 0 : i64, kind = #tpu.reduction_kind<find_first_set>} : vector<16xi1> -> vector<16xi32>
    %reduce_max3A_642 = arith.constant true
    %reduce_max3A_643 = vector.broadcast %reduce_max3A_642 : i1 to vector<16xi1>
    %reduce_max3A_644 = arith.constant -2147483648 : i32
    %reduce_max3A_645 = vector.broadcast %reduce_max3A_644 : i32 to vector<16xi32>
    %reduce_max3A_646 = arith.xori %all_reduce_ffs3A_641, %reduce_max3A_645 : vector<16xi32>
    %reduce_max3A_647 = tpu.scan <max>, %reduce_max3A_646 masked %reduce_max3A_643 : vector<16xi32>, vector<16xi1> -> vector<16xi32>
    %reduce_max3A_648 = arith.xori %reduce_max3A_647, %reduce_max3A_645 : vector<16xi32>
    %reduce_max3A_649 = vector.extract %reduce_max3A_648[15] : i32 from vector<16xi32>
    %sub3A_650 = arith.constant 15 : i32
    %sub3A_651 = arith.subi %sub3A_650, %reduce_max3A_649 : i32
    %iota3A_652 = tpu.iota {dimensions = array<i32: 0>} : vector<16xi32>
    %broadcast_in_dim3A_653 = vector.broadcast %reduce_max3A_649 : i32 to vector<16xi32>
    %eq3A_654 = arith.cmpi eq, %iota3A_652, %broadcast_in_dim3A_653 : vector<16xi32>
    %sub3A_655 = arith.subi %masked_cumsum3A_636, %rev3A_633 : vector<16xi32>
    %jit3A_656 = arith.constant 0 : i32
    %broadcast_in_dim3A_657 = vector.broadcast %jit3A_656 : i32 to vector<16xi32>
    %select_n3A_658 = arith.select %eq3A_654, %sub3A_655, %broadcast_in_dim3A_657 : vector<16xi1>, vector<16xi32>
    %reduce_sum3A_659 = arith.constant true
    %reduce_sum3A_660 = vector.broadcast %reduce_sum3A_659 : i1 to vector<16xi1>
    %reduce_sum3A_661 = tpu.scan <sum>, %select_n3A_658 masked %reduce_sum3A_660 : vector<16xi32>, vector<16xi1> -> vector<16xi32>
    %reduce_sum3A_662 = vector.extract %reduce_sum3A_661[15] : i32 from vector<16xi32>
    %add3A_663 = arith.addi %scan3A_623#0, %reduce_sum3A_662 : i32
    %mul3A_664 = arith.constant 16 : i32
    %mul3A_665 = arith.muli %scan3A_623#1, %mul3A_664 : i32
    %add3A_666 = arith.addi %mul3A_665, %sub3A_651 : i32
    %mul3A_667 = arith.constant 16 : i32
    %mul3A_668 = arith.muli %add3A_666, %mul3A_667 : i32
    %get3A_669 = arith.index_cast %mul3A_668 : i32 to index
    %get3A_670 = tpu.vector_load %arg7[%get3A_669] {strides = array<i32>} : memref<4096xi32, #tpu.memory_space<vmem>>, vector<16xi32>,
    %rev3A_671 = arith.constant 15 : i32
    %rev3A_672 = vector.broadcast %rev3A_671 : i32 to vector<16xi32>
    %rev3A_673 = tpu.iota {dimensions = array<i32: 0>} : vector<16xi32>
    %rev3A_674 = arith.subi %rev3A_672, %rev3A_673 : vector<16xi32>
    %rev3A_675 = tpu.dynamic_gather %get3A_670[%rev3A_674] in [0] : vector<16xi32>, vector<16xi32> -> vector<16xi32>
    %broadcast_in_dim3A_676 = arith.constant true
    %broadcast_in_dim3A_677 = vector.broadcast %broadcast_in_dim3A_676 : i1 to vector<16xi1>
    %masked_cumsum3A_678 = tpu.scan <sum>, %rev3A_675 masked %broadcast_in_dim3A_677 : vector<16xi32>, vector<16xi1> -> vector<16xi32>
    %add3A_679 = vector.broadcast %add3A_663 : i32 to vector<16xi32>
    %add3A_680 = arith.addi %masked_cumsum3A_678, %add3A_679 : vector<16xi32>
    %ge3A_681 = vector.broadcast %sub3A_608 : i32 to vector<16xi32>
    %ge3A_682 = arith.cmpi sge, %add3A_680, %ge3A_681 : vector<16xi32>
    %all_reduce_ffs3A_683 = tpu.all_reduce %ge3A_682 {dim = 0 : i64, kind = #tpu.reduction_kind<find_first_set>} : vector<16xi1> -> vector<16xi32>
    %reduce_max3A_684 = arith.constant true
    %reduce_max3A_685 = vector.broadcast %reduce_max3A_684 : i1 to vector<16xi1>
    %reduce_max3A_686 = arith.constant -2147483648 : i32
    %reduce_max3A_687 = vector.broadcast %reduce_max3A_686 : i32 to vector<16xi32>
    %reduce_max3A_688 = arith.xori %all_reduce_ffs3A_683, %reduce_max3A_687 : vector<16xi32>
    %reduce_max3A_689 = tpu.scan <max>, %reduce_max3A_688 masked %reduce_max3A_685 : vector<16xi32>, vector<16xi1> -> vector<16xi32>
    %reduce_max3A_690 = arith.xori %reduce_max3A_689, %reduce_max3A_687 : vector<16xi32>
    %reduce_max3A_691 = vector.extract %reduce_max3A_690[15] : i32 from vector<16xi32>
    %sub3A_692 = arith.constant 15 : i32
    %sub3A_693 = arith.subi %sub3A_692, %reduce_max3A_691 : i32
    %iota3A_694 = tpu.iota {dimensions = array<i32: 0>} : vector<16xi32>
    %broadcast_in_dim3A_695 = vector.broadcast %reduce_max3A_691 : i32 to vector<16xi32>
    %eq3A_696 = arith.cmpi eq, %iota3A_694, %broadcast_in_dim3A_695 : vector<16xi32>
    %sub3A_697 = arith.subi %masked_cumsum3A_678, %rev3A_675 : vector<16xi32>
    %jit3A_698 = arith.constant 0 : i32
    %broadcast_in_dim3A_699 = vector.broadcast %jit3A_698 : i32 to vector<16xi32>
    %select_n3A_700 = arith.select %eq3A_696, %sub3A_697, %broadcast_in_dim3A_699 : vector<16xi1>, vector<16xi32>
    %reduce_sum3A_701 = arith.constant true
    %reduce_sum3A_702 = vector.broadcast %reduce_sum3A_701 : i1 to vector<16xi1>
    %reduce_sum3A_703 = tpu.scan <sum>, %select_n3A_700 masked %reduce_sum3A_702 : vector<16xi32>, vector<16xi1> -> vector<16xi32>
    %reduce_sum3A_704 = vector.extract %reduce_sum3A_703[15] : i32 from vector<16xi32>
    %add3A_705 = arith.addi %add3A_663, %reduce_sum3A_704 : i32
    %mul3A_706 = arith.constant 16 : i32
    %mul3A_707 = arith.muli %add3A_666, %mul3A_706 : i32
    %add3A_708 = arith.addi %mul3A_707, %sub3A_693 : i32
    %shift_left3A_709 = arith.constant 20 : i32
    %shift_left3A_710 = arith.shli %add3A_590, %shift_left3A_709 : i32
    %shift_left3A_711 = arith.constant 8 : i32
    %shift_left3A_712 = arith.shli %add3A_708, %shift_left3A_711 : i32
    %or3A_713 = arith.ori %shift_left3A_710, %shift_left3A_712 : i32
    %broadcast_in_dim3A_714 = vector.broadcast %or3A_713 : i32 to vector<16xi32>
    %bitcast3A_715 = vector.bitcast %broadcast_in_dim3A_714 : vector<16xi32> to vector<16xi32>
    %parallel_loop3A_716 = arith.constant 0 : i32
    %parallel_loop3A_717 = arith.constant 32 : i32
    %parallel_loop3A_718 = arith.constant 1 : i32
    %parallel_loop3A_719 = scf.for %parallel_loop3A_770 = %parallel_loop3A_716 to %parallel_loop3A_717 step %parallel_loop3A_718 iter_args(%parallel_loop3A_771 = %broadcast_in_dim3A_102) -> (vector<16xi32>)  : i32 {
      %parallel_loop3A_772 = arith.constant 16 : i32
      %parallel_loop3A_773 = arith.muli %parallel_loop3A_770, %parallel_loop3A_772 : i32
      %parallel_loop3A_774 = arith.index_cast %parallel_loop3A_773 : i32 to index
      %parallel_loop3A_775 = tpu.vector_load %arg9[%parallel_loop3A_774] {strides = array<i32>} : memref<512xi32, #tpu.memory_space<vmem>>, vector<16xi32>,
      %parallel_loop3A_776 = vector.bitcast %parallel_loop3A_775 : vector<16xi32> to vector<16xi32>
      %parallel_loop3A_777 = arith.cmpi uge, %parallel_loop3A_776, %bitcast3A_715 : vector<16xi32>
      %parallel_loop3A_778 = arith.extui %parallel_loop3A_777 : vector<16xi1> to vector<16xi32>
      %parallel_loop3A_779 = arith.constant true
      %parallel_loop3A_780 = vector.broadcast %parallel_loop3A_779 : i1 to vector<16xi1>
      %parallel_loop3A_781 = tpu.scan <sum>, %parallel_loop3A_778 masked %parallel_loop3A_780 : vector<16xi32>, vector<16xi1> -> vector<16xi32>
      %parallel_loop3A_782 = arith.addi %parallel_loop3A_771, %parallel_loop3A_781 : vector<16xi32>
      %parallel_loop3A_783 = arith.constant 1 : i32
      %parallel_loop3A_784 = vector.broadcast %parallel_loop3A_783 : i32 to vector<16xi32>
      %parallel_loop3A_785 = arith.subi %parallel_loop3A_782, %parallel_loop3A_784 : vector<16xi32>
      %parallel_loop3A_786 = arith.constant 127 : i32
      %parallel_loop3A_787 = vector.broadcast %parallel_loop3A_786 : i32 to vector<16xi32>
      %parallel_loop3A_788 = arith.minsi %parallel_loop3A_785, %parallel_loop3A_787 : vector<16xi32>
      tpu.vector_store_idx %arg11[%parallel_loop3A_788], %parallel_loop3A_775 masked %parallel_loop3A_777 : memref<128xi32, #tpu.memory_space<vmem>>[vector<16xi32>], vector<16xi32>, vector<16xi1>
      %parallel_loop3A_789 = arith.constant 16 : i32
      %parallel_loop3A_790 = arith.muli %parallel_loop3A_770, %parallel_loop3A_789 : i32
      %parallel_loop3A_791 = arith.index_cast %parallel_loop3A_790 : i32 to index
      %parallel_loop3A_792 = tpu.vector_load %arg10[%parallel_loop3A_791] {strides = array<i32>} : memref<512xi32, #tpu.memory_space<vmem>>, vector<16xi32>,
      tpu.vector_store_idx %arg12[%parallel_loop3A_788], %parallel_loop3A_792 masked %parallel_loop3A_777 : memref<128xi32, #tpu.memory_space<vmem>>[vector<16xi32>], vector<16xi32>, vector<16xi1>
      %parallel_loop3A_793 = tpu.all_reduce %parallel_loop3A_777 {dim = 0 : i64, kind = #tpu.reduction_kind<sum>} : vector<16xi1> -> vector<16xi32>
      %parallel_loop3A_794 = arith.addi %parallel_loop3A_771, %parallel_loop3A_793 : vector<16xi32>
      scf.yield %parallel_loop3A_794 : vector<16xi32>
    } {sc.loop_unroll_factor = 4 : i64, sc.parallel_access}
    %get3A_720 = arith.constant 0 : index
    %get3A_721 = tpu.vector_load %arg11[%get3A_720] {strides = array<i32>} : memref<128xi32, #tpu.memory_space<vmem>>, vector<16xi32>,
    %xor3A_722 = arith.constant -2147483648 : i32
    %xor3A_723 = vector.broadcast %xor3A_722 : i32 to vector<16xi32>
    %xor3A_724 = arith.xori %get3A_721, %xor3A_723 : vector<16xi32>
    %get3A_725 = arith.constant 16 : index
    %get3A_726 = tpu.vector_load %arg11[%get3A_725] {strides = array<i32>} : memref<128xi32, #tpu.memory_space<vmem>>, vector<16xi32>,
    %xor3A_727 = arith.constant -2147483648 : i32
    %xor3A_728 = vector.broadcast %xor3A_727 : i32 to vector<16xi32>
    %xor3A_729 = arith.xori %get3A_726, %xor3A_728 : vector<16xi32>
    %get3A_730 = arith.constant 32 : index
    %get3A_731 = tpu.vector_load %arg11[%get3A_730] {strides = array<i32>} : memref<128xi32, #tpu.memory_space<vmem>>, vector<16xi32>,
    %xor3A_732 = arith.constant -2147483648 : i32
    %xor3A_733 = vector.broadcast %xor3A_732 : i32 to vector<16xi32>
    %xor3A_734 = arith.xori %get3A_731, %xor3A_733 : vector<16xi32>
    %get3A_735 = arith.constant 48 : index
    %get3A_736 = tpu.vector_load %arg11[%get3A_735] {strides = array<i32>} : memref<128xi32, #tpu.memory_space<vmem>>, vector<16xi32>,
    %xor3A_737 = arith.constant -2147483648 : i32
    %xor3A_738 = vector.broadcast %xor3A_737 : i32 to vector<16xi32>
    %xor3A_739 = arith.xori %get3A_736, %xor3A_738 : vector<16xi32>
    %get3A_740 = arith.constant 64 : index
    %get3A_741 = tpu.vector_load %arg11[%get3A_740] {strides = array<i32>} : memref<128xi32, #tpu.memory_space<vmem>>, vector<16xi32>,
    %xor3A_742 = arith.constant -2147483648 : i32
    %xor3A_743 = vector.broadcast %xor3A_742 : i32 to vector<16xi32>
    %xor3A_744 = arith.xori %get3A_741, %xor3A_743 : vector<16xi32>
    %get3A_745 = arith.constant 80 : index
    %get3A_746 = tpu.vector_load %arg11[%get3A_745] {strides = array<i32>} : memref<128xi32, #tpu.memory_space<vmem>>, vector<16xi32>,
    %xor3A_747 = arith.constant -2147483648 : i32
    %xor3A_748 = vector.broadcast %xor3A_747 : i32 to vector<16xi32>
    %xor3A_749 = arith.xori %get3A_746, %xor3A_748 : vector<16xi32>
    %get3A_750 = arith.constant 96 : index
    %get3A_751 = tpu.vector_load %arg11[%get3A_750] {strides = array<i32>} : memref<128xi32, #tpu.memory_space<vmem>>, vector<16xi32>,
    %xor3A_752 = arith.constant -2147483648 : i32
    %xor3A_753 = vector.broadcast %xor3A_752 : i32 to vector<16xi32>
    %xor3A_754 = arith.xori %get3A_751, %xor3A_753 : vector<16xi32>
    %get3A_755 = arith.constant 112 : index
    %get3A_756 = tpu.vector_load %arg11[%get3A_755] {strides = array<i32>} : memref<128xi32, #tpu.memory_space<vmem>>, vector<16xi32>,
    %xor3A_757 = arith.constant -2147483648 : i32
    %xor3A_758 = vector.broadcast %xor3A_757 : i32 to vector<16xi32>
    %xor3A_759 = arith.xori %get3A_756, %xor3A_758 : vector<16xi32>
    %scan3A_760 = arith.constant 0 : i32
    %scan3A_761 = arith.constant 64 : i32
    %scan3A_762 = arith.addi %scan3A_760, %scan3A_761 : i32
    %scan3A_763 = arith.constant 1 : i32
    %scan3A_764:8 = scf.for %scan3A_770 = %scan3A_760 to %scan3A_762 step %scan3A_763 iter_args(%scan3A_771 = %xor3A_724, %scan3A_772 = %xor3A_729, %scan3A_773 = %xor3A_734, %scan3A_774 = %xor3A_739, %scan3A_775 = %xor3A_744, %scan3A_776 = %xor3A_749, %scan3A_777 = %xor3A_754, %scan3A_778 = %xor3A_759) -> (vector<16xi32>, vector<16xi32>, vector<16xi32>, vector<16xi32>, vector<16xi32>, vector<16xi32>, vector<16xi32>, vector<16xi32>)  : i32 {
      %mul3A_779 = arith.constant 1 : i32
      %mul3A_780 = arith.muli %scan3A_770, %mul3A_779 : i32
      %add3A_781 = arith.constant 0 : i32
      %add3A_782 = arith.addi %add3A_781, %mul3A_780 : i32
      %max3A = arith.maxsi %scan3A_771, %scan3A_772 : vector<16xi32>
      %max3A_783 = arith.maxsi %scan3A_773, %scan3A_774 : vector<16xi32>
      %max3A_784 = arith.maxsi %scan3A_775, %scan3A_776 : vector<16xi32>
      %max3A_785 = arith.maxsi %scan3A_777, %scan3A_778 : vector<16xi32>
      %max3A_786 = arith.maxsi %max3A, %max3A_783 : vector<16xi32>
      %max3A_787 = arith.maxsi %max3A_784, %max3A_785 : vector<16xi32>
      %max3A_788 = arith.maxsi %max3A_786, %max3A_787 : vector<16xi32>
      %reduce_max3A_789 = arith.constant true
      %reduce_max3A_790 = vector.broadcast %reduce_max3A_789 : i1 to vector<16xi1>
      %reduce_max3A_791 = arith.constant -2147483648 : i32
      %reduce_max3A_792 = vector.broadcast %reduce_max3A_791 : i32 to vector<16xi32>
      %reduce_max3A_793 = arith.xori %max3A_788, %reduce_max3A_792 : vector<16xi32>
      %reduce_max3A_794 = tpu.scan <max>, %reduce_max3A_793 masked %reduce_max3A_790 : vector<16xi32>, vector<16xi1> -> vector<16xi32>
      %reduce_max3A_795 = arith.xori %reduce_max3A_794, %reduce_max3A_792 : vector<16xi32>
      %reduce_max3A_796 = vector.extract %reduce_max3A_795[15] : i32 from vector<16xi32>
      %broadcast_in_dim3A_797 = vector.broadcast %reduce_max3A_796 : i32 to vector<16xi32>
      %broadcast_in_dim3A_798 = arith.constant 2147483647 : i32
      %broadcast_in_dim3A_799 = vector.broadcast %broadcast_in_dim3A_798 : i32 to vector<16xi32>
      %eq3A_800 = arith.cmpi eq, %scan3A_771, %broadcast_in_dim3A_797 : vector<16xi32>
      %all_reduce_ffs3A_801 = tpu.all_reduce %eq3A_800 {dim = 0 : i64, kind = #tpu.reduction_kind<find_first_set>} : vector<16xi1> -> vector<16xi32>
      %lt3A = arith.constant 16 : i32
      %lt3A_802 = vector.broadcast %lt3A : i32 to vector<16xi32>
      %lt3A_803 = arith.cmpi slt, %all_reduce_ffs3A_801, %lt3A_802 : vector<16xi32>
      %add3A_804 = arith.constant 0 : i32
      %add3A_805 = vector.broadcast %add3A_804 : i32 to vector<16xi32>
      %add3A_806 = arith.addi %all_reduce_ffs3A_801, %add3A_805 : vector<16xi32>
      %jit3A_807 = arith.constant 2147483647 : i32
      %broadcast_in_dim3A_808 = vector.broadcast %jit3A_807 : i32 to vector<16xi32>
      %select_n3A_809 = arith.select %lt3A_803, %add3A_806, %broadcast_in_dim3A_808 : vector<16xi1>, vector<16xi32>
      %min3A = arith.minsi %broadcast_in_dim3A_799, %select_n3A_809 : vector<16xi32>
      %eq3A_810 = arith.cmpi eq, %scan3A_772, %broadcast_in_dim3A_797 : vector<16xi32>
      %all_reduce_ffs3A_811 = tpu.all_reduce %eq3A_810 {dim = 0 : i64, kind = #tpu.reduction_kind<find_first_set>} : vector<16xi1> -> vector<16xi32>
      %lt3A_812 = arith.constant 16 : i32
      %lt3A_813 = vector.broadcast %lt3A_812 : i32 to vector<16xi32>
      %lt3A_814 = arith.cmpi slt, %all_reduce_ffs3A_811, %lt3A_813 : vector<16xi32>
      %add3A_815 = arith.constant 16 : i32
      %add3A_816 = vector.broadcast %add3A_815 : i32 to vector<16xi32>
      %add3A_817 = arith.addi %all_reduce_ffs3A_811, %add3A_816 : vector<16xi32>
      %jit3A_818 = arith.constant 2147483647 : i32
      %broadcast_in_dim3A_819 = vector.broadcast %jit3A_818 : i32 to vector<16xi32>
      %select_n3A_820 = arith.select %lt3A_814, %add3A_817, %broadcast_in_dim3A_819 : vector<16xi1>, vector<16xi32>
      %min3A_821 = arith.minsi %min3A, %select_n3A_820 : vector<16xi32>
      %eq3A_822 = arith.cmpi eq, %scan3A_773, %broadcast_in_dim3A_797 : vector<16xi32>
      %all_reduce_ffs3A_823 = tpu.all_reduce %eq3A_822 {dim = 0 : i64, kind = #tpu.reduction_kind<find_first_set>} : vector<16xi1> -> vector<16xi32>
      %lt3A_824 = arith.constant 16 : i32
      %lt3A_825 = vector.broadcast %lt3A_824 : i32 to vector<16xi32>
      %lt3A_826 = arith.cmpi slt, %all_reduce_ffs3A_823, %lt3A_825 : vector<16xi32>
      %add3A_827 = arith.constant 32 : i32
      %add3A_828 = vector.broadcast %add3A_827 : i32 to vector<16xi32>
      %add3A_829 = arith.addi %all_reduce_ffs3A_823, %add3A_828 : vector<16xi32>
      %jit3A_830 = arith.constant 2147483647 : i32
      %broadcast_in_dim3A_831 = vector.broadcast %jit3A_830 : i32 to vector<16xi32>
      %select_n3A_832 = arith.select %lt3A_826, %add3A_829, %broadcast_in_dim3A_831 : vector<16xi1>, vector<16xi32>
      %min3A_833 = arith.minsi %min3A_821, %select_n3A_832 : vector<16xi32>
      %eq3A_834 = arith.cmpi eq, %scan3A_774, %broadcast_in_dim3A_797 : vector<16xi32>
      %all_reduce_ffs3A_835 = tpu.all_reduce %eq3A_834 {dim = 0 : i64, kind = #tpu.reduction_kind<find_first_set>} : vector<16xi1> -> vector<16xi32>
      %lt3A_836 = arith.constant 16 : i32
      %lt3A_837 = vector.broadcast %lt3A_836 : i32 to vector<16xi32>
      %lt3A_838 = arith.cmpi slt, %all_reduce_ffs3A_835, %lt3A_837 : vector<16xi32>
      %add3A_839 = arith.constant 48 : i32
      %add3A_840 = vector.broadcast %add3A_839 : i32 to vector<16xi32>
      %add3A_841 = arith.addi %all_reduce_ffs3A_835, %add3A_840 : vector<16xi32>
      %jit3A_842 = arith.constant 2147483647 : i32
      %broadcast_in_dim3A_843 = vector.broadcast %jit3A_842 : i32 to vector<16xi32>
      %select_n3A_844 = arith.select %lt3A_838, %add3A_841, %broadcast_in_dim3A_843 : vector<16xi1>, vector<16xi32>
      %min3A_845 = arith.minsi %min3A_833, %select_n3A_844 : vector<16xi32>
      %eq3A_846 = arith.cmpi eq, %scan3A_775, %broadcast_in_dim3A_797 : vector<16xi32>
      %all_reduce_ffs3A_847 = tpu.all_reduce %eq3A_846 {dim = 0 : i64, kind = #tpu.reduction_kind<find_first_set>} : vector<16xi1> -> vector<16xi32>
      %lt3A_848 = arith.constant 16 : i32
      %lt3A_849 = vector.broadcast %lt3A_848 : i32 to vector<16xi32>
      %lt3A_850 = arith.cmpi slt, %all_reduce_ffs3A_847, %lt3A_849 : vector<16xi32>
      %add3A_851 = arith.constant 64 : i32
      %add3A_852 = vector.broadcast %add3A_851 : i32 to vector<16xi32>
      %add3A_853 = arith.addi %all_reduce_ffs3A_847, %add3A_852 : vector<16xi32>
      %jit3A_854 = arith.constant 2147483647 : i32
      %broadcast_in_dim3A_855 = vector.broadcast %jit3A_854 : i32 to vector<16xi32>
      %select_n3A_856 = arith.select %lt3A_850, %add3A_853, %broadcast_in_dim3A_855 : vector<16xi1>, vector<16xi32>
      %min3A_857 = arith.minsi %min3A_845, %select_n3A_856 : vector<16xi32>
      %eq3A_858 = arith.cmpi eq, %scan3A_776, %broadcast_in_dim3A_797 : vector<16xi32>
      %all_reduce_ffs3A_859 = tpu.all_reduce %eq3A_858 {dim = 0 : i64, kind = #tpu.reduction_kind<find_first_set>} : vector<16xi1> -> vector<16xi32>
      %lt3A_860 = arith.constant 16 : i32
      %lt3A_861 = vector.broadcast %lt3A_860 : i32 to vector<16xi32>
      %lt3A_862 = arith.cmpi slt, %all_reduce_ffs3A_859, %lt3A_861 : vector<16xi32>
      %add3A_863 = arith.constant 80 : i32
      %add3A_864 = vector.broadcast %add3A_863 : i32 to vector<16xi32>
      %add3A_865 = arith.addi %all_reduce_ffs3A_859, %add3A_864 : vector<16xi32>
      %jit3A_866 = arith.constant 2147483647 : i32
      %broadcast_in_dim3A_867 = vector.broadcast %jit3A_866 : i32 to vector<16xi32>
      %select_n3A_868 = arith.select %lt3A_862, %add3A_865, %broadcast_in_dim3A_867 : vector<16xi1>, vector<16xi32>
      %min3A_869 = arith.minsi %min3A_857, %select_n3A_868 : vector<16xi32>
      %eq3A_870 = arith.cmpi eq, %scan3A_777, %broadcast_in_dim3A_797 : vector<16xi32>
      %all_reduce_ffs3A_871 = tpu.all_reduce %eq3A_870 {dim = 0 : i64, kind = #tpu.reduction_kind<find_first_set>} : vector<16xi1> -> vector<16xi32>
      %lt3A_872 = arith.constant 16 : i32
      %lt3A_873 = vector.broadcast %lt3A_872 : i32 to vector<16xi32>
      %lt3A_874 = arith.cmpi slt, %all_reduce_ffs3A_871, %lt3A_873 : vector<16xi32>
      %add3A_875 = arith.constant 96 : i32
      %add3A_876 = vector.broadcast %add3A_875 : i32 to vector<16xi32>
      %add3A_877 = arith.addi %all_reduce_ffs3A_871, %add3A_876 : vector<16xi32>
      %jit3A_878 = arith.constant 2147483647 : i32
      %broadcast_in_dim3A_879 = vector.broadcast %jit3A_878 : i32 to vector<16xi32>
      %select_n3A_880 = arith.select %lt3A_874, %add3A_877, %broadcast_in_dim3A_879 : vector<16xi1>, vector<16xi32>
      %min3A_881 = arith.minsi %min3A_869, %select_n3A_880 : vector<16xi32>
      %eq3A_882 = arith.cmpi eq, %scan3A_778, %broadcast_in_dim3A_797 : vector<16xi32>
      %all_reduce_ffs3A_883 = tpu.all_reduce %eq3A_882 {dim = 0 : i64, kind = #tpu.reduction_kind<find_first_set>} : vector<16xi1> -> vector<16xi32>
      %lt3A_884 = arith.constant 16 : i32
      %lt3A_885 = vector.broadcast %lt3A_884 : i32 to vector<16xi32>
      %lt3A_886 = arith.cmpi slt, %all_reduce_ffs3A_883, %lt3A_885 : vector<16xi32>
      %add3A_887 = arith.constant 112 : i32
      %add3A_888 = vector.broadcast %add3A_887 : i32 to vector<16xi32>
      %add3A_889 = arith.addi %all_reduce_ffs3A_883, %add3A_888 : vector<16xi32>
      %jit3A_890 = arith.constant 2147483647 : i32
      %broadcast_in_dim3A_891 = vector.broadcast %jit3A_890 : i32 to vector<16xi32>
      %select_n3A_892 = arith.select %lt3A_886, %add3A_889, %broadcast_in_dim3A_891 : vector<16xi1>, vector<16xi32>
      %min3A_893 = arith.minsi %min3A_881, %select_n3A_892 : vector<16xi32>
      %gather3A = tpu.vector_load_idx %arg12[%min3A_893] : memref<128xi32, #tpu.memory_space<vmem>>[vector<16xi32>], vector<16xi32>,
      %xor3A_894 = arith.constant -2147483648 : i32
      %xor3A_895 = vector.broadcast %xor3A_894 : i32 to vector<16xi32>
      %xor3A_896 = arith.xori %broadcast_in_dim3A_797, %xor3A_895 : vector<16xi32>
      %shift_right_arithmetic3A = arith.constant 31 : i32
      %shift_right_arithmetic3A_897 = vector.broadcast %shift_right_arithmetic3A : i32 to vector<16xi32>
      %shift_right_arithmetic3A_898 = arith.shrsi %xor3A_896, %shift_right_arithmetic3A_897 : vector<16xi32>
      %not3A = arith.constant dense<-1> : vector<16xi32>
      %not3A_899 = arith.xori %shift_right_arithmetic3A_898, %not3A : vector<16xi32>
      %or3A_900 = arith.constant -2147483648 : i32
      %or3A_901 = vector.broadcast %or3A_900 : i32 to vector<16xi32>
      %or3A_902 = arith.ori %not3A_899, %or3A_901 : vector<16xi32>
      %xor3A_903 = arith.xori %xor3A_896, %or3A_902 : vector<16xi32>
      %broadcast_in_dim3A_904 = vector.broadcast %add3A_782 : i32 to vector<16xi32>
      %bitcast3A_905 = vector.bitcast %xor3A_903 : vector<16xi32> to vector<16xf32>
      tpu.vector_store_idx %arg13[%broadcast_in_dim3A_904], %bitcast3A_905 masked %eq3A_99 : memref<64xf32, #tpu.memory_space<vmem>>[vector<16xi32>], vector<16xf32>, vector<16xi1>
      tpu.vector_store_idx %arg14[%broadcast_in_dim3A_904], %gather3A masked %eq3A_99 : memref<64xi32, #tpu.memory_space<vmem>>[vector<16xi32>], vector<16xi32>, vector<16xi1>
      %add3A_906 = arith.constant 0 : i32
      %add3A_907 = vector.broadcast %add3A_906 : i32 to vector<16xi32>
      %add3A_908 = arith.addi %iota3A, %add3A_907 : vector<16xi32>
      %eq3A_909 = arith.cmpi eq, %add3A_908, %min3A_893 : vector<16xi32>
      %jit3A_910 = arith.constant -2147483648 : i32
      %broadcast_in_dim3A_911 = vector.broadcast %jit3A_910 : i32 to vector<16xi32>
      %select_n3A_912 = arith.select %eq3A_909, %broadcast_in_dim3A_911, %scan3A_771 : vector<16xi1>, vector<16xi32>
      %add3A_913 = arith.constant 16 : i32
      %add3A_914 = vector.broadcast %add3A_913 : i32 to vector<16xi32>
      %add3A_915 = arith.addi %iota3A, %add3A_914 : vector<16xi32>
      %eq3A_916 = arith.cmpi eq, %add3A_915, %min3A_893 : vector<16xi32>
      %jit3A_917 = arith.constant -2147483648 : i32
      %broadcast_in_dim3A_918 = vector.broadcast %jit3A_917 : i32 to vector<16xi32>
      %select_n3A_919 = arith.select %eq3A_916, %broadcast_in_dim3A_918, %scan3A_772 : vector<16xi1>, vector<16xi32>
      %add3A_920 = arith.constant 32 : i32
      %add3A_921 = vector.broadcast %add3A_920 : i32 to vector<16xi32>
      %add3A_922 = arith.addi %iota3A, %add3A_921 : vector<16xi32>
      %eq3A_923 = arith.cmpi eq, %add3A_922, %min3A_893 : vector<16xi32>
      %jit3A_924 = arith.constant -2147483648 : i32
      %broadcast_in_dim3A_925 = vector.broadcast %jit3A_924 : i32 to vector<16xi32>
      %select_n3A_926 = arith.select %eq3A_923, %broadcast_in_dim3A_925, %scan3A_773 : vector<16xi1>, vector<16xi32>
      %add3A_927 = arith.constant 48 : i32
      %add3A_928 = vector.broadcast %add3A_927 : i32 to vector<16xi32>
      %add3A_929 = arith.addi %iota3A, %add3A_928 : vector<16xi32>
      %eq3A_930 = arith.cmpi eq, %add3A_929, %min3A_893 : vector<16xi32>
      %jit3A_931 = arith.constant -2147483648 : i32
      %broadcast_in_dim3A_932 = vector.broadcast %jit3A_931 : i32 to vector<16xi32>
      %select_n3A_933 = arith.select %eq3A_930, %broadcast_in_dim3A_932, %scan3A_774 : vector<16xi1>, vector<16xi32>
      %add3A_934 = arith.constant 64 : i32
      %add3A_935 = vector.broadcast %add3A_934 : i32 to vector<16xi32>
      %add3A_936 = arith.addi %iota3A, %add3A_935 : vector<16xi32>
      %eq3A_937 = arith.cmpi eq, %add3A_936, %min3A_893 : vector<16xi32>
      %jit3A_938 = arith.constant -2147483648 : i32
      %broadcast_in_dim3A_939 = vector.broadcast %jit3A_938 : i32 to vector<16xi32>
      %select_n3A_940 = arith.select %eq3A_937, %broadcast_in_dim3A_939, %scan3A_775 : vector<16xi1>, vector<16xi32>
      %add3A_941 = arith.constant 80 : i32
      %add3A_942 = vector.broadcast %add3A_941 : i32 to vector<16xi32>
      %add3A_943 = arith.addi %iota3A, %add3A_942 : vector<16xi32>
      %eq3A_944 = arith.cmpi eq, %add3A_943, %min3A_893 : vector<16xi32>
      %jit3A_945 = arith.constant -2147483648 : i32
      %broadcast_in_dim3A_946 = vector.broadcast %jit3A_945 : i32 to vector<16xi32>
      %select_n3A_947 = arith.select %eq3A_944, %broadcast_in_dim3A_946, %scan3A_776 : vector<16xi1>, vector<16xi32>
      %add3A_948 = arith.constant 96 : i32
      %add3A_949 = vector.broadcast %add3A_948 : i32 to vector<16xi32>
      %add3A_950 = arith.addi %iota3A, %add3A_949 : vector<16xi32>
      %eq3A_951 = arith.cmpi eq, %add3A_950, %min3A_893 : vector<16xi32>
      %jit3A_952 = arith.constant -2147483648 : i32
      %broadcast_in_dim3A_953 = vector.broadcast %jit3A_952 : i32 to vector<16xi32>
      %select_n3A_954 = arith.select %eq3A_951, %broadcast_in_dim3A_953, %scan3A_777 : vector<16xi1>, vector<16xi32>
      %add3A_955 = arith.constant 112 : i32
      %add3A_956 = vector.broadcast %add3A_955 : i32 to vector<16xi32>
      %add3A_957 = arith.addi %iota3A, %add3A_956 : vector<16xi32>
      %eq3A_958 = arith.cmpi eq, %add3A_957, %min3A_893 : vector<16xi32>
      %jit3A_959 = arith.constant -2147483648 : i32
      %broadcast_in_dim3A_960 = vector.broadcast %jit3A_959 : i32 to vector<16xi32>
      %select_n3A_961 = arith.select %eq3A_958, %broadcast_in_dim3A_960, %scan3A_778 : vector<16xi1>, vector<16xi32>
      scf.yield %select_n3A_912, %select_n3A_919, %select_n3A_926, %select_n3A_933, %select_n3A_940, %select_n3A_947, %select_n3A_954, %select_n3A_961 : vector<16xi32>, vector<16xi32>, vector<16xi32>, vector<16xi32>, vector<16xi32>, vector<16xi32>, vector<16xi32>, vector<16xi32>
    }
    %scan3A_765 = arith.constant 64 : i32
    %add3A_766 = arith.constant 1 : i32
    %add3A_767 = arith.addi %mul3A_2, %add3A_766 : i32
    "tpu.region"() ({
      %run_scoped3A = tpu.sem_alloc : memref<!tpu.dma_semaphore, #tpu.memory_space<semaphore_mem>>
      %dma_start3A_770 = arith.constant 0 : i32
      %dma_start3A_771 = tpu.memref_slice %arg3[%add3A_767, %dma_start3A_770] : memref<64x64xf32, #tpu.memory_space<hbm>> -> memref<1x64xf32, #tpu.memory_space<hbm>>
      %dma_start3A_772 = tpu.memref_squeeze %dma_start3A_771 : memref<1x64xf32, #tpu.memory_space<hbm>> -> memref<64xf32, #tpu.memory_space<hbm>>
      %dma_start3A_773 = arith.constant 0 : i32
      %dma_start3A_774 = tpu.memref_slice %arg3[%add3A_767, %dma_start3A_773] : memref<64x64xf32, #tpu.memory_space<hbm>> -> memref<1x64xf32, #tpu.memory_space<hbm>>
      %dma_start3A_775 = tpu.memref_squeeze %dma_start3A_774 : memref<1x64xf32, #tpu.memory_space<hbm>> -> memref<64xf32, #tpu.memory_space<hbm>>
      tpu.enqueue_dma source(%arg13 : memref<64xf32, #tpu.memory_space<vmem>>) target(%dma_start3A_775 : memref<64xf32, #tpu.memory_space<hbm>>) target_semaphore(%run_scoped3A : memref<!tpu.dma_semaphore, #tpu.memory_space<semaphore_mem>>)
      %dma_wait3A_776 = arith.constant 0 : i32
      %dma_wait3A_777 = tpu.memref_slice %arg3[%add3A_767, %dma_wait3A_776] : memref<64x64xf32, #tpu.memory_space<hbm>> -> memref<1x64xf32, #tpu.memory_space<hbm>>
      %dma_wait3A_778 = tpu.memref_squeeze %dma_wait3A_777 : memref<1x64xf32, #tpu.memory_space<hbm>> -> memref<64xf32, #tpu.memory_space<hbm>>
      %dma_wait3A_779 = arith.constant 0 : i32
      %dma_wait3A_780 = tpu.memref_slice %arg3[%add3A_767, %dma_wait3A_779] : memref<64x64xf32, #tpu.memory_space<hbm>> -> memref<1x64xf32, #tpu.memory_space<hbm>>
      %dma_wait3A_781 = tpu.memref_squeeze %dma_wait3A_780 : memref<1x64xf32, #tpu.memory_space<hbm>> -> memref<64xf32, #tpu.memory_space<hbm>>
      tpu.wait_dma2 semaphore(%run_scoped3A : memref<!tpu.dma_semaphore, #tpu.memory_space<semaphore_mem>>) src(%arg13 : memref<64xf32, #tpu.memory_space<vmem>>) dst(%dma_wait3A_781 : memref<64xf32, #tpu.memory_space<hbm>>)
      tpu.yield
    }) : () -> ()
    %add3A_768 = arith.constant 1 : i32
    %add3A_769 = arith.addi %mul3A_2, %add3A_768 : i32
    "tpu.region"() ({
      %run_scoped3A = tpu.sem_alloc : memref<!tpu.dma_semaphore, #tpu.memory_space<semaphore_mem>>
      %dma_start3A_770 = arith.constant 0 : i32
      %dma_start3A_771 = tpu.memref_slice %arg4[%add3A_769, %dma_start3A_770] : memref<64x64xi32, #tpu.memory_space<hbm>> -> memref<1x64xi32, #tpu.memory_space<hbm>>
      %dma_start3A_772 = tpu.memref_squeeze %dma_start3A_771 : memref<1x64xi32, #tpu.memory_space<hbm>> -> memref<64xi32, #tpu.memory_space<hbm>>
      %dma_start3A_773 = arith.constant 0 : i32
      %dma_start3A_774 = tpu.memref_slice %arg4[%add3A_769, %dma_start3A_773] : memref<64x64xi32, #tpu.memory_space<hbm>> -> memref<1x64xi32, #tpu.memory_space<hbm>>
      %dma_start3A_775 = tpu.memref_squeeze %dma_start3A_774 : memref<1x64xi32, #tpu.memory_space<hbm>> -> memref<64xi32, #tpu.memory_space<hbm>>
      tpu.enqueue_dma source(%arg14 : memref<64xi32, #tpu.memory_space<vmem>>) target(%dma_start3A_775 : memref<64xi32, #tpu.memory_space<hbm>>) target_semaphore(%run_scoped3A : memref<!tpu.dma_semaphore, #tpu.memory_space<semaphore_mem>>)
      %dma_wait3A_776 = arith.constant 0 : i32
      %dma_wait3A_777 = tpu.memref_slice %arg4[%add3A_769, %dma_wait3A_776] : memref<64x64xi32, #tpu.memory_space<hbm>> -> memref<1x64xi32, #tpu.memory_space<hbm>>
      %dma_wait3A_778 = tpu.memref_squeeze %dma_wait3A_777 : memref<1x64xi32, #tpu.memory_space<hbm>> -> memref<64xi32, #tpu.memory_space<hbm>>
      %dma_wait3A_779 = arith.constant 0 : i32
      %dma_wait3A_780 = tpu.memref_slice %arg4[%add3A_769, %dma_wait3A_779] : memref<64x64xi32, #tpu.memory_space<hbm>> -> memref<1x64xi32, #tpu.memory_space<hbm>>
      %dma_wait3A_781 = tpu.memref_squeeze %dma_wait3A_780 : memref<1x64xi32, #tpu.memory_space<hbm>> -> memref<64xi32, #tpu.memory_space<hbm>>
      tpu.wait_dma2 semaphore(%run_scoped3A : memref<!tpu.dma_semaphore, #tpu.memory_space<semaphore_mem>>) src(%arg14 : memref<64xi32, #tpu.memory_space<vmem>>) dst(%dma_wait3A_781 : memref<64xi32, #tpu.memory_space<hbm>>)
      tpu.yield
    }) : () -> ()
    return
  }
}

</mosaic_0001>

<sc_bundles>
// kernel: kernel.3.cloned.1.call-start
scs
__scs_entry_jumppad:
0x0: {  	(pc) =	sbr.rel $0x88, $3  }
0x1: {  	(tag) =	ssettag $0x0;
	lr =	simm.s32 $0x1  }
0x2: {  	[smem:$0x3FA0] =	sst lr;
	_ =	strace $0xD0000000  }
0x3: {  	_ = 	snop  }
0x4: {  	_ = 	snop  }
0x5: {  	_ = 	snop  }
0x6: {  	_ = 	snop  }
0x7: {  	_ = 	snop  }
__scs_overlays_trampoline_lowered:
0x8: {  	[smem:$0x3FAF] =	sst s0  }
0x9: {  	[smem:$0x3FB0] =	sst s1  }
0xa: {  	[smem:$0x3FB1] =	sst s2  }
0xb: {  	[smem:$0x3FB2] =	sst s3  }
0xc: {  	[smem:$0x3FB3] =	sst s4  }
0xd: {  	[smem:$0x3FB4] =	sst s5  }
0xe: {  	[smem:$0x3FB5] =	sst s6  }
0xf: {  	[smem:$0x3FB6] =	sst s7  }
0x10: {  	[smem:$0x3FB7] =	sst s8  }
0x11: {  	[smem:$0x3FB8] =	sst s9;
	s0 =	simm.s32 @!p0 $0x0  }
0x12: {  	s1 =	sld [smem:$0x3F9E];
	s0 =	simm.s32 @p0 $0x1  }
0x13: {  	[smem:$0x3FB9] =	sst s0;
	s0 =	simm.s32 @!p1 $0x0  }
0x14: {  	s2 =	sld [smem:$0x3F9D];
	s0 =	simm.s32 @p1 $0x1  }
0x15: {  	[smem:$0x3FBA] =	sst s0;
	s0 =	simm.s32 @!p2 $0x0  }
0x16: {  	s3 =	sld [smem:$0x3FDB];
	s0 =	simm.s32 @p2 $0x1  }
0x17: {  	s4 =	simm.s32 $0x1BF5;
	[smem:$0x3FBC] =	sst s0  }
0x18: {  	s0 =	sld [smem:$0x3F9F];
	_ =	swait.ge [sflag:s4], $0x0  }
0x19: {  	s7 =	sld [smem:$0x3FA0]  }
0x1a: {  	s8 =	sadd.s32 $0xFFFFE003, lr  }
0x1b: {  	s9 =	sadd.s32 $0xFFFFFEF7, lr;
	s5 =	simm.s32 $0xFFFFFFFF;
	p2 =	slt.u32 s8, $0xFFFFF086  }
0x1c: {  	p1 =	slt.u32 s9, $0xF7A;
	s5 =	simm.s32 @!p2 $0x0  }
0x1d: {  	s5 =	simm.s32 @p1 $0x1;
	p0 =	seq.s32 s7, s2  }
0x1e: {  	s7 =	smul.u32 @!p0 $0xF7A, s2;
	p2 =	seq.s32 @!p0 s5, $0x0  }
0x1f: {  	s9 =	smul.u32 $0xF7A, s1;
	s8 =	simm.s32 @!p0 $0x1BF5;
	p2 =	por !p2, p0  }
0x20: {  	[sflag:s8] =	ssyncset.s32 @!p0 $0xFFFFF086;
	s6 =	sadd.s32 @!p0 s3, s7;
	s7 =	simm.s32 @!p0 $0x108  }
0x21: {  	s3 =	sadd.s32 s3, s9;
	s6 =	sadd.s32 @!p0 $0x88, s6;
	s7 =	simm.s32 @p2 $0x1082  }
0x22: {  	[simem:s7], [sflag:s8] =	dma.local @!p0 [hbm:s6], $0xF7A  }
0x23: {  	s9 =	sor.u32 $0xD0000000, s2;
	s6 =	simm.s32 $0x108;
	_ =	swait.ge @!p0 [sflag:s8], $0x0  }
0x24: {  	s3 =	sadd.s32 $0x88, s3;
	s6 =	simm.s32 @!p1 $0x1082;
	[sflag:s4] =	ssyncset.s32 $0xFFFFF086  }
0x25: {  	[simem:s6], [sflag:s4] =	dma.local [hbm:s3], $0xF7A  }
0x26: {  	[smem:$0x3FA0] =	sst s1;
	(tag) =	ssettag s2;
	_ =	strace s9  }
0x27: {  	s1 =	sld [smem:$0x3FB0]  }
0x28: {  	s2 =	sld [smem:$0x3FB1]  }
0x29: {  	s4 =	sld [smem:$0x3FB3]  }
0x2a: {  	p0 =	seq.s32 s5, $0x0;
	s5 =	sld [smem:$0x3FB4]  }
0x2b: {  	s6 =	sld [smem:$0x3FB5]  }
0x2c: {  	s7 =	sld [smem:$0x3FB6]  }
0x2d: {  	s3 =	simm.s32 $0x108;
	s8 =	sld [smem:$0x3FB7]  }
0x2e: {  	s3 =	simm.s32 @!p0 $0x1082;
	s9 =	sld [smem:$0x3FB8]  }
0x2f: {  	lr =	sadd.s32 s0, s3;
	s0 =	sld [smem:$0x3FAF]  }
0x30: {  	s3 =	sld [smem:$0x3FB2]  }
0x31: {  	[smem:$0x3FBB] =	sst s10  }
0x32: {  	s10 =	sld [smem:$0x3FB9];
	_ =	sdelay $0x3  }
0x33: {  	p0 =	seq.s32 s10, $0x1;
	s10 =	sld [smem:$0x3FBB];
	_ =	sdelay $0x3  }
0x34: {  	[smem:$0x3FBB] =	sst s10  }
0x35: {  	s10 =	sld [smem:$0x3FBA];
	_ =	sdelay $0x3  }
0x36: {  	p1 =	seq.s32 s10, $0x1;
	s10 =	sld [smem:$0x3FBB];
	_ =	sdelay $0x3  }
0x37: {  	[smem:$0x3FBB] =	sst s10  }
0x38: {  	s10 =	sld [smem:$0x3FBC]  }
0x39: {  	_ = 	snop;
	(pc) =	sbr.ind lr, $3  }
0x3a: {  	_ = 	snop  }
0x3b: {  	_ = 	snop  }
0x3c: {  	p2 =	seq.s32 s10, $0x1;
	s10 =	sld [smem:$0x3FBB]  }
0x3d: {  	_ =	shalt  }
0x3e: {  	_ =	shalt  }
0x3f: {  	_ =	shalt  }
0x40: {  	_ =	shalt  }
0x41: {  	_ =	shalt  }
0x42: {  	_ =	shalt  }
0x43: {  	_ =	shalt  }
0x44: {  	_ =	shalt  }
0x45: {  	_ =	shalt  }
0x46: {  	_ =	shalt  }
0x47: {  	_ =	shalt  }
0x48: {  	_ =	shalt  }
0x49: {  	_ =	shalt  }
0x4a: {  	_ =	shalt  }
0x4b: {  	_ =	shalt  }
0x4c: {  	_ =	shalt  }
0x4d: {  	_ =	shalt  }
0x4e: {  	_ =	shalt  }
0x4f: {  	_ =	shalt  }
0x50: {  	_ =	shalt  }
0x51: {  	_ =	shalt  }
0x52: {  	_ =	shalt  }
0x53: {  	_ =	shalt  }
0x54: {  	_ =	shalt  }
0x55: {  	_ =	shalt  }
0x56: {  	_ =	shalt  }
0x57: {  	_ =	shalt  }
0x58: {  	_ =	shalt  }
0x59: {  	_ =	shalt  }
0x5a: {  	_ =	shalt  }
0x5b: {  	_ =	shalt  }
0x5c: {  	_ =	shalt  }
0x5d: {  	_ =	shalt  }
0x5e: {  	_ =	shalt  }
0x5f: {  	_ =	shalt  }
0x60: {  	_ =	shalt  }
0x61: {  	_ =	shalt  }
0x62: {  	_ =	shalt  }
0x63: {  	_ =	shalt  }
0x64: {  	_ =	shalt  }
0x65: {  	_ =	shalt  }
0x66: {  	_ =	shalt  }
0x67: {  	_ =	shalt  }
0x68: {  	_ =	shalt  }
0x69: {  	_ =	shalt  }
0x6a: {  	_ =	shalt  }
0x6b: {  	_ =	shalt  }
0x6c: {  	_ =	shalt  }
0x6d: {  	_ =	shalt  }
0x6e: {  	_ =	shalt  }
0x6f: {  	_ =	shalt  }
0x70: {  	_ =	shalt  }
0x71: {  	_ =	shalt  }
0x72: {  	_ =	shalt  }
0x73: {  	_ =	shalt  }
0x74: {  	_ =	shalt  }
0x75: {  	_ =	shalt  }
0x76: {  	_ =	shalt  }
0x77: {  	_ =	shalt  }
0x78: {  	_ =	shalt  }
0x79: {  	_ =	shalt  }
0x7a: {  	_ =	shalt  }
0x7b: {  	_ =	shalt  }
0x7c: {  	_ =	shalt  }
0x7d: {  	_ =	shalt  }
0x7e: {  	_ =	shalt  }
0x7f: {  	_ =	shalt  }
0x80: {  	_ =	shalt  }
0x81: {  	_ =	shalt  }
0x82: {  	_ =	shalt  }
0x83: {  	_ =	shalt  }
0x84: {  	_ =	shalt  }
0x85: {  	_ =	shalt  }
0x86: {  	_ =	shalt  }
0x87: {  	_ =	shalt  }
.Lfunc_end0:
.L_simem_size_0:
called_computation_lowered:
.L_overlay_start_0:
0x88: {  	s2 =	sld [smem:$0x3FD9]  }
0x89: {  	s3 =	sld [smem:$0x3FFE];
	_ =	sdelay $0x1  }
0x8a: {  	s1 =	srdreg.scid  }
0x8b: {  	s0 =	sand.u32 $0x1, s1  }
0x8c: {  	s15 =	sshll.u32 s0, $0xA;
	s2 =	sadd.s32 s3, s2  }
0x8d: {  	s2 =	sadd.s32 s2, s15  }
0x8e: {  	[smem:$0x3FC7] =	sst s2  }
0x8f: {  	_ = 	snop  }
0x90: {  	s2 =	sld [smem:$0x3FD0];
	_ =	sdelay $0x2  }
0x91: {  	s4 =	simm.s32 $0xA;
	s5 =	simm.s32 $0x10;
	s16 =	sld [smem:$0x3FC9]  }
0x92: {  	[smem:s5], [sflag:s4] =	dma.local [hbm:s2], $0x1  }
0x93: {  	_ =	swait.eq [sflag:s4], $0x1  }
0x94: {  	[sflag:s4] =	ssyncset.done $0x0  }
0x95: {  	s17 =	sld [smem:$0x10];
	[sflag:s4] =	ssyncadd.s32 $0xFFFFFFFF  }
0x96: {  	s18 =	sld [smem:$0x11];
	(tm) =	ssettm $0x1  }
0x97: {  	s19 =	sld [smem:$0x3FFB];
	_ =	sdelay $0x3  }
0x98: {  	_ =	strace s19  }
0x99: {  	s5 =	sld [smem:$0x3FFC];
	_ =	sdelay $0x3  }
0x9a: {  	_ =	strace s5  }
0x9b: {  	s5 =	sld [smem:$0x3FFD];
	_ =	sdelay $0x3  }
0x9c: {  	_ =	strace s5  }
0x9d: {  	_ =	strace $0x8FFFFFFF  }
0x9e: {  	s20 =	sld [smem:$0x3FDB];
	_ =	sdelay $0x1  }
0x9f: {  	s6 =	simm.s32 $_scs_section_size  }
0xa0: {  	s7 =	simm.s32 $_size__tile_overlayer_lowered;
	s8 =	simm.s32 $_tile_overlayer_lowered  }
0xa1: {  	s23 =	simm.s32 $0x1BFF;
	s22 =	sshll.u32 s8, $0x1;
	s5 =	sadd.s32 s6, s20  }
0xa2: {  	s9 =	simm.s32 $0x0;
	s21 =	sshll.u32 s7, $0x1;
	s7 =	sadd.s32 s22, s5  }
0xa3: {  	[timem:s9], [sflag:s23] =	dma.local [hbm:s7], s21  }
0xa4: {  	_ =	swait.ge [sflag:s23], s21  }
0xa5: {  	s6 =	ssub.s32 $0x0, s21;
	[sflag:s23] =	ssyncset.done $0x0  }
0xa6: {  	[sflag:s23] =	ssyncadd.s32 s6;
	_ =	sdelay $0x1  }
0xa7: {  	s24 =	simm.s32 $0x1B8B  }
0xa8: {  	_ =	swait.ge [sflag:s24], $0x1  }
0xa9: {  	[sflag:s24] =	ssyncset.done $0x0  }
0xaa: {  	s25 =	simm.s32 $0x1B8E;
	[sflag:s24] =	ssyncadd.s32 $0xFFFFFFFF  }
0xab: {  	s26 =	simm.s32 $execute0_lowered;
	[smem:$0x3FD2] =	sst s25  }
0xac: {  	s6 =	sshll.u32 s26, $0x1;
	_ =	strace $0x80000046;
	[dreg:$0x1] =	wrdreg $0xFFFFFFFF  }
0xad: {  	s28 =	simm.s32 $_size_execute0_lowered;
	s5 =	sadd.s32 s5, s6;
	[dreg:$0x0] =	wrdreg $0x0  }
0xae: {  	s6 =	sshll.u32 s28, $0x1;
	[dreg:$0x2] =	wrdreg s5  }
0xaf: {  	[dreg:$0x3] =	wrdreg s6  }
0xb0: {  	[dreg:$0x4] =	wrdreg $0xC0  }
0xb1: {  	_ =	task [dreg:s9], $0x5FFFF  }
0xb2: {  	[dreg:$0x1] =	wrdreg $0xFFFFFFFF  }
0xb3: {  	[dreg:$0x0] =	wrdreg $0x60  }
0xb4: {  	[dreg:$0x2] =	wrdreg s16  }
0xb5: {  	[dreg:$0x3] =	wrdreg s17  }
0xb6: {  	[dreg:$0x4] =	wrdreg s18  }
0xb7: {  	[dreg:$0x5] =	wrdreg $0x9  }
0xb8: {  	_ =	task.clear_ibuf [dreg:s9], $0x6FFFF;
	_ =	strace $0x90000046  }
0xb9: {  	s29 =	simm.s32 $0x9;
	_ =	strace $0x80000048  }
0xba: {  	_ =	swait.ge [sflag:s29], $0x1  }
0xbb: {  	[sflag:s29] =	ssyncadd.s32 $0xFFFFFFFF  }
0xbc: {  	_ =	strace $0x90000048  }
0xbd: {  	_ =	sfence  }
0xbe: {  	s30 =	sld [smem:$0x0];
	_ =	sdelay $0x2  }
0xbf: {  	s31 =	sshll.u32 s1, $0xD;
	s1 =	sshrl.u32 s1, $0x2  }
0xc0: {  	s3 =	sand.u32 $0x4000, s31;
	s1 =	sadd.s32 s1, s30  }
0xc1: {  	s0 =	sor.u32 s3, s0;
	s1 =	sshll.u32 s1, $0x11  }
0xc2: {  	s0 =	sor.u32 s1, s0  }
0xc3: {  	s0 =	sadd.s32 $0x8F2B, s0  }
0xc4: {  	[sflag:s0] =	ssyncadd.remote.s32 $0x1  }
0xc5: {  	_ =	sfence.sel $0xFFFF  }
0xc6: {  	[dreg:$0x0] =	wrdreg $0xFFFFFFFF;
	(pc) =	sbr.abs _section_cstart, $3  }
0xc7: {  	[dreg:$0x1] =	wrdreg $0xFFFFFFFF  }
0xc8: {  	_ =	task.clear_ibuf [dreg:s9], $0x2FFFF;
	_ =	strace $0x9FFFFFFF  }
0xc9: {  	(tm) =	ssettm $0x7FFFFFFF  }
tec
execute0_lowered:
.L_overlay_start_1:
0x0: {  	(tag) =	ssettag $0x1  }
0x1: {  	s0 =	rddreg [dreg:$0x0]  }
0x2: {  	s1 =	rddreg [dreg:$0x1]  }
0x3: {  	s3 =	rddreg [dreg:$0x2]  }
0x4: {  	s4 =	srdreg.scid;
	s7 =	stileid.u32  }
0x5: {  	s2 =	simm.s32 $0x0;
	s16 =	simm.s32 $0x80;
	s28 =	simm.s32 $0x11000  }
0x6: {  	s29 =	simm.s32 $0x11100;
	s30 =	simm.s32 $0x11300;
	s31 =	simm.s32 $0x11500  }
0x7: {  	s4 =	sand.u32 $0x1, s4;
	s5 =	sshll.u32 s7, $0x9;
	s7 =	sshrl.u32 s7, $0x1  }
0x8: {  	[smem:$0x7FF] =	sst s2;
	s19 =	sadd.s32 $0x2000, s0;
	s20 =	sadd.s32 $0x4000, s0  }
0x9: {  	s21 =	sadd.s32 $0x6000, s0;
	s6 =	sshll.u32 s4, $0x8;
	s5 =	sand.u32 $0x200, s5  }
0xa: {  	s4 =	ssub.s32 $0x2, s4;
	s8 =	sshll.u32 s7, $0x12;
	_ =	strace $0x80000047  }
0xb: {  	s22 =	sshll.u32 s7, $0xA;
	s5 =	sor.u32 s6, s5;
	s17 =	sshrl.u32 s4, $0x1  }
0xc: {  	s9 =	sor.u32 s8, s5;
	s4 =	ssub.s32 s4, s17;
	s10 =	sor.u32 $0x80, s5  }
0xd: {  	s5 =	sor.u32 s22, s5;
	s17 =	simm.s32 $0x400;
	s18 =	sshrl.u32 s9, $0x3  }
0xe: {  	s8 =	sor.u32 s8, s10;
	s5 =	sshrl.u32 s5, $0x3;
	s9 =	sadd.s32 s0, s18  }
0xf: {  	s15 =	smax.u32 s4, $0x1;
	s11 =	sadd.s32 s18, s19;
	[dreg:$0x4] =	wrdreg s9  }
0x10: {  	s12 =	sadd.s32 s18, s20;
	s8 =	sshrl.u32 s8, $0x3;
	[dreg:$0x5] =	wrdreg s11  }
0x11: {  	s6 =	sadd.s32 s18, s21;
	s26 =	sadd.s32 s1, s5;
	[dreg:$0x6] =	wrdreg s12  }
0x12: {  	s5 =	sadd.s32 s3, s5;
	s18 =	simm.s32 $0x11680;
	[dreg:$0x7] =	wrdreg s6  }
0x13: {  	s0 =	sadd.s32 s0, s8;
	s23 =	sadd.s32 s8, s19;
	[dreg:$0xc] =	wrdreg s26  }
0x14: {  	s24 =	sadd.s32 s8, s20;
	s25 =	sadd.s32 s8, s21;
	[dreg:$0xd] =	wrdreg s5  }
0x15: {  	s26 =	simm.s32 $0x10000;
	s19 =	simm.s32 $0x3;
	[dreg:$0x8] =	wrdreg s0  }
0x16: {  	v0 =	vlaneseq.u32;
	s20 =	simm.s32 $0x2;
	[dreg:$0x9] =	wrdreg s23;
	s0 =	sor.u32 s22, s10  }
0x17: {  	v3 =	vmul.u32 $0xFFFFFFFF, v0;
	s21 =	simm.s32 $0x0;
	[dreg:$0xa] =	wrdreg s24;
	s0 =	sshrl.u32 s0, $0x3  }
0x18: {  	[dreg:$0xb] =	wrdreg s25;
	s25 =	simm.s32 $0x1;
	s13 =	sadd.s32 s1, s0  }
0x19: {  	v1 =	vimm.s32 $0x0;
	v2 =	vimm.s32 $0x1;
	v3 =	vadd.s32 $0xF, v3;
	s14 =	sadd.s32 s3, s0;
	s0 =	simm.s32 $0x11580;
	s1 =	simm.s32 $0x11600  }
.LBB2_1:
0x1a: {  	s3 =	rddreg [dreg:$0x4]  }
0x1b: {  	[tilespmem:s2], [sflag:$0x1] =	stream.strided.gather [hbm4b:s3+s16], $0x2000, s17, s16, $0x38;
	[tilespmem:$0x11700] =	vst v63  }
0x1c: {  	s24 =	rddreg [dreg:$0x5];
	s4 =	simm.s32 $0x2000  }
0x1d: {  	[tilespmem:s4], [sflag:$0x1] =	stream.strided.gather [hbm4b:s24+s16], $0x2000, s17, s16, $0x38;
	[tilespmem:$0x11700] =	vst v63  }
0x1e: {  	s5 =	simm.s32 $0x4000;
	s4 =	rddreg [dreg:$0x6]  }
0x1f: {  	[tilespmem:s5], [sflag:$0x1] =	stream.strided.gather [hbm4b:s4+s16], $0x2000, s17, s16, $0x38;
	[tilespmem:$0x11700] =	vst v63  }
0x20: {  	s6 =	rddreg [dreg:$0x7];
	s7 =	simm.s32 $0x6000  }
0x21: {  	[tilespmem:s7], [sflag:$0x1] =	stream.strided.gather [hbm4b:s6+s16], $0x2000, s17, s16, $0x38;
	[tilespmem:$0x11700] =	vst v63  }
0x22: {  	s8 =	rddreg [dreg:$0x8];
	s9 =	simm.s32 $0x8000  }
0x23: {  	[tilespmem:s9], [sflag:$0x2] =	stream.strided.gather [hbm4b:s8+s16], $0x2000, s17, s16, $0x38;
	[tilespmem:$0x11700] =	vst v63  }
0x24: {  	s10 =	rddreg [dreg:$0x9];
	s11 =	simm.s32 $0xA000  }
0x25: {  	[tilespmem:s11], [sflag:$0x2] =	stream.strided.gather [hbm4b:s10+s16], $0x2000, s17, s16, $0x38;
	[tilespmem:$0x11700] =	vst v63  }
0x26: {  	s12 =	rddreg [dreg:$0xa];
	s22 =	simm.s32 $0xC000  }
0x27: {  	[tilespmem:s22], [sflag:$0x2] =	stream.strided.gather [hbm4b:s12+s16], $0x2000, s17, s16, $0x38;
	[tilespmem:$0x11700] =	vst v63  }
0x28: {  	s23 =	rddreg [dreg:$0xb];
	s24 =	simm.s32 $0xE000;
	s5 =	simm.s32 $0x10040  }
0x29: {  	[tilespmem:s24], [sflag:$0x2] =	stream.strided.gather [hbm4b:s23+s16], $0x2000, s17, s16, $0x38;
	[tilespmem:$0x11700] =	vst v63  }
0x2a: {  	[tilespmem:s5+$0xFFFFFFC0] =	vst v1  }
0x2b: {  	[tilespmem:s5+$0x30] =	vst v1  }
0x2c: {  	[tilespmem:s5+$0x20] =	vst v1  }
0x2d: {  	[tilespmem:s5+$0x10] =	vst v1  }
0x2e: {  	[tilespmem:s5+$0x0] =	vst v1  }
0x2f: {  	[tilespmem:s5+$0xFFFFFFF0] =	vst v1  }
0x30: {  	s3 =	simm.s32 $0x11340;
	s6 =	simm.s32 $0x0;
	[tilespmem:s5+$0xFFFFFFE0] =	vst v1  }
.LBB2_2:
0x31: {  	s6 =	sadd.s32 $0x8, s6;
	[tilespmem:s5+$0xFFFFFFD0] =	vst v1;
	s5 =	sadd.s32 $0x80, s5;
	s4 =	simm.s32 $0x11140  }
0x32: {  	[tilespmem:s5+$0xFFFFFFC0] =	vst v1;
	p0 =	slt.u32 s6, $0xF8  }
0x33: {  	[tilespmem:s5+$0x30] =	vst v1  }
.Ltmp0:
0x34: {  	[tilespmem:s5+$0x20] =	vst v1;
	(pc) =	sbr.rel @p0 .LBB2_2-.Ltmp0, $4  }
0x35: {  	[tilespmem:s5+$0x10] =	vst v1  }
0x36: {  	[tilespmem:s5+$0x0] =	vst v1  }
0x37: {  	[tilespmem:s5+$0xFFFFFFF0] =	vst v1  }
0x38: {  	[tilespmem:s5+$0xFFFFFFE0] =	vst v1  }
0x39: {  	[tilespmem:s5+$0xFFFFFFD0] =	vst v1  }
0x3a: {  	[tilespmem:s4+$0x30] =	vst v1  }
0x3b: {  	[tilespmem:s4+$0xFFFFFFF0] =	vst v1  }
0x3c: {  	[tilespmem:s4+$0xFFFFFFC0] =	vst v1  }
0x3d: {  	[tilespmem:s4+$0xFFFFFFE0] =	vst v1  }
0x3e: {  	[tilespmem:s4+$0x10] =	vst v1  }
0x3f: {  	[tilespmem:s4+$0x20] =	vst v1  }
0x40: {  	[tilespmem:s4+$0x0] =	vst v1  }
0x41: {  	[tilespmem:s4+$0xFFFFFFD0] =	vst v1  }
0x42: {  	[tilespmem:s3+$0xFFFFFFC0] =	vst v1  }
0x43: {  	[tilespmem:s3+$0x30] =	vst v1  }
0x44: {  	[tilespmem:s3+$0x20] =	vst v1  }
0x45: {  	[tilespmem:s3+$0x10] =	vst v1  }
0x46: {  	[tilespmem:s3+$0xFFFFFFE0] =	vst v1  }
0x47: {  	[tilespmem:s3+$0x0] =	vst v1  }
0x48: {  	s5 =	simm.s32 $0x0;
	[tilespmem:s3+$0xFFFFFFF0] =	vst v1  }
.LBB2_4:
0x49: {  	s5 =	sadd.s32 $0x8, s5;
	[tilespmem:s3+$0xFFFFFFD0] =	vst v1;
	s4 =	sadd.s32 $0x80, s4;
	s3 =	sadd.s32 $0x80, s3  }
0x4a: {  	[tilespmem:s4+$0x30] =	vst v1;
	p0 =	slt.u32 s5, $0x18  }
0x4b: {  	[tilespmem:s4+$0xFFFFFFF0] =	vst v1  }
0x4c: {  	[tilespmem:s4+$0xFFFFFFC0] =	vst v1  }
0x4d: {  	[tilespmem:s3+$0xFFFFFFC0] =	vst v1  }
0x4e: {  	[tilespmem:s3+$0x30] =	vst v1  }
0x4f: {  	[tilespmem:s4+$0xFFFFFFE0] =	vst v1  }
0x50: {  	[tilespmem:s4+$0x10] =	vst v1  }
0x51: {  	[tilespmem:s4+$0x20] =	vst v1  }
0x52: {  	[tilespmem:s3+$0x20] =	vst v1  }
0x53: {  	[tilespmem:s3+$0x10] =	vst v1  }
.Ltmp1:
0x54: {  	[tilespmem:s3+$0xFFFFFFE0] =	vst v1;
	(pc) =	sbr.rel @p0 .LBB2_4-.Ltmp1, $4  }
0x55: {  	[tilespmem:s4+$0x0] =	vst v1  }
0x56: {  	[tilespmem:s3+$0x0] =	vst v1  }
0x57: {  	[tilespmem:s3+$0xFFFFFFF0] =	vst v1  }
0x58: {  	[tilespmem:s4+$0xFFFFFFD0] =	vst v1  }
0x59: {  	[tilespmem:s3+$0xFFFFFFD0] =	vst v1;
	s3 =	simm.s32 $0x40;
	s4 =	simm.s32 $0x0  }
.LBB2_6:
0x5a: {  	p0 =	sne.s32 s3, $0x1C0;
	[tilespmem:s4+$0x11500] =	vst v1;
	s5 =	smov.u32 s3;
	s3 =	sadd.s32 $0x40, s3  }
.Ltmp2:
0x5b: {  	[tilespmem:s4+$0x11580] =	vst v1;
	(pc) =	sbr.rel @p0 .LBB2_6-.Ltmp2, $2  }
0x5c: {  	_ =	sdelay $0x2  }
0x5d: {  	s4 =	sshra.s32 s5, $0x2  }
0x5e: {  	[tilespmem:s4+$0x11500] =	vst v1  }
0x5f: {  	[tilespmem:s4+$0x11580] =	vst v1  }
0x60: {  	_ =	swait.ge [sflag:s25], $0x2000  }
0x61: {  	[sflag:s25] =	ssyncset.done $0x0  }
0x62: {  	s3 =	simm.s32 $0x40;
	[sflag:s25] =	ssyncadd.s32 $0xFFFFE000  }
0x63: {  	v4 =	vld [tilespmem:s3+$0x30]  }
0x64: {  	v5 =	vld [tilespmem:s3+$0xFFFFFFD0]  }
0x65: {  	v6 =	vld [tilespmem:s3+$0xFFFFFFE0]  }
0x66: {  	v7 =	vld [tilespmem:s3+$0xFFFFFFF0]  }
0x67: {  	v8 =	vld [tilespmem:s3+$0x0]  }
0x68: {  	v9 =	vld [tilespmem:s3+$0x10]  }
0x69: {  	v12 =	vld [tilespmem:s3+$0x20]  }
0x6a: {  	v13 =	vld [tilespmem:s3+$0xFFFFFFC0];
	_ =	sdelay $0x2  }
0x6b: {  	v10 =	vshra.s32 v4, $0x1F;
	v11 =	vshra.s32 v5, $0x1F;
	v14 =	vshra.s32 v6, $0x1F  }
0x6c: {  	v59 =	vshra.s32 v7, $0x1F;
	v60 =	vshra.s32 v8, $0x1F;
	v61 =	vshra.s32 v9, $0x1F  }
0x6d: {  	v62 =	vshra.s32 v12, $0x1F;
	v15 =	vshra.s32 v13, $0x1F;
	v10 =	vor.u32 $0x80000000, v10  }
0x6e: {  	v11 =	vor.u32 $0x80000000, v11;
	v63 =	vor.u32 $0x80000000, v15;
	v4 =	vxor.u32 v4, v10  }
0x6f: {  	v10 =	vor.u32 $0x80000000, v14;
	v5 =	vxor.u32 v5, v11;
	v4 =	vshrl.u32 v4, $0x14  }
0x70: {  	v11 =	vor.u32 $0x80000000, v59;
	v6 =	vxor.u32 v6, v10;
	v10 =	vor.u32 $0x80000000, v60  }
0x71: {  	v11 =	vxor.u32 v7, v11;
	v7 =	vor.u32 $0x80000000, v61;
	v16 =	vxor.u32 v8, v10  }
0x72: {  	v8 =	vor.u32 $0x80000000, v62;
	v10 =	vxor.u32 v9, v7;
	v7 =	vshrl.u32 v5, $0x14  }
0x73: {  	v5 =	vshrl.u32 v6, $0x14;
	v9 =	vxor.u32 v12, v8;
	v8 =	vxor.u32 v13, v63  }
0x74: {  	s4 =	simm.s32 $0xC0;
	s3 =	simm.s32 $0x0;
	v6 =	vshrl.u32 v11, $0x14;
	v8 =	vshrl.u32 v8, $0x14;
	[tilespmem:v4+s26+$0x0] =	vst.idx.add.s32.msk $0xffff, v2;
	v4 =	vshrl.u32 v16, $0x14  }
.LBB2_8:
0x75: {  	v11 =	vld [tilespmem:s4+$0x30];
	s3 =	sadd.s32 $0x8, s3;
	v12 =	vshrl.u32 v10, $0x14;
	v13 =	vshrl.u32 v9, $0x14  }
0x76: {  	v9 =	vld [tilespmem:s4+$0xFFFFFFD0];
	p0 =	slt.u32 s3, $0x1F8  }
0x77: {  	v10 =	vld [tilespmem:s4+$0xFFFFFFE0]  }
0x78: {  	v14 =	vld [tilespmem:s4+$0xFFFFFFF0]  }
0x79: {  	v15 =	vld [tilespmem:s4+$0x0]  }
0x7a: {  	v16 =	vld [tilespmem:s4+$0x10];
	v17 =	vshra.s32 v11, $0x1F  }
0x7b: {  	v18 =	vshra.s32 v9, $0x1F;
	v19 =	vld [tilespmem:s4+$0x20];
	v17 =	vor.u32 $0x80000000, v17  }
0x7c: {  	v20 =	vld [tilespmem:s4+$0xFFFFFFC0];
	v18 =	vor.u32 $0x80000000, v18;
	v21 =	vshra.s32 v10, $0x1F;
	v11 =	vxor.u32 v11, v17  }
0x7d: {  	v17 =	vor.u32 $0x80000000, v21;
	v21 =	vshra.s32 v14, $0x1F;
	v11 =	vshrl.u32 v11, $0x14;
	[tilespmem:v8+s26+$0x0] =	vst.idx.add.s32.msk $0xffff, v2  }
0x7e: {  	v8 =	vxor.u32 v9, v18;
	v9 =	vor.u32 $0x80000000, v21;
	v18 =	vshra.s32 v15, $0x1F;
	[tilespmem:v7+s26+$0x0] =	vst.idx.add.s32.msk $0xffff, v2  }
0x7f: {  	v17 =	vxor.u32 v10, v17;
	v7 =	vor.u32 $0x80000000, v18;
	v10 =	vshra.s32 v16, $0x1F;
	[tilespmem:v5+s26+$0x0] =	vst.idx.add.s32.msk $0xffff, v2  }
.Ltmp3:
0x80: {  	v14 =	vxor.u32 v14, v9;
	v5 =	vor.u32 $0x80000000, v10;
	v9 =	vshra.s32 v19, $0x1F;
	[tilespmem:v6+s26+$0x0] =	vst.idx.add.s32.msk $0xffff, v2;
	(pc) =	sbr.rel @p0 .LBB2_8-.Ltmp3, $4  }
0x81: {  	v15 =	vxor.u32 v15, v7;
	v6 =	vshra.s32 v20, $0x1F;
	v7 =	vor.u32 $0x80000000, v9;
	[tilespmem:v4+s26+$0x0] =	vst.idx.add.s32.msk $0xffff, v2  }
0x82: {  	v10 =	vxor.u32 v16, v5;
	v4 =	vor.u32 $0x80000000, v6;
	v9 =	vxor.u32 v19, v7;
	[tilespmem:v11+s26+$0x0] =	vst.idx.add.s32.msk $0xffff, v2  }
0x83: {  	v5 =	vshrl.u32 v17, $0x14;
	v7 =	vshrl.u32 v8, $0x14;
	v4 =	vxor.u32 v20, v4;
	[tilespmem:v12+s26+$0x0] =	vst.idx.add.s32.msk $0xffff, v2  }
0x84: {  	s4 =	sadd.s32 $0x80, s4;
	v6 =	vshrl.u32 v14, $0x14;
	v8 =	vshrl.u32 v4, $0x14;
	v4 =	vshrl.u32 v15, $0x14;
	[tilespmem:v13+s26+$0x0] =	vst.idx.add.s32.msk $0xffff, v2  }
0x85: {  	_ =	sdelay $0x3  }
0x86: {  	v10 =	vshrl.u32 v10, $0x14;
	[tilespmem:v8+s26+$0x0] =	vst.idx.add.s32.msk $0xffff, v2  }
0x87: {  	v8 =	vshrl.u32 v9, $0x14;
	[tilespmem:v7+s26+$0x0] =	vst.idx.add.s32.msk $0xffff, v2  }
0x88: {  	[tilespmem:v5+s26+$0x0] =	vst.idx.add.s32.msk $0xffff, v2  }
0x89: {  	[tilespmem:v6+s26+$0x0] =	vst.idx.add.s32.msk $0xffff, v2  }
0x8a: {  	[tilespmem:v4+s26+$0x0] =	vst.idx.add.s32.msk $0xffff, v2  }
0x8b: {  	[tilespmem:v10+s26+$0x0] =	vst.idx.add.s32.msk $0xffff, v2  }
0x8c: {  	[tilespmem:v8+s26+$0x0] =	vst.idx.add.s32.msk $0xffff, v2  }
0x8d: {  	_ =	swait.ge [sflag:s25], $0x2000  }
0x8e: {  	[sflag:s25] =	ssyncset.done $0x0  }
0x8f: {  	s3 =	simm.s32 $0x2070;
	[sflag:s25] =	ssyncadd.s32 $0xFFFFE000  }
0x90: {  	v4 =	vld [tilespmem:s3+$0x0]  }
0x91: {  	v5 =	vld [tilespmem:s3+$0xFFFFFFA0]  }
0x92: {  	v6 =	vld [tilespmem:s3+$0xFFFFFFB0]  }
0x93: {  	v7 =	vld [tilespmem:s3+$0xFFFFFFC0]  }
0x94: {  	v8 =	vld [tilespmem:s3+$0xFFFFFFD0]  }
0x95: {  	v9 =	vld [tilespmem:s3+$0xFFFFFFE0]  }
0x96: {  	v12 =	vld [tilespmem:s3+$0xFFFFFFF0]  }
0x97: {  	v13 =	vld [tilespmem:s3+$0xFFFFFF90];
	_ =	sdelay $0x2  }
0x98: {  	v10 =	vshra.s32 v4, $0x1F;
	v11 =	vshra.s32 v5, $0x1F;
	v14 =	vshra.s32 v6, $0x1F  }
0x99: {  	v59 =	vshra.s32 v7, $0x1F;
	v60 =	vshra.s32 v8, $0x1F;
	v61 =	vshra.s32 v9, $0x1F  }
0x9a: {  	v62 =	vshra.s32 v12, $0x1F;
	v15 =	vshra.s32 v13, $0x1F;
	v10 =	vor.u32 $0x80000000, v10  }
0x9b: {  	v11 =	vor.u32 $0x80000000, v11;
	v63 =	vor.u32 $0x80000000, v15;
	v4 =	vxor.u32 v4, v10  }
0x9c: {  	v10 =	vor.u32 $0x80000000, v14;
	v5 =	vxor.u32 v5, v11;
	v4 =	vshrl.u32 v4, $0x14  }
0x9d: {  	v11 =	vor.u32 $0x80000000, v59;
	v6 =	vxor.u32 v6, v10;
	v10 =	vor.u32 $0x80000000, v60  }
0x9e: {  	v11 =	vxor.u32 v7, v11;
	v7 =	vor.u32 $0x80000000, v61;
	v16 =	vxor.u32 v8, v10  }
0x9f: {  	v8 =	vor.u32 $0x80000000, v62;
	v10 =	vxor.u32 v9, v7;
	v7 =	vshrl.u32 v5, $0x14  }
0xa0: {  	v5 =	vshrl.u32 v6, $0x14;
	v9 =	vxor.u32 v12, v8;
	v8 =	vxor.u32 v13, v63  }
0xa1: {  	s4 =	simm.s32 $0x20F0;
	s3 =	simm.s32 $0x200;
	v6 =	vshrl.u32 v11, $0x14;
	v8 =	vshrl.u32 v8, $0x14;
	[tilespmem:v4+s26+$0x0] =	vst.idx.add.s32.msk $0xffff, v2;
	v4 =	vshrl.u32 v16, $0x14  }
.LBB2_10:
0xa2: {  	v11 =	vld [tilespmem:s4+$0x0];
	s3 =	sadd.s32 $0x8, s3;
	v12 =	vshrl.u32 v10, $0x14;
	v13 =	vshrl.u32 v9, $0x14  }
0xa3: {  	v9 =	vld [tilespmem:s4+$0xFFFFFFA0];
	p0 =	slt.u32 s3, $0x3F8  }
0xa4: {  	v10 =	vld [tilespmem:s4+$0xFFFFFFB0]  }
0xa5: {  	v14 =	vld [tilespmem:s4+$0xFFFFFFC0]  }
0xa6: {  	v15 =	vld [tilespmem:s4+$0xFFFFFFD0]  }
0xa7: {  	v16 =	vld [tilespmem:s4+$0xFFFFFFE0];
	v17 =	vshra.s32 v11, $0x1F  }
0xa8: {  	v18 =	vshra.s32 v9, $0x1F;
	v19 =	vld [tilespmem:s4+$0xFFFFFFF0];
	v17 =	vor.u32 $0x80000000, v17  }
0xa9: {  	v20 =	vld [tilespmem:s4+$0xFFFFFF90];
	v18 =	vor.u32 $0x80000000, v18;
	v21 =	vshra.s32 v10, $0x1F;
	v11 =	vxor.u32 v11, v17  }
0xaa: {  	v17 =	vor.u32 $0x80000000, v21;
	v21 =	vshra.s32 v14, $0x1F;
	v11 =	vshrl.u32 v11, $0x14;
	[tilespmem:v8+s26+$0x0] =	vst.idx.add.s32.msk $0xffff, v2  }
0xab: {  	v8 =	vxor.u32 v9, v18;
	v9 =	vor.u32 $0x80000000, v21;
	v18 =	vshra.s32 v15, $0x1F;
	[tilespmem:v7+s26+$0x0] =	vst.idx.add.s32.msk $0xffff, v2  }
0xac: {  	v17 =	vxor.u32 v10, v17;
	v7 =	vor.u32 $0x80000000, v18;
	v10 =	vshra.s32 v16, $0x1F;
	[tilespmem:v5+s26+$0x0] =	vst.idx.add.s32.msk $0xffff, v2  }
.Ltmp4:
0xad: {  	v14 =	vxor.u32 v14, v9;
	v5 =	vor.u32 $0x80000000, v10;
	v9 =	vshra.s32 v19, $0x1F;
	[tilespmem:v6+s26+$0x0] =	vst.idx.add.s32.msk $0xffff, v2;
	(pc) =	sbr.rel @p0 .LBB2_10-.Ltmp4, $4  }
0xae: {  	v15 =	vxor.u32 v15, v7;
	v6 =	vshra.s32 v20, $0x1F;
	v7 =	vor.u32 $0x80000000, v9;
	[tilespmem:v4+s26+$0x0] =	vst.idx.add.s32.msk $0xffff, v2  }
0xaf: {  	v10 =	vxor.u32 v16, v5;
	v4 =	vor.u32 $0x80000000, v6;
	v9 =	vxor.u32 v19, v7;
	[tilespmem:v11+s26+$0x0] =	vst.idx.add.s32.msk $0xffff, v2  }
0xb0: {  	v5 =	vshrl.u32 v17, $0x14;
	v7 =	vshrl.u32 v8, $0x14;
	v4 =	vxor.u32 v20, v4;
	[tilespmem:v12+s26+$0x0] =	vst.idx.add.s32.msk $0xffff, v2  }
0xb1: {  	s4 =	sadd.s32 $0x80, s4;
	v6 =	vshrl.u32 v14, $0x14;
	v8 =	vshrl.u32 v4, $0x14;
	v4 =	vshrl.u32 v15, $0x14;
	[tilespmem:v13+s26+$0x0] =	vst.idx.add.s32.msk $0xffff, v2  }
0xb2: {  	_ =	sdelay $0x3  }
0xb3: {  	v10 =	vshrl.u32 v10, $0x14;
	[tilespmem:v8+s26+$0x0] =	vst.idx.add.s32.msk $0xffff, v2  }
0xb4: {  	v8 =	vshrl.u32 v9, $0x14;
	[tilespmem:v7+s26+$0x0] =	vst.idx.add.s32.msk $0xffff, v2  }
0xb5: {  	[tilespmem:v5+s26+$0x0] =	vst.idx.add.s32.msk $0xffff, v2  }
0xb6: {  	[tilespmem:v6+s26+$0x0] =	vst.idx.add.s32.msk $0xffff, v2  }
0xb7: {  	[tilespmem:v4+s26+$0x0] =	vst.idx.add.s32.msk $0xffff, v2  }
0xb8: {  	[tilespmem:v10+s26+$0x0] =	vst.idx.add.s32.msk $0xffff, v2  }
0xb9: {  	[tilespmem:v8+s26+$0x0] =	vst.idx.add.s32.msk $0xffff, v2  }
0xba: {  	_ =	swait.ge [sflag:s25], $0x2000  }
0xbb: {  	[sflag:s25] =	ssyncset.done $0x0  }
0xbc: {  	s3 =	simm.s32 $0x4070;
	[sflag:s25] =	ssyncadd.s32 $0xFFFFE000  }
0xbd: {  	v4 =	vld [tilespmem:s3+$0x0]  }
0xbe: {  	v5 =	vld [tilespmem:s3+$0xFFFFFFA0]  }
0xbf: {  	v6 =	vld [tilespmem:s3+$0xFFFFFFB0]  }
0xc0: {  	v7 =	vld [tilespmem:s3+$0xFFFFFFC0]  }
0xc1: {  	v8 =	vld [tilespmem:s3+$0xFFFFFFD0]  }
0xc2: {  	v9 =	vld [tilespmem:s3+$0xFFFFFFE0]  }
0xc3: {  	v12 =	vld [tilespmem:s3+$0xFFFFFFF0]  }
0xc4: {  	v13 =	vld [tilespmem:s3+$0xFFFFFF90];
	_ =	sdelay $0x2  }
0xc5: {  	v10 =	vshra.s32 v4, $0x1F;
	v11 =	vshra.s32 v5, $0x1F;
	v14 =	vshra.s32 v6, $0x1F  }
0xc6: {  	v59 =	vshra.s32 v7, $0x1F;
	v60 =	vshra.s32 v8, $0x1F;
	v61 =	vshra.s32 v9, $0x1F  }
0xc7: {  	v62 =	vshra.s32 v12, $0x1F;
	v15 =	vshra.s32 v13, $0x1F;
	v10 =	vor.u32 $0x80000000, v10  }
0xc8: {  	v11 =	vor.u32 $0x80000000, v11;
	v63 =	vor.u32 $0x80000000, v15;
	v4 =	vxor.u32 v4, v10  }
0xc9: {  	v10 =	vor.u32 $0x80000000, v14;
	v5 =	vxor.u32 v5, v11;
	v4 =	vshrl.u32 v4, $0x14  }
0xca: {  	v11 =	vor.u32 $0x80000000, v59;
	v6 =	vxor.u32 v6, v10;
	v10 =	vor.u32 $0x80000000, v60  }
0xcb: {  	v11 =	vxor.u32 v7, v11;
	v7 =	vor.u32 $0x80000000, v61;
	v16 =	vxor.u32 v8, v10  }
0xcc: {  	v8 =	vor.u32 $0x80000000, v62;
	v10 =	vxor.u32 v9, v7;
	v7 =	vshrl.u32 v5, $0x14  }
0xcd: {  	v5 =	vshrl.u32 v6, $0x14;
	v9 =	vxor.u32 v12, v8;
	v8 =	vxor.u32 v13, v63  }
0xce: {  	s4 =	simm.s32 $0x40F0;
	s3 =	simm.s32 $0x400;
	v6 =	vshrl.u32 v11, $0x14;
	v8 =	vshrl.u32 v8, $0x14;
	[tilespmem:v4+s26+$0x0] =	vst.idx.add.s32.msk $0xffff, v2;
	v4 =	vshrl.u32 v16, $0x14  }
.LBB2_12:
0xcf: {  	v11 =	vld [tilespmem:s4+$0x0];
	s3 =	sadd.s32 $0x8, s3;
	v12 =	vshrl.u32 v10, $0x14;
	v13 =	vshrl.u32 v9, $0x14  }
0xd0: {  	v9 =	vld [tilespmem:s4+$0xFFFFFFA0];
	p0 =	slt.u32 s3, $0x5F8  }
0xd1: {  	v10 =	vld [tilespmem:s4+$0xFFFFFFB0]  }
0xd2: {  	v14 =	vld [tilespmem:s4+$0xFFFFFFC0]  }
0xd3: {  	v15 =	vld [tilespmem:s4+$0xFFFFFFD0]  }
0xd4: {  	v16 =	vld [tilespmem:s4+$0xFFFFFFE0];
	v17 =	vshra.s32 v11, $0x1F  }
0xd5: {  	v18 =	vshra.s32 v9, $0x1F;
	v19 =	vld [tilespmem:s4+$0xFFFFFFF0];
	v17 =	vor.u32 $0x80000000, v17  }
0xd6: {  	v20 =	vld [tilespmem:s4+$0xFFFFFF90];
	v18 =	vor.u32 $0x80000000, v18;
	v21 =	vshra.s32 v10, $0x1F;
	v11 =	vxor.u32 v11, v17  }
0xd7: {  	v17 =	vor.u32 $0x80000000, v21;
	v21 =	vshra.s32 v14, $0x1F;
	v11 =	vshrl.u32 v11, $0x14;
	[tilespmem:v8+s26+$0x0] =	vst.idx.add.s32.msk $0xffff, v2  }
0xd8: {  	v8 =	vxor.u32 v9, v18;
	v9 =	vor.u32 $0x80000000, v21;
	v18 =	vshra.s32 v15, $0x1F;
	[tilespmem:v7+s26+$0x0] =	vst.idx.add.s32.msk $0xffff, v2  }
0xd9: {  	v17 =	vxor.u32 v10, v17;
	v7 =	vor.u32 $0x80000000, v18;
	v10 =	vshra.s32 v16, $0x1F;
	[tilespmem:v5+s26+$0x0] =	vst.idx.add.s32.msk $0xffff, v2  }
.Ltmp5:
0xda: {  	v14 =	vxor.u32 v14, v9;
	v5 =	vor.u32 $0x80000000, v10;
	v9 =	vshra.s32 v19, $0x1F;
	[tilespmem:v6+s26+$0x0] =	vst.idx.add.s32.msk $0xffff, v2;
	(pc) =	sbr.rel @p0 .LBB2_12-.Ltmp5, $4  }
0xdb: {  	v15 =	vxor.u32 v15, v7;
	v6 =	vshra.s32 v20, $0x1F;
	v7 =	vor.u32 $0x80000000, v9;
	[tilespmem:v4+s26+$0x0] =	vst.idx.add.s32.msk $0xffff, v2  }
0xdc: {  	v10 =	vxor.u32 v16, v5;
	v4 =	vor.u32 $0x80000000, v6;
	v9 =	vxor.u32 v19, v7;
	[tilespmem:v11+s26+$0x0] =	vst.idx.add.s32.msk $0xffff, v2  }
0xdd: {  	v5 =	vshrl.u32 v17, $0x14;
	v7 =	vshrl.u32 v8, $0x14;
	v4 =	vxor.u32 v20, v4;
	[tilespmem:v12+s26+$0x0] =	vst.idx.add.s32.msk $0xffff, v2  }
0xde: {  	s4 =	sadd.s32 $0x80, s4;
	v6 =	vshrl.u32 v14, $0x14;
	v8 =	vshrl.u32 v4, $0x14;
	v4 =	vshrl.u32 v15, $0x14;
	[tilespmem:v13+s26+$0x0] =	vst.idx.add.s32.msk $0xffff, v2  }
0xdf: {  	_ =	sdelay $0x3  }
0xe0: {  	v10 =	vshrl.u32 v10, $0x14;
	[tilespmem:v8+s26+$0x0] =	vst.idx.add.s32.msk $0xffff, v2  }
0xe1: {  	v8 =	vshrl.u32 v9, $0x14;
	[tilespmem:v7+s26+$0x0] =	vst.idx.add.s32.msk $0xffff, v2  }
0xe2: {  	[tilespmem:v5+s26+$0x0] =	vst.idx.add.s32.msk $0xffff, v2  }
0xe3: {  	[tilespmem:v6+s26+$0x0] =	vst.idx.add.s32.msk $0xffff, v2  }
0xe4: {  	[tilespmem:v4+s26+$0x0] =	vst.idx.add.s32.msk $0xffff, v2  }
0xe5: {  	[tilespmem:v10+s26+$0x0] =	vst.idx.add.s32.msk $0xffff, v2  }
0xe6: {  	[tilespmem:v8+s26+$0x0] =	vst.idx.add.s32.msk $0xffff, v2  }
0xe7: {  	_ =	swait.ge [sflag:s25], $0x2000  }
0xe8: {  	[sflag:s25] =	ssyncset.done $0x0  }
0xe9: {  	s3 =	simm.s32 $0x6070;
	[sflag:s25] =	ssyncadd.s32 $0xFFFFE000  }
0xea: {  	v4 =	vld [tilespmem:s3+$0x0]  }
0xeb: {  	v5 =	vld [tilespmem:s3+$0xFFFFFFA0]  }
0xec: {  	v6 =	vld [tilespmem:s3+$0xFFFFFFB0]  }
0xed: {  	v7 =	vld [tilespmem:s3+$0xFFFFFFC0]  }
0xee: {  	v8 =	vld [tilespmem:s3+$0xFFFFFFD0]  }
0xef: {  	v9 =	vld [tilespmem:s3+$0xFFFFFFE0]  }
0xf0: {  	v12 =	vld [tilespmem:s3+$0xFFFFFFF0]  }
0xf1: {  	v13 =	vld [tilespmem:s3+$0xFFFFFF90];
	_ =	sdelay $0x2  }
0xf2: {  	v10 =	vshra.s32 v4, $0x1F;
	v11 =	vshra.s32 v5, $0x1F;
	v14 =	vshra.s32 v6, $0x1F  }
0xf3: {  	v59 =	vshra.s32 v7, $0x1F;
	v60 =	vshra.s32 v8, $0x1F;
	v61 =	vshra.s32 v9, $0x1F  }
0xf4: {  	v62 =	vshra.s32 v12, $0x1F;
	v15 =	vshra.s32 v13, $0x1F;
	v10 =	vor.u32 $0x80000000, v10  }
0xf5: {  	v11 =	vor.u32 $0x80000000, v11;
	v63 =	vor.u32 $0x80000000, v15;
	v4 =	vxor.u32 v4, v10  }
0xf6: {  	v10 =	vor.u32 $0x80000000, v14;
	v5 =	vxor.u32 v5, v11;
	v4 =	vshrl.u32 v4, $0x14  }
0xf7: {  	v11 =	vor.u32 $0x80000000, v59;
	v6 =	vxor.u32 v6, v10;
	v10 =	vor.u32 $0x80000000, v60  }
0xf8: {  	v11 =	vxor.u32 v7, v11;
	v7 =	vor.u32 $0x80000000, v61;
	v16 =	vxor.u32 v8, v10  }
0xf9: {  	v8 =	vor.u32 $0x80000000, v62;
	v10 =	vxor.u32 v9, v7;
	v7 =	vshrl.u32 v5, $0x14  }
0xfa: {  	v5 =	vshrl.u32 v6, $0x14;
	v9 =	vxor.u32 v12, v8;
	v8 =	vxor.u32 v13, v63  }
0xfb: {  	s5 =	simm.s32 $0x600;
	s4 =	simm.s32 $0x10020;
	s6 =	simm.s32 $0x60F0;
	v6 =	vshrl.u32 v11, $0x14;
	v8 =	vshrl.u32 v8, $0x14;
	[tilespmem:v4+s26+$0x0] =	vst.idx.add.s32.msk $0xffff, v2;
	v4 =	vshrl.u32 v16, $0x14  }
.LBB2_14:
0xfc: {  	v11 =	vld [tilespmem:s6+$0x0];
	s5 =	sadd.s32 $0x8, s5;
	v12 =	vshrl.u32 v10, $0x14;
	v13 =	vshrl.u32 v9, $0x14  }
0xfd: {  	v9 =	vld [tilespmem:s6+$0xFFFFFFA0];
	p0 =	slt.u32 s5, $0x7F8  }
0xfe: {  	v10 =	vld [tilespmem:s6+$0xFFFFFFB0]  }
0xff: {  	v14 =	vld [tilespmem:s6+$0xFFFFFFC0]  }
0x100: {  	v15 =	vld [tilespmem:s6+$0xFFFFFFD0]  }
0x101: {  	v16 =	vld [tilespmem:s6+$0xFFFFFFE0];
	v17 =	vshra.s32 v11, $0x1F  }
0x102: {  	v18 =	vshra.s32 v9, $0x1F;
	v19 =	vld [tilespmem:s6+$0xFFFFFFF0];
	v17 =	vor.u32 $0x80000000, v17  }
0x103: {  	v20 =	vld [tilespmem:s6+$0xFFFFFF90];
	v18 =	vor.u32 $0x80000000, v18;
	v21 =	vshra.s32 v10, $0x1F;
	v11 =	vxor.u32 v11, v17  }
0x104: {  	v17 =	vor.u32 $0x80000000, v21;
	v21 =	vshra.s32 v14, $0x1F;
	v11 =	vshrl.u32 v11, $0x14;
	[tilespmem:v8+s26+$0x0] =	vst.idx.add.s32.msk $0xffff, v2  }
0x105: {  	v8 =	vxor.u32 v9, v18;
	v9 =	vor.u32 $0x80000000, v21;
	v18 =	vshra.s32 v15, $0x1F;
	[tilespmem:v7+s26+$0x0] =	vst.idx.add.s32.msk $0xffff, v2  }
0x106: {  	v17 =	vxor.u32 v10, v17;
	v7 =	vor.u32 $0x80000000, v18;
	v10 =	vshra.s32 v16, $0x1F;
	[tilespmem:v5+s26+$0x0] =	vst.idx.add.s32.msk $0xffff, v2  }
.Ltmp6:
0x107: {  	v14 =	vxor.u32 v14, v9;
	v5 =	vor.u32 $0x80000000, v10;
	v9 =	vshra.s32 v19, $0x1F;
	[tilespmem:v6+s26+$0x0] =	vst.idx.add.s32.msk $0xffff, v2;
	(pc) =	sbr.rel @p0 .LBB2_14-.Ltmp6, $4  }
0x108: {  	v15 =	vxor.u32 v15, v7;
	v6 =	vshra.s32 v20, $0x1F;
	v7 =	vor.u32 $0x80000000, v9;
	[tilespmem:v4+s26+$0x0] =	vst.idx.add.s32.msk $0xffff, v2  }
0x109: {  	s3 =	simm.s32 $0x0;
	v10 =	vxor.u32 v16, v5;
	v4 =	vor.u32 $0x80000000, v6;
	v9 =	vxor.u32 v19, v7;
	[tilespmem:v11+s26+$0x0] =	vst.idx.add.s32.msk $0xffff, v2  }
0x10a: {  	v5 =	vshrl.u32 v17, $0x14;
	v7 =	vshrl.u32 v8, $0x14;
	v4 =	vxor.u32 v20, v4;
	[tilespmem:v12+s26+$0x0] =	vst.idx.add.s32.msk $0xffff, v2  }
0x10b: {  	s6 =	sadd.s32 $0x80, s6;
	v6 =	vshrl.u32 v14, $0x14;
	v8 =	vshrl.u32 v4, $0x14;
	v4 =	vshrl.u32 v15, $0x14;
	[tilespmem:v13+s26+$0x0] =	vst.idx.add.s32.msk $0xffff, v2  }
0x10c: {  	_ =	sdelay $0x3  }
0x10d: {  	v10 =	vshrl.u32 v10, $0x14;
	[tilespmem:v8+s26+$0x0] =	vst.idx.add.s32.msk $0xffff, v2  }
0x10e: {  	v8 =	vshrl.u32 v9, $0x14;
	[tilespmem:v7+s26+$0x0] =	vst.idx.add.s32.msk $0xffff, v2  }
0x10f: {  	[tilespmem:v5+s26+$0x0] =	vst.idx.add.s32.msk $0xffff, v2  }
0x110: {  	[tilespmem:v6+s26+$0x0] =	vst.idx.add.s32.msk $0xffff, v2  }
0x111: {  	[tilespmem:v4+s26+$0x0] =	vst.idx.add.s32.msk $0xffff, v2  }
0x112: {  	[tilespmem:v10+s26+$0x0] =	vst.idx.add.s32.msk $0xffff, v2  }
0x113: {  	[tilespmem:v8+s26+$0x0] =	vst.idx.add.s32.msk $0xffff, v2  }
0x114: {  	v4 =	vld [tilespmem:s4+$0x10];
	_ =	sdelay $0x1  }
0x115: {  	v5 =	vld [tilespmem:s4+$0xFFFFFFF0]  }
0x116: {  	v6 =	vld [tilespmem:s4+$0x0]  }
0x117: {  	v7 =	vld [tilespmem:s4+$0xFFFFFFE0]  }
0x118: {  	s22 =	simm.s32 $0x10060;
	(xrf0) =	vadd.scan.msk.s32 $0xffff, v4  }
0x119: {  	v11 =	vld [tilespmem:s22+$0x10]  }
0x11a: {  	s5 =	simm.s32 $0x1;
	s23 =	simm.s32 $0x2;
	(xrf0) =	vadd.scan.msk.s32 $0xffff, v5  }
0x11b: {  	v10 =	vmov s23;
	v9 =	vld [tilespmem:s22+$0xFFFFFFF0];
	v4 =	vmov s5;
	(xrf0) =	vadd.scan.msk.s32 $0xffff, v6  }
0x11c: {  	s24 =	simm.s32 $0x3;
	v8 =	vld [tilespmem:s22+$0x0];
	v5 =	vmov s3;
	v4 =	vand.u32 $0xFFFFFFFD, v4;
	v6 =	vand.u32 $0xFFFFFFFE, v10;
	(xrf0) =	vadd.scan.msk.s32 $0xffff, v7  }
0x11d: {  	s6 =	simm.s32 $0x4;
	v4 =	vbroadcast v4, $0x0;
	v12 =	vand.u32 $0xFFFFFFFC, v5;
	v10 =	vld [tilespmem:s22+$0xFFFFFFE0];
	v7 =	vmov s24  }
0x11e: {  	s7 =	simm.s32 $0x8;
	s9 =	simm.s32 $0x5;
	s8 =	simm.s32 $0x100A0;
	v5 =	vbroadcast v6, $0x0;
	v6 =	vbroadcast v12, $0x0;
	(xrf0) =	vadd.scan.msk.s32 $0xffff, v11;
	v11, _, _ =	vpop (xrf0)  }
.LBB2_16:
0x11f: {  	p1 =	slt.u32 s7, $0xFC  }
0x120: {  	v12 =	vld [tilespmem:s8+$0x10];
	v13 =	vmov s6;
	v14 =	vmov s9;
	s4 =	sadd.s32 $0x2, s6;
	(xrf0) =	vadd.scan.msk.s32 $0xffff, v9;
	v18 =	vbroadcast v11, $0xF;
	v15, _, _ =	vpop (xrf0);
	s9 =	smov.u32 s7;
	s7 =	sadd.s32 $0x4, s7  }
.Ltmp7:
0x121: {  	s5 =	simm.s32 $0x110F0;
	v9 =	vld [tilespmem:s8+$0xFFFFFFF0];
	v14 =	vand.u32 $0xFFFFFFFD, v14;
	v16 =	vmov s4;
	(xrf0) =	vadd.scan.msk.s32 $0xffff, v8;
	v15 =	vbroadcast v15, $0xF;
	v17, _, _ =	vpop (xrf0);
	(pc) =	sbr.rel @p1 .LBB2_16-.Ltmp7, $4  }
0x122: {  	s6 =	sadd.s32 $0x3, s6;
	p0 =	por $0x0, $0x0;
	s4 =	simm.s32 $0xF;
	v8 =	vld [tilespmem:s8+$0x0];
	v16 =	vand.u32 $0xFFFFFFFE, v16;
	(xrf0) =	vadd.scan.msk.s32 $0xffff, v10;
	v17 =	vbroadcast v17, $0xF;
	[tilespmem:v7+s28+$0x0] =	vst.idx.msk $0x1, v18;
	v11, _, _ =	vpop (xrf0)  }
0x123: {  	v7 =	vmov s6;
	s6 =	smov.u32 s9;
	v10 =	vld [tilespmem:s8+$0xFFFFFFE0];
	v18 =	vbroadcast v11, $0xF;
	[tilespmem:v4+s28+$0x0] =	vst.idx.msk $0x1, v15;
	v4 =	vbroadcast v14, $0x0  }
0x124: {  	v13 =	vand.u32 $0xFFFFFFFC, v13;
	[tilespmem:v5+s28+$0x0] =	vst.idx.msk $0x1, v17;
	v5 =	vbroadcast v16, $0x0  }
0x125: {  	s9 =	sadd.s32 $0x1, s6;
	s8 =	sadd.s32 $0x40, s8;
	(xrf0) =	vadd.scan.msk.s32 $0xffff, v12;
	v11, _, _ =	vpop (xrf0);
	[tilespmem:v6+s28+$0x0] =	vst.idx.msk $0x1, v18;
	v6 =	vbroadcast v13, $0x0  }
0x126: {  	_ =	sdelay $0x1  }
0x127: {  	(xrf0) =	vadd.scan.msk.s32 $0xffff, v9;
	v57 =	vmov s6;
	v12 =	vmov s9;
	s7 =	sadd.s32 $0x2, s6;
	v11 =	vbroadcast v11, $0xF;
	v13, _, _ =	vpop (xrf0)  }
0x128: {  	s12 =	sadd.s32 $0x3, s6;
	(xrf0) =	vadd.scan.msk.s32 $0xffff, v8;
	v58 =	vand.u32 $0xFFFFFFFD, v12;
	v59 =	vmov s7;
	v13 =	vbroadcast v13, $0xF;
	v60, _, _ =	vpop (xrf0)  }
0x129: {  	v14 =	vmov s12;
	(xrf0) =	vadd.scan.msk.s32 $0xffff, v10;
	v10 =	vbroadcast v60, $0xF;
	[tilespmem:v7+s28+$0x0] =	vst.idx.msk $0x1, v11;
	v7, _, _ =	vpop (xrf0)  }
0x12a: {  	v12 =	vand.u32 $0xFFFFFFFE, v59;
	v8 =	vbroadcast v58, $0x0;
	v7 =	vbroadcast v7, $0xF;
	v62, _, _ =	vpop (xrf0)  }
0x12b: {  	v9 =	vand.u32 $0xFFFFFFFC, v57;
	v61 =	vbroadcast v12, $0x0;
	[tilespmem:v5+s28+$0x0] =	vst.idx.msk $0x1, v10;
	v5 =	vbroadcast v62, $0xF  }
0x12c: {  	[tilespmem:v4+s28+$0x0] =	vst.idx.msk $0x1, v13;
	v4 =	vbroadcast v9, $0x0  }
0x12d: {  	v63, _, _ =	vpop (xrf0)  }
0x12e: {  	[tilespmem:v6+s28+$0x0] =	vst.idx.msk $0x1, v7;
	v6 =	vbroadcast v63, $0xF;
	v7, _, _ =	vpop (xrf0)  }
0x12f: {  	v7 =	vbroadcast v7, $0xF;
	[tilespmem:v14+s28+$0x0] =	vst.idx.msk $0x1, v5;
	v5, _, _ =	vpop (xrf0)  }
0x130: {  	[tilespmem:v8+s28+$0x0] =	vst.idx.msk $0x1, v6;
	v5 =	vbroadcast v5, $0xF  }
0x131: {  	[tilespmem:v61+s28+$0x0] =	vst.idx.msk $0x1, v7  }
0x132: {  	[tilespmem:v4+s28+$0x0] =	vst.idx.msk $0x1, v5  }
0x133: {  	v4 =	vld [tilespmem:s5+$0x0];
	_ =	sdelay $0x4  }
0x134: {  	(xrf0) =	vadd.scan.msk.s32 $0xffff, v4;
	_ =	sdelay $0x5  }
0x135: {  	v4, _, _ =	vpop (xrf0)  }
0x136: {  	(v2sf) =	vpush v4, $0xF  }
0x137: {  	s22 =	simm.s32 $0x110E0  }
0x138: {  	s23 =	simm.s32 $0x110D0;
	v4 =	vld [tilespmem:s22+$0x0]  }
0x139: {  	v5 =	vld [tilespmem:s23+$0x0];
	_ =	sdelay $0x3  }
0x13a: {  	(xrf0) =	vadd.scan.msk.s32 $0xffff, v4  }
0x13b: {  	(xrf0) =	vadd.scan.msk.s32 $0xffff, v5;
	_ =	sdelay $0x4  }
0x13c: {  	v5, _, _ =	vpop (xrf0)  }
0x13d: {  	(v2sf) =	vpush v5, $0xF;
	v5, _, _ =	vpop (xrf0)  }
0x13e: {  	s24 =	simm.s32 $0x110C0;
	s10 =	spop (v2sf);
	(v2sf) =	vpush v5, $0xF  }
0x13f: {  	v4 =	vld [tilespmem:s24+$0x0];
	_ =	sdelay $0x3  }
0x140: {  	s8 =	simm.s32 $0xE;
	s6 =	simm.s32 $0xB;
	s4 =	smov.u32 @p0 s3  }
0x141: {  	s9 =	simm.s32 $0x110B0;
	s7 =	simm.s32 $0xD;
	s5 =	simm.s32 $0xC;
	(xrf0) =	vadd.scan.msk.s32 $0xffff, v4  }
0x142: {  	s23 =	simm.s32 $0x0;
	s22 =	simm.s32 $0xA;
	v4 =	vld [tilespmem:s9+$0x0];
	s10 =	sadd.s32 $0x0, s10  }
.LBB2_18:
0x143: {  	s11 =	smov.u32 s23  }
0x144: {  	p1 =	sne.s32 s22, $0x0;
	p2 =	sgt.s32 s10, $0x3F;
	s23 =	smov.u32 s10  }
0x145: {  	s3 =	smov.u32 @p2 s4;
	p0 =	por p0, p2;
	s4 =	smov.u32 s8  }
.Ltmp8:
0x146: {  	s4 =	smov.u32 @p0 s3;
	s23 =	smov.u32 @p0 s11;
	(pc) =	sbr.rel @p1 .LBB2_18-.Ltmp8, $4  }
0x147: {  	s8 =	smov.u32 s7;
	s7 =	smov.u32 s5;
	s5 =	smov.u32 s6;
	v5, _, _ =	vpop (xrf0)  }
0x148: {  	s6 =	smov.u32 s22;
	(xrf0) =	vadd.scan.msk.s32 $0xffff, v4;
	(v2sf) =	vpush v5, $0xF  }
0x149: {  	s9 =	sadd.s32 $0xFFFFFFF0, s9;
	s10 =	spop (v2sf)  }
0x14a: {  	s22 =	sadd.s32 $0xFFFFFFFF, s22;
	v4 =	vld [tilespmem:s9+$0x0];
	s10 =	sadd.s32 s23, s10  }
0x14b: {  	_ =	sdelay $0x3  }
0x14c: {  	(xrf0) =	vadd.scan.msk.s32 $0xffff, v4;
	_ =	sdelay $0x1  }
0x14d: {  	v4, _, _ =	vpop (xrf0)  }
0x14e: {  	(v2sf) =	vpush v4, $0xF;
	_ =	sdelay $0x2  }
0x14f: {  	v4, _, _ =	vpop (xrf0)  }
0x150: {  	(v2sf) =	vpush v4, $0xF  }
0x151: {  	p1 =	sgt.s32 s10, $0x3F  }
0x152: {  	p0 =	por p0, p1  }
0x153: {  	s9 =	spop (v2sf);
	s10 =	smov.u32 @p0 s23  }
0x154: {  	s9 =	sadd.s32 s10, s9  }
0x155: {  	p2 =	sgt.s32 s9, $0x3F  }
0x156: {  	p3 =	por p0, p2  }
0x157: {  	s9 =	smov.u32 @p3 s10;
	s12 =	spop (v2sf)  }
0x158: {  	s3 =	smov.u32 @p1 s4;
	s4 =	sadd.s32 s9, s12  }
0x159: {  	s8 =	smov.u32 @p0 s3;
	p0 =	sgt.s32 s4, $0x3F  }
0x15a: {  	p1 =	por p3, p0  }
0x15b: {  	s3 =	smov.u32 @p2 s8;
	s4 =	smov.u32 @p1 s9;
	s22 =	spop (v2sf)  }
0x15c: {  	s7 =	smov.u32 @p3 s3;
	s8 =	sadd.s32 s4, s22  }
0x15d: {  	s3 =	smov.u32 @p0 s7;
	p0 =	sgt.s32 s8, $0x3F  }
0x15e: {  	s5 =	smov.u32 @p1 s3;
	p1 =	por p1, p0  }
0x15f: {  	s8 =	smov.u32 @p1 s4;
	s23 =	spop (v2sf)  }
0x160: {  	s3 =	smov.u32 @p0 s5;
	s4 =	sadd.s32 s8, s23  }
0x161: {  	s6 =	smov.u32 @p1 s3;
	p0 =	sgt.s32 s4, $0x3F  }
0x162: {  	s3 =	smov.u32 @p0 s6  }
0x163: {  	s3 =	sshll.u32 s3, $0x4  }
0x164: {  	v4 =	vld [tilespmem:s3+$0x11000];
	_ =	sdelay $0x4  }
0x165: {  	v4 =	vperm.xlane v4, v3;
	_ =	sdelay $0x1  }
0x166: {  	(xrf0) =	vadd.scan.msk.s32 $0xffff, v4;
	_ =	sdelay $0x4  }
0x167: {  	p0 =	por p1, p0  }
0x168: {  	s4 =	smov.u32 @p0 s8;
	v5, _, _ =	vpop (xrf0)  }
0x169: {  	v6 =	vadd.s32 s4, v5  }
0x16a: {  	vm0 =	vgt.s32 v6, $0x3F  }
0x16b: {  	v6 =	vmctz.xlane vm0;
	_ =	sdelay $0x1  }
0x16c: {  	v6 =	vxor.u32 $0x80000000, v6  }
0x16d: {  	(xrf0) =	vmax.scan.msk.u32 $0xffff, v6;
	_ =	sdelay $0x5  }
0x16e: {  	v6, _, _ =	vpop (xrf0)  }
0x16f: {  	(v2sf) =	vpush v6, $0xF;
	_ =	sdelay $0xe  }
0x170: {  	s24 =	spop (v2sf)  }
0x171: {  	s7 =	sxor.u32 $0x80000000, s24  }
0x172: {  	v6 =	vmov s7  }
0x173: {  	v4 =	vsub.s32 v5, v4;
	vm0 =	veq.s32 v6, v0  }
0x174: {  	v4 =	vnsel vm0, $0x0, v4  }
0x175: {  	(xrf0) =	vadd.scan.msk.s32 $0xffff, v4;
	_ =	sdelay $0x5  }
0x176: {  	v4, _, _ =	vpop (xrf0)  }
0x177: {  	(v2sf) =	vpush v4, $0xF  }
0x178: {  	s3 =	ssub.s32 s3, s24  }
0x179: {  	s3 =	sshll.u32 s3, $0x4  }
0x17a: {  	v4 =	vld [tilespmem:s3+$0x100F0];
	_ =	sdelay $0x4  }
0x17b: {  	v4 =	vperm.xlane v4, v3;
	_ =	sdelay $0x1  }
0x17c: {  	(xrf0) =	vadd.scan.msk.s32 $0xffff, v4;
	_ =	sdelay $0x4  }
0x17d: {  	s8 =	spop (v2sf)  }
0x17e: {  	v5, _, _ =	vpop (xrf0);
	s23 =	sadd.s32 s4, s8  }
0x17f: {  	v6 =	vadd.s32 s23, v5  }
0x180: {  	vm0 =	vgt.s32 v6, $0x3F  }
0x181: {  	v6 =	vmctz.xlane vm0;
	_ =	sdelay $0x1  }
0x182: {  	v6 =	vxor.u32 $0x80000000, v6  }
0x183: {  	(xrf0) =	vmax.scan.msk.u32 $0xffff, v6;
	_ =	sdelay $0x5  }
0x184: {  	v6, _, _ =	vpop (xrf0)  }
0x185: {  	(v2sf) =	vpush v6, $0xF;
	_ =	sdelay $0x6  }
0x186: {  	s9 =	simm.s32 $0x40  }
0x187: {  	v8 =	vld [tilespmem:s9+$0xFFFFFFC0]  }
0x188: {  	v9 =	vld [tilespmem:s9+$0x30]  }
0x189: {  	v13 =	vld [tilespmem:s9+$0xFFFFFFE0]  }
0x18a: {  	v14 =	vld [tilespmem:s9+$0xFFFFFFD0]  }
0x18b: {  	v11 =	vld [tilespmem:s9+$0x0]  }
0x18c: {  	v10 =	vld [tilespmem:s9+$0x20];
	_ =	sdelay $0x1  }
0x18d: {  	v15 =	vimm.s32 $0x0;
	v20 =	vld [tilespmem:s9+$0x10];
	v7 =	vshra.s32 v8, $0x1F;
	v17 =	vshra.s32 v9, $0x1F;
	s10 =	spop (v2sf)  }
0x18e: {  	v21 =	vshra.s32 v13, $0x1F;
	v22 =	vshra.s32 v14, $0x1F;
	v12 =	vor.u32 $0x80000000, v7;
	s24 =	sxor.u32 $0x80000000, s10  }
0x18f: {  	v17 =	vor.u32 $0x80000000, v17;
	v18 =	vxor.u32 v8, v12;
	v12 =	vshra.s32 v11, $0x1F;
	s3 =	ssub.s32 s3, s24  }
0x190: {  	v21 =	vor.u32 $0x80000000, v21;
	v8 =	vshra.s32 v10, $0x1F;
	v12 =	vor.u32 $0x80000000, v12;
	s3 =	sadd.s32 $0xFF, s3  }
0x191: {  	v9 =	vxor.u32 v9, v17;
	v24 =	vxor.u32 v11, v12;
	v11 =	vor.u32 $0x80000000, v22;
	s22 =	sshll.u32 s3, $0x14  }
0x192: {  	v16 =	vld [tilespmem:s9+$0xFFFFFFF0];
	v25 =	vxor.u32 v14, v11;
	v11 =	vshra.s32 v20, $0x1F;
	v6 =	vmov s22  }
0x193: {  	v19 =	vor.u32 $0x80000000, v8;
	v11 =	vor.u32 $0x80000000, v11;
	vm0 =	vge.u32 v24, v6  }
0x194: {  	vm3 =	vge.u32 v18, v6;
	vm7 =	vge.u32 v25, v6;
	v22 =	vsel vm0, $0x1, v1  }
0x195: {  	v11 =	vxor.u32 v20, v11;
	v8 =	vmpcnt.ones.xlane vm3;
	v14 =	vsel vm7, $0x1, v1;
	(xrf0) =	vadd.scan.msk.s32 $0xffff, v22  }
0x196: {  	v13 =	vxor.u32 v13, v21;
	vm6 =	vge.u32 v11, v6;
	v22 =	vsel vm3, $0x1, v1;
	(xrf0) =	vadd.scan.msk.s32 $0xffff, v14  }
0x197: {  	vm5 =	vge.u32 v13, v6;
	v23 =	vadd.s32 v15, v8;
	v8 =	vshra.s32 v16, $0x1F;
	(xrf0) =	vadd.scan.msk.s32 $0xffff, v22  }
0x198: {  	v17 =	vmpcnt.ones.xlane vm5;
	v14 =	vsel vm6, $0x1, v1;
	v8 =	vor.u32 $0x80000000, v8  }
0x199: {  	v8 =	vxor.u32 v16, v8;
	v16 =	vmpcnt.ones.xlane vm7;
	_ =	sdelay $0x1  }
0x19a: {  	(xrf0) =	vadd.scan.msk.s32 $0xffff, v14;
	v20 =	vadd.s32 v23, v16;
	v16 =	vsel vm5, $0x1, v1;
	v14, _, _ =	vpop (xrf0)  }
0x19b: {  	v10 =	vxor.u32 v10, v19;
	vm1 =	vge.u32 v9, v6;
	(xrf0) =	vadd.scan.msk.s32 $0xffff, v16;
	v26 =	vadd.s32 v20, v17;
	v17, _, _ =	vpop (xrf0)  }
0x19c: {  	vm4 =	vge.u32 v10, v6;
	vm2 =	vge.u32 v8, v6;
	v17 =	vadd.s32 v17, v23;
	v23, _, _ =	vpop (xrf0)  }
0x19d: {  	v21 =	vmpcnt.ones.xlane vm0;
	v22 =	vmpcnt.ones.xlane vm2;
	v15 =	vadd.s32 v23, v15  }
0x19e: {  	v19 =	vsel vm2, $0x1, v1;
	v16 =	vsel vm4, $0x1, v1;
	v15 =	vadd.s32 $0xFFFFFFFF, v15  }
0x19f: {  	(xrf0) =	vadd.scan.msk.s32 $0xffff, v19;
	v22 =	vadd.s32 v26, v22;
	v19 =	vsel vm1, $0x1, v1;
	v17 =	vadd.s32 $0xFFFFFFFF, v17  }
0x1a0: {  	v14 =	vadd.s32 v14, v22;
	(xrf0) =	vadd.scan.msk.s32 $0xffff, v19;
	v23, _, _ =	vpop (xrf0);
	vm8 =	vlt.s32 v17, $0x1FF;
	vm9 =	vlt.s32 v15, $0x1FF  }
0x1a1: {  	v14 =	vadd.s32 $0xFFFFFFFF, v14;
	(xrf0) =	vadd.scan.msk.s32 $0xffff, v16;
	v16 =	vnsel vm8, $0x1FF, v17;
	v17 =	vnsel vm9, $0x1FF, v15;
	v15, _, _ =	vpop (xrf0)  }
0x1a2: {  	s11 =	simm.s32 $0x10;
	v15 =	vadd.s32 v15, v20;
	v20 =	vadd.s32 v22, v21;
	v21 =	vmpcnt.ones.xlane vm4  }
0x1a3: {  	s12 =	simm.s32 $0x0;
	v7 =	vor.u32 s11, v0;
	v27 =	vmpcnt.ones.xlane vm6;
	vm8 =	vlt.s32 v14, $0x1FF  }
0x1a4: {  	v12 =	vor.u32 s12, v0;
	v19 =	vmpcnt.ones.xlane vm1;
	v14 =	vnsel vm8, $0x1FF, v14  }
0x1a5: {  	v22, _, _ =	vpop (xrf0);
	v15 =	vadd.s32 $0xFFFFFFFF, v15;
	v23 =	vadd.s32 v23, v20;
	v27 =	vadd.s32 v20, v27  }
0x1a6: {  	vm8 =	vlt.s32 v15, $0x1FF;
	v20 =	vadd.s32 $0xFFFFFFFF, v23;
	v23 =	vadd.s32 v27, v21;
	v21, _, _ =	vpop (xrf0)  }
0x1a7: {  	[tilespmem:v16+s29+$0x0] =	vst.idx.msk vm7, v25;
	v15 =	vnsel vm8, $0x1FF, v15;
	vm8 =	vlt.s32 v20, $0x1FF;
	v21 =	vadd.s32 v21, v23;
	v63, _, _ =	vpop (xrf0)  }
0x1a8: {  	s5 =	simm.s32 $0x70;
	s6 =	simm.s32 $0x0;
	[tilespmem:v17+s29+$0x0] =	vst.idx.msk vm3, v18;
	v20 =	vnsel vm8, $0x1FF, v20;
	v25 =	vadd.s32 v63, v27;
	v18 =	vadd.s32 $0xFFFFFFFF, v21  }
0x1a9: {  	s7 =	simm.s32 $0xF0;
	s4 =	simm.s32 $0x30;
	s8 =	simm.s32 $0xC0;
	v22 =	vadd.s32 v22, v26;
	[tilespmem:v14+s29+$0x0] =	vst.idx.msk vm0, v24;
	v21 =	vadd.s32 $0xFFFFFFFF, v25;
	vm8 =	vlt.s32 v18, $0x1FF  }
.LBB2_20:
0x1aa: {  	v24 =	vld [tilespmem:s8+$0xFFFFFFC0];
	s9 =	sadd.s32 $0xFFFFFFA0, s7;
	s10 =	sadd.s32 $0xFFFFFFC0, s7;
	s6 =	sadd.s32 $0x8, s6;
	[tilespmem:v17+s30+$0x0] =	vst.idx.msk vm3, v12;
	v17 =	vadd.s32 v23, v19  }
0x1ab: {  	v19 =	vld [tilespmem:s8+$0x30];
	p0 =	slt.u32 s6, $0x7F8;
	[tilespmem:v16+s30+$0x0] =	vst.idx.msk vm7, v7;
	v7 =	vor.u32 s9, v0;
	v16 =	vor.u32 s4, v0;
	s9 =	sadd.s32 $0xFFFFFFF0, s5;
	s4 =	smov.u32 s10  }
0x1ac: {  	s11 =	sadd.s32 $0xFFFFFFE0, s5;
	s10 =	sadd.s32 $0xFFFFFFD0, s5;
	v23 =	vld [tilespmem:s8+$0x20];
	[tilespmem:v15+s29+$0x0] =	vst.idx.msk vm5, v13;
	v12 =	vor.u32 s9, v0;
	v13 =	vor.u32 s5, v0  }
0x1ad: {  	v27 =	vor.u32 s11, v0;
	s9 =	sadd.s32 $0xFFFFFFB0, s5;
	v26 =	vor.u32 s10, v0;
	s5 =	smov.u32 s7;
	v25 =	vld [tilespmem:s8+$0x0];
	[tilespmem:v20+s29+$0x0] =	vst.idx.msk vm6, v11  }
0x1ae: {  	v22 =	vadd.s32 $0xFFFFFFFF, v22;
	vm3 =	vlt.s32 v21, $0x1FF;
	v11 =	vor.u32 s9, v0;
	v28 =	vld [tilespmem:s8+$0xFFFFFFE0];
	[tilespmem:v20+s30+$0x0] =	vst.idx.msk vm6, v27  }
0x1af: {  	v18 =	vnsel vm8, $0x1FF, v18;
	v21 =	vnsel vm3, $0x1FF, v21;
	v20 =	vshra.s32 v24, $0x1F;
	v27 =	vld [tilespmem:s8+$0xFFFFFFD0]  }
0x1b0: {  	vm3 =	vlt.s32 v22, $0x1FF;
	v20 =	vor.u32 $0x80000000, v20;
	v29 =	vld [tilespmem:s8+$0xFFFFFFF0];
	v30 =	vshra.s32 v19, $0x1F  }
0x1b1: {  	v20 =	vxor.u32 v24, v20;
	v24 =	vshra.s32 v23, $0x1F;
	[tilespmem:v15+s30+$0x0] =	vst.idx.msk vm5, v11;
	v11 =	vnsel vm3, $0x1FF, v22  }
0x1b2: {  	vm3 =	vge.u32 v20, v6;
	v15 =	vshra.s32 v25, $0x1F;
	v22 =	vor.u32 $0x80000000, v24  }
0x1b3: {  	v24 =	vmpcnt.ones.xlane vm3;
	v31 =	vshra.s32 v28, $0x1F;
	v15 =	vor.u32 $0x80000000, v15;
	v32 =	vld [tilespmem:s8+$0x10];
	[tilespmem:v14+s30+$0x0] =	vst.idx.msk vm0, v26  }
0x1b4: {  	v14 =	vshra.s32 v27, $0x1F;
	v25 =	vxor.u32 v25, v15;
	v15 =	vor.u32 $0x80000000, v30;
	[tilespmem:v21+s29+$0x0] =	vst.idx.msk vm4, v10  }
0x1b5: {  	v24 =	vadd.s32 v17, v24;
	v10 =	vshra.s32 v29, $0x1F;
	vm0 =	vge.u32 v25, v6;
	[tilespmem:v21+s30+$0x0] =	vst.idx.msk vm4, v12  }
0x1b6: {  	s9 =	sadd.s32 $0xFFFFFF90, s7;
	v14 =	vor.u32 $0x80000000, v14;
	v10 =	vor.u32 $0x80000000, v10;
	v21 =	vsel vm0, $0x1, v1;
	[tilespmem:v11+s29+$0x0] =	vst.idx.msk vm2, v8  }
0x1b7: {  	v12 =	vor.u32 s9, v0;
	v26 =	vxor.u32 v27, v14;
	v8 =	vxor.u32 v29, v10;
	[tilespmem:v18+s29+$0x0] =	vst.idx.msk vm1, v9  }
0x1b8: {  	vm7 =	vge.u32 v26, v6;
	v9 =	vshra.s32 v32, $0x1F;
	(xrf0) =	vadd.scan.msk.s32 $0xffff, v21;
	[tilespmem:v18+s30+$0x0] =	vst.idx.msk vm1, v13  }
0x1b9: {  	v10 =	vsel vm7, $0x1, v1;
	v13 =	vmpcnt.ones.xlane vm7;
	v9 =	vor.u32 $0x80000000, v9;
	[tilespmem:v11+s30+$0x0] =	vst.idx.msk vm2, v16  }
0x1ba: {  	v14 =	vsel vm3, $0x1, v1;
	v16 =	vor.u32 $0x80000000, v31;
	v11 =	vxor.u32 v32, v9;
	(xrf0) =	vadd.scan.msk.s32 $0xffff, v10  }
0x1bb: {  	v18 =	vadd.s32 v24, v13;
	v9 =	vxor.u32 v19, v15;
	vm6 =	vge.u32 v11, v6;
	(xrf0) =	vadd.scan.msk.s32 $0xffff, v14  }
0x1bc: {  	v13 =	vxor.u32 v28, v16;
	v10 =	vxor.u32 v23, v22;
	v14 =	vsel vm6, $0x1, v1  }
0x1bd: {  	v15 =	vmpcnt.ones.xlane vm0;
	vm5 =	vge.u32 v13, v6;
	vm1 =	vge.u32 v9, v6  }
0x1be: {  	vm2 =	vge.u32 v8, v6;
	v16 =	vsel vm5, $0x1, v1;
	v28 =	vmpcnt.ones.xlane vm5;
	v21, _, _ =	vpop (xrf0);
	(xrf0) =	vadd.scan.msk.s32 $0xffff, v14  }
0x1bf: {  	v22 =	vmpcnt.ones.xlane vm2;
	vm4 =	vge.u32 v10, v6;
	v14 =	vsel vm2, $0x1, v1;
	(xrf0) =	vadd.scan.msk.s32 $0xffff, v16  }
0x1c0: {  	v23 =	vmpcnt.ones.xlane vm6;
	v27 =	vadd.s32 v18, v28;
	v16 =	vsel vm4, $0x1, v1;
	v19, _, _ =	vpop (xrf0);
	(xrf0) =	vadd.scan.msk.s32 $0xffff, v14  }
0x1c1: {  	v22 =	vadd.s32 v27, v22;
	v14 =	vadd.s32 v19, v24;
	v19 =	vsel vm1, $0x1, v1;
	v24, _, _ =	vpop (xrf0)  }
0x1c2: {  	v17 =	vadd.s32 v24, v17;
	v14 =	vadd.s32 $0xFFFFFFFF, v14;
	v24 =	vadd.s32 v21, v22;
	(xrf0) =	vadd.scan.msk.s32 $0xffff, v19  }
0x1c3: {  	v17 =	vadd.s32 $0xFFFFFFFF, v17;
	vm8 =	vlt.s32 v14, $0x1FF;
	v19 =	vadd.s32 $0xFFFFFFFF, v24;
	(xrf0) =	vadd.scan.msk.s32 $0xffff, v16  }
0x1c4: {  	vm9 =	vlt.s32 v17, $0x1FF;
	v16 =	vnsel vm8, $0x1FF, v14;
	vm8 =	vlt.s32 v19, $0x1FF;
	v21, _, _ =	vpop (xrf0)  }
0x1c5: {  	v17 =	vnsel vm9, $0x1FF, v17;
	v14 =	vnsel vm8, $0x1FF, v19;
	v19 =	vmpcnt.ones.xlane vm1;
	v24, _, _ =	vpop (xrf0)  }
0x1c6: {  	v29 =	vmpcnt.ones.xlane vm4;
	v15 =	vadd.s32 v22, v15;
	v18 =	vadd.s32 v24, v18;
	v24, _, _ =	vpop (xrf0)  }
.Ltmp9:
0x1c7: {  	v28 =	vadd.s32 v15, v23;
	v21 =	vadd.s32 v21, v15;
	v18 =	vadd.s32 $0xFFFFFFFF, v18;
	(pc) =	sbr.rel @p0 .LBB2_20-.Ltmp9, $4  }
0x1c8: {  	v23 =	vadd.s32 v28, v29;
	v21 =	vadd.s32 $0xFFFFFFFF, v21;
	vm8 =	vlt.s32 v18, $0x1FF;
	v22, _, _ =	vpop (xrf0)  }
0x1c9: {  	[tilespmem:v16+s29+$0x0] =	vst.idx.msk vm7, v26;
	v15 =	vnsel vm8, $0x1FF, v18;
	vm8 =	vlt.s32 v21, $0x1FF;
	v18 =	vadd.s32 v22, v23;
	v22, _, _ =	vpop (xrf0)  }
0x1ca: {  	[tilespmem:v17+s29+$0x0] =	vst.idx.msk vm3, v20;
	v20 =	vnsel vm8, $0x1FF, v21;
	v21 =	vadd.s32 v22, v28;
	v18 =	vadd.s32 $0xFFFFFFFF, v18  }
0x1cb: {  	s7 =	sadd.s32 $0x80, s7;
	s8 =	sadd.s32 $0x80, s8;
	s9 =	simm.s32 $0x10040;
	v22 =	vadd.s32 v24, v27;
	[tilespmem:v14+s29+$0x0] =	vst.idx.msk vm0, v25;
	v21 =	vadd.s32 $0xFFFFFFFF, v21;
	vm8 =	vlt.s32 v18, $0x1FF  }
0x1cc: {  	_ =	sdelay $0x4  }
0x1cd: {  	[tilespmem:v17+s30+$0x0] =	vst.idx.msk vm3, v12  }
0x1ce: {  	[tilespmem:v16+s30+$0x0] =	vst.idx.msk vm7, v7  }
0x1cf: {  	vm14 =	vlt.s32 v21, $0x1FF;
	[tilespmem:v15+s29+$0x0] =	vst.idx.msk vm5, v13;
	s6 =	sadd.s32 $0xFFFFFFE0, s5;
	v61 =	vnsel vm8, $0x1FF, v18  }
0x1d0: {  	v6 =	vadd.s32 $0xFFFFFFFF, v22;
	s7 =	sadd.s32 $0xFFFFFFB0, s5;
	[tilespmem:v20+s29+$0x0] =	vst.idx.msk vm6, v11;
	v7 =	vnsel vm14, $0x1FF, v21;
	v58 =	vor.u32 s6, v0  }
0x1d1: {  	s11 =	sadd.s32 $0xFFFFFFD0, s5;
	vm15 =	vlt.s32 v6, $0x1FF;
	v59 =	vor.u32 s7, v0;
	[tilespmem:v20+s30+$0x0] =	vst.idx.msk vm6, v58  }
0x1d2: {  	v60 =	vor.u32 s11, v0;
	v6 =	vnsel vm15, $0x1FF, v6;
	[tilespmem:v15+s30+$0x0] =	vst.idx.msk vm5, v59  }
0x1d3: {  	[tilespmem:v14+s30+$0x0] =	vst.idx.msk vm0, v60  }
0x1d4: {  	s12 =	sadd.s32 $0xFFFFFFF0, s5;
	[tilespmem:v61+s29+$0x0] =	vst.idx.msk vm1, v9  }
0x1d5: {  	v62 =	vor.u32 s12, v0;
	[tilespmem:v7+s29+$0x0] =	vst.idx.msk vm4, v10  }
0x1d6: {  	[tilespmem:v7+s30+$0x0] =	vst.idx.msk vm4, v62  }
0x1d7: {  	[tilespmem:v6+s29+$0x0] =	vst.idx.msk vm2, v8;
	v7 =	vor.u32 s5, v0  }
0x1d8: {  	v63 =	vor.u32 s4, v0;
	[tilespmem:v61+s30+$0x0] =	vst.idx.msk vm1, v7  }
0x1d9: {  	[tilespmem:v6+s30+$0x0] =	vst.idx.msk vm2, v63  }
0x1da: {  	[tilespmem:s9+$0xFFFFFFC0] =	vst v1  }
0x1db: {  	[tilespmem:s9+$0x30] =	vst v1  }
0x1dc: {  	[tilespmem:s9+$0x20] =	vst v1  }
0x1dd: {  	[tilespmem:s9+$0x10] =	vst v1  }
0x1de: {  	[tilespmem:s9+$0x0] =	vst v1  }
0x1df: {  	[tilespmem:s9+$0xFFFFFFF0] =	vst v1  }
0x1e0: {  	s4 =	simm.s32 $0x0;
	[tilespmem:s9+$0xFFFFFFE0] =	vst v1  }
.LBB2_22:
0x1e1: {  	s4 =	sadd.s32 $0x8, s4;
	[tilespmem:s9+$0xFFFFFFD0] =	vst v1;
	s9 =	sadd.s32 $0x80, s9  }
0x1e2: {  	[tilespmem:s9+$0xFFFFFFC0] =	vst v1;
	p0 =	slt.u32 s4, $0xF8  }
0x1e3: {  	[tilespmem:s9+$0x30] =	vst v1  }
.Ltmp10:
0x1e4: {  	[tilespmem:s9+$0x20] =	vst v1;
	(pc) =	sbr.rel @p0 .LBB2_22-.Ltmp10, $4  }
0x1e5: {  	[tilespmem:s9+$0x10] =	vst v1  }
0x1e6: {  	[tilespmem:s9+$0x0] =	vst v1  }
0x1e7: {  	[tilespmem:s9+$0xFFFFFFF0] =	vst v1  }
0x1e8: {  	[tilespmem:s9+$0xFFFFFFE0] =	vst v1  }
0x1e9: {  	[tilespmem:s9+$0xFFFFFFD0] =	vst v1;
	s4 =	simm.s32 $0x11120  }
0x1ea: {  	v7 =	vld [tilespmem:s4+$0x10]  }
0x1eb: {  	v8 =	vld [tilespmem:s4+$0xFFFFFFE0]  }
0x1ec: {  	v10 =	vld [tilespmem:s4+$0xFFFFFFF0]  }
0x1ed: {  	v11 =	vld [tilespmem:s4+$0x0];
	_ =	sdelay $0x1  }
0x1ee: {  	v6 =	vmov s3;
	s12 =	simm.s32 $0x11160;
	v9 =	vshrl.u32 v7, $0x14;
	v7 =	vshrl.u32 v7, $0x8  }
0x1ef: {  	v13 =	vld [tilespmem:s12+$0x10];
	vm1 =	veq.s32 v9, v6;
	v9 =	vshrl.u32 v8, $0x14;
	v12 =	vand.u32 $0xFFF, v7  }
0x1f0: {  	v14 =	vld [tilespmem:s12+$0xFFFFFFF0];
	v7 =	vshrl.u32 v8, $0x8;
	v8 =	vshrl.u32 v10, $0x14;
	vm3 =	veq.s32 v9, v6  }
0x1f1: {  	v9 =	vld [tilespmem:s12+$0x0];
	v15 =	vand.u32 $0xFFF, v7;
	v7 =	vshrl.u32 v10, $0x8;
	v10 =	vshrl.u32 v11, $0x14  }
0x1f2: {  	vm2 =	veq.s32 v10, v6;
	v10 =	vld [tilespmem:s12+$0xFFFFFFE0]  }
0x1f3: {  	v11 =	vshrl.u32 v11, $0x8;
	vm0 =	veq.s32 v8, v6;
	v7 =	vand.u32 $0xFFF, v7  }
0x1f4: {  	v8 =	vand.u32 $0xFFF, v11;
	v11 =	vshrl.u32 v13, $0x14;
	vm0 =	vmmov vm0  }
0x1f5: {  	[tilespmem:v12+s26+$0x0] =	vst.idx.add.s32.msk vm1, v2;
	v12 =	vshrl.u32 v14, $0x14;
	vm1 =	veq.s32 v11, v6;
	v11 =	vshrl.u32 v13, $0x8  }
0x1f6: {  	s3 =	simm.s32 $0x4;
	s4 =	simm.s32 $0x111A0;
	v13 =	vshrl.u32 v14, $0x8;
	v14 =	vshrl.u32 v9, $0x14;
	v11 =	vand.u32 $0xFFF, v11;
	[tilespmem:v15+s26+$0x0] =	vst.idx.add.s32.msk vm3, v2  }
.LBB2_24:
0x1f7: {  	v16 =	vshrl.u32 v10, $0x14  }
0x1f8: {  	v15 =	vld [tilespmem:s4+$0x10];
	s3 =	sadd.s32 $0x4, s3;
	v10 =	vshrl.u32 v10, $0x8;
	v17 =	vshrl.u32 v9, $0x8;
	vm3 =	vmmov vm2  }
0x1f9: {  	vm5 =	veq.s32 v12, v6;
	vm2 =	veq.s32 v14, v6;
	v18 =	vld [tilespmem:s4+$0xFFFFFFF0];
	p0 =	slt.u32 s3, $0x1C;
	vm4 =	veq.s32 v16, v6  }
0x1fa: {  	v12 =	vand.u32 $0xFFF, v13;
	v16 =	vand.u32 $0xFFF, v10;
	v13 =	vand.u32 $0xFFF, v17;
	v9 =	vld [tilespmem:s4+$0x0]  }
.Ltmp11:
0x1fb: {  	v10 =	vld [tilespmem:s4+$0xFFFFFFE0];
	(pc) =	sbr.rel @p0 .LBB2_24-.Ltmp11, $4  }
0x1fc: {  	[tilespmem:v11+s26+$0x0] =	vst.idx.add.s32.msk vm1, v2  }
0x1fd: {  	v11 =	vshrl.u32 v15, $0x14;
	[tilespmem:v7+s26+$0x0] =	vst.idx.add.s32.msk vm0, v2;
	v7 =	vmov v12;
	vm0 =	vmmov vm5  }
0x1fe: {  	v12 =	vshrl.u32 v18, $0x14;
	vm1 =	veq.s32 v11, v6;
	v11 =	vshrl.u32 v15, $0x8;
	[tilespmem:v8+s26+$0x0] =	vst.idx.add.s32.msk vm3, v2;
	v8 =	vmovc v13  }
0x1ff: {  	s4 =	sadd.s32 $0x40, s4;
	v13 =	vshrl.u32 v18, $0x8;
	v14 =	vshrl.u32 v9, $0x14;
	v11 =	vand.u32 $0xFFF, v11;
	[tilespmem:v16+s26+$0x0] =	vst.idx.add.s32.msk vm4, v2  }
0x200: {  	_ = 	snop  }
0x201: {  	v15 =	vshrl.u32 v10, $0x14;
	vm2 =	vmmov vm2  }
0x202: {  	v10 =	vshrl.u32 v10, $0x8;
	vm4 =	veq.s32 v12, v6;
	vm3 =	veq.s32 v15, v6  }
0x203: {  	vm5 =	veq.s32 v14, v6;
	v6 =	vand.u32 $0xFFF, v10;
	vm4 =	vmmov vm4  }
0x204: {  	v9 =	vshrl.u32 v9, $0x8;
	v10 =	vand.u32 $0xFFF, v13;
	vm5 =	vmmov vm5  }
0x205: {  	[tilespmem:v11+s26+$0x0] =	vst.idx.add.s32.msk vm1, v2;
	v9 =	vand.u32 $0xFFF, v9  }
0x206: {  	[tilespmem:v7+s26+$0x0] =	vst.idx.add.s32.msk vm0, v2  }
0x207: {  	[tilespmem:v8+s26+$0x0] =	vst.idx.add.s32.msk vm2, v2  }
0x208: {  	[tilespmem:v6+s26+$0x0] =	vst.idx.add.s32.msk vm3, v2  }
0x209: {  	[tilespmem:v10+s26+$0x0] =	vst.idx.add.s32.msk vm4, v2  }
0x20a: {  	s5 =	simm.s32 $0x10020;
	[tilespmem:v9+s26+$0x0] =	vst.idx.add.s32.msk vm5, v2  }
0x20b: {  	p1 =	por $0x1, $0x1;
	v9 =	vld [tilespmem:s5+$0x10]  }
.Ltmp12:
0x20c: {  	_ = 	snop;
	(pc) =	sbr.rel @!p1 .LBB2_26-.Ltmp12, $4  }
0x20d: {  	_ = 	snop  }
0x20e: {  	v8 =	vld [tilespmem:s5+$0xFFFFFFF0]  }
0x20f: {  	s3 =	simm.s32 $0x0;
	s4 =	simm.s32 $0x4;
	v7 =	vld [tilespmem:s5+$0x0]  }
0x210: {  	s7 =	simm.s32 $0x1;
	s6 =	simm.s32 $0x10060;
	p0 =	por $0x0, $0x0;
	v6 =	vld [tilespmem:s5+$0xFFFFFFE0];
	(xrf0) =	vadd.scan.msk.s32 $0xffff, v9  }
0x211: {  	_ = 	snop  }
0x212: {  	v11 =	vld [tilespmem:s6+$0x10];
	s5 =	simm.s32 $0x2;
	p2 =	por $0x1, $0x1  }
.Ltmp13:
0x213: {  	v12 =	vmov s5;
	(xrf0) =	vadd.scan.msk.s32 $0xffff, v8;
	(pc) =	sbr.rel @!p2 .LBB2_28-.Ltmp13, $4  }
0x214: {  	v9 =	vmov s7;
	v8 =	vld [tilespmem:s6+$0xFFFFFFF0];
	v13 =	vand.u32 $0xFFFFFFFE, v12;
	(xrf0) =	vadd.scan.msk.s32 $0xffff, v7  }
0x215: {  	v10 =	vmov s3;
	s12 =	simm.s32 $0x3;
	v9 =	vand.u32 $0xFFFFFFFD, v9;
	v7 =	vld [tilespmem:s6+$0x0];
	(xrf0) =	vadd.scan.msk.s32 $0xffff, v6  }
0x216: {  	s7 =	simm.s32 $0x5;
	v14 =	vand.u32 $0xFFFFFFFC, v10;
	v9 =	vbroadcast v9, $0x0;
	v12 =	vmov s12;
	v6 =	vld [tilespmem:s6+$0xFFFFFFE0]  }
0x217: {  	p1 =	por $0x1, $0x1;
	s5 =	simm.s32 $0x8;
	v10 =	vbroadcast v13, $0x0;
	s6 =	simm.s32 $0x100A0;
	(xrf0) =	vadd.scan.msk.s32 $0xffff, v11;
	v11 =	vbroadcast v14, $0x0;
	v13, _, _ =	vpop (xrf0)  }
.LBB2_29:
0x218: {  	p2 =	slt.u32 s5, $0xFC  }
0x219: {  	v14 =	vld [tilespmem:s6+$0x10];
	v15 =	vmov s4;
	v16 =	vmov s7;
	s7 =	sadd.s32 $0x2, s4;
	(xrf0) =	vadd.scan.msk.s32 $0xffff, v8;
	v20 =	vbroadcast v13, $0xF;
	v17, _, _ =	vpop (xrf0);
	s8 =	smov.u32 s5;
	s5 =	sadd.s32 $0x4, s5  }
.Ltmp14:
0x21a: {  	v8 =	vld [tilespmem:s6+$0xFFFFFFF0];
	v16 =	vand.u32 $0xFFFFFFFD, v16;
	v18 =	vmov s7;
	(xrf0) =	vadd.scan.msk.s32 $0xffff, v7;
	v17 =	vbroadcast v17, $0xF;
	v19, _, _ =	vpop (xrf0);
	(pc) =	sbr.rel @p2 .LBB2_29-.Ltmp14, $4  }
0x21b: {  	s7 =	sadd.s32 $0x3, s4;
	s4 =	smov.u32 s8;
	v7 =	vld [tilespmem:s6+$0x0];
	v18 =	vand.u32 $0xFFFFFFFE, v18;
	(xrf0) =	vadd.scan.msk.s32 $0xffff, v6;
	v19 =	vbroadcast v19, $0xF;
	[tilespmem:v12+s28+$0x0] =	vst.idx.msk $0x1, v20;
	v13, _, _ =	vpop (xrf0)  }
0x21c: {  	v12 =	vmov s7;
	v6 =	vld [tilespmem:s6+$0xFFFFFFE0];
	v20 =	vbroadcast v13, $0xF;
	[tilespmem:v9+s28+$0x0] =	vst.idx.msk $0x1, v17;
	v9 =	vbroadcast v16, $0x0  }
0x21d: {  	v15 =	vand.u32 $0xFFFFFFFC, v15;
	[tilespmem:v10+s28+$0x0] =	vst.idx.msk $0x1, v19;
	v10 =	vbroadcast v18, $0x0  }
0x21e: {  	s7 =	sadd.s32 $0x1, s4;
	s6 =	sadd.s32 $0x40, s6;
	(xrf0) =	vadd.scan.msk.s32 $0xffff, v14;
	v13, _, _ =	vpop (xrf0);
	[tilespmem:v11+s28+$0x0] =	vst.idx.msk $0x1, v20;
	v11 =	vbroadcast v15, $0x0  }
0x21f: {  	_ = 	snop  }
.LBB2_31:
0x220: {  	_ = 	snop  }
0x221: {  	(xrf0) =	vadd.scan.msk.s32 $0xffff, v8  }
0x222: {  	v14 =	vmov s7;
	v13 =	vbroadcast @p1 v13, $0xF;
	v15, _, _ =	vpop @p1 (xrf0);
	(xrf0) =	vadd.scan.msk.s32 $0xffff, v7  }
0x223: {  	v58 =	vmov s4;
	s5 =	sadd.s32 $0x2, s4;
	v7 =	vand.u32 $0xFFFFFFFD, v14;
	(xrf0) =	vadd.scan.msk.s32 $0xffff, v6;
	v6, _, _ =	vpop @p1 (xrf0)  }
0x224: {  	s7 =	sadd.s32 $0x3, s4;
	v59 =	vmov s5;
	v15 =	vbroadcast @p1 v15, $0xF;
	[tilespmem:v12+s28+$0x0] =	vst.idx.msk @p1 $0x1, v13;
	v6 =	vbroadcast @p1 v6, $0xF;
	v12, _, _ =	vpop @p1 (xrf0)  }
0x225: {  	v16 =	vmov s7;
	v14 =	vand.u32 $0xFFFFFFFE, v59;
	v7 =	vbroadcast v7, $0x0;
	v61, _, _ =	vpop (xrf0)  }
0x226: {  	v8 =	vand.u32 $0xFFFFFFFC, v58;
	v60 =	vbroadcast v14, $0x0;
	[tilespmem:v10+s28+$0x0] =	vst.idx.msk @p1 $0x1, v6;
	v6 =	vbroadcast v61, $0xF  }
0x227: {  	v8 =	vbroadcast v8, $0x0;
	v12 =	vbroadcast @p1 v12, $0xF  }
0x228: {  	[tilespmem:v9+s28+$0x0] =	vst.idx.msk @p1 $0x1, v15;
	v62, _, _ =	vpop (xrf0)  }
0x229: {  	[tilespmem:v11+s28+$0x0] =	vst.idx.msk @p1 $0x1, v12;
	v9 =	vbroadcast v62, $0xF;
	v63, _, _ =	vpop (xrf0)  }
0x22a: {  	[tilespmem:v16+s28+$0x0] =	vst.idx.msk $0x1, v6;
	v10 =	vbroadcast v63, $0xF;
	v6, _, _ =	vpop (xrf0)  }
0x22b: {  	[tilespmem:v7+s28+$0x0] =	vst.idx.msk $0x1, v9;
	v6 =	vbroadcast v6, $0xF  }
0x22c: {  	[tilespmem:v60+s28+$0x0] =	vst.idx.msk $0x1, v10  }
0x22d: {  	s8 =	simm.s32 $0x110F0;
	[tilespmem:v8+s28+$0x0] =	vst.idx.msk $0x1, v6  }
0x22e: {  	v4 =	vsub.s32 v5, v4;
	v5 =	vld [tilespmem:s8+$0x0]  }
0x22f: {  	v7 =	vmov s24  }
0x230: {  	vm0 =	veq.s32 v7, v0  }
0x231: {  	v4 =	vnsel vm0, $0x0, v4  }
0x232: {  	(xrf0) =	vadd.scan.msk.s32 $0xffff, v4  }
0x233: {  	(xrf0) =	vadd.scan.msk.s32 $0xffff, v5;
	_ =	sdelay $0x4  }
0x234: {  	v4, _, _ =	vpop (xrf0)  }
0x235: {  	(v2sf) =	vpush v4, $0xF;
	v4, _, _ =	vpop (xrf0)  }
0x236: {  	(v2sf) =	vpush v4, $0xF  }
0x237: {  	s9 =	simm.s32 $0x110E0  }
0x238: {  	s10 =	simm.s32 $0x110D0;
	v4 =	vld [tilespmem:s9+$0x0]  }
0x239: {  	v5 =	vld [tilespmem:s10+$0x0];
	_ =	sdelay $0x3  }
0x23a: {  	(xrf0) =	vadd.scan.msk.s32 $0xffff, v4  }
0x23b: {  	(xrf0) =	vadd.scan.msk.s32 $0xffff, v5;
	_ =	sdelay $0x4  }
0x23c: {  	v5, _, _ =	vpop (xrf0)  }
0x23d: {  	s12 =	spop (v2sf);
	(v2sf) =	vpush v5, $0xF;
	v5, _, _ =	vpop (xrf0)  }
0x23e: {  	s11 =	simm.s32 $0x110C0;
	s10 =	spop (v2sf);
	(v2sf) =	vpush v5, $0xF  }
0x23f: {  	v4 =	vld [tilespmem:s11+$0x0];
	_ =	sdelay $0x2  }
0x240: {  	s6 =	simm.s32 $0xB;
	s7 =	simm.s32 $0xD;
	s5 =	simm.s32 $0xC  }
0x241: {  	s8 =	simm.s32 $0xE;
	s9 =	simm.s32 $0xF;
	s24 =	sadd.s32 s12, s23  }
0x242: {  	s9 =	smov.u32 @p0 s3;
	s23 =	simm.s32 $0x110B0;
	s4 =	ssub.s32 $0x40, s24;
	(xrf0) =	vadd.scan.msk.s32 $0xffff, v4  }
0x243: {  	v4 =	vld [tilespmem:s23+$0x0];
	s24 =	simm.s32 $0xA;
	s11 =	sadd.s32 $0x0, s10;
	s10 =	simm.s32 $0x0  }
.LBB2_32:
0x244: {  	s12 =	smov.u32 s10  }
0x245: {  	p1 =	sne.s32 s24, $0x0;
	p2 =	sge.s32 s11, s4;
	s10 =	smov.u32 s11  }
0x246: {  	s3 =	smov.u32 @p2 s9;
	p0 =	por p0, p2;
	s9 =	smov.u32 s8  }
.Ltmp15:
0x247: {  	s9 =	smov.u32 @p0 s3;
	s10 =	smov.u32 @p0 s12;
	(pc) =	sbr.rel @p1 .LBB2_32-.Ltmp15, $4  }
0x248: {  	s8 =	smov.u32 s7;
	s7 =	smov.u32 s5;
	s5 =	smov.u32 s6;
	v5, _, _ =	vpop (xrf0)  }
0x249: {  	s6 =	smov.u32 s24;
	(xrf0) =	vadd.scan.msk.s32 $0xffff, v4;
	(v2sf) =	vpush v5, $0xF  }
0x24a: {  	s23 =	sadd.s32 $0xFFFFFFF0, s23;
	s11 =	spop (v2sf)  }
0x24b: {  	s24 =	sadd.s32 $0xFFFFFFFF, s24;
	v4 =	vld [tilespmem:s23+$0x0];
	s11 =	sadd.s32 s10, s11  }
0x24c: {  	_ =	sdelay $0x3  }
0x24d: {  	(xrf0) =	vadd.scan.msk.s32 $0xffff, v4;
	_ =	sdelay $0x1  }
0x24e: {  	v4, _, _ =	vpop (xrf0)  }
0x24f: {  	(v2sf) =	vpush v4, $0xF;
	_ =	sdelay $0x2  }
0x250: {  	v4, _, _ =	vpop (xrf0)  }
0x251: {  	(v2sf) =	vpush v4, $0xF  }
0x252: {  	p1 =	sge.s32 s11, s4  }
0x253: {  	p0 =	por p0, p1  }
0x254: {  	s24 =	spop (v2sf);
	s11 =	smov.u32 @p0 s10  }
0x255: {  	s10 =	sadd.s32 s11, s24  }
0x256: {  	p2 =	sge.s32 s10, s4  }
0x257: {  	p3 =	por p0, p2  }
0x258: {  	s10 =	smov.u32 @p3 s11;
	s12 =	spop (v2sf)  }
0x259: {  	s3 =	smov.u32 @p1 s9;
	s9 =	sadd.s32 s10, s12  }
0x25a: {  	s8 =	smov.u32 @p0 s3;
	p0 =	sge.s32 s9, s4  }
0x25b: {  	p1 =	por p3, p0  }
0x25c: {  	s3 =	smov.u32 @p2 s8;
	s9 =	smov.u32 @p1 s10;
	s23 =	spop (v2sf)  }
0x25d: {  	s7 =	smov.u32 @p3 s3;
	s8 =	sadd.s32 s9, s23  }
0x25e: {  	s3 =	smov.u32 @p0 s7;
	p0 =	sge.s32 s8, s4  }
0x25f: {  	s5 =	smov.u32 @p1 s3;
	p1 =	por p1, p0  }
0x260: {  	s8 =	smov.u32 @p1 s9;
	s24 =	spop (v2sf)  }
0x261: {  	s3 =	smov.u32 @p0 s5;
	s5 =	sadd.s32 s8, s24  }
0x262: {  	s6 =	smov.u32 @p1 s3;
	p0 =	sge.s32 s5, s4  }
0x263: {  	s3 =	smov.u32 @p0 s6  }
0x264: {  	s3 =	sshll.u32 s3, $0x4  }
0x265: {  	v4 =	vld [tilespmem:s3+$0x11000];
	_ =	sdelay $0x4  }
0x266: {  	v4 =	vperm.xlane v4, v3;
	_ =	sdelay $0x1  }
0x267: {  	(xrf0) =	vadd.scan.msk.s32 $0xffff, v4;
	_ =	sdelay $0x4  }
0x268: {  	p0 =	por p1, p0  }
0x269: {  	s5 =	smov.u32 @p0 s8;
	v5, _, _ =	vpop (xrf0)  }
0x26a: {  	v6 =	vadd.s32 s5, v5  }
0x26b: {  	vm0 =	vge.s32 v6, s4  }
0x26c: {  	v6 =	vmctz.xlane vm0;
	_ =	sdelay $0x1  }
0x26d: {  	v6 =	vxor.u32 $0x80000000, v6  }
0x26e: {  	(xrf0) =	vmax.scan.msk.u32 $0xffff, v6;
	_ =	sdelay $0x5  }
0x26f: {  	v6, _, _ =	vpop (xrf0)  }
0x270: {  	(v2sf) =	vpush v6, $0xF;
	_ =	sdelay $0xe  }
0x271: {  	s8 =	spop (v2sf)  }
0x272: {  	s9 =	sxor.u32 $0x80000000, s8  }
0x273: {  	v6 =	vmov s9  }
0x274: {  	v4 =	vsub.s32 v5, v4;
	vm0 =	veq.s32 v6, v0  }
0x275: {  	v4 =	vnsel vm0, $0x0, v4  }
0x276: {  	(xrf0) =	vadd.scan.msk.s32 $0xffff, v4;
	_ =	sdelay $0x5  }
0x277: {  	v4, _, _ =	vpop (xrf0)  }
0x278: {  	(v2sf) =	vpush v4, $0xF  }
0x279: {  	s3 =	ssub.s32 s3, s8  }
0x27a: {  	s3 =	sshll.u32 s3, $0x4  }
0x27b: {  	v4 =	vld [tilespmem:s3+$0x100F0];
	_ =	sdelay $0x4  }
0x27c: {  	v4 =	vperm.xlane v4, v3;
	_ =	sdelay $0x1  }
0x27d: {  	(xrf0) =	vadd.scan.msk.s32 $0xffff, v4;
	_ =	sdelay $0x4  }
0x27e: {  	s10 =	spop (v2sf)  }
0x27f: {  	v4, _, _ =	vpop (xrf0);
	s5 =	sadd.s32 s5, s10  }
0x280: {  	v4 =	vadd.s32 s5, v4  }
0x281: {  	vm0 =	vge.s32 v4, s4  }
0x282: {  	v4 =	vmctz.xlane vm0;
	_ =	sdelay $0x1  }
0x283: {  	v4 =	vxor.u32 $0x80000000, v4  }
0x284: {  	(xrf0) =	vmax.scan.msk.u32 $0xffff, v4;
	_ =	sdelay $0x5  }
0x285: {  	v4, _, _ =	vpop (xrf0)  }
0x286: {  	(v2sf) =	vpush v4, $0xF;
	_ =	sdelay $0xe  }
0x287: {  	s12 =	simm.s32 $0x11120;
	s11 =	spop (v2sf)  }
0x288: {  	v6 =	vld [tilespmem:s12+$0xFFFFFFE0];
	s3 =	ssub.s32 s3, s11  }
0x289: {  	v7 =	vld [tilespmem:s12+$0xFFFFFFF0];
	s3 =	sshll.u32 s3, $0x8  }
0x28a: {  	s3 =	sadd.s32 $0xFF00, s3  }
0x28b: {  	s3 =	sor.u32 s22, s3  }
0x28c: {  	v4 =	vmov s3  }
0x28d: {  	v8 =	vld [tilespmem:s12+$0x0];
	vm3 =	vge.u32 v6, v4  }
0x28e: {  	v11 =	vld [tilespmem:s12+$0x10];
	vm2 =	vge.u32 v7, v4;
	v5 =	vsel vm3, $0x1, v1  }
0x28f: {  	s23 =	simm.s32 $0x11160;
	v9 =	vsel vm2, $0x1, v1;
	(xrf0) =	vadd.scan.msk.s32 $0xffff, v5  }
0x290: {  	v16 =	vld [tilespmem:s23+$0xFFFFFFE0];
	(xrf0) =	vadd.scan.msk.s32 $0xffff, v9;
	_ =	sdelay $0x1  }
0x291: {  	vm1 =	vge.u32 v8, v4  }
0x292: {  	vm0 =	vge.u32 v11, v4;
	v9 =	vsel vm1, $0x1, v1  }
0x293: {  	v10 =	vimm.s32 $0x0;
	v13 =	vsel vm0, $0x1, v1;
	v5 =	vmpcnt.ones.xlane vm3;
	(xrf0) =	vadd.scan.msk.s32 $0xffff, v9  }
0x294: {  	vm7 =	vge.u32 v16, v4;
	v12 =	vmpcnt.ones.xlane vm2;
	vm6 =	vmmov vm2;
	(xrf0) =	vadd.scan.msk.s32 $0xffff, v13;
	v14, _, _ =	vpop (xrf0)  }
0x295: {  	v20 =	vld [tilespmem:s23+$0xFFFFFFF0];
	vm9 =	vmmov vm0;
	v5 =	vadd.s32 v10, v5;
	v9 =	vmpcnt.ones.xlane vm1;
	v15, _, _ =	vpop (xrf0)  }
0x296: {  	v12 =	vadd.s32 v5, v12;
	v10 =	vadd.s32 v14, v10;
	v5 =	vadd.s32 v15, v5  }
0x297: {  	vm3 =	vmmov vm3;
	v13 =	vmpcnt.ones.xlane vm0;
	v10 =	vadd.s32 $0xFFFFFFFF, v10  }
0x298: {  	v23 =	vld [tilespmem:s23+$0x0];
	v9 =	vadd.s32 v12, v9;
	v14 =	vadd.s32 $0xFFFFFFFF, v5;
	vm4 =	vlt.s32 v10, $0x7F  }
0x299: {  	v13 =	vadd.s32 v9, v13;
	vm5 =	vlt.s32 v14, $0x7F;
	v15 =	vnsel vm4, $0x7F, v10;
	v5, _, _ =	vpop (xrf0)  }
0x29a: {  	vm4 =	vge.u32 v20, v4;
	v17 =	vnsel vm5, $0x7F, v14;
	v10 =	vadd.s32 v5, v12;
	v12, _, _ =	vpop (xrf0);
	v5 =	vld [tilespmem:s23+$0x10]  }
0x29b: {  	v10 =	vadd.s32 $0xFFFFFFFF, v10;
	v9 =	vadd.s32 v12, v9;
	v12 =	vsel vm7, $0x1, v1  }
0x29c: {  	vm1 =	vmmov vm1;
	v14 =	vsel vm4, $0x1, v1;
	vm2 =	vlt.s32 v10, $0x7F;
	(xrf0) =	vadd.scan.msk.s32 $0xffff, v12  }
0x29d: {  	vm8 =	vmmov vm1;
	v18 =	vnsel vm2, $0x7F, v10;
	vm2 =	vge.u32 v23, v4;
	(xrf0) =	vadd.scan.msk.s32 $0xffff, v14  }
0x29e: {  	v9 =	vadd.s32 $0xFFFFFFFF, v9;
	v12 =	vmpcnt.ones.xlane vm4;
	v14 =	vsel vm2, $0x1, v1  }
0x29f: {  	v10 =	vmpcnt.ones.xlane vm7;
	[tilespmem:v15+s31+$0x0] =	vst.idx.msk vm3, v6;
	vm11 =	vge.u32 v5, v4;
	(xrf0) =	vadd.scan.msk.s32 $0xffff, v14  }
0x2a0: {  	s24 =	simm.s32 $0x11320;
	vm4 =	vmmov vm4;
	vm0 =	vlt.s32 v9, $0x7F;
	[tilespmem:v17+s31+$0x0] =	vst.idx.msk vm6, v7;
	v21 =	vsel vm11, $0x1, v1  }
0x2a1: {  	v24 =	vld [tilespmem:s24+$0xFFFFFFE0];
	vm10 =	vmmov vm2;
	v19 =	vadd.s32 v13, v10;
	v10 =	vmpcnt.ones.xlane vm2;
	(xrf0) =	vadd.scan.msk.s32 $0xffff, v21  }
0x2a2: {  	s4 =	simm.s32 $0x111A0;
	v25 =	vld [tilespmem:s24+$0xFFFFFFF0];
	vm2 =	vmmov vm9;
	v22 =	vadd.s32 v19, v12;
	v12 =	vmpcnt.ones.xlane vm11;
	v6, _, _ =	vpop (xrf0)  }
0x2a3: {  	vm5 =	vmmov vm11;
	v21 =	vadd.s32 v22, v10;
	[tilespmem:v18+s31+$0x0] =	vst.idx.msk vm1, v8;
	v8 =	vld [tilespmem:s4+$0xFFFFFFE0];
	v6 =	vadd.s32 v6, v13;
	v7, _, _ =	vpop (xrf0)  }
0x2a4: {  	v10 =	vnsel vm0, $0x7F, v9;
	v9 =	vadd.s32 $0xFFFFFFFF, v6;
	v6 =	vadd.s32 v7, v19;
	v7 =	vld [tilespmem:s4+$0xFFFFFFF0]  }
0x2a5: {  	vm0 =	vmmov vm7;
	v14 =	vadd.s32 v21, v12;
	vm1 =	vmmov vm11;
	v26 =	vld [tilespmem:s24+$0x0];
	v19, _, _ =	vpop (xrf0)  }
0x2a6: {  	vm11 =	vlt.s32 v9, $0x7F;
	v13 =	vadd.s32 $0xFFFFFFFF, v6;
	v19 =	vadd.s32 v19, v22  }
0x2a7: {  	[tilespmem:v15+s0+$0x0] =	vst.idx.msk vm3, v24;
	v6 =	vld [tilespmem:s4+$0x0];
	v12 =	vnsel vm11, $0x7F, v9;
	vm7 =	vlt.s32 v13, $0x7F;
	v9, _, _ =	vpop (xrf0);
	v19 =	vadd.s32 $0xFFFFFFFF, v19  }
0x2a8: {  	[tilespmem:v17+s0+$0x0] =	vst.idx.msk vm6, v25;
	v13 =	vnsel vm7, $0x7F, v13;
	vm7 =	vge.u32 v8, v4;
	v21 =	vadd.s32 v9, v21;
	v9 =	vld [tilespmem:s4+$0x10]  }
0x2a9: {  	[tilespmem:v10+s31+$0x0] =	vst.idx.msk vm9, v11;
	vm9 =	vlt.s32 v19, $0x7F;
	v17 =	vmpcnt.ones.xlane vm7;
	vm6 =	vge.u32 v7, v4  }
0x2aa: {  	v15 =	vsel vm7, $0x1, v1;
	[tilespmem:v18+s0+$0x0] =	vst.idx.msk vm8, v26;
	v11 =	vnsel vm9, $0x7F, v19;
	v19 =	vmpcnt.ones.xlane vm6  }
0x2ab: {  	v27 =	vadd.s32 $0xFFFFFFFF, v21;
	(xrf0) =	vadd.scan.msk.s32 $0xffff, v15;
	v18 =	vsel vm6, $0x1, v1;
	v22 =	vadd.s32 v14, v17  }
0x2ac: {  	vm3 =	vge.u32 v6, v4;
	vm8 =	vlt.s32 v27, $0x7F;
	(xrf0) =	vadd.scan.msk.s32 $0xffff, v18;
	v21 =	vadd.s32 v22, v19;
	v19 =	vld [tilespmem:s24+$0x10]  }
0x2ad: {  	v15 =	vmpcnt.ones.xlane vm3;
	v18 =	vsel vm3, $0x1, v1;
	vm9 =	vge.u32 v9, v4  }
0x2ae: {  	s3 =	simm.s32 $0x11360;
	[tilespmem:v12+s31+$0x0] =	vst.idx.msk vm0, v16;
	(xrf0) =	vadd.scan.msk.s32 $0xffff, v18;
	v62 =	vmpcnt.ones.xlane vm9;
	v63 =	vsel vm9, $0x1, v1  }
0x2af: {  	v16 =	vnsel vm8, $0x7F, v27;
	v18 =	vld [tilespmem:s3+$0xFFFFFFE0];
	[tilespmem:v13+s31+$0x0] =	vst.idx.msk vm4, v20;
	v17 =	vadd.s32 v21, v15;
	(xrf0) =	vadd.scan.msk.s32 $0xffff, v63  }
0x2b0: {  	s5 =	simm.s32 $0xC;
	vm8 =	vmmov vm10;
	vm3 =	vmmov vm3;
	v20 =	vld [tilespmem:s3+$0xFFFFFFF0];
	[tilespmem:v11+s31+$0x0] =	vst.idx.msk vm10, v23;
	v15 =	vadd.s32 v17, v62  }
.LBB2_34:
0x2b1: {  	s5 =	sadd.s32 $0x4, s5;
	v23, _, _ =	vpop (xrf0);
	v24 =	vld [tilespmem:s3+$0x0];
	[tilespmem:v10+s0+$0x0] =	vst.idx.msk vm2, v19;
	v10 =	vmov v16;
	vm2 =	vmmov vm5;
	vm5 =	vmmov vm9  }
0x2b2: {  	s4 =	sadd.s32 $0x40, s4;
	p0 =	slt.u32 s5, $0x1C;
	v19 =	vadd.s32 v23, v14;
	v23, _, _ =	vpop (xrf0);
	v14 =	vmov v15  }
0x2b3: {  	v25 =	vld [tilespmem:s4+$0xFFFFFFE0];
	v27 =	vadd.s32 $0xFFFFFFFF, v19;
	v22 =	vadd.s32 v23, v22;
	[tilespmem:v16+s31+$0x0] =	vst.idx.msk vm1, v5;
	v5 =	vmovc v9;
	vm1 =	vmmov vm9  }
0x2b4: {  	v23 =	vld [tilespmem:s4+$0xFFFFFFF0];
	vm9 =	vlt.s32 v27, $0x7F;
	v16 =	vadd.s32 $0xFFFFFFFF, v22;
	v9, _, _ =	vpop (xrf0);
	[tilespmem:v12+s0+$0x0] =	vst.idx.msk vm0, v18;
	vm0 =	vmmov vm7  }
0x2b5: {  	v26 =	vld [tilespmem:s4+$0x0];
	v12 =	vnsel vm9, $0x7F, v27;
	vm7 =	vlt.s32 v16, $0x7F;
	v18 =	vadd.s32 v9, v21;
	v19, _, _ =	vpop (xrf0);
	[tilespmem:v13+s0+$0x0] =	vst.idx.msk vm4, v20  }
0x2b6: {  	v9 =	vld [tilespmem:s4+$0x10];
	v13 =	vnsel vm7, $0x7F, v16;
	v16 =	vadd.s32 $0xFFFFFFFF, v18;
	v17 =	vadd.s32 v19, v17;
	[tilespmem:v11+s0+$0x0] =	vst.idx.msk vm8, v24  }
0x2b7: {  	vm4 =	vmmov vm6;
	vm8 =	vlt.s32 v16, $0x7F;
	v20 =	vadd.s32 $0xFFFFFFFF, v17;
	v19 =	vld [tilespmem:s3+$0x10]  }
0x2b8: {  	vm7 =	vge.u32 v25, v4;
	v11 =	vnsel vm8, $0x7F, v16;
	vm8 =	vlt.s32 v20, $0x7F  }
0x2b9: {  	v16 =	vsel vm7, $0x1, v1;
	v17 =	vmpcnt.ones.xlane vm7;
	vm6 =	vge.u32 v23, v4  }
0x2ba: {  	v18 =	vsel vm6, $0x1, v1;
	v21 =	vmpcnt.ones.xlane vm6;
	vm10 =	vge.u32 v26, v4;
	(xrf0) =	vadd.scan.msk.s32 $0xffff, v16  }
.Ltmp16:
0x2bb: {  	v22 =	vadd.s32 v15, v17;
	v15 =	vmpcnt.ones.xlane vm10;
	vm9 =	vge.u32 v9, v4;
	(xrf0) =	vadd.scan.msk.s32 $0xffff, v18;
	(pc) =	sbr.rel @p0 .LBB2_34-.Ltmp16, $4  }
0x2bc: {  	s3 =	sadd.s32 $0x40, s3;
	v16 =	vsel vm10, $0x1, v1;
	v21 =	vadd.s32 v22, v21;
	v24 =	vmpcnt.ones.xlane vm9;
	[tilespmem:v12+s31+$0x0] =	vst.idx.msk vm0, v8;
	v8 =	vmovc v25  }
0x2bd: {  	v25 =	vsel vm9, $0x1, v1;
	v17 =	vadd.s32 v21, v15;
	(xrf0) =	vadd.scan.msk.s32 $0xffff, v16;
	v18 =	vld [tilespmem:s3+$0xFFFFFFE0];
	v16 =	vnsel vm8, $0x7F, v20  }
0x2be: {  	vm8 =	vmmov vm3;
	v15 =	vadd.s32 v17, v24;
	(xrf0) =	vadd.scan.msk.s32 $0xffff, v25;
	[tilespmem:v13+s31+$0x0] =	vst.idx.msk vm4, v7;
	v7 =	vmovc v23  }
0x2bf: {  	v20 =	vld [tilespmem:s3+$0xFFFFFFF0];
	[tilespmem:v11+s31+$0x0] =	vst.idx.msk vm3, v6;
	v6 =	vmov v26;
	vm3 =	vmmov vm10  }
0x2c0: {  	s4 =	sadd.s32 $0x40, s4  }
0x2c1: {  	v23 =	vld [tilespmem:s4+$0xFFFFFFE0]  }
0x2c2: {  	v24 =	vld [tilespmem:s4+$0xFFFFFFF0];
	_ =	sdelay $0x3  }
0x2c3: {  	v25, _, _ =	vpop (xrf0);
	vm10 =	vmmov vm5;
	vm5 =	vmmov vm9;
	v26 =	vld [tilespmem:s4+$0x0];
	vm12 =	vge.u32 v23, v4  }
0x2c4: {  	vm7 =	vmmov vm7;
	[tilespmem:v10+s0+$0x0] =	vst.idx.msk vm2, v19;
	v56, _, _ =	vpop (xrf0);
	v57 =	vld [tilespmem:s4+$0x10];
	vm9 =	vge.u32 v24, v4;
	v58 =	vsel vm12, $0x1, v1  }
0x2c5: {  	v14 =	vadd.s32 v25, v14;
	v22 =	vadd.s32 v56, v22;
	v27, _, _ =	vpop (xrf0);
	v59 =	vsel vm9, $0x1, v1;
	(xrf0) =	vadd.scan.msk.s32 $0xffff, v58  }
0x2c6: {  	vm2 =	vmmov vm6;
	v14 =	vadd.s32 $0xFFFFFFFF, v14;
	v22 =	vadd.s32 $0xFFFFFFFF, v22;
	(xrf0) =	vadd.scan.msk.s32 $0xffff, v59  }
0x2c7: {  	vm11 =	vlt.s32 v14, $0x7F;
	v21 =	vadd.s32 v27, v21;
	vm14 =	vlt.s32 v22, $0x7F  }
0x2c8: {  	v14 =	vnsel vm11, $0x7F, v14;
	v22 =	vnsel vm14, $0x7F, v22;
	vm13 =	vge.u32 v26, v4  }
0x2c9: {  	[tilespmem:v16+s31+$0x0] =	vst.idx.msk vm1, v5;
	v19, _, _ =	vpop (xrf0);
	v10 =	vadd.s32 $0xFFFFFFFF, v21;
	vm11 =	vge.u32 v57, v4;
	v4 =	vsel vm13, $0x1, v1  }
0x2ca: {  	v17 =	vadd.s32 v19, v17;
	v21 =	vmpcnt.ones.xlane vm12;
	(xrf0) =	vadd.scan.msk.s32 $0xffff, v4;
	v4 =	vsel vm11, $0x1, v1  }
0x2cb: {  	v5 =	vld [tilespmem:s3+$0x0];
	[tilespmem:v12+s0+$0x0] =	vst.idx.msk vm0, v18;
	vm15 =	vlt.s32 v10, $0x7F;
	v17 =	vadd.s32 $0xFFFFFFFF, v17;
	(xrf0) =	vadd.scan.msk.s32 $0xffff, v4;
	v12, _, _ =	vpop (xrf0)  }
0x2cc: {  	v10 =	vnsel vm15, $0x7F, v10;
	v19 =	vadd.s32 v15, v21;
	v12 =	vadd.s32 v12, v15;
	v15, _, _ =	vpop (xrf0)  }
0x2cd: {  	vm14 =	vlt.s32 v17, $0x7F;
	[tilespmem:v14+s31+$0x0] =	vst.idx.msk vm7, v8;
	v8 =	vadd.s32 $0xFFFFFFFF, v12;
	v12 =	vadd.s32 v15, v19  }
0x2ce: {  	[tilespmem:v13+s0+$0x0] =	vst.idx.msk vm4, v20;
	v13 =	vnsel vm14, $0x7F, v17;
	v17 =	vld [tilespmem:s3+$0x10];
	v4 =	vmpcnt.ones.xlane vm9  }
0x2cf: {  	s22 =	sadd.s32 $0x40, s3;
	v21 =	vmpcnt.ones.xlane vm13;
	[tilespmem:v22+s31+$0x0] =	vst.idx.msk vm2, v7  }
0x2d0: {  	[tilespmem:v11+s0+$0x0] =	vst.idx.msk vm8, v5;
	v5 =	vld [tilespmem:s22+$0xFFFFFFF0];
	v4 =	vadd.s32 v19, v4;
	vm15 =	vlt.s32 v8, $0x7F;
	v7 =	vadd.s32 $0xFFFFFFFF, v12;
	v12, _, _ =	vpop (xrf0)  }
0x2d1: {  	v18 =	vadd.s32 v4, v21;
	v15 =	vld [tilespmem:s22+$0xFFFFFFE0];
	v8 =	vnsel vm15, $0x7F, v8;
	v4 =	vadd.s32 v12, v4;
	v11, _, _ =	vpop (xrf0)  }
0x2d2: {  	[tilespmem:v10+s31+$0x0] =	vst.idx.msk vm3, v6;
	vm14 =	vlt.s32 v7, $0x7F;
	v4 =	vadd.s32 $0xFFFFFFFF, v4;
	v6 =	vadd.s32 v11, v18  }
0x2d3: {  	[tilespmem:v16+s0+$0x0] =	vst.idx.msk vm10, v17;
	v7 =	vnsel vm14, $0x7F, v7;
	vm1 =	vlt.s32 v4, $0x7F;
	v6 =	vadd.s32 $0xFFFFFFFF, v6  }
0x2d4: {  	[tilespmem:v13+s31+$0x0] =	vst.idx.msk vm5, v9;
	vm15 =	vmmov vm9;
	v4 =	vnsel vm1, $0x7F, v4;
	vm14 =	vlt.s32 v6, $0x7F  }
0x2d5: {  	[tilespmem:v22+s0+$0x0] =	vst.idx.msk vm2, v5;
	vm15 =	vmmov vm3;
	v6 =	vnsel vm14, $0x7F, v6  }
0x2d6: {  	v9 =	vld [tilespmem:s22+$0x0];
	[tilespmem:v14+s0+$0x0] =	vst.idx.msk vm7, v15  }
0x2d7: {  	s3 =	sadd.s32 $0x40, s22;
	v5 =	vld [tilespmem:s22+$0x10];
	[tilespmem:v8+s31+$0x0] =	vst.idx.msk vm12, v23  }
0x2d8: {  	vm0 =	vmmov vm13;
	v11 =	vld [tilespmem:s3+$0xFFFFFFE0];
	[tilespmem:v7+s31+$0x0] =	vst.idx.msk vm9, v24  }
0x2d9: {  	vm10 =	vmmov vm0;
	v12 =	vld [tilespmem:s3+$0xFFFFFFF0];
	[tilespmem:v4+s31+$0x0] =	vst.idx.msk vm13, v26  }
0x2da: {  	vm8 =	vmmov vm11;
	v14 =	vld [tilespmem:s3+$0x0];
	[tilespmem:v6+s31+$0x0] =	vst.idx.msk vm11, v57  }
0x2db: {  	[tilespmem:v10+s0+$0x0] =	vst.idx.msk vm15, v9;
	v9 =	vld [tilespmem:s3+$0x10]  }
0x2dc: {  	[tilespmem:v13+s0+$0x0] =	vst.idx.msk vm5, v5  }
0x2dd: {  	[tilespmem:v8+s0+$0x0] =	vst.idx.msk vm12, v11  }
0x2de: {  	[tilespmem:v7+s0+$0x0] =	vst.idx.msk vm9, v12  }
0x2df: {  	[tilespmem:v4+s0+$0x0] =	vst.idx.msk vm10, v14  }
0x2e0: {  	[tilespmem:v6+s0+$0x0] =	vst.idx.msk vm8, v9  }
0x2e1: {  	v4 =	vld [tilespmem:$0x11500]  }
0x2e2: {  	v5 =	vld [tilespmem:$0x11510]  }
0x2e3: {  	v6 =	vld [tilespmem:$0x11520]  }
0x2e4: {  	v7 =	vld [tilespmem:$0x11540]  }
0x2e5: {  	v8 =	vld [tilespmem:$0x11550]  }
0x2e6: {  	v9 =	vld [tilespmem:$0x11560]  }
0x2e7: {  	v10 =	vld [tilespmem:$0x11570]  }
0x2e8: {  	v11 =	vld [tilespmem:$0x11530];
	_ =	sdelay $0x1  }
0x2e9: {  	vm6 =	vmmov vm12;
	vm1 =	vmmov vm5;
	v15 =	vxor.u32 $0x80000000, v4  }
0x2ea: {  	v17 =	vxor.u32 $0x80000000, v5;
	v20 =	vxor.u32 $0x80000000, v6;
	v12 =	vxor.u32 $0x80000000, v7  }
0x2eb: {  	v13 =	vxor.u32 $0x80000000, v8;
	v16 =	vxor.u32 $0x80000000, v9;
	v18 =	vxor.u32 $0x80000000, v10  }
0x2ec: {  	v21 =	vxor.u32 $0x80000000, v11;
	vm0 =	vgt.s32 v12, v13;
	vm1 =	vgt.s32 v16, v18  }
0x2ed: {  	vm15 =	vgt.s32 v15, v17;
	vm6 =	vgt.s32 v20, v21;
	v4 =	vsel vm0, v12, v13  }
0x2ee: {  	v5 =	vsel vm15, v15, v17;
	v6 =	vsel vm6, v20, v21;
	v7 =	vsel vm1, v16, v18  }
0x2ef: {  	vm7 =	vgt.s32 v5, v6;
	vm1 =	vgt.s32 v4, v7  }
0x2f0: {  	v5 =	vsel vm7, v5, v6;
	v4 =	vsel vm1, v4, v7  }
0x2f1: {  	vm0 =	vgt.s32 v5, v4  }
0x2f2: {  	v4 =	vsel vm0, v5, v4  }
0x2f3: {  	v4 =	vxor.u32 $0x80000000, v4  }
0x2f4: {  	(xrf0) =	vmax.scan.msk.u32 $0xffff, v4;
	_ =	sdelay $0x5  }
0x2f5: {  	v4, _, _ =	vpop (xrf0)  }
0x2f6: {  	(v2sf) =	vpush v4, $0xF;
	_ =	sdelay $0xe  }
0x2f7: {  	s23 =	spop (v2sf)  }
0x2f8: {  	s3 =	sxor.u32 $0x80000000, s23  }
0x2f9: {  	vm14 =	vmmov vm8;
	vm8 =	veq.s32 v17, s3  }
0x2fa: {  	v4 =	vmctz.xlane vm8  }
0x2fb: {  	vm9 =	veq.s32 v15, s3  }
0x2fc: {  	v5 =	vmctz.xlane vm9;
	vm10 =	vlt.s32 v4, $0x10;
	v4 =	vadd.s32 $0x10, v4  }
0x2fd: {  	vm11 =	veq.s32 v20, s3;
	v4 =	vnsel vm10, $0x7FFFFFFF, v4  }
0x2fe: {  	v6 =	vmctz.xlane vm11;
	vm0 =	vlt.s32 v5, v4  }
0x2ff: {  	vm12 =	vlt.s32 v5, $0x10;
	v5 =	vsel vm0, v5, v4  }
0x300: {  	vm13 =	veq.s32 v21, s3;
	v4 =	vsel vm12, v5, v4;
	v5 =	vadd.s32 $0x20, v6  }
0x301: {  	v7 =	vmctz.xlane vm13;
	vm14 =	vlt.s32 v4, v5  }
0x302: {  	vm15 =	vlt.s32 v6, $0x10;
	v5 =	vsel vm14, v4, v5  }
0x303: {  	vm4 =	veq.s32 v12, s3;
	v4 =	vsel vm15, v5, v4;
	v5 =	vadd.s32 $0x30, v7  }
0x304: {  	v6 =	vmctz.xlane vm4;
	vm5 =	vlt.s32 v4, v5  }
0x305: {  	vm6 =	vlt.s32 v7, $0x10;
	v5 =	vsel vm5, v4, v5  }
0x306: {  	vm7 =	veq.s32 v13, s3;
	v4 =	vsel vm6, v5, v4;
	v5 =	vadd.s32 $0x40, v6  }
0x307: {  	s24 =	simm.s32 $0x0;
	v7 =	vmctz.xlane vm7;
	vm8 =	vlt.s32 v4, v5  }
0x308: {  	v19 =	vmov s24;
	vm10 =	vlt.s32 v6, $0x10;
	v5 =	vsel vm8, v4, v5  }
0x309: {  	vm9 =	veq.s32 v16, s3;
	v4 =	vsel vm10, v5, v4;
	v5 =	vadd.s32 $0x50, v7  }
0x30a: {  	vm11 =	veq.s32 v18, s3;
	v6 =	vmctz.xlane vm9;
	vm12 =	vlt.s32 v4, v5  }
0x30b: {  	v8 =	vmctz.xlane vm11;
	vm13 =	vlt.s32 v7, $0x10;
	v5 =	vsel vm12, v4, v5  }
0x30c: {  	v9 =	vmov s3;
	v5 =	vsel vm13, v5, v4;
	v4 =	vadd.s32 $0x60, v6  }
0x30d: {  	v10 =	vadd.s32 $0x70, v8;
	vm5 =	vlt.s32 v8, $0x10;
	vm14 =	vlt.s32 v5, v4  }
0x30e: {  	vm15 =	vlt.s32 v6, $0x10;
	v7 =	vshra.s32 v9, $0x1F;
	v6 =	vsel vm14, v5, v4  }
0x30f: {  	v8 =	vor.u32 $0x60, v0;
	v22 =	vand.u32 $0x7FFFFFFF, v7;
	v9 =	vsel vm15, v6, v5  }
0x310: {  	v7 =	vor.u32 $0x70, v0;
	v4 =	vor.u32 $0x30, v0;
	vm4 =	vlt.s32 v9, v10  }
0x311: {  	v5 =	vor.u32 $0x20, v0;
	v6 =	vor.u32 $0x10, v0;
	v10 =	vsel vm4, v9, v10  }
0x312: {  	v23 =	vsel vm5, v10, v9;
	v9 =	vor.u32 $0x40, v0;
	v10 =	vor.u32 $0x50, v0  }
0x313: {  	vm6 =	veq.s32 v23, v9;
	vm1 =	veq.s32 v23, v10;
	vm7 =	veq.s32 v23, v8  }
0x314: {  	vm8 =	veq.s32 v23, v7;
	vm9 =	veq.s32 v23, v0;
	vm10 =	veq.s32 v23, v6  }
0x315: {  	vm11 =	veq.s32 v23, v5;
	vm12 =	veq.s32 v23, v4;
	v14 =	vsel vm6, $0x80000000, v12  }
0x316: {  	v13 =	vsel vm1, $0x80000000, v13;
	v12 =	vsel vm7, $0x80000000, v16;
	v11 =	vsel vm8, $0x80000000, v18  }
0x317: {  	v16 =	vsel vm9, $0x80000000, v15;
	v18 =	vsel vm10, $0x80000000, v17;
	v17 =	vsel vm11, $0x80000000, v20  }
0x318: {  	v15 =	vsel vm12, $0x80000000, v21;
	vm13 =	vgt.s32 v14, v13;
	vm2 =	vgt.s32 v12, v11;
	v20 =	vld.idx.msk [tilespmem:v23+s0+$0x0], $0xffff  }
0x319: {  	vm14 =	vgt.s32 v16, v18;
	vm15 =	vgt.s32 v17, v15;
	v60 =	vsel vm13, v14, v13  }
0x31a: {  	v21 =	vsel vm14, v16, v18;
	v61 =	vsel vm15, v17, v15;
	v62 =	vsel vm2, v12, v11  }
0x31b: {  	v63 =	vxor.u32 s3, v22;
	vm0 =	vgt.s32 v21, v61;
	vm1 =	vgt.s32 v60, v62  }
0x31c: {  	s4 =	simm.s32 $0x2;
	s3 =	simm.s32 $0x1;
	[tilespmem:v19+s1+$0x0] =	vst.idx.msk $0x1, v63;
	v21 =	vsel vm0, v21, v61;
	v22 =	vsel vm1, v60, v62  }
.LBB2_36:
0x31d: {  	p0 =	sne.s32 s4, $0x3F;
	vm0 =	vgt.s32 v21, v22;
	[tilespmem:v19+s18+$0x0] =	vst.idx.msk $0x1, v20;
	s5 =	smov.u32 s4;
	s4 =	sadd.s32 $0x1, s4  }
0x31e: {  	v19 =	vsel vm0, v21, v22  }
0x31f: {  	v19 =	vxor.u32 $0x80000000, v19  }
0x320: {  	(xrf0) =	vmax.scan.msk.u32 $0xffff, v19;
	_ =	sdelay $0x5  }
0x321: {  	v19, _, _ =	vpop (xrf0)  }
0x322: {  	(v2sf) =	vpush v19, $0xF;
	_ =	sdelay $0xe  }
0x323: {  	s6 =	spop (v2sf)  }
0x324: {  	s6 =	sxor.u32 $0x80000000, s6  }
0x325: {  	vm0 =	veq.s32 v16, s6;
	vm1 =	veq.s32 v18, s6;
	vm2 =	veq.s32 v17, s6  }
0x326: {  	v19 =	vmctz.xlane vm1;
	v20 =	vmctz.xlane vm2;
	vm1 =	veq.s32 v15, s6  }
0x327: {  	vm2 =	veq.s32 v13, s6;
	v21 =	vmctz.xlane vm1;
	vm1 =	veq.s32 v14, s6  }
0x328: {  	v22 =	vmctz.xlane vm0;
	vm0 =	vlt.s32 v19, $0x10;
	v19 =	vadd.s32 $0x10, v19  }
0x329: {  	v24 =	vmctz.xlane vm2;
	v23 =	vmctz.xlane vm1;
	v19 =	vnsel vm0, $0x7FFFFFFF, v19  }
0x32a: {  	vm2 =	veq.s32 v11, s6;
	vm1 =	veq.s32 v12, s6;
	vm0 =	vlt.s32 v22, v19  }
0x32b: {  	vm3 =	vlt.s32 v22, $0x10;
	v25 =	vmctz.xlane vm1;
	v22 =	vsel vm0, v22, v19  }
0x32c: {  	v26 =	vmctz.xlane vm2;
	v19 =	vsel vm3, v22, v19;
	v22 =	vadd.s32 $0x20, v20  }
0x32d: {  	v27 =	vmov s6;
	vm0 =	vlt.s32 v19, v22  }
0x32e: {  	vm1 =	vlt.s32 v20, $0x10;
	v20 =	vsel vm0, v19, v22;
	v22 =	vshra.s32 v27, $0x1F  }
0x32f: {  	v19 =	vsel vm1, v20, v19;
	v20 =	vadd.s32 $0x30, v21;
	v22 =	vand.u32 $0x7FFFFFFF, v22  }
0x330: {  	vm0 =	vlt.s32 v19, v20;
	v27 =	vxor.u32 s6, v22  }
0x331: {  	vm1 =	vlt.s32 v21, $0x10;
	v20 =	vsel vm0, v19, v20  }
0x332: {  	v19 =	vsel vm1, v20, v19;
	v20 =	vadd.s32 $0x40, v23  }
0x333: {  	vm0 =	vlt.s32 v19, v20  }
0x334: {  	vm1 =	vlt.s32 v23, $0x10;
	v20 =	vsel vm0, v19, v20  }
0x335: {  	v19 =	vsel vm1, v20, v19;
	v20 =	vadd.s32 $0x50, v24  }
0x336: {  	vm0 =	vlt.s32 v19, v20  }
0x337: {  	vm1 =	vlt.s32 v24, $0x10;
	v20 =	vsel vm0, v19, v20  }
0x338: {  	v21 =	vadd.s32 $0x60, v25;
	v20 =	vsel vm1, v20, v19  }
0x339: {  	v19 =	vmov s3;
	s3 =	smov.u32 s5;
	vm0 =	vlt.s32 v20, v21  }
0x33a: {  	vm1 =	vlt.s32 v25, $0x10;
	v21 =	vsel vm0, v20, v21  }
0x33b: {  	v20 =	vsel vm1, v21, v20;
	v21 =	vadd.s32 $0x70, v26  }
0x33c: {  	vm0 =	vlt.s32 v20, v21  }
0x33d: {  	vm1 =	vlt.s32 v26, $0x10;
	v21 =	vsel vm0, v20, v21  }
0x33e: {  	v21 =	vsel vm1, v21, v20  }
0x33f: {  	vm0 =	veq.s32 v21, v9;
	vm1 =	veq.s32 v21, v10;
	vm2 =	veq.s32 v21, v8  }
0x340: {  	v14 =	vsel vm0, $0x80000000, v14;
	v13 =	vsel vm1, $0x80000000, v13;
	vm0 =	veq.s32 v21, v7  }
0x341: {  	vm1 =	veq.s32 v21, v0;
	v12 =	vsel vm2, $0x80000000, v12;
	v11 =	vsel vm0, $0x80000000, v11  }
0x342: {  	v16 =	vsel vm1, $0x80000000, v16;
	vm0 =	veq.s32 v21, v6;
	vm1 =	veq.s32 v21, v5  }
0x343: {  	v18 =	vsel vm0, $0x80000000, v18;
	v17 =	vsel vm1, $0x80000000, v17;
	vm0 =	veq.s32 v21, v4;
	v20 =	vld.idx.msk [tilespmem:v21+s0+$0x0], $0xffff  }
.Ltmp17:
0x344: {  	vm1 =	vgt.s32 v14, v13;
	vm2 =	vgt.s32 v12, v11;
	v15 =	vsel vm0, $0x80000000, v15;
	(pc) =	sbr.rel @p0 .LBB2_36-.Ltmp17, $4  }
0x345: {  	vm0 =	vgt.s32 v16, v18;
	v22 =	vsel vm1, v14, v13;
	vm3 =	vgt.s32 v17, v15  }
0x346: {  	v24 =	vsel vm2, v12, v11;
	v21 =	vsel vm0, v16, v18;
	v23 =	vsel vm3, v17, v15  }
0x347: {  	vm1 =	vgt.s32 v22, v24;
	vm0 =	vgt.s32 v21, v23  }
0x348: {  	v22 =	vsel vm1, v22, v24;
	v21 =	vsel vm0, v21, v23;
	[tilespmem:v19+s1+$0x0] =	vst.idx.msk $0x1, v27  }
0x349: {  	vm0 =	vgt.s32 v21, v22  }
0x34a: {  	v21 =	vsel vm0, v21, v22  }
0x34b: {  	v21 =	vxor.u32 $0x80000000, v21  }
0x34c: {  	(xrf0) =	vmax.scan.msk.u32 $0xffff, v21;
	_ =	sdelay $0x5  }
0x34d: {  	v21, _, _ =	vpop (xrf0)  }
0x34e: {  	(v2sf) =	vpush v21, $0xF;
	_ =	sdelay $0xe  }
0x34f: {  	s4 =	spop (v2sf)  }
0x350: {  	s4 =	sxor.u32 $0x80000000, s4  }
0x351: {  	vm7 =	veq.s32 v18, s4  }
0x352: {  	v18 =	vmctz.xlane vm7  }
0x353: {  	vm8 =	veq.s32 v16, s4  }
0x354: {  	v16 =	vmctz.xlane vm8;
	vm9 =	vlt.s32 v18, $0x10;
	v18 =	vadd.s32 $0x10, v18  }
0x355: {  	vm1 =	veq.s32 v17, s4;
	v45 =	vnsel vm9, $0x7FFFFFFF, v18  }
0x356: {  	v46 =	vmctz.xlane vm1;
	vm0 =	vlt.s32 v16, v45  }
0x357: {  	vm10 =	vlt.s32 v16, $0x10;
	v16 =	vsel vm0, v16, v45  }
0x358: {  	vm11 =	veq.s32 v15, s4;
	v48 =	vadd.s32 $0x20, v46;
	v47 =	vsel vm10, v16, v45  }
0x359: {  	v49 =	vmctz.xlane vm11;
	vm12 =	vlt.s32 v47, v48  }
0x35a: {  	vm13 =	vlt.s32 v46, $0x10;
	v16 =	vsel vm12, v47, v48  }
0x35b: {  	vm14 =	veq.s32 v14, s4;
	v51 =	vadd.s32 $0x30, v49;
	v50 =	vsel vm13, v16, v47  }
0x35c: {  	v52 =	vmctz.xlane vm14;
	vm15 =	vlt.s32 v50, v51  }
0x35d: {  	vm4 =	vlt.s32 v49, $0x10;
	v15 =	vsel vm15, v50, v51  }
0x35e: {  	vm5 =	veq.s32 v13, s4;
	v54 =	vadd.s32 $0x40, v52;
	v53 =	vsel vm4, v15, v50  }
0x35f: {  	v55 =	vmctz.xlane vm5;
	vm6 =	vlt.s32 v53, v54  }
0x360: {  	vm7 =	vlt.s32 v52, $0x10;
	v14 =	vsel vm6, v53, v54  }
0x361: {  	vm8 =	veq.s32 v12, s4;
	v57 =	vadd.s32 $0x50, v55;
	v56 =	vsel vm7, v14, v53  }
0x362: {  	v58 =	vmctz.xlane vm8;
	vm9 =	vlt.s32 v56, v57  }
0x363: {  	vm10 =	vlt.s32 v55, $0x10;
	v13 =	vsel vm9, v56, v57  }
0x364: {  	vm11 =	veq.s32 v11, s4;
	v59 =	vadd.s32 $0x60, v58;
	v11 =	vsel vm10, v13, v56  }
0x365: {  	v60 =	vmctz.xlane vm11;
	vm12 =	vlt.s32 v11, v59  }
0x366: {  	vm13 =	vlt.s32 v58, $0x10;
	v12 =	vsel vm12, v11, v59  }
0x367: {  	v61 =	vadd.s32 $0x70, v60;
	v11 =	vsel vm13, v12, v11  }
0x368: {  	vm14 =	vlt.s32 v11, v61  }
0x369: {  	vm15 =	vlt.s32 v60, $0x10;
	v12 =	vsel vm14, v11, v61  }
0x36a: {  	v11 =	vsel vm15, v12, v11;
	_ =	sdelay $0x3  }
0x36b: {  	[tilespmem:v19+s18+$0x0] =	vst.idx.msk $0x1, v20;
	v62 =	vmov s3  }
0x36c: {  	v63 =	vmov s4;
	v11 =	vld.idx.msk [tilespmem:v11+s0+$0x0], $0xffff  }
0x36d: {  	v13 =	vshra.s32 v63, $0x1F  }
0x36e: {  	v13 =	vand.u32 $0x7FFFFFFF, v13  }
0x36f: {  	v13 =	vxor.u32 s4, v13  }
0x370: {  	[tilespmem:v62+s1+$0x0] =	vst.idx.msk $0x1, v13  }
0x371: {  	s23 =	rddreg [dreg:$0xc];
	[tilespmem:v62+s18+$0x0] =	vst.idx.msk $0x1, v11  }
0x372: {  	[hbm4b:s23+s2] =	stream.linear.scatter [tilespmem:s1], [sflag:$0x3], $0x80, $0x38;
	[tilespmem:$0x11700] =	vst v63  }
0x373: {  	_ =	swait.ge [sflag:s19], $0x80  }
0x374: {  	[sflag:s19] =	ssyncset.done $0x0  }
0x375: {  	s24 =	rddreg [dreg:$0xd];
	[sflag:s19] =	ssyncadd.s32 $0xFFFFFF80  }
0x376: {  	[hbm4b:s24+s2] =	stream.linear.scatter [tilespmem:s18], [sflag:$0x3], $0x80, $0x38;
	[tilespmem:$0x11700] =	vst v63  }
0x377: {  	_ =	swait.ge [sflag:s19], $0x80  }
0x378: {  	[sflag:s19] =	ssyncset.done $0x0  }
0x379: {  	s4 =	simm.s32 $0x10040;
	[sflag:s19] =	ssyncadd.s32 $0xFFFFFF80  }
0x37a: {  	[tilespmem:s4+$0xFFFFFFC0] =	vst v1  }
0x37b: {  	[tilespmem:s4+$0x30] =	vst v1  }
0x37c: {  	[tilespmem:s4+$0x20] =	vst v1  }
0x37d: {  	[tilespmem:s4+$0x10] =	vst v1  }
0x37e: {  	[tilespmem:s4+$0x0] =	vst v1  }
0x37f: {  	[tilespmem:s4+$0xFFFFFFF0] =	vst v1  }
0x380: {  	s5 =	simm.s32 $0x0;
	[tilespmem:s4+$0xFFFFFFE0] =	vst v1  }
.LBB2_38:
0x381: {  	s5 =	sadd.s32 $0x8, s5;
	[tilespmem:s4+$0xFFFFFFD0] =	vst v1;
	s4 =	sadd.s32 $0x80, s4  }
0x382: {  	[tilespmem:s4+$0xFFFFFFC0] =	vst v1;
	p0 =	slt.u32 s5, $0xF8  }
0x383: {  	[tilespmem:s4+$0x30] =	vst v1  }
.Ltmp18:
0x384: {  	[tilespmem:s4+$0x20] =	vst v1;
	(pc) =	sbr.rel @p0 .LBB2_38-.Ltmp18, $4  }
0x385: {  	[tilespmem:s4+$0x10] =	vst v1  }
0x386: {  	[tilespmem:s4+$0x0] =	vst v1  }
0x387: {  	[tilespmem:s4+$0xFFFFFFF0] =	vst v1  }
0x388: {  	s3 =	simm.s32 $0x11340;
	[tilespmem:s4+$0xFFFFFFE0] =	vst v1  }
0x389: {  	[tilespmem:s4+$0xFFFFFFD0] =	vst v1;
	s4 =	simm.s32 $0x11140  }
0x38a: {  	[tilespmem:s4+$0x30] =	vst v1  }
0x38b: {  	[tilespmem:s4+$0xFFFFFFF0] =	vst v1  }
0x38c: {  	[tilespmem:s4+$0xFFFFFFC0] =	vst v1  }
0x38d: {  	[tilespmem:s4+$0xFFFFFFE0] =	vst v1  }
0x38e: {  	[tilespmem:s4+$0x10] =	vst v1  }
0x38f: {  	[tilespmem:s4+$0x20] =	vst v1  }
0x390: {  	[tilespmem:s4+$0x0] =	vst v1  }
0x391: {  	[tilespmem:s4+$0xFFFFFFD0] =	vst v1  }
0x392: {  	[tilespmem:s3+$0xFFFFFFC0] =	vst v1  }
0x393: {  	[tilespmem:s3+$0x30] =	vst v1  }
0x394: {  	[tilespmem:s3+$0x20] =	vst v1  }
0x395: {  	[tilespmem:s3+$0x10] =	vst v1  }
0x396: {  	[tilespmem:s3+$0xFFFFFFE0] =	vst v1  }
0x397: {  	[tilespmem:s3+$0x0] =	vst v1  }
0x398: {  	s5 =	simm.s32 $0x0;
	[tilespmem:s3+$0xFFFFFFF0] =	vst v1  }
.LBB2_40:
0x399: {  	s5 =	sadd.s32 $0x8, s5;
	[tilespmem:s3+$0xFFFFFFD0] =	vst v1;
	s4 =	sadd.s32 $0x80, s4;
	s3 =	sadd.s32 $0x80, s3  }
0x39a: {  	[tilespmem:s4+$0x30] =	vst v1;
	p0 =	slt.u32 s5, $0x18  }
0x39b: {  	[tilespmem:s4+$0xFFFFFFF0] =	vst v1  }
0x39c: {  	[tilespmem:s4+$0xFFFFFFC0] =	vst v1  }
0x39d: {  	[tilespmem:s3+$0xFFFFFFC0] =	vst v1  }
0x39e: {  	[tilespmem:s3+$0x30] =	vst v1  }
0x39f: {  	[tilespmem:s4+$0xFFFFFFE0] =	vst v1  }
0x3a0: {  	[tilespmem:s4+$0x10] =	vst v1  }
0x3a1: {  	[tilespmem:s4+$0x20] =	vst v1  }
0x3a2: {  	[tilespmem:s3+$0x20] =	vst v1  }
0x3a3: {  	[tilespmem:s3+$0x10] =	vst v1  }
.Ltmp19:
0x3a4: {  	[tilespmem:s3+$0xFFFFFFE0] =	vst v1;
	(pc) =	sbr.rel @p0 .LBB2_40-.Ltmp19, $4  }
0x3a5: {  	[tilespmem:s4+$0x0] =	vst v1  }
0x3a6: {  	[tilespmem:s3+$0x0] =	vst v1  }
0x3a7: {  	[tilespmem:s3+$0xFFFFFFF0] =	vst v1  }
0x3a8: {  	[tilespmem:s4+$0xFFFFFFD0] =	vst v1  }
0x3a9: {  	[tilespmem:s3+$0xFFFFFFD0] =	vst v1;
	s3 =	simm.s32 $0x40;
	s4 =	simm.s32 $0x0  }
.LBB2_42:
0x3aa: {  	p0 =	sne.s32 s3, $0x1C0;
	[tilespmem:s4+$0x11500] =	vst v1;
	s5 =	smov.u32 s3;
	s3 =	sadd.s32 $0x40, s3  }
.Ltmp20:
0x3ab: {  	[tilespmem:s4+$0x11580] =	vst v1;
	(pc) =	sbr.rel @p0 .LBB2_42-.Ltmp20, $2  }
0x3ac: {  	_ =	sdelay $0x2  }
0x3ad: {  	s4 =	sshra.s32 s5, $0x2  }
0x3ae: {  	[tilespmem:s4+$0x11500] =	vst v1  }
0x3af: {  	[tilespmem:s4+$0x11580] =	vst v1  }
0x3b0: {  	_ =	swait.ge [sflag:s20], $0x2000  }
0x3b1: {  	[sflag:s20] =	ssyncset.done $0x0  }
0x3b2: {  	s3 =	simm.s32 $0x8040;
	[sflag:s20] =	ssyncadd.s32 $0xFFFFE000  }
0x3b3: {  	v11 =	vld [tilespmem:s3+$0x30]  }
0x3b4: {  	v12 =	vld [tilespmem:s3+$0xFFFFFFD0]  }
0x3b5: {  	v13 =	vld [tilespmem:s3+$0xFFFFFFE0]  }
0x3b6: {  	v14 =	vld [tilespmem:s3+$0xFFFFFFF0]  }
0x3b7: {  	v15 =	vld [tilespmem:s3+$0x0]  }
0x3b8: {  	v16 =	vld [tilespmem:s3+$0x10]  }
0x3b9: {  	v19 =	vld [tilespmem:s3+$0x20]  }
0x3ba: {  	v20 =	vld [tilespmem:s3+$0xFFFFFFC0];
	_ =	sdelay $0x2  }
0x3bb: {  	v17 =	vshra.s32 v11, $0x1F;
	v18 =	vshra.s32 v12, $0x1F;
	v21 =	vshra.s32 v13, $0x1F  }
0x3bc: {  	v59 =	vshra.s32 v14, $0x1F;
	v60 =	vshra.s32 v15, $0x1F;
	v61 =	vshra.s32 v16, $0x1F  }
0x3bd: {  	v62 =	vshra.s32 v19, $0x1F;
	v22 =	vshra.s32 v20, $0x1F;
	v17 =	vor.u32 $0x80000000, v17  }
0x3be: {  	v18 =	vor.u32 $0x80000000, v18;
	v63 =	vor.u32 $0x80000000, v22;
	v11 =	vxor.u32 v11, v17  }
0x3bf: {  	v17 =	vor.u32 $0x80000000, v21;
	v12 =	vxor.u32 v12, v18;
	v11 =	vshrl.u32 v11, $0x14  }
0x3c0: {  	v18 =	vor.u32 $0x80000000, v59;
	v13 =	vxor.u32 v13, v17;
	v17 =	vor.u32 $0x80000000, v60  }
0x3c1: {  	v18 =	vxor.u32 v14, v18;
	v14 =	vor.u32 $0x80000000, v61;
	v23 =	vxor.u32 v15, v17  }
0x3c2: {  	v15 =	vor.u32 $0x80000000, v62;
	v17 =	vxor.u32 v16, v14;
	v14 =	vshrl.u32 v12, $0x14  }
0x3c3: {  	v12 =	vshrl.u32 v13, $0x14;
	v16 =	vxor.u32 v19, v15;
	v15 =	vxor.u32 v20, v63  }
0x3c4: {  	s4 =	simm.s32 $0x80C0;
	s3 =	simm.s32 $0x0;
	v13 =	vshrl.u32 v18, $0x14;
	v15 =	vshrl.u32 v15, $0x14;
	[tilespmem:v11+s26+$0x0] =	vst.idx.add.s32.msk $0xffff, v2;
	v11 =	vshrl.u32 v23, $0x14  }
.LBB2_44:
0x3c5: {  	v18 =	vld [tilespmem:s4+$0x30];
	s3 =	sadd.s32 $0x8, s3;
	v19 =	vshrl.u32 v17, $0x14;
	v20 =	vshrl.u32 v16, $0x14  }
0x3c6: {  	v16 =	vld [tilespmem:s4+$0xFFFFFFD0];
	p0 =	slt.u32 s3, $0x1F8  }
0x3c7: {  	v17 =	vld [tilespmem:s4+$0xFFFFFFE0]  }
0x3c8: {  	v21 =	vld [tilespmem:s4+$0xFFFFFFF0]  }
0x3c9: {  	v22 =	vld [tilespmem:s4+$0x0]  }
0x3ca: {  	v23 =	vld [tilespmem:s4+$0x10];
	v24 =	vshra.s32 v18, $0x1F  }
0x3cb: {  	v25 =	vshra.s32 v16, $0x1F;
	v26 =	vld [tilespmem:s4+$0x20];
	v24 =	vor.u32 $0x80000000, v24  }
0x3cc: {  	v27 =	vld [tilespmem:s4+$0xFFFFFFC0];
	v25 =	vor.u32 $0x80000000, v25;
	v28 =	vshra.s32 v17, $0x1F;
	v18 =	vxor.u32 v18, v24  }
0x3cd: {  	v24 =	vor.u32 $0x80000000, v28;
	v28 =	vshra.s32 v21, $0x1F;
	v18 =	vshrl.u32 v18, $0x14;
	[tilespmem:v15+s26+$0x0] =	vst.idx.add.s32.msk $0xffff, v2  }
0x3ce: {  	v15 =	vxor.u32 v16, v25;
	v16 =	vor.u32 $0x80000000, v28;
	v25 =	vshra.s32 v22, $0x1F;
	[tilespmem:v14+s26+$0x0] =	vst.idx.add.s32.msk $0xffff, v2  }
0x3cf: {  	v24 =	vxor.u32 v17, v24;
	v14 =	vor.u32 $0x80000000, v25;
	v17 =	vshra.s32 v23, $0x1F;
	[tilespmem:v12+s26+$0x0] =	vst.idx.add.s32.msk $0xffff, v2  }
.Ltmp21:
0x3d0: {  	v21 =	vxor.u32 v21, v16;
	v12 =	vor.u32 $0x80000000, v17;
	v16 =	vshra.s32 v26, $0x1F;
	[tilespmem:v13+s26+$0x0] =	vst.idx.add.s32.msk $0xffff, v2;
	(pc) =	sbr.rel @p0 .LBB2_44-.Ltmp21, $4  }
0x3d1: {  	v22 =	vxor.u32 v22, v14;
	v13 =	vshra.s32 v27, $0x1F;
	v14 =	vor.u32 $0x80000000, v16;
	[tilespmem:v11+s26+$0x0] =	vst.idx.add.s32.msk $0xffff, v2  }
0x3d2: {  	v17 =	vxor.u32 v23, v12;
	v11 =	vor.u32 $0x80000000, v13;
	v16 =	vxor.u32 v26, v14;
	[tilespmem:v18+s26+$0x0] =	vst.idx.add.s32.msk $0xffff, v2  }
0x3d3: {  	v12 =	vshrl.u32 v24, $0x14;
	v14 =	vshrl.u32 v15, $0x14;
	v11 =	vxor.u32 v27, v11;
	[tilespmem:v19+s26+$0x0] =	vst.idx.add.s32.msk $0xffff, v2  }
0x3d4: {  	s4 =	sadd.s32 $0x80, s4;
	v13 =	vshrl.u32 v21, $0x14;
	v15 =	vshrl.u32 v11, $0x14;
	v11 =	vshrl.u32 v22, $0x14;
	[tilespmem:v20+s26+$0x0] =	vst.idx.add.s32.msk $0xffff, v2  }
0x3d5: {  	_ =	sdelay $0x3  }
0x3d6: {  	v17 =	vshrl.u32 v17, $0x14;
	[tilespmem:v15+s26+$0x0] =	vst.idx.add.s32.msk $0xffff, v2  }
0x3d7: {  	v15 =	vshrl.u32 v16, $0x14;
	[tilespmem:v14+s26+$0x0] =	vst.idx.add.s32.msk $0xffff, v2  }
0x3d8: {  	[tilespmem:v12+s26+$0x0] =	vst.idx.add.s32.msk $0xffff, v2  }
0x3d9: {  	[tilespmem:v13+s26+$0x0] =	vst.idx.add.s32.msk $0xffff, v2  }
0x3da: {  	[tilespmem:v11+s26+$0x0] =	vst.idx.add.s32.msk $0xffff, v2  }
0x3db: {  	[tilespmem:v17+s26+$0x0] =	vst.idx.add.s32.msk $0xffff, v2  }
0x3dc: {  	[tilespmem:v15+s26+$0x0] =	vst.idx.add.s32.msk $0xffff, v2  }
0x3dd: {  	_ =	swait.ge [sflag:s20], $0x2000  }
0x3de: {  	[sflag:s20] =	ssyncset.done $0x0  }
0x3df: {  	s3 =	simm.s32 $0xA070;
	[sflag:s20] =	ssyncadd.s32 $0xFFFFE000  }
0x3e0: {  	v11 =	vld [tilespmem:s3+$0x0]  }
0x3e1: {  	v12 =	vld [tilespmem:s3+$0xFFFFFFA0]  }
0x3e2: {  	v13 =	vld [tilespmem:s3+$0xFFFFFFB0]  }
0x3e3: {  	v14 =	vld [tilespmem:s3+$0xFFFFFFC0]  }
0x3e4: {  	v15 =	vld [tilespmem:s3+$0xFFFFFFD0]  }
0x3e5: {  	v16 =	vld [tilespmem:s3+$0xFFFFFFE0]  }
0x3e6: {  	v19 =	vld [tilespmem:s3+$0xFFFFFFF0]  }
0x3e7: {  	v20 =	vld [tilespmem:s3+$0xFFFFFF90];
	_ =	sdelay $0x2  }
0x3e8: {  	v17 =	vshra.s32 v11, $0x1F;
	v18 =	vshra.s32 v12, $0x1F;
	v21 =	vshra.s32 v13, $0x1F  }
0x3e9: {  	v59 =	vshra.s32 v14, $0x1F;
	v60 =	vshra.s32 v15, $0x1F;
	v61 =	vshra.s32 v16, $0x1F  }
0x3ea: {  	v62 =	vshra.s32 v19, $0x1F;
	v22 =	vshra.s32 v20, $0x1F;
	v17 =	vor.u32 $0x80000000, v17  }
0x3eb: {  	v18 =	vor.u32 $0x80000000, v18;
	v63 =	vor.u32 $0x80000000, v22;
	v11 =	vxor.u32 v11, v17  }
0x3ec: {  	v17 =	vor.u32 $0x80000000, v21;
	v12 =	vxor.u32 v12, v18;
	v11 =	vshrl.u32 v11, $0x14  }
0x3ed: {  	v18 =	vor.u32 $0x80000000, v59;
	v13 =	vxor.u32 v13, v17;
	v17 =	vor.u32 $0x80000000, v60  }
0x3ee: {  	v18 =	vxor.u32 v14, v18;
	v14 =	vor.u32 $0x80000000, v61;
	v23 =	vxor.u32 v15, v17  }
0x3ef: {  	v15 =	vor.u32 $0x80000000, v62;
	v17 =	vxor.u32 v16, v14;
	v14 =	vshrl.u32 v12, $0x14  }
0x3f0: {  	v12 =	vshrl.u32 v13, $0x14;
	v16 =	vxor.u32 v19, v15;
	v15 =	vxor.u32 v20, v63  }
0x3f1: {  	s4 =	simm.s32 $0xA0F0;
	s3 =	simm.s32 $0x200;
	v13 =	vshrl.u32 v18, $0x14;
	v15 =	vshrl.u32 v15, $0x14;
	[tilespmem:v11+s26+$0x0] =	vst.idx.add.s32.msk $0xffff, v2;
	v11 =	vshrl.u32 v23, $0x14  }
.LBB2_46:
0x3f2: {  	v18 =	vld [tilespmem:s4+$0x0];
	s3 =	sadd.s32 $0x8, s3;
	v19 =	vshrl.u32 v17, $0x14;
	v20 =	vshrl.u32 v16, $0x14  }
0x3f3: {  	v16 =	vld [tilespmem:s4+$0xFFFFFFA0];
	p0 =	slt.u32 s3, $0x3F8  }
0x3f4: {  	v17 =	vld [tilespmem:s4+$0xFFFFFFB0]  }
0x3f5: {  	v21 =	vld [tilespmem:s4+$0xFFFFFFC0]  }
0x3f6: {  	v22 =	vld [tilespmem:s4+$0xFFFFFFD0]  }
0x3f7: {  	v23 =	vld [tilespmem:s4+$0xFFFFFFE0];
	v24 =	vshra.s32 v18, $0x1F  }
0x3f8: {  	v25 =	vshra.s32 v16, $0x1F;
	v26 =	vld [tilespmem:s4+$0xFFFFFFF0];
	v24 =	vor.u32 $0x80000000, v24  }
0x3f9: {  	v27 =	vld [tilespmem:s4+$0xFFFFFF90];
	v25 =	vor.u32 $0x80000000, v25;
	v28 =	vshra.s32 v17, $0x1F;
	v18 =	vxor.u32 v18, v24  }
0x3fa: {  	v24 =	vor.u32 $0x80000000, v28;
	v28 =	vshra.s32 v21, $0x1F;
	v18 =	vshrl.u32 v18, $0x14;
	[tilespmem:v15+s26+$0x0] =	vst.idx.add.s32.msk $0xffff, v2  }
0x3fb: {  	v15 =	vxor.u32 v16, v25;
	v16 =	vor.u32 $0x80000000, v28;
	v25 =	vshra.s32 v22, $0x1F;
	[tilespmem:v14+s26+$0x0] =	vst.idx.add.s32.msk $0xffff, v2  }
0x3fc: {  	v24 =	vxor.u32 v17, v24;
	v14 =	vor.u32 $0x80000000, v25;
	v17 =	vshra.s32 v23, $0x1F;
	[tilespmem:v12+s26+$0x0] =	vst.idx.add.s32.msk $0xffff, v2  }
.Ltmp22:
0x3fd: {  	v21 =	vxor.u32 v21, v16;
	v12 =	vor.u32 $0x80000000, v17;
	v16 =	vshra.s32 v26, $0x1F;
	[tilespmem:v13+s26+$0x0] =	vst.idx.add.s32.msk $0xffff, v2;
	(pc) =	sbr.rel @p0 .LBB2_46-.Ltmp22, $4  }
0x3fe: {  	v22 =	vxor.u32 v22, v14;
	v13 =	vshra.s32 v27, $0x1F;
	v14 =	vor.u32 $0x80000000, v16;
	[tilespmem:v11+s26+$0x0] =	vst.idx.add.s32.msk $0xffff, v2  }
0x3ff: {  	v17 =	vxor.u32 v23, v12;
	v11 =	vor.u32 $0x80000000, v13;
	v16 =	vxor.u32 v26, v14;
	[tilespmem:v18+s26+$0x0] =	vst.idx.add.s32.msk $0xffff, v2  }
0x400: {  	v12 =	vshrl.u32 v24, $0x14;
	v14 =	vshrl.u32 v15, $0x14;
	v11 =	vxor.u32 v27, v11;
	[tilespmem:v19+s26+$0x0] =	vst.idx.add.s32.msk $0xffff, v2  }
0x401: {  	s4 =	sadd.s32 $0x80, s4;
	v13 =	vshrl.u32 v21, $0x14;
	v15 =	vshrl.u32 v11, $0x14;
	v11 =	vshrl.u32 v22, $0x14;
	[tilespmem:v20+s26+$0x0] =	vst.idx.add.s32.msk $0xffff, v2  }
0x402: {  	_ =	sdelay $0x3  }
0x403: {  	v17 =	vshrl.u32 v17, $0x14;
	[tilespmem:v15+s26+$0x0] =	vst.idx.add.s32.msk $0xffff, v2  }
0x404: {  	v15 =	vshrl.u32 v16, $0x14;
	[tilespmem:v14+s26+$0x0] =	vst.idx.add.s32.msk $0xffff, v2  }
0x405: {  	[tilespmem:v12+s26+$0x0] =	vst.idx.add.s32.msk $0xffff, v2  }
0x406: {  	[tilespmem:v13+s26+$0x0] =	vst.idx.add.s32.msk $0xffff, v2  }
0x407: {  	[tilespmem:v11+s26+$0x0] =	vst.idx.add.s32.msk $0xffff, v2  }
0x408: {  	[tilespmem:v17+s26+$0x0] =	vst.idx.add.s32.msk $0xffff, v2  }
0x409: {  	[tilespmem:v15+s26+$0x0] =	vst.idx.add.s32.msk $0xffff, v2  }
0x40a: {  	_ =	swait.ge [sflag:s20], $0x2000  }
0x40b: {  	[sflag:s20] =	ssyncset.done $0x0  }
0x40c: {  	s3 =	simm.s32 $0xC070;
	[sflag:s20] =	ssyncadd.s32 $0xFFFFE000  }
0x40d: {  	v11 =	vld [tilespmem:s3+$0x0]  }
0x40e: {  	v12 =	vld [tilespmem:s3+$0xFFFFFFA0]  }
0x40f: {  	v13 =	vld [tilespmem:s3+$0xFFFFFFB0]  }
0x410: {  	v14 =	vld [tilespmem:s3+$0xFFFFFFC0]  }
0x411: {  	v15 =	vld [tilespmem:s3+$0xFFFFFFD0]  }
0x412: {  	v16 =	vld [tilespmem:s3+$0xFFFFFFE0]  }
0x413: {  	v19 =	vld [tilespmem:s3+$0xFFFFFFF0]  }
0x414: {  	v20 =	vld [tilespmem:s3+$0xFFFFFF90];
	_ =	sdelay $0x2  }
0x415: {  	v17 =	vshra.s32 v11, $0x1F;
	v18 =	vshra.s32 v12, $0x1F;
	v21 =	vshra.s32 v13, $0x1F  }
0x416: {  	v59 =	vshra.s32 v14, $0x1F;
	v60 =	vshra.s32 v15, $0x1F;
	v61 =	vshra.s32 v16, $0x1F  }
0x417: {  	v62 =	vshra.s32 v19, $0x1F;
	v22 =	vshra.s32 v20, $0x1F;
	v17 =	vor.u32 $0x80000000, v17  }
0x418: {  	v18 =	vor.u32 $0x80000000, v18;
	v63 =	vor.u32 $0x80000000, v22;
	v11 =	vxor.u32 v11, v17  }
0x419: {  	v17 =	vor.u32 $0x80000000, v21;
	v12 =	vxor.u32 v12, v18;
	v11 =	vshrl.u32 v11, $0x14  }
0x41a: {  	v18 =	vor.u32 $0x80000000, v59;
	v13 =	vxor.u32 v13, v17;
	v17 =	vor.u32 $0x80000000, v60  }
0x41b: {  	v18 =	vxor.u32 v14, v18;
	v14 =	vor.u32 $0x80000000, v61;
	v23 =	vxor.u32 v15, v17  }
0x41c: {  	v15 =	vor.u32 $0x80000000, v62;
	v17 =	vxor.u32 v16, v14;
	v14 =	vshrl.u32 v12, $0x14  }
0x41d: {  	v12 =	vshrl.u32 v13, $0x14;
	v16 =	vxor.u32 v19, v15;
	v15 =	vxor.u32 v20, v63  }
0x41e: {  	s4 =	simm.s32 $0xC0F0;
	s3 =	simm.s32 $0x400;
	v13 =	vshrl.u32 v18, $0x14;
	v15 =	vshrl.u32 v15, $0x14;
	[tilespmem:v11+s26+$0x0] =	vst.idx.add.s32.msk $0xffff, v2;
	v11 =	vshrl.u32 v23, $0x14  }
.LBB2_48:
0x41f: {  	v18 =	vld [tilespmem:s4+$0x0];
	s3 =	sadd.s32 $0x8, s3;
	v19 =	vshrl.u32 v17, $0x14;
	v20 =	vshrl.u32 v16, $0x14  }
0x420: {  	v16 =	vld [tilespmem:s4+$0xFFFFFFA0];
	p0 =	slt.u32 s3, $0x5F8  }
0x421: {  	v17 =	vld [tilespmem:s4+$0xFFFFFFB0]  }
0x422: {  	v21 =	vld [tilespmem:s4+$0xFFFFFFC0]  }
0x423: {  	v22 =	vld [tilespmem:s4+$0xFFFFFFD0]  }
0x424: {  	v23 =	vld [tilespmem:s4+$0xFFFFFFE0];
	v24 =	vshra.s32 v18, $0x1F  }
0x425: {  	v25 =	vshra.s32 v16, $0x1F;
	v26 =	vld [tilespmem:s4+$0xFFFFFFF0];
	v24 =	vor.u32 $0x80000000, v24  }
0x426: {  	v27 =	vld [tilespmem:s4+$0xFFFFFF90];
	v25 =	vor.u32 $0x80000000, v25;
	v28 =	vshra.s32 v17, $0x1F;
	v18 =	vxor.u32 v18, v24  }
0x427: {  	v24 =	vor.u32 $0x80000000, v28;
	v28 =	vshra.s32 v21, $0x1F;
	v18 =	vshrl.u32 v18, $0x14;
	[tilespmem:v15+s26+$0x0] =	vst.idx.add.s32.msk $0xffff, v2  }
0x428: {  	v15 =	vxor.u32 v16, v25;
	v16 =	vor.u32 $0x80000000, v28;
	v25 =	vshra.s32 v22, $0x1F;
	[tilespmem:v14+s26+$0x0] =	vst.idx.add.s32.msk $0xffff, v2  }
0x429: {  	v24 =	vxor.u32 v17, v24;
	v14 =	vor.u32 $0x80000000, v25;
	v17 =	vshra.s32 v23, $0x1F;
	[tilespmem:v12+s26+$0x0] =	vst.idx.add.s32.msk $0xffff, v2  }
.Ltmp23:
0x42a: {  	v21 =	vxor.u32 v21, v16;
	v12 =	vor.u32 $0x80000000, v17;
	v16 =	vshra.s32 v26, $0x1F;
	[tilespmem:v13+s26+$0x0] =	vst.idx.add.s32.msk $0xffff, v2;
	(pc) =	sbr.rel @p0 .LBB2_48-.Ltmp23, $4  }
0x42b: {  	v22 =	vxor.u32 v22, v14;
	v13 =	vshra.s32 v27, $0x1F;
	v14 =	vor.u32 $0x80000000, v16;
	[tilespmem:v11+s26+$0x0] =	vst.idx.add.s32.msk $0xffff, v2  }
0x42c: {  	v17 =	vxor.u32 v23, v12;
	v11 =	vor.u32 $0x80000000, v13;
	v16 =	vxor.u32 v26, v14;
	[tilespmem:v18+s26+$0x0] =	vst.idx.add.s32.msk $0xffff, v2  }
0x42d: {  	v12 =	vshrl.u32 v24, $0x14;
	v14 =	vshrl.u32 v15, $0x14;
	v11 =	vxor.u32 v27, v11;
	[tilespmem:v19+s26+$0x0] =	vst.idx.add.s32.msk $0xffff, v2  }
0x42e: {  	s4 =	sadd.s32 $0x80, s4;
	v13 =	vshrl.u32 v21, $0x14;
	v15 =	vshrl.u32 v11, $0x14;
	v11 =	vshrl.u32 v22, $0x14;
	[tilespmem:v20+s26+$0x0] =	vst.idx.add.s32.msk $0xffff, v2  }
0x42f: {  	_ =	sdelay $0x3  }
0x430: {  	v17 =	vshrl.u32 v17, $0x14;
	[tilespmem:v15+s26+$0x0] =	vst.idx.add.s32.msk $0xffff, v2  }
0x431: {  	v15 =	vshrl.u32 v16, $0x14;
	[tilespmem:v14+s26+$0x0] =	vst.idx.add.s32.msk $0xffff, v2  }
0x432: {  	[tilespmem:v12+s26+$0x0] =	vst.idx.add.s32.msk $0xffff, v2  }
0x433: {  	[tilespmem:v13+s26+$0x0] =	vst.idx.add.s32.msk $0xffff, v2  }
0x434: {  	[tilespmem:v11+s26+$0x0] =	vst.idx.add.s32.msk $0xffff, v2  }
0x435: {  	[tilespmem:v17+s26+$0x0] =	vst.idx.add.s32.msk $0xffff, v2  }
0x436: {  	[tilespmem:v15+s26+$0x0] =	vst.idx.add.s32.msk $0xffff, v2  }
0x437: {  	_ =	swait.ge [sflag:s20], $0x2000  }
0x438: {  	[sflag:s20] =	ssyncset.done $0x0  }
0x439: {  	s3 =	simm.s32 $0xE070;
	[sflag:s20] =	ssyncadd.s32 $0xFFFFE000  }
0x43a: {  	v11 =	vld [tilespmem:s3+$0x0]  }
0x43b: {  	v12 =	vld [tilespmem:s3+$0xFFFFFFA0]  }
0x43c: {  	v13 =	vld [tilespmem:s3+$0xFFFFFFB0]  }
0x43d: {  	v14 =	vld [tilespmem:s3+$0xFFFFFFC0]  }
0x43e: {  	v15 =	vld [tilespmem:s3+$0xFFFFFFD0]  }
0x43f: {  	v16 =	vld [tilespmem:s3+$0xFFFFFFE0]  }
0x440: {  	v19 =	vld [tilespmem:s3+$0xFFFFFFF0]  }
0x441: {  	v20 =	vld [tilespmem:s3+$0xFFFFFF90];
	_ =	sdelay $0x2  }
0x442: {  	v17 =	vshra.s32 v11, $0x1F;
	v18 =	vshra.s32 v12, $0x1F;
	v21 =	vshra.s32 v13, $0x1F  }
0x443: {  	v59 =	vshra.s32 v14, $0x1F;
	v60 =	vshra.s32 v15, $0x1F;
	v61 =	vshra.s32 v16, $0x1F  }
0x444: {  	v62 =	vshra.s32 v19, $0x1F;
	v22 =	vshra.s32 v20, $0x1F;
	v17 =	vor.u32 $0x80000000, v17  }
0x445: {  	v18 =	vor.u32 $0x80000000, v18;
	v63 =	vor.u32 $0x80000000, v22;
	v11 =	vxor.u32 v11, v17  }
0x446: {  	v17 =	vor.u32 $0x80000000, v21;
	v12 =	vxor.u32 v12, v18;
	v11 =	vshrl.u32 v11, $0x14  }
0x447: {  	v18 =	vor.u32 $0x80000000, v59;
	v13 =	vxor.u32 v13, v17;
	v17 =	vor.u32 $0x80000000, v60  }
0x448: {  	v18 =	vxor.u32 v14, v18;
	v14 =	vor.u32 $0x80000000, v61;
	v23 =	vxor.u32 v15, v17  }
0x449: {  	v15 =	vor.u32 $0x80000000, v62;
	v17 =	vxor.u32 v16, v14;
	v14 =	vshrl.u32 v12, $0x14  }
0x44a: {  	v12 =	vshrl.u32 v13, $0x14;
	v16 =	vxor.u32 v19, v15;
	v15 =	vxor.u32 v20, v63  }
0x44b: {  	s4 =	simm.s32 $0x600;
	s5 =	simm.s32 $0xE0F0;
	v13 =	vshrl.u32 v18, $0x14;
	v15 =	vshrl.u32 v15, $0x14;
	[tilespmem:v11+s26+$0x0] =	vst.idx.add.s32.msk $0xffff, v2;
	v11 =	vshrl.u32 v23, $0x14  }
.LBB2_50:
0x44c: {  	v18 =	vld [tilespmem:s5+$0x0];
	s4 =	sadd.s32 $0x8, s4;
	v19 =	vshrl.u32 v17, $0x14;
	v20 =	vshrl.u32 v16, $0x14  }
0x44d: {  	v16 =	vld [tilespmem:s5+$0xFFFFFFA0];
	p0 =	slt.u32 s4, $0x7F8  }
0x44e: {  	v17 =	vld [tilespmem:s5+$0xFFFFFFB0]  }
0x44f: {  	v21 =	vld [tilespmem:s5+$0xFFFFFFC0]  }
0x450: {  	v22 =	vld [tilespmem:s5+$0xFFFFFFD0]  }
0x451: {  	v23 =	vld [tilespmem:s5+$0xFFFFFFE0];
	v24 =	vshra.s32 v18, $0x1F  }
0x452: {  	v25 =	vshra.s32 v16, $0x1F;
	v26 =	vld [tilespmem:s5+$0xFFFFFFF0];
	v24 =	vor.u32 $0x80000000, v24  }
0x453: {  	v27 =	vld [tilespmem:s5+$0xFFFFFF90];
	v25 =	vor.u32 $0x80000000, v25;
	v28 =	vshra.s32 v17, $0x1F;
	v18 =	vxor.u32 v18, v24  }
0x454: {  	v24 =	vor.u32 $0x80000000, v28;
	v28 =	vshra.s32 v21, $0x1F;
	v18 =	vshrl.u32 v18, $0x14;
	[tilespmem:v15+s26+$0x0] =	vst.idx.add.s32.msk $0xffff, v2  }
0x455: {  	v15 =	vxor.u32 v16, v25;
	v16 =	vor.u32 $0x80000000, v28;
	v25 =	vshra.s32 v22, $0x1F;
	[tilespmem:v14+s26+$0x0] =	vst.idx.add.s32.msk $0xffff, v2  }
0x456: {  	v24 =	vxor.u32 v17, v24;
	v14 =	vor.u32 $0x80000000, v25;
	v17 =	vshra.s32 v23, $0x1F;
	[tilespmem:v12+s26+$0x0] =	vst.idx.add.s32.msk $0xffff, v2  }
.Ltmp24:
0x457: {  	v21 =	vxor.u32 v21, v16;
	v12 =	vor.u32 $0x80000000, v17;
	v16 =	vshra.s32 v26, $0x1F;
	[tilespmem:v13+s26+$0x0] =	vst.idx.add.s32.msk $0xffff, v2;
	(pc) =	sbr.rel @p0 .LBB2_50-.Ltmp24, $4  }
0x458: {  	v22 =	vxor.u32 v22, v14;
	v13 =	vshra.s32 v27, $0x1F;
	v14 =	vor.u32 $0x80000000, v16;
	[tilespmem:v11+s26+$0x0] =	vst.idx.add.s32.msk $0xffff, v2  }
0x459: {  	s3 =	simm.s32 $0x0;
	s6 =	simm.s32 $0x10020;
	v17 =	vxor.u32 v23, v12;
	v11 =	vor.u32 $0x80000000, v13;
	v16 =	vxor.u32 v26, v14;
	[tilespmem:v18+s26+$0x0] =	vst.idx.add.s32.msk $0xffff, v2  }
0x45a: {  	v12 =	vshrl.u32 v24, $0x14;
	v14 =	vshrl.u32 v15, $0x14;
	v11 =	vxor.u32 v27, v11;
	[tilespmem:v19+s26+$0x0] =	vst.idx.add.s32.msk $0xffff, v2  }
0x45b: {  	s5 =	sadd.s32 $0x80, s5;
	v13 =	vshrl.u32 v21, $0x14;
	v15 =	vshrl.u32 v11, $0x14;
	v11 =	vshrl.u32 v22, $0x14;
	[tilespmem:v20+s26+$0x0] =	vst.idx.add.s32.msk $0xffff, v2  }
0x45c: {  	_ =	sdelay $0x3  }
0x45d: {  	v17 =	vshrl.u32 v17, $0x14;
	[tilespmem:v15+s26+$0x0] =	vst.idx.add.s32.msk $0xffff, v2  }
0x45e: {  	v15 =	vshrl.u32 v16, $0x14;
	[tilespmem:v14+s26+$0x0] =	vst.idx.add.s32.msk $0xffff, v2  }
0x45f: {  	[tilespmem:v12+s26+$0x0] =	vst.idx.add.s32.msk $0xffff, v2  }
0x460: {  	[tilespmem:v13+s26+$0x0] =	vst.idx.add.s32.msk $0xffff, v2  }
0x461: {  	[tilespmem:v11+s26+$0x0] =	vst.idx.add.s32.msk $0xffff, v2  }
0x462: {  	[tilespmem:v17+s26+$0x0] =	vst.idx.add.s32.msk $0xffff, v2  }
0x463: {  	[tilespmem:v15+s26+$0x0] =	vst.idx.add.s32.msk $0xffff, v2  }
0x464: {  	v11 =	vld [tilespmem:s6+$0x10];
	_ =	sdelay $0x1  }
0x465: {  	v12 =	vld [tilespmem:s6+$0xFFFFFFF0]  }
0x466: {  	v13 =	vld [tilespmem:s6+$0x0]  }
0x467: {  	v14 =	vld [tilespmem:s6+$0xFFFFFFE0]  }
0x468: {  	s23 =	simm.s32 $0x10060;
	(xrf0) =	vadd.scan.msk.s32 $0xffff, v11  }
0x469: {  	v18 =	vld [tilespmem:s23+$0x10]  }
0x46a: {  	s4 =	simm.s32 $0x1;
	s24 =	simm.s32 $0x2;
	(xrf0) =	vadd.scan.msk.s32 $0xffff, v12  }
0x46b: {  	v17 =	vmov s24;
	v16 =	vld [tilespmem:s23+$0xFFFFFFF0];
	v11 =	vmov s4;
	(xrf0) =	vadd.scan.msk.s32 $0xffff, v13  }
0x46c: {  	s7 =	simm.s32 $0x3;
	v15 =	vld [tilespmem:s23+$0x0];
	v12 =	vmov s3;
	v11 =	vand.u32 $0xFFFFFFFD, v11;
	v13 =	vand.u32 $0xFFFFFFFE, v17;
	(xrf0) =	vadd.scan.msk.s32 $0xffff, v14  }
0x46d: {  	s5 =	simm.s32 $0x8;
	v11 =	vbroadcast v11, $0x0;
	v19 =	vand.u32 $0xFFFFFFFC, v12;
	v17 =	vld [tilespmem:s23+$0xFFFFFFE0];
	v14 =	vmov s7  }
0x46e: {  	s6 =	simm.s32 $0x100A0;
	s4 =	simm.s32 $0x4;
	v12 =	vbroadcast v13, $0x0;
	s7 =	simm.s32 $0x5;
	v13 =	vbroadcast v19, $0x0;
	(xrf0) =	vadd.scan.msk.s32 $0xffff, v18;
	v18, _, _ =	vpop (xrf0)  }
.LBB2_52:
0x46f: {  	p0 =	slt.u32 s5, $0xFC  }
0x470: {  	v19 =	vld [tilespmem:s6+$0x10];
	v20 =	vmov s4;
	v21 =	vmov s7;
	s7 =	sadd.s32 $0x2, s4;
	(xrf0) =	vadd.scan.msk.s32 $0xffff, v16;
	v25 =	vbroadcast v18, $0xF;
	v22, _, _ =	vpop (xrf0);
	s8 =	smov.u32 s5;
	s5 =	sadd.s32 $0x4, s5  }
.Ltmp25:
0x471: {  	v16 =	vld [tilespmem:s6+$0xFFFFFFF0];
	v21 =	vand.u32 $0xFFFFFFFD, v21;
	v23 =	vmov s7;
	(xrf0) =	vadd.scan.msk.s32 $0xffff, v15;
	v22 =	vbroadcast v22, $0xF;
	v24, _, _ =	vpop (xrf0);
	(pc) =	sbr.rel @p0 .LBB2_52-.Ltmp25, $4  }
0x472: {  	s4 =	sadd.s32 $0x3, s4;
	v15 =	vld [tilespmem:s6+$0x0];
	v23 =	vand.u32 $0xFFFFFFFE, v23;
	(xrf0) =	vadd.scan.msk.s32 $0xffff, v17;
	v24 =	vbroadcast v24, $0xF;
	[tilespmem:v14+s28+$0x0] =	vst.idx.msk $0x1, v25;
	v18, _, _ =	vpop (xrf0)  }
0x473: {  	v14 =	vmov s4;
	s4 =	smov.u32 s8;
	v17 =	vld [tilespmem:s6+$0xFFFFFFE0];
	v25 =	vbroadcast v18, $0xF;
	[tilespmem:v11+s28+$0x0] =	vst.idx.msk $0x1, v22;
	v11 =	vbroadcast v21, $0x0  }
0x474: {  	v20 =	vand.u32 $0xFFFFFFFC, v20;
	[tilespmem:v12+s28+$0x0] =	vst.idx.msk $0x1, v24;
	v12 =	vbroadcast v23, $0x0  }
0x475: {  	s7 =	sadd.s32 $0x1, s4;
	s6 =	sadd.s32 $0x40, s6;
	(xrf0) =	vadd.scan.msk.s32 $0xffff, v19;
	v18, _, _ =	vpop (xrf0);
	[tilespmem:v13+s28+$0x0] =	vst.idx.msk $0x1, v25;
	v13 =	vbroadcast v20, $0x0  }
0x476: {  	(xrf0) =	vadd.scan.msk.s32 $0xffff, v16  }
0x477: {  	v50 =	vmov s4;
	v19 =	vmov s7;
	s5 =	sadd.s32 $0x2, s4;
	v18 =	vbroadcast v18, $0xF;
	v20, _, _ =	vpop (xrf0);
	(xrf0) =	vadd.scan.msk.s32 $0xffff, v15  }
0x478: {  	s11 =	sadd.s32 $0x3, s4;
	v51 =	vand.u32 $0xFFFFFFFD, v19;
	v52 =	vmov s5;
	v20 =	vbroadcast v20, $0xF;
	(xrf0) =	vadd.scan.msk.s32 $0xffff, v17  }
0x479: {  	v53, _, _ =	vpop (xrf0);
	v21 =	vmov s11;
	v19 =	vand.u32 $0xFFFFFFFE, v52;
	v15 =	vbroadcast v51, $0x0  }
0x47a: {  	v16 =	vand.u32 $0xFFFFFFFC, v50;
	v17 =	vbroadcast v53, $0xF;
	[tilespmem:v14+s28+$0x0] =	vst.idx.msk $0x1, v18;
	v54, _, _ =	vpop (xrf0);
	v55 =	vbroadcast v19, $0x0  }
0x47b: {  	v14 =	vbroadcast v54, $0xF;
	[tilespmem:v11+s28+$0x0] =	vst.idx.msk $0x1, v20;
	v11 =	vbroadcast v16, $0x0;
	v56, _, _ =	vpop (xrf0)  }
0x47c: {  	[tilespmem:v12+s28+$0x0] =	vst.idx.msk $0x1, v17;
	v57 =	vbroadcast v56, $0xF;
	v58, _, _ =	vpop (xrf0)  }
0x47d: {  	[tilespmem:v13+s28+$0x0] =	vst.idx.msk $0x1, v14;
	v59 =	vbroadcast v58, $0xF;
	v60, _, _ =	vpop (xrf0)  }
0x47e: {  	v14 =	vbroadcast v60, $0xF;
	[tilespmem:v21+s28+$0x0] =	vst.idx.msk $0x1, v57;
	v61, _, _ =	vpop (xrf0)  }
0x47f: {  	v12 =	vbroadcast v61, $0xF;
	[tilespmem:v15+s28+$0x0] =	vst.idx.msk $0x1, v59  }
0x480: {  	[tilespmem:v55+s28+$0x0] =	vst.idx.msk $0x1, v14  }
0x481: {  	s12 =	simm.s32 $0x110F0;
	[tilespmem:v11+s28+$0x0] =	vst.idx.msk $0x1, v12  }
0x482: {  	v11 =	vld [tilespmem:s12+$0x0];
	_ =	sdelay $0x4  }
0x483: {  	(xrf0) =	vadd.scan.msk.s32 $0xffff, v11;
	_ =	sdelay $0x5  }
0x484: {  	v11, _, _ =	vpop (xrf0)  }
0x485: {  	(v2sf) =	vpush v11, $0xF  }
0x486: {  	s22 =	simm.s32 $0x110E0  }
0x487: {  	s23 =	simm.s32 $0x110D0;
	v11 =	vld [tilespmem:s22+$0x0]  }
0x488: {  	v12 =	vld [tilespmem:s23+$0x0];
	_ =	sdelay $0x3  }
0x489: {  	(xrf0) =	vadd.scan.msk.s32 $0xffff, v11  }
0x48a: {  	(xrf0) =	vadd.scan.msk.s32 $0xffff, v12;
	_ =	sdelay $0x4  }
0x48b: {  	v62, _, _ =	vpop (xrf0)  }
0x48c: {  	(v2sf) =	vpush v62, $0xF;
	v63, _, _ =	vpop (xrf0)  }
0x48d: {  	s24 =	simm.s32 $0x110C0;
	s10 =	spop (v2sf);
	(v2sf) =	vpush v63, $0xF  }
0x48e: {  	v11 =	vld [tilespmem:s24+$0x0];
	_ =	sdelay $0x2  }
0x48f: {  	p0 =	por $0x0, $0x0;
	s8 =	simm.s32 $0xF  }
0x490: {  	s7 =	simm.s32 $0xE;
	s6 =	simm.s32 $0xD;
	s4 =	simm.s32 $0xC  }
0x491: {  	s9 =	simm.s32 $0x110B0;
	s5 =	simm.s32 $0xB;
	s8 =	smov.u32 @p0 s3;
	(xrf0) =	vadd.scan.msk.s32 $0xffff, v11  }
0x492: {  	s23 =	simm.s32 $0x0;
	s22 =	simm.s32 $0xA;
	v11 =	vld [tilespmem:s9+$0x0];
	s10 =	sadd.s32 $0x0, s10  }
.LBB2_54:
0x493: {  	s11 =	smov.u32 s23  }
0x494: {  	p1 =	sne.s32 s22, $0x0;
	p2 =	sgt.s32 s10, $0x3F;
	s23 =	smov.u32 s10  }
0x495: {  	s3 =	smov.u32 @p2 s8;
	p0 =	por p0, p2;
	s8 =	smov.u32 s7  }
.Ltmp26:
0x496: {  	s8 =	smov.u32 @p0 s3;
	s23 =	smov.u32 @p0 s11;
	(pc) =	sbr.rel @p1 .LBB2_54-.Ltmp26, $4  }
0x497: {  	s7 =	smov.u32 s6;
	s6 =	smov.u32 s4;
	s4 =	smov.u32 s5;
	v12, _, _ =	vpop (xrf0)  }
0x498: {  	s5 =	smov.u32 s22;
	(xrf0) =	vadd.scan.msk.s32 $0xffff, v11;
	(v2sf) =	vpush v12, $0xF  }
0x499: {  	s9 =	sadd.s32 $0xFFFFFFF0, s9;
	s10 =	spop (v2sf)  }
0x49a: {  	s22 =	sadd.s32 $0xFFFFFFFF, s22;
	v11 =	vld [tilespmem:s9+$0x0];
	s10 =	sadd.s32 s23, s10  }
0x49b: {  	_ =	sdelay $0x3  }
0x49c: {  	(xrf0) =	vadd.scan.msk.s32 $0xffff, v11;
	_ =	sdelay $0x1  }
0x49d: {  	v11, _, _ =	vpop (xrf0)  }
0x49e: {  	(v2sf) =	vpush v11, $0xF;
	_ =	sdelay $0x2  }
0x49f: {  	v11, _, _ =	vpop (xrf0)  }
0x4a0: {  	(v2sf) =	vpush v11, $0xF  }
0x4a1: {  	p1 =	sgt.s32 s10, $0x3F  }
0x4a2: {  	p0 =	por p0, p1  }
0x4a3: {  	s9 =	spop (v2sf);
	s10 =	smov.u32 @p0 s23  }
0x4a4: {  	s9 =	sadd.s32 s10, s9  }
0x4a5: {  	p2 =	sgt.s32 s9, $0x3F  }
0x4a6: {  	p3 =	por p0, p2  }
0x4a7: {  	s9 =	smov.u32 @p3 s10;
	s12 =	spop (v2sf)  }
0x4a8: {  	s3 =	smov.u32 @p1 s8;
	s8 =	sadd.s32 s9, s12  }
0x4a9: {  	s7 =	smov.u32 @p0 s3;
	p0 =	sgt.s32 s8, $0x3F  }
0x4aa: {  	p1 =	por p3, p0  }
0x4ab: {  	s3 =	smov.u32 @p2 s7;
	s8 =	smov.u32 @p1 s9;
	s22 =	spop (v2sf)  }
0x4ac: {  	s6 =	smov.u32 @p3 s3;
	s7 =	sadd.s32 s8, s22  }
0x4ad: {  	s3 =	smov.u32 @p0 s6;
	p0 =	sgt.s32 s7, $0x3F  }
0x4ae: {  	s4 =	smov.u32 @p1 s3;
	p1 =	por p1, p0  }
0x4af: {  	s7 =	smov.u32 @p1 s8;
	s23 =	spop (v2sf)  }
0x4b0: {  	s3 =	smov.u32 @p0 s4;
	s4 =	sadd.s32 s7, s23  }
0x4b1: {  	s5 =	smov.u32 @p1 s3;
	p0 =	sgt.s32 s4, $0x3F  }
0x4b2: {  	s3 =	smov.u32 @p0 s5  }
0x4b3: {  	s3 =	sshll.u32 s3, $0x4  }
0x4b4: {  	v11 =	vld [tilespmem:s3+$0x11000];
	_ =	sdelay $0x4  }
0x4b5: {  	v11 =	vperm.xlane v11, v3;
	_ =	sdelay $0x1  }
0x4b6: {  	(xrf0) =	vadd.scan.msk.s32 $0xffff, v11;
	_ =	sdelay $0x4  }
0x4b7: {  	p0 =	por p1, p0  }
0x4b8: {  	s4 =	smov.u32 @p0 s7;
	v12, _, _ =	vpop (xrf0)  }
0x4b9: {  	v13 =	vadd.s32 s4, v12  }
0x4ba: {  	vm0 =	vgt.s32 v13, $0x3F  }
0x4bb: {  	v13 =	vmctz.xlane vm0;
	_ =	sdelay $0x1  }
0x4bc: {  	v13 =	vxor.u32 $0x80000000, v13  }
0x4bd: {  	(xrf0) =	vmax.scan.msk.u32 $0xffff, v13;
	_ =	sdelay $0x5  }
0x4be: {  	v13, _, _ =	vpop (xrf0)  }
0x4bf: {  	(v2sf) =	vpush v13, $0xF;
	_ =	sdelay $0xe  }
0x4c0: {  	s24 =	spop (v2sf)  }
0x4c1: {  	s7 =	sxor.u32 $0x80000000, s24  }
0x4c2: {  	v13 =	vmov s7  }
0x4c3: {  	v11 =	vsub.s32 v12, v11;
	vm0 =	veq.s32 v13, v0  }
0x4c4: {  	v11 =	vnsel vm0, $0x0, v11  }
0x4c5: {  	(xrf0) =	vadd.scan.msk.s32 $0xffff, v11;
	_ =	sdelay $0x5  }
0x4c6: {  	v11, _, _ =	vpop (xrf0)  }
0x4c7: {  	(v2sf) =	vpush v11, $0xF  }
0x4c8: {  	s3 =	ssub.s32 s3, s24  }
0x4c9: {  	s3 =	sshll.u32 s3, $0x4  }
0x4ca: {  	v11 =	vld [tilespmem:s3+$0x100F0];
	_ =	sdelay $0x4  }
0x4cb: {  	v11 =	vperm.xlane v11, v3;
	_ =	sdelay $0x1  }
0x4cc: {  	(xrf0) =	vadd.scan.msk.s32 $0xffff, v11;
	_ =	sdelay $0x4  }
0x4cd: {  	s8 =	spop (v2sf)  }
0x4ce: {  	v12, _, _ =	vpop (xrf0);
	s23 =	sadd.s32 s4, s8  }
0x4cf: {  	v13 =	vadd.s32 s23, v12  }
0x4d0: {  	vm0 =	vgt.s32 v13, $0x3F  }
0x4d1: {  	v13 =	vmctz.xlane vm0;
	_ =	sdelay $0x1  }
0x4d2: {  	v13 =	vxor.u32 $0x80000000, v13  }
0x4d3: {  	(xrf0) =	vmax.scan.msk.u32 $0xffff, v13;
	_ =	sdelay $0x5  }
0x4d4: {  	v13, _, _ =	vpop (xrf0)  }
0x4d5: {  	(v2sf) =	vpush v13, $0xF;
	_ =	sdelay $0x6  }
0x4d6: {  	s9 =	simm.s32 $0x8040  }
0x4d7: {  	v15 =	vld [tilespmem:s9+$0xFFFFFFC0]  }
0x4d8: {  	v16 =	vld [tilespmem:s9+$0x30]  }
0x4d9: {  	v20 =	vld [tilespmem:s9+$0xFFFFFFE0]  }
0x4da: {  	v21 =	vld [tilespmem:s9+$0xFFFFFFD0]  }
0x4db: {  	v18 =	vld [tilespmem:s9+$0x0]  }
0x4dc: {  	v17 =	vld [tilespmem:s9+$0x20];
	_ =	sdelay $0x1  }
0x4dd: {  	v22 =	vimm.s32 $0x0;
	v27 =	vld [tilespmem:s9+$0x10];
	v14 =	vshra.s32 v15, $0x1F;
	v24 =	vshra.s32 v16, $0x1F;
	s10 =	spop (v2sf)  }
0x4de: {  	v28 =	vshra.s32 v20, $0x1F;
	v29 =	vshra.s32 v21, $0x1F;
	v19 =	vor.u32 $0x80000000, v14;
	s24 =	sxor.u32 $0x80000000, s10  }
0x4df: {  	v24 =	vor.u32 $0x80000000, v24;
	v25 =	vxor.u32 v15, v19;
	v19 =	vshra.s32 v18, $0x1F;
	s3 =	ssub.s32 s3, s24  }
0x4e0: {  	v28 =	vor.u32 $0x80000000, v28;
	v15 =	vshra.s32 v17, $0x1F;
	v19 =	vor.u32 $0x80000000, v19;
	s3 =	sadd.s32 $0xFF, s3  }
0x4e1: {  	v16 =	vxor.u32 v16, v24;
	v31 =	vxor.u32 v18, v19;
	v18 =	vor.u32 $0x80000000, v29;
	s22 =	sshll.u32 s3, $0x14  }
0x4e2: {  	v23 =	vld [tilespmem:s9+$0xFFFFFFF0];
	v32 =	vxor.u32 v21, v18;
	v18 =	vshra.s32 v27, $0x1F;
	v13 =	vmov s22  }
0x4e3: {  	v26 =	vor.u32 $0x80000000, v15;
	v18 =	vor.u32 $0x80000000, v18;
	vm0 =	vge.u32 v31, v13  }
0x4e4: {  	vm3 =	vge.u32 v25, v13;
	vm7 =	vge.u32 v32, v13;
	v29 =	vsel vm0, $0x1, v1  }
0x4e5: {  	v18 =	vxor.u32 v27, v18;
	v15 =	vmpcnt.ones.xlane vm3;
	v21 =	vsel vm7, $0x1, v1;
	(xrf0) =	vadd.scan.msk.s32 $0xffff, v29  }
0x4e6: {  	v20 =	vxor.u32 v20, v28;
	vm6 =	vge.u32 v18, v13;
	v29 =	vsel vm3, $0x1, v1;
	(xrf0) =	vadd.scan.msk.s32 $0xffff, v21  }
0x4e7: {  	vm5 =	vge.u32 v20, v13;
	v30 =	vadd.s32 v22, v15;
	v15 =	vshra.s32 v23, $0x1F;
	(xrf0) =	vadd.scan.msk.s32 $0xffff, v29  }
0x4e8: {  	v24 =	vmpcnt.ones.xlane vm5;
	v21 =	vsel vm6, $0x1, v1;
	v15 =	vor.u32 $0x80000000, v15  }
0x4e9: {  	v15 =	vxor.u32 v23, v15;
	v23 =	vmpcnt.ones.xlane vm7;
	_ =	sdelay $0x1  }
0x4ea: {  	(xrf0) =	vadd.scan.msk.s32 $0xffff, v21;
	v27 =	vadd.s32 v30, v23;
	v23 =	vsel vm5, $0x1, v1;
	v21, _, _ =	vpop (xrf0)  }
0x4eb: {  	v17 =	vxor.u32 v17, v26;
	vm1 =	vge.u32 v16, v13;
	(xrf0) =	vadd.scan.msk.s32 $0xffff, v23;
	v33 =	vadd.s32 v27, v24;
	v24, _, _ =	vpop (xrf0)  }
0x4ec: {  	vm4 =	vge.u32 v17, v13;
	vm2 =	vge.u32 v15, v13;
	v24 =	vadd.s32 v24, v30;
	v30, _, _ =	vpop (xrf0)  }
0x4ed: {  	v28 =	vmpcnt.ones.xlane vm0;
	v29 =	vmpcnt.ones.xlane vm2;
	v22 =	vadd.s32 v30, v22  }
0x4ee: {  	v26 =	vsel vm2, $0x1, v1;
	v23 =	vsel vm4, $0x1, v1;
	v22 =	vadd.s32 $0xFFFFFFFF, v22  }
0x4ef: {  	(xrf0) =	vadd.scan.msk.s32 $0xffff, v26;
	v29 =	vadd.s32 v33, v29;
	v26 =	vsel vm1, $0x1, v1;
	v24 =	vadd.s32 $0xFFFFFFFF, v24  }
0x4f0: {  	v21 =	vadd.s32 v21, v29;
	(xrf0) =	vadd.scan.msk.s32 $0xffff, v26;
	v30, _, _ =	vpop (xrf0);
	vm8 =	vlt.s32 v24, $0x1FF;
	vm9 =	vlt.s32 v22, $0x1FF  }
0x4f1: {  	v21 =	vadd.s32 $0xFFFFFFFF, v21;
	(xrf0) =	vadd.scan.msk.s32 $0xffff, v23;
	v23 =	vnsel vm8, $0x1FF, v24;
	v24 =	vnsel vm9, $0x1FF, v22;
	v22, _, _ =	vpop (xrf0)  }
0x4f2: {  	s11 =	simm.s32 $0x10;
	v22 =	vadd.s32 v22, v27;
	v27 =	vadd.s32 v29, v28;
	v28 =	vmpcnt.ones.xlane vm4  }
0x4f3: {  	s12 =	simm.s32 $0x0;
	v14 =	vor.u32 s11, v0;
	v34 =	vmpcnt.ones.xlane vm6;
	vm8 =	vlt.s32 v21, $0x1FF  }
0x4f4: {  	v19 =	vor.u32 s12, v0;
	v26 =	vmpcnt.ones.xlane vm1;
	v21 =	vnsel vm8, $0x1FF, v21  }
0x4f5: {  	v29, _, _ =	vpop (xrf0);
	v22 =	vadd.s32 $0xFFFFFFFF, v22;
	v30 =	vadd.s32 v30, v27;
	v34 =	vadd.s32 v27, v34  }
0x4f6: {  	vm8 =	vlt.s32 v22, $0x1FF;
	v27 =	vadd.s32 $0xFFFFFFFF, v30;
	v30 =	vadd.s32 v34, v28;
	v28, _, _ =	vpop (xrf0)  }
0x4f7: {  	[tilespmem:v23+s29+$0x0] =	vst.idx.msk vm7, v32;
	v22 =	vnsel vm8, $0x1FF, v22;
	vm8 =	vlt.s32 v27, $0x1FF;
	v28 =	vadd.s32 v28, v30;
	v63, _, _ =	vpop (xrf0)  }
0x4f8: {  	s6 =	simm.s32 $0x0;
	s5 =	simm.s32 $0x70;
	[tilespmem:v24+s29+$0x0] =	vst.idx.msk vm3, v25;
	v27 =	vnsel vm8, $0x1FF, v27;
	v32 =	vadd.s32 v63, v34;
	v25 =	vadd.s32 $0xFFFFFFFF, v28  }
0x4f9: {  	s7 =	simm.s32 $0xF0;
	s4 =	simm.s32 $0x30;
	s8 =	simm.s32 $0x80C0;
	v29 =	vadd.s32 v29, v33;
	[tilespmem:v21+s29+$0x0] =	vst.idx.msk vm0, v31;
	v28 =	vadd.s32 $0xFFFFFFFF, v32;
	vm8 =	vlt.s32 v25, $0x1FF  }
.LBB2_56:
0x4fa: {  	v31 =	vld [tilespmem:s8+$0xFFFFFFC0];
	s9 =	sadd.s32 $0xFFFFFFA0, s7;
	s10 =	sadd.s32 $0xFFFFFFC0, s7;
	s6 =	sadd.s32 $0x8, s6;
	[tilespmem:v24+s30+$0x0] =	vst.idx.msk vm3, v19;
	v24 =	vadd.s32 v30, v26  }
0x4fb: {  	v26 =	vld [tilespmem:s8+$0x30];
	p0 =	slt.u32 s6, $0x7F8;
	[tilespmem:v23+s30+$0x0] =	vst.idx.msk vm7, v14;
	v14 =	vor.u32 s9, v0;
	v23 =	vor.u32 s4, v0;
	s9 =	sadd.s32 $0xFFFFFFF0, s5;
	s4 =	smov.u32 s10  }
0x4fc: {  	s11 =	sadd.s32 $0xFFFFFFE0, s5;
	s10 =	sadd.s32 $0xFFFFFFD0, s5;
	v30 =	vld [tilespmem:s8+$0x20];
	[tilespmem:v22+s29+$0x0] =	vst.idx.msk vm5, v20;
	v19 =	vor.u32 s9, v0;
	v20 =	vor.u32 s5, v0  }
0x4fd: {  	v34 =	vor.u32 s11, v0;
	s9 =	sadd.s32 $0xFFFFFFB0, s5;
	v33 =	vor.u32 s10, v0;
	s5 =	smov.u32 s7;
	v32 =	vld [tilespmem:s8+$0x0];
	[tilespmem:v27+s29+$0x0] =	vst.idx.msk vm6, v18  }
0x4fe: {  	v29 =	vadd.s32 $0xFFFFFFFF, v29;
	vm3 =	vlt.s32 v28, $0x1FF;
	v18 =	vor.u32 s9, v0;
	v35 =	vld [tilespmem:s8+$0xFFFFFFE0];
	[tilespmem:v27+s30+$0x0] =	vst.idx.msk vm6, v34  }
0x4ff: {  	v25 =	vnsel vm8, $0x1FF, v25;
	v28 =	vnsel vm3, $0x1FF, v28;
	v27 =	vshra.s32 v31, $0x1F;
	v34 =	vld [tilespmem:s8+$0xFFFFFFD0]  }
0x500: {  	vm3 =	vlt.s32 v29, $0x1FF;
	v27 =	vor.u32 $0x80000000, v27;
	v36 =	vld [tilespmem:s8+$0xFFFFFFF0];
	v37 =	vshra.s32 v26, $0x1F  }
0x501: {  	v27 =	vxor.u32 v31, v27;
	v31 =	vshra.s32 v30, $0x1F;
	[tilespmem:v22+s30+$0x0] =	vst.idx.msk vm5, v18;
	v18 =	vnsel vm3, $0x1FF, v29  }
0x502: {  	vm3 =	vge.u32 v27, v13;
	v22 =	vshra.s32 v32, $0x1F;
	v29 =	vor.u32 $0x80000000, v31  }
0x503: {  	v31 =	vmpcnt.ones.xlane vm3;
	v38 =	vshra.s32 v35, $0x1F;
	v22 =	vor.u32 $0x80000000, v22;
	v39 =	vld [tilespmem:s8+$0x10];
	[tilespmem:v21+s30+$0x0] =	vst.idx.msk vm0, v33  }
0x504: {  	v21 =	vshra.s32 v34, $0x1F;
	v32 =	vxor.u32 v32, v22;
	v22 =	vor.u32 $0x80000000, v37;
	[tilespmem:v28+s29+$0x0] =	vst.idx.msk vm4, v17  }
0x505: {  	v31 =	vadd.s32 v24, v31;
	v17 =	vshra.s32 v36, $0x1F;
	vm0 =	vge.u32 v32, v13;
	[tilespmem:v28+s30+$0x0] =	vst.idx.msk vm4, v19  }
0x506: {  	s9 =	sadd.s32 $0xFFFFFF90, s7;
	v21 =	vor.u32 $0x80000000, v21;
	v17 =	vor.u32 $0x80000000, v17;
	v28 =	vsel vm0, $0x1, v1;
	[tilespmem:v18+s29+$0x0] =	vst.idx.msk vm2, v15  }
0x507: {  	v19 =	vor.u32 s9, v0;
	v33 =	vxor.u32 v34, v21;
	v15 =	vxor.u32 v36, v17;
	[tilespmem:v25+s29+$0x0] =	vst.idx.msk vm1, v16  }
0x508: {  	vm7 =	vge.u32 v33, v13;
	v16 =	vshra.s32 v39, $0x1F;
	(xrf0) =	vadd.scan.msk.s32 $0xffff, v28;
	[tilespmem:v25+s30+$0x0] =	vst.idx.msk vm1, v20  }
0x509: {  	v17 =	vsel vm7, $0x1, v1;
	v20 =	vmpcnt.ones.xlane vm7;
	v16 =	vor.u32 $0x80000000, v16;
	[tilespmem:v18+s30+$0x0] =	vst.idx.msk vm2, v23  }
0x50a: {  	v21 =	vsel vm3, $0x1, v1;
	v23 =	vor.u32 $0x80000000, v38;
	v18 =	vxor.u32 v39, v16;
	(xrf0) =	vadd.scan.msk.s32 $0xffff, v17  }
0x50b: {  	v25 =	vadd.s32 v31, v20;
	v16 =	vxor.u32 v26, v22;
	vm6 =	vge.u32 v18, v13;
	(xrf0) =	vadd.scan.msk.s32 $0xffff, v21  }
0x50c: {  	v20 =	vxor.u32 v35, v23;
	v17 =	vxor.u32 v30, v29;
	v21 =	vsel vm6, $0x1, v1  }
0x50d: {  	v22 =	vmpcnt.ones.xlane vm0;
	vm5 =	vge.u32 v20, v13;
	vm1 =	vge.u32 v16, v13  }
0x50e: {  	vm2 =	vge.u32 v15, v13;
	v23 =	vsel vm5, $0x1, v1;
	v35 =	vmpcnt.ones.xlane vm5;
	v28, _, _ =	vpop (xrf0);
	(xrf0) =	vadd.scan.msk.s32 $0xffff, v21  }
0x50f: {  	v29 =	vmpcnt.ones.xlane vm2;
	vm4 =	vge.u32 v17, v13;
	v21 =	vsel vm2, $0x1, v1;
	(xrf0) =	vadd.scan.msk.s32 $0xffff, v23  }
0x510: {  	v30 =	vmpcnt.ones.xlane vm6;
	v34 =	vadd.s32 v25, v35;
	v23 =	vsel vm4, $0x1, v1;
	v26, _, _ =	vpop (xrf0);
	(xrf0) =	vadd.scan.msk.s32 $0xffff, v21  }
0x511: {  	v29 =	vadd.s32 v34, v29;
	v21 =	vadd.s32 v26, v31;
	v26 =	vsel vm1, $0x1, v1;
	v31, _, _ =	vpop (xrf0)  }
0x512: {  	v24 =	vadd.s32 v31, v24;
	v21 =	vadd.s32 $0xFFFFFFFF, v21;
	v31 =	vadd.s32 v28, v29;
	(xrf0) =	vadd.scan.msk.s32 $0xffff, v26  }
0x513: {  	v24 =	vadd.s32 $0xFFFFFFFF, v24;
	vm8 =	vlt.s32 v21, $0x1FF;
	v26 =	vadd.s32 $0xFFFFFFFF, v31;
	(xrf0) =	vadd.scan.msk.s32 $0xffff, v23  }
0x514: {  	vm9 =	vlt.s32 v24, $0x1FF;
	v23 =	vnsel vm8, $0x1FF, v21;
	vm8 =	vlt.s32 v26, $0x1FF;
	v28, _, _ =	vpop (xrf0)  }
0x515: {  	v24 =	vnsel vm9, $0x1FF, v24;
	v21 =	vnsel vm8, $0x1FF, v26;
	v26 =	vmpcnt.ones.xlane vm1;
	v31, _, _ =	vpop (xrf0)  }
0x516: {  	v36 =	vmpcnt.ones.xlane vm4;
	v22 =	vadd.s32 v29, v22;
	v25 =	vadd.s32 v31, v25;
	v31, _, _ =	vpop (xrf0)  }
.Ltmp27:
0x517: {  	v35 =	vadd.s32 v22, v30;
	v28 =	vadd.s32 v28, v22;
	v25 =	vadd.s32 $0xFFFFFFFF, v25;
	(pc) =	sbr.rel @p0 .LBB2_56-.Ltmp27, $4  }
0x518: {  	v30 =	vadd.s32 v35, v36;
	v28 =	vadd.s32 $0xFFFFFFFF, v28;
	vm8 =	vlt.s32 v25, $0x1FF;
	v29, _, _ =	vpop (xrf0)  }
0x519: {  	[tilespmem:v23+s29+$0x0] =	vst.idx.msk vm7, v33;
	v22 =	vnsel vm8, $0x1FF, v25;
	vm8 =	vlt.s32 v28, $0x1FF;
	v25 =	vadd.s32 v29, v30;
	v29, _, _ =	vpop (xrf0)  }
0x51a: {  	[tilespmem:v24+s29+$0x0] =	vst.idx.msk vm3, v27;
	v27 =	vnsel vm8, $0x1FF, v28;
	v28 =	vadd.s32 v29, v35;
	v25 =	vadd.s32 $0xFFFFFFFF, v25  }
0x51b: {  	s7 =	sadd.s32 $0x80, s7;
	s8 =	sadd.s32 $0x80, s8;
	s9 =	simm.s32 $0x10040;
	v29 =	vadd.s32 v31, v34;
	[tilespmem:v21+s29+$0x0] =	vst.idx.msk vm0, v32;
	v28 =	vadd.s32 $0xFFFFFFFF, v28;
	vm8 =	vlt.s32 v25, $0x1FF  }
0x51c: {  	_ =	sdelay $0x4  }
0x51d: {  	[tilespmem:v24+s30+$0x0] =	vst.idx.msk vm3, v19  }
0x51e: {  	[tilespmem:v23+s30+$0x0] =	vst.idx.msk vm7, v14  }
0x51f: {  	vm14 =	vlt.s32 v28, $0x1FF;
	[tilespmem:v22+s29+$0x0] =	vst.idx.msk vm5, v20;
	s6 =	sadd.s32 $0xFFFFFFE0, s5;
	v62 =	vnsel vm8, $0x1FF, v25  }
0x520: {  	v13 =	vadd.s32 $0xFFFFFFFF, v29;
	s7 =	sadd.s32 $0xFFFFFFB0, s5;
	[tilespmem:v27+s29+$0x0] =	vst.idx.msk vm6, v18;
	v14 =	vnsel vm14, $0x1FF, v28;
	v59 =	vor.u32 s6, v0  }
0x521: {  	s11 =	sadd.s32 $0xFFFFFFD0, s5;
	vm15 =	vlt.s32 v13, $0x1FF;
	v60 =	vor.u32 s7, v0;
	[tilespmem:v27+s30+$0x0] =	vst.idx.msk vm6, v59  }
0x522: {  	v61 =	vor.u32 s11, v0;
	v13 =	vnsel vm15, $0x1FF, v13;
	[tilespmem:v22+s30+$0x0] =	vst.idx.msk vm5, v60  }
0x523: {  	[tilespmem:v21+s30+$0x0] =	vst.idx.msk vm0, v61  }
0x524: {  	s12 =	sadd.s32 $0xFFFFFFF0, s5;
	[tilespmem:v62+s29+$0x0] =	vst.idx.msk vm1, v16  }
0x525: {  	v63 =	vor.u32 s12, v0;
	[tilespmem:v14+s29+$0x0] =	vst.idx.msk vm4, v17  }
0x526: {  	[tilespmem:v14+s30+$0x0] =	vst.idx.msk vm4, v63  }
0x527: {  	[tilespmem:v13+s29+$0x0] =	vst.idx.msk vm2, v15;
	v14 =	vor.u32 s5, v0  }
0x528: {  	v15 =	vor.u32 s4, v0;
	[tilespmem:v62+s30+$0x0] =	vst.idx.msk vm1, v14  }
0x529: {  	[tilespmem:v13+s30+$0x0] =	vst.idx.msk vm2, v15  }
0x52a: {  	[tilespmem:s9+$0xFFFFFFC0] =	vst v1  }
0x52b: {  	[tilespmem:s9+$0x30] =	vst v1  }
0x52c: {  	[tilespmem:s9+$0x20] =	vst v1  }
0x52d: {  	[tilespmem:s9+$0x10] =	vst v1  }
0x52e: {  	[tilespmem:s9+$0x0] =	vst v1  }
0x52f: {  	[tilespmem:s9+$0xFFFFFFF0] =	vst v1  }
0x530: {  	s4 =	simm.s32 $0x0;
	[tilespmem:s9+$0xFFFFFFE0] =	vst v1  }
.LBB2_58:
0x531: {  	s4 =	sadd.s32 $0x8, s4;
	[tilespmem:s9+$0xFFFFFFD0] =	vst v1;
	s9 =	sadd.s32 $0x80, s9  }
0x532: {  	[tilespmem:s9+$0xFFFFFFC0] =	vst v1;
	p0 =	slt.u32 s4, $0xF8  }
0x533: {  	[tilespmem:s9+$0x30] =	vst v1  }
.Ltmp28:
0x534: {  	[tilespmem:s9+$0x20] =	vst v1;
	(pc) =	sbr.rel @p0 .LBB2_58-.Ltmp28, $4  }
0x535: {  	[tilespmem:s9+$0x10] =	vst v1  }
0x536: {  	[tilespmem:s9+$0x0] =	vst v1  }
0x537: {  	[tilespmem:s9+$0xFFFFFFF0] =	vst v1  }
0x538: {  	[tilespmem:s9+$0xFFFFFFE0] =	vst v1  }
0x539: {  	[tilespmem:s9+$0xFFFFFFD0] =	vst v1;
	s4 =	simm.s32 $0x11120  }
0x53a: {  	v14 =	vld [tilespmem:s4+$0x10]  }
0x53b: {  	v15 =	vld [tilespmem:s4+$0xFFFFFFE0]  }
0x53c: {  	v17 =	vld [tilespmem:s4+$0xFFFFFFF0]  }
0x53d: {  	v18 =	vld [tilespmem:s4+$0x0];
	_ =	sdelay $0x1  }
0x53e: {  	v13 =	vmov s3;
	s12 =	simm.s32 $0x11160;
	v16 =	vshrl.u32 v14, $0x14;
	v14 =	vshrl.u32 v14, $0x8  }
0x53f: {  	v20 =	vld [tilespmem:s12+$0x10];
	vm1 =	veq.s32 v16, v13;
	v16 =	vshrl.u32 v15, $0x14;
	v19 =	vand.u32 $0xFFF, v14  }
0x540: {  	v21 =	vld [tilespmem:s12+$0xFFFFFFF0];
	v14 =	vshrl.u32 v15, $0x8;
	v15 =	vshrl.u32 v17, $0x14;
	vm3 =	veq.s32 v16, v13  }
0x541: {  	v16 =	vld [tilespmem:s12+$0x0];
	v22 =	vand.u32 $0xFFF, v14;
	v14 =	vshrl.u32 v17, $0x8;
	v17 =	vshrl.u32 v18, $0x14  }
0x542: {  	vm2 =	veq.s32 v17, v13;
	v17 =	vld [tilespmem:s12+$0xFFFFFFE0]  }
0x543: {  	v18 =	vshrl.u32 v18, $0x8;
	vm0 =	veq.s32 v15, v13;
	v14 =	vand.u32 $0xFFF, v14  }
0x544: {  	v15 =	vand.u32 $0xFFF, v18;
	v18 =	vshrl.u32 v20, $0x14;
	vm0 =	vmmov vm0  }
0x545: {  	[tilespmem:v19+s26+$0x0] =	vst.idx.add.s32.msk vm1, v2;
	v19 =	vshrl.u32 v21, $0x14;
	vm1 =	veq.s32 v18, v13;
	v18 =	vshrl.u32 v20, $0x8  }
0x546: {  	s3 =	simm.s32 $0x4;
	s4 =	simm.s32 $0x111A0;
	v20 =	vshrl.u32 v21, $0x8;
	v21 =	vshrl.u32 v16, $0x14;
	v18 =	vand.u32 $0xFFF, v18;
	[tilespmem:v22+s26+$0x0] =	vst.idx.add.s32.msk vm3, v2  }
.LBB2_60:
0x547: {  	v23 =	vshrl.u32 v17, $0x14  }
0x548: {  	v22 =	vld [tilespmem:s4+$0x10];
	s3 =	sadd.s32 $0x4, s3;
	v17 =	vshrl.u32 v17, $0x8;
	v24 =	vshrl.u32 v16, $0x8;
	vm3 =	vmmov vm2  }
0x549: {  	vm5 =	veq.s32 v19, v13;
	vm2 =	veq.s32 v21, v13;
	v25 =	vld [tilespmem:s4+$0xFFFFFFF0];
	p0 =	slt.u32 s3, $0x1C;
	vm4 =	veq.s32 v23, v13  }
0x54a: {  	v19 =	vand.u32 $0xFFF, v20;
	v23 =	vand.u32 $0xFFF, v17;
	v20 =	vand.u32 $0xFFF, v24;
	v16 =	vld [tilespmem:s4+$0x0]  }
.Ltmp29:
0x54b: {  	v17 =	vld [tilespmem:s4+$0xFFFFFFE0];
	(pc) =	sbr.rel @p0 .LBB2_60-.Ltmp29, $4  }
0x54c: {  	[tilespmem:v18+s26+$0x0] =	vst.idx.add.s32.msk vm1, v2  }
0x54d: {  	v18 =	vshrl.u32 v22, $0x14;
	[tilespmem:v14+s26+$0x0] =	vst.idx.add.s32.msk vm0, v2;
	v14 =	vmov v19;
	vm0 =	vmmov vm5  }
0x54e: {  	v19 =	vshrl.u32 v25, $0x14;
	vm1 =	veq.s32 v18, v13;
	v18 =	vshrl.u32 v22, $0x8;
	[tilespmem:v15+s26+$0x0] =	vst.idx.add.s32.msk vm3, v2;
	v15 =	vmovc v20  }
0x54f: {  	s4 =	sadd.s32 $0x40, s4;
	v20 =	vshrl.u32 v25, $0x8;
	v21 =	vshrl.u32 v16, $0x14;
	v18 =	vand.u32 $0xFFF, v18;
	[tilespmem:v23+s26+$0x0] =	vst.idx.add.s32.msk vm4, v2  }
0x550: {  	_ = 	snop  }
0x551: {  	v22 =	vshrl.u32 v17, $0x14;
	vm2 =	vmmov vm2  }
0x552: {  	v17 =	vshrl.u32 v17, $0x8;
	vm4 =	veq.s32 v19, v13;
	vm3 =	veq.s32 v22, v13  }
0x553: {  	vm5 =	veq.s32 v21, v13;
	v13 =	vand.u32 $0xFFF, v17;
	vm4 =	vmmov vm4  }
0x554: {  	v16 =	vshrl.u32 v16, $0x8;
	v17 =	vand.u32 $0xFFF, v20;
	vm5 =	vmmov vm5  }
0x555: {  	[tilespmem:v18+s26+$0x0] =	vst.idx.add.s32.msk vm1, v2;
	v16 =	vand.u32 $0xFFF, v16  }
0x556: {  	[tilespmem:v14+s26+$0x0] =	vst.idx.add.s32.msk vm0, v2  }
0x557: {  	[tilespmem:v15+s26+$0x0] =	vst.idx.add.s32.msk vm2, v2  }
0x558: {  	[tilespmem:v13+s26+$0x0] =	vst.idx.add.s32.msk vm3, v2  }
0x559: {  	[tilespmem:v17+s26+$0x0] =	vst.idx.add.s32.msk vm4, v2  }
0x55a: {  	s5 =	simm.s32 $0x10020;
	[tilespmem:v16+s26+$0x0] =	vst.idx.add.s32.msk vm5, v2  }
0x55b: {  	p1 =	por $0x1, $0x1;
	v16 =	vld [tilespmem:s5+$0x10]  }
.Ltmp30:
0x55c: {  	_ = 	snop;
	(pc) =	sbr.rel @!p1 .LBB2_62-.Ltmp30, $4  }
0x55d: {  	_ = 	snop  }
0x55e: {  	v15 =	vld [tilespmem:s5+$0xFFFFFFF0]  }
0x55f: {  	s3 =	simm.s32 $0x0;
	s4 =	simm.s32 $0x4;
	v14 =	vld [tilespmem:s5+$0x0]  }
0x560: {  	s7 =	simm.s32 $0x1;
	s6 =	simm.s32 $0x10060;
	p0 =	por $0x0, $0x0;
	v13 =	vld [tilespmem:s5+$0xFFFFFFE0];
	(xrf0) =	vadd.scan.msk.s32 $0xffff, v16  }
0x561: {  	_ = 	snop  }
0x562: {  	v18 =	vld [tilespmem:s6+$0x10];
	s5 =	simm.s32 $0x2;
	p2 =	por $0x1, $0x1  }
.Ltmp31:
0x563: {  	v19 =	vmov s5;
	(xrf0) =	vadd.scan.msk.s32 $0xffff, v15;
	(pc) =	sbr.rel @!p2 .LBB2_64-.Ltmp31, $4  }
0x564: {  	v16 =	vmov s7;
	v15 =	vld [tilespmem:s6+$0xFFFFFFF0];
	v20 =	vand.u32 $0xFFFFFFFE, v19;
	(xrf0) =	vadd.scan.msk.s32 $0xffff, v14  }
0x565: {  	v17 =	vmov s3;
	s12 =	simm.s32 $0x3;
	v16 =	vand.u32 $0xFFFFFFFD, v16;
	v14 =	vld [tilespmem:s6+$0x0];
	(xrf0) =	vadd.scan.msk.s32 $0xffff, v13  }
0x566: {  	s7 =	simm.s32 $0x5;
	v21 =	vand.u32 $0xFFFFFFFC, v17;
	v16 =	vbroadcast v16, $0x0;
	v19 =	vmov s12;
	v13 =	vld [tilespmem:s6+$0xFFFFFFE0]  }
0x567: {  	p1 =	por $0x1, $0x1;
	s5 =	simm.s32 $0x8;
	v17 =	vbroadcast v20, $0x0;
	s6 =	simm.s32 $0x100A0;
	(xrf0) =	vadd.scan.msk.s32 $0xffff, v18;
	v18 =	vbroadcast v21, $0x0;
	v20, _, _ =	vpop (xrf0)  }
.LBB2_65:
0x568: {  	p2 =	slt.u32 s5, $0xFC  }
0x569: {  	v21 =	vld [tilespmem:s6+$0x10];
	v22 =	vmov s4;
	v23 =	vmov s7;
	s7 =	sadd.s32 $0x2, s4;
	(xrf0) =	vadd.scan.msk.s32 $0xffff, v15;
	v27 =	vbroadcast v20, $0xF;
	v24, _, _ =	vpop (xrf0);
	s8 =	smov.u32 s5;
	s5 =	sadd.s32 $0x4, s5  }
.Ltmp32:
0x56a: {  	v15 =	vld [tilespmem:s6+$0xFFFFFFF0];
	v23 =	vand.u32 $0xFFFFFFFD, v23;
	v25 =	vmov s7;
	(xrf0) =	vadd.scan.msk.s32 $0xffff, v14;
	v24 =	vbroadcast v24, $0xF;
	v26, _, _ =	vpop (xrf0);
	(pc) =	sbr.rel @p2 .LBB2_65-.Ltmp32, $4  }
0x56b: {  	s7 =	sadd.s32 $0x3, s4;
	s4 =	smov.u32 s8;
	v14 =	vld [tilespmem:s6+$0x0];
	v25 =	vand.u32 $0xFFFFFFFE, v25;
	(xrf0) =	vadd.scan.msk.s32 $0xffff, v13;
	v26 =	vbroadcast v26, $0xF;
	[tilespmem:v19+s28+$0x0] =	vst.idx.msk $0x1, v27;
	v20, _, _ =	vpop (xrf0)  }
0x56c: {  	v19 =	vmov s7;
	v13 =	vld [tilespmem:s6+$0xFFFFFFE0];
	v27 =	vbroadcast v20, $0xF;
	[tilespmem:v16+s28+$0x0] =	vst.idx.msk $0x1, v24;
	v16 =	vbroadcast v23, $0x0  }
0x56d: {  	v22 =	vand.u32 $0xFFFFFFFC, v22;
	[tilespmem:v17+s28+$0x0] =	vst.idx.msk $0x1, v26;
	v17 =	vbroadcast v25, $0x0  }
0x56e: {  	s7 =	sadd.s32 $0x1, s4;
	s6 =	sadd.s32 $0x40, s6;
	(xrf0) =	vadd.scan.msk.s32 $0xffff, v21;
	v20, _, _ =	vpop (xrf0);
	[tilespmem:v18+s28+$0x0] =	vst.idx.msk $0x1, v27;
	v18 =	vbroadcast v22, $0x0  }
0x56f: {  	_ = 	snop  }
.LBB2_67:
0x570: {  	(xrf0) =	vadd.scan.msk.s32 $0xffff, v15  }
0x571: {  	v50 =	vmov s4;
	v21 =	vmov s7;
	s5 =	sadd.s32 $0x2, s4;
	v20 =	vbroadcast @p1 v20, $0xF;
	v22, _, _ =	vpop @p1 (xrf0);
	(xrf0) =	vadd.scan.msk.s32 $0xffff, v14  }
0x572: {  	s7 =	sadd.s32 $0x3, s4;
	v51 =	vand.u32 $0xFFFFFFFD, v21;
	v52 =	vmov s5;
	v22 =	vbroadcast @p1 v22, $0xF;
	(xrf0) =	vadd.scan.msk.s32 $0xffff, v13  }
0x573: {  	v23 =	vmov s7;
	v13, _, _ =	vpop @p1 (xrf0);
	v21 =	vand.u32 $0xFFFFFFFE, v52;
	v14 =	vbroadcast v51, $0x0  }
0x574: {  	v15 =	vand.u32 $0xFFFFFFFC, v50;
	[tilespmem:v19+s28+$0x0] =	vst.idx.msk @p1 $0x1, v20;
	v13 =	vbroadcast @p1 v13, $0xF;
	v19, _, _ =	vpop @p1 (xrf0);
	v53 =	vbroadcast v21, $0x0  }
0x575: {  	v15 =	vbroadcast v15, $0x0;
	[tilespmem:v16+s28+$0x0] =	vst.idx.msk @p1 $0x1, v22;
	v19 =	vbroadcast @p1 v19, $0xF;
	v54, _, _ =	vpop (xrf0)  }
0x576: {  	[tilespmem:v17+s28+$0x0] =	vst.idx.msk @p1 $0x1, v13;
	v55 =	vbroadcast v54, $0xF;
	v56, _, _ =	vpop (xrf0)  }
0x577: {  	[tilespmem:v18+s28+$0x0] =	vst.idx.msk @p1 $0x1, v19;
	v16 =	vbroadcast v56, $0xF;
	v57, _, _ =	vpop (xrf0)  }
0x578: {  	[tilespmem:v23+s28+$0x0] =	vst.idx.msk $0x1, v55;
	v17 =	vbroadcast v57, $0xF;
	v58, _, _ =	vpop (xrf0)  }
0x579: {  	v13 =	vbroadcast v58, $0xF;
	[tilespmem:v14+s28+$0x0] =	vst.idx.msk $0x1, v16  }
0x57a: {  	[tilespmem:v53+s28+$0x0] =	vst.idx.msk $0x1, v17  }
0x57b: {  	s8 =	simm.s32 $0x110F0;
	[tilespmem:v15+s28+$0x0] =	vst.idx.msk $0x1, v13  }
0x57c: {  	v60 =	vld [tilespmem:s8+$0x0]  }
0x57d: {  	v59 =	vmov s24  }
0x57e: {  	v11 =	vsub.s32 v12, v11;
	vm0 =	veq.s32 v59, v0  }
0x57f: {  	v11 =	vnsel vm0, $0x0, v11  }
0x580: {  	(xrf0) =	vadd.scan.msk.s32 $0xffff, v11  }
0x581: {  	(xrf0) =	vadd.scan.msk.s32 $0xffff, v60;
	_ =	sdelay $0x4  }
0x582: {  	v11, _, _ =	vpop (xrf0)  }
0x583: {  	(v2sf) =	vpush v11, $0xF;
	v11, _, _ =	vpop (xrf0)  }
0x584: {  	(v2sf) =	vpush v11, $0xF  }
0x585: {  	s9 =	simm.s32 $0x110E0  }
0x586: {  	s10 =	simm.s32 $0x110D0;
	v11 =	vld [tilespmem:s9+$0x0]  }
0x587: {  	v61 =	vld [tilespmem:s10+$0x0];
	_ =	sdelay $0x3  }
0x588: {  	(xrf0) =	vadd.scan.msk.s32 $0xffff, v11  }
0x589: {  	(xrf0) =	vadd.scan.msk.s32 $0xffff, v61;
	_ =	sdelay $0x4  }
0x58a: {  	v62, _, _ =	vpop (xrf0)  }
0x58b: {  	s12 =	spop (v2sf);
	(v2sf) =	vpush v62, $0xF;
	v63, _, _ =	vpop (xrf0)  }
0x58c: {  	s11 =	simm.s32 $0x110C0;
	s10 =	spop (v2sf);
	(v2sf) =	vpush v63, $0xF  }
0x58d: {  	v11 =	vld [tilespmem:s11+$0x0];
	_ =	sdelay $0x2  }
0x58e: {  	s6 =	simm.s32 $0xB;
	s7 =	simm.s32 $0xD;
	s5 =	simm.s32 $0xC  }
0x58f: {  	s8 =	simm.s32 $0xE;
	s9 =	simm.s32 $0xF;
	s24 =	sadd.s32 s12, s23  }
0x590: {  	s9 =	smov.u32 @p0 s3;
	s23 =	simm.s32 $0x110B0;
	s4 =	ssub.s32 $0x40, s24;
	(xrf0) =	vadd.scan.msk.s32 $0xffff, v11  }
0x591: {  	s24 =	simm.s32 $0xA;
	v11 =	vld [tilespmem:s23+$0x0];
	s11 =	sadd.s32 $0x0, s10;
	s10 =	simm.s32 $0x0  }
.LBB2_68:
0x592: {  	s12 =	smov.u32 s10  }
0x593: {  	p1 =	sne.s32 s24, $0x0;
	p2 =	sge.s32 s11, s4;
	s10 =	smov.u32 s11  }
0x594: {  	s3 =	smov.u32 @p2 s9;
	p0 =	por p0, p2;
	s9 =	smov.u32 s8  }
.Ltmp33:
0x595: {  	s9 =	smov.u32 @p0 s3;
	s10 =	smov.u32 @p0 s12;
	(pc) =	sbr.rel @p1 .LBB2_68-.Ltmp33, $4  }
0x596: {  	s8 =	smov.u32 s7;
	s7 =	smov.u32 s5;
	s5 =	smov.u32 s6;
	v12, _, _ =	vpop (xrf0)  }
0x597: {  	s6 =	smov.u32 s24;
	(xrf0) =	vadd.scan.msk.s32 $0xffff, v11;
	(v2sf) =	vpush v12, $0xF  }
0x598: {  	s23 =	sadd.s32 $0xFFFFFFF0, s23;
	s11 =	spop (v2sf)  }
0x599: {  	s24 =	sadd.s32 $0xFFFFFFFF, s24;
	v11 =	vld [tilespmem:s23+$0x0];
	s11 =	sadd.s32 s10, s11  }
0x59a: {  	_ =	sdelay $0x3  }
0x59b: {  	(xrf0) =	vadd.scan.msk.s32 $0xffff, v11;
	_ =	sdelay $0x1  }
0x59c: {  	v11, _, _ =	vpop (xrf0)  }
0x59d: {  	(v2sf) =	vpush v11, $0xF;
	_ =	sdelay $0x2  }
0x59e: {  	v11, _, _ =	vpop (xrf0)  }
0x59f: {  	(v2sf) =	vpush v11, $0xF  }
0x5a0: {  	p1 =	sge.s32 s11, s4  }
0x5a1: {  	p0 =	por p0, p1  }
0x5a2: {  	s24 =	spop (v2sf);
	s11 =	smov.u32 @p0 s10  }
0x5a3: {  	s10 =	sadd.s32 s11, s24  }
0x5a4: {  	p2 =	sge.s32 s10, s4  }
0x5a5: {  	p3 =	por p0, p2  }
0x5a6: {  	s10 =	smov.u32 @p3 s11;
	s12 =	spop (v2sf)  }
0x5a7: {  	s3 =	smov.u32 @p1 s9;
	s9 =	sadd.s32 s10, s12  }
0x5a8: {  	s8 =	smov.u32 @p0 s3;
	p0 =	sge.s32 s9, s4  }
0x5a9: {  	p1 =	por p3, p0  }
0x5aa: {  	s3 =	smov.u32 @p2 s8;
	s9 =	smov.u32 @p1 s10;
	s23 =	spop (v2sf)  }
0x5ab: {  	s7 =	smov.u32 @p3 s3;
	s8 =	sadd.s32 s9, s23  }
0x5ac: {  	s3 =	smov.u32 @p0 s7;
	p0 =	sge.s32 s8, s4  }
0x5ad: {  	s5 =	smov.u32 @p1 s3;
	p1 =	por p1, p0  }
0x5ae: {  	s8 =	smov.u32 @p1 s9;
	s24 =	spop (v2sf)  }
0x5af: {  	s3 =	smov.u32 @p0 s5;
	s5 =	sadd.s32 s8, s24  }
0x5b0: {  	s6 =	smov.u32 @p1 s3;
	p0 =	sge.s32 s5, s4  }
0x5b1: {  	s3 =	smov.u32 @p0 s6  }
0x5b2: {  	s3 =	sshll.u32 s3, $0x4  }
0x5b3: {  	v11 =	vld [tilespmem:s3+$0x11000];
	_ =	sdelay $0x4  }
0x5b4: {  	v11 =	vperm.xlane v11, v3;
	_ =	sdelay $0x1  }
0x5b5: {  	(xrf0) =	vadd.scan.msk.s32 $0xffff, v11;
	_ =	sdelay $0x4  }
0x5b6: {  	p0 =	por p1, p0  }
0x5b7: {  	s5 =	smov.u32 @p0 s8;
	v12, _, _ =	vpop (xrf0)  }
0x5b8: {  	v13 =	vadd.s32 s5, v12  }
0x5b9: {  	vm0 =	vge.s32 v13, s4  }
0x5ba: {  	v13 =	vmctz.xlane vm0;
	_ =	sdelay $0x1  }
0x5bb: {  	v13 =	vxor.u32 $0x80000000, v13  }
0x5bc: {  	(xrf0) =	vmax.scan.msk.u32 $0xffff, v13;
	_ =	sdelay $0x5  }
0x5bd: {  	v13, _, _ =	vpop (xrf0)  }
0x5be: {  	(v2sf) =	vpush v13, $0xF;
	_ =	sdelay $0xe  }
0x5bf: {  	s8 =	spop (v2sf)  }
0x5c0: {  	s9 =	sxor.u32 $0x80000000, s8  }
0x5c1: {  	v13 =	vmov s9  }
0x5c2: {  	v11 =	vsub.s32 v12, v11;
	vm0 =	veq.s32 v13, v0  }
0x5c3: {  	v11 =	vnsel vm0, $0x0, v11  }
0x5c4: {  	(xrf0) =	vadd.scan.msk.s32 $0xffff, v11;
	_ =	sdelay $0x5  }
0x5c5: {  	v11, _, _ =	vpop (xrf0)  }
0x5c6: {  	(v2sf) =	vpush v11, $0xF  }
0x5c7: {  	s3 =	ssub.s32 s3, s8  }
0x5c8: {  	s3 =	sshll.u32 s3, $0x4  }
0x5c9: {  	v11 =	vld [tilespmem:s3+$0x100F0];
	_ =	sdelay $0x4  }
0x5ca: {  	v11 =	vperm.xlane v11, v3;
	_ =	sdelay $0x1  }
0x5cb: {  	(xrf0) =	vadd.scan.msk.s32 $0xffff, v11;
	_ =	sdelay $0x4  }
0x5cc: {  	s10 =	spop (v2sf)  }
0x5cd: {  	v11, _, _ =	vpop (xrf0);
	s5 =	sadd.s32 s5, s10  }
0x5ce: {  	v11 =	vadd.s32 s5, v11  }
0x5cf: {  	vm0 =	vge.s32 v11, s4  }
0x5d0: {  	v11 =	vmctz.xlane vm0;
	_ =	sdelay $0x1  }
0x5d1: {  	v11 =	vxor.u32 $0x80000000, v11  }
0x5d2: {  	(xrf0) =	vmax.scan.msk.u32 $0xffff, v11;
	_ =	sdelay $0x5  }
0x5d3: {  	v11, _, _ =	vpop (xrf0)  }
0x5d4: {  	(v2sf) =	vpush v11, $0xF;
	_ =	sdelay $0xe  }
0x5d5: {  	s12 =	simm.s32 $0x11120;
	s11 =	spop (v2sf)  }
0x5d6: {  	v13 =	vld [tilespmem:s12+$0xFFFFFFE0];
	s3 =	ssub.s32 s3, s11  }
0x5d7: {  	v14 =	vld [tilespmem:s12+$0xFFFFFFF0];
	s3 =	sshll.u32 s3, $0x8  }
0x5d8: {  	s3 =	sadd.s32 $0xFF00, s3  }
0x5d9: {  	s3 =	sor.u32 s22, s3  }
0x5da: {  	v11 =	vmov s3  }
0x5db: {  	v15 =	vld [tilespmem:s12+$0x0];
	vm3 =	vge.u32 v13, v11  }
0x5dc: {  	v18 =	vld [tilespmem:s12+$0x10];
	vm2 =	vge.u32 v14, v11;
	v12 =	vsel vm3, $0x1, v1  }
0x5dd: {  	s23 =	simm.s32 $0x11160;
	v16 =	vsel vm2, $0x1, v1;
	(xrf0) =	vadd.scan.msk.s32 $0xffff, v12  }
0x5de: {  	v23 =	vld [tilespmem:s23+$0xFFFFFFE0];
	(xrf0) =	vadd.scan.msk.s32 $0xffff, v16;
	_ =	sdelay $0x1  }
0x5df: {  	vm1 =	vge.u32 v15, v11  }
0x5e0: {  	vm0 =	vge.u32 v18, v11;
	v16 =	vsel vm1, $0x1, v1  }
0x5e1: {  	v17 =	vimm.s32 $0x0;
	v20 =	vsel vm0, $0x1, v1;
	v12 =	vmpcnt.ones.xlane vm3;
	(xrf0) =	vadd.scan.msk.s32 $0xffff, v16  }
0x5e2: {  	vm7 =	vge.u32 v23, v11;
	v19 =	vmpcnt.ones.xlane vm2;
	vm6 =	vmmov vm2;
	(xrf0) =	vadd.scan.msk.s32 $0xffff, v20;
	v21, _, _ =	vpop (xrf0)  }
0x5e3: {  	v27 =	vld [tilespmem:s23+$0xFFFFFFF0];
	vm9 =	vmmov vm0;
	v12 =	vadd.s32 v17, v12;
	v16 =	vmpcnt.ones.xlane vm1;
	v22, _, _ =	vpop (xrf0)  }
0x5e4: {  	v19 =	vadd.s32 v12, v19;
	v17 =	vadd.s32 v21, v17;
	v12 =	vadd.s32 v22, v12  }
0x5e5: {  	vm3 =	vmmov vm3;
	v20 =	vmpcnt.ones.xlane vm0;
	v17 =	vadd.s32 $0xFFFFFFFF, v17  }
0x5e6: {  	v30 =	vld [tilespmem:s23+$0x0];
	v16 =	vadd.s32 v19, v16;
	v21 =	vadd.s32 $0xFFFFFFFF, v12;
	vm4 =	vlt.s32 v17, $0x7F  }
0x5e7: {  	v20 =	vadd.s32 v16, v20;
	vm5 =	vlt.s32 v21, $0x7F;
	v22 =	vnsel vm4, $0x7F, v17;
	v12, _, _ =	vpop (xrf0)  }
0x5e8: {  	vm4 =	vge.u32 v27, v11;
	v24 =	vnsel vm5, $0x7F, v21;
	v17 =	vadd.s32 v12, v19;
	v19, _, _ =	vpop (xrf0);
	v12 =	vld [tilespmem:s23+$0x10]  }
0x5e9: {  	v17 =	vadd.s32 $0xFFFFFFFF, v17;
	v16 =	vadd.s32 v19, v16;
	v19 =	vsel vm7, $0x1, v1  }
0x5ea: {  	vm1 =	vmmov vm1;
	v21 =	vsel vm4, $0x1, v1;
	vm2 =	vlt.s32 v17, $0x7F;
	(xrf0) =	vadd.scan.msk.s32 $0xffff, v19  }
0x5eb: {  	vm8 =	vmmov vm1;
	v25 =	vnsel vm2, $0x7F, v17;
	vm2 =	vge.u32 v30, v11;
	(xrf0) =	vadd.scan.msk.s32 $0xffff, v21  }
0x5ec: {  	v16 =	vadd.s32 $0xFFFFFFFF, v16;
	v19 =	vmpcnt.ones.xlane vm4;
	v21 =	vsel vm2, $0x1, v1  }
0x5ed: {  	v17 =	vmpcnt.ones.xlane vm7;
	[tilespmem:v22+s31+$0x0] =	vst.idx.msk vm3, v13;
	vm11 =	vge.u32 v12, v11;
	(xrf0) =	vadd.scan.msk.s32 $0xffff, v21  }
0x5ee: {  	s24 =	simm.s32 $0x11320;
	vm4 =	vmmov vm4;
	vm0 =	vlt.s32 v16, $0x7F;
	[tilespmem:v24+s31+$0x0] =	vst.idx.msk vm6, v14;
	v28 =	vsel vm11, $0x1, v1  }
0x5ef: {  	v31 =	vld [tilespmem:s24+$0xFFFFFFE0];
	vm10 =	vmmov vm2;
	v26 =	vadd.s32 v20, v17;
	v17 =	vmpcnt.ones.xlane vm2;
	(xrf0) =	vadd.scan.msk.s32 $0xffff, v28  }
0x5f0: {  	s4 =	simm.s32 $0x111A0;
	v32 =	vld [tilespmem:s24+$0xFFFFFFF0];
	vm2 =	vmmov vm9;
	v29 =	vadd.s32 v26, v19;
	v19 =	vmpcnt.ones.xlane vm11;
	v13, _, _ =	vpop (xrf0)  }
0x5f1: {  	vm5 =	vmmov vm11;
	v28 =	vadd.s32 v29, v17;
	[tilespmem:v25+s31+$0x0] =	vst.idx.msk vm1, v15;
	v15 =	vld [tilespmem:s4+$0xFFFFFFE0];
	v13 =	vadd.s32 v13, v20;
	v14, _, _ =	vpop (xrf0)  }
0x5f2: {  	v17 =	vnsel vm0, $0x7F, v16;
	v16 =	vadd.s32 $0xFFFFFFFF, v13;
	v13 =	vadd.s32 v14, v26;
	v14 =	vld [tilespmem:s4+$0xFFFFFFF0]  }
0x5f3: {  	vm0 =	vmmov vm7;
	v21 =	vadd.s32 v28, v19;
	vm1 =	vmmov vm11;
	v33 =	vld [tilespmem:s24+$0x0];
	v26, _, _ =	vpop (xrf0)  }
0x5f4: {  	vm11 =	vlt.s32 v16, $0x7F;
	v20 =	vadd.s32 $0xFFFFFFFF, v13;
	v26 =	vadd.s32 v26, v29  }
0x5f5: {  	[tilespmem:v22+s0+$0x0] =	vst.idx.msk vm3, v31;
	v13 =	vld [tilespmem:s4+$0x0];
	v19 =	vnsel vm11, $0x7F, v16;
	vm7 =	vlt.s32 v20, $0x7F;
	v16, _, _ =	vpop (xrf0);
	v26 =	vadd.s32 $0xFFFFFFFF, v26  }
0x5f6: {  	[tilespmem:v24+s0+$0x0] =	vst.idx.msk vm6, v32;
	v20 =	vnsel vm7, $0x7F, v20;
	vm7 =	vge.u32 v15, v11;
	v28 =	vadd.s32 v16, v28;
	v16 =	vld [tilespmem:s4+$0x10]  }
0x5f7: {  	[tilespmem:v17+s31+$0x0] =	vst.idx.msk vm9, v18;
	vm9 =	vlt.s32 v26, $0x7F;
	v24 =	vmpcnt.ones.xlane vm7;
	vm6 =	vge.u32 v14, v11  }
0x5f8: {  	v22 =	vsel vm7, $0x1, v1;
	[tilespmem:v25+s0+$0x0] =	vst.idx.msk vm8, v33;
	v18 =	vnsel vm9, $0x7F, v26;
	v26 =	vmpcnt.ones.xlane vm6  }
0x5f9: {  	v34 =	vadd.s32 $0xFFFFFFFF, v28;
	(xrf0) =	vadd.scan.msk.s32 $0xffff, v22;
	v25 =	vsel vm6, $0x1, v1;
	v29 =	vadd.s32 v21, v24  }
0x5fa: {  	vm3 =	vge.u32 v13, v11;
	vm8 =	vlt.s32 v34, $0x7F;
	(xrf0) =	vadd.scan.msk.s32 $0xffff, v25;
	v28 =	vadd.s32 v29, v26;
	v26 =	vld [tilespmem:s24+$0x10]  }
0x5fb: {  	v22 =	vmpcnt.ones.xlane vm3;
	v25 =	vsel vm3, $0x1, v1;
	vm9 =	vge.u32 v16, v11  }
0x5fc: {  	s3 =	simm.s32 $0x11360;
	[tilespmem:v19+s31+$0x0] =	vst.idx.msk vm0, v23;
	(xrf0) =	vadd.scan.msk.s32 $0xffff, v25;
	v31 =	vmpcnt.ones.xlane vm9;
	v63 =	vsel vm9, $0x1, v1  }
0x5fd: {  	v23 =	vnsel vm8, $0x7F, v34;
	v25 =	vld [tilespmem:s3+$0xFFFFFFE0];
	[tilespmem:v20+s31+$0x0] =	vst.idx.msk vm4, v27;
	v24 =	vadd.s32 v28, v22;
	(xrf0) =	vadd.scan.msk.s32 $0xffff, v63  }
0x5fe: {  	s5 =	simm.s32 $0xC;
	vm8 =	vmmov vm10;
	vm3 =	vmmov vm3;
	v27 =	vld [tilespmem:s3+$0xFFFFFFF0];
	[tilespmem:v18+s31+$0x0] =	vst.idx.msk vm10, v30;
	v22 =	vadd.s32 v24, v31  }
.LBB2_70:
0x5ff: {  	s5 =	sadd.s32 $0x4, s5;
	v30, _, _ =	vpop (xrf0);
	v31 =	vld [tilespmem:s3+$0x0];
	[tilespmem:v17+s0+$0x0] =	vst.idx.msk vm2, v26;
	v17 =	vmov v23;
	vm2 =	vmmov vm5;
	vm5 =	vmmov vm9  }
0x600: {  	s4 =	sadd.s32 $0x40, s4;
	p0 =	slt.u32 s5, $0x1C;
	v26 =	vadd.s32 v30, v21;
	v30, _, _ =	vpop (xrf0);
	v21 =	vmov v22  }
0x601: {  	v32 =	vld [tilespmem:s4+$0xFFFFFFE0];
	v34 =	vadd.s32 $0xFFFFFFFF, v26;
	v29 =	vadd.s32 v30, v29;
	[tilespmem:v23+s31+$0x0] =	vst.idx.msk vm1, v12;
	v12 =	vmovc v16;
	vm1 =	vmmov vm9  }
0x602: {  	v30 =	vld [tilespmem:s4+$0xFFFFFFF0];
	vm9 =	vlt.s32 v34, $0x7F;
	v23 =	vadd.s32 $0xFFFFFFFF, v29;
	v16, _, _ =	vpop (xrf0);
	[tilespmem:v19+s0+$0x0] =	vst.idx.msk vm0, v25;
	vm0 =	vmmov vm7  }
0x603: {  	v33 =	vld [tilespmem:s4+$0x0];
	v19 =	vnsel vm9, $0x7F, v34;
	vm7 =	vlt.s32 v23, $0x7F;
	v25 =	vadd.s32 v16, v28;
	v26, _, _ =	vpop (xrf0);
	[tilespmem:v20+s0+$0x0] =	vst.idx.msk vm4, v27  }
0x604: {  	v16 =	vld [tilespmem:s4+$0x10];
	v20 =	vnsel vm7, $0x7F, v23;
	v23 =	vadd.s32 $0xFFFFFFFF, v25;
	v24 =	vadd.s32 v26, v24;
	[tilespmem:v18+s0+$0x0] =	vst.idx.msk vm8, v31  }
0x605: {  	vm4 =	vmmov vm6;
	vm8 =	vlt.s32 v23, $0x7F;
	v27 =	vadd.s32 $0xFFFFFFFF, v24;
	v26 =	vld [tilespmem:s3+$0x10]  }
0x606: {  	vm7 =	vge.u32 v32, v11;
	v18 =	vnsel vm8, $0x7F, v23;
	vm8 =	vlt.s32 v27, $0x7F  }
0x607: {  	v23 =	vsel vm7, $0x1, v1;
	v24 =	vmpcnt.ones.xlane vm7;
	vm6 =	vge.u32 v30, v11  }
0x608: {  	v25 =	vsel vm6, $0x1, v1;
	v28 =	vmpcnt.ones.xlane vm6;
	vm10 =	vge.u32 v33, v11;
	(xrf0) =	vadd.scan.msk.s32 $0xffff, v23  }
.Ltmp34:
0x609: {  	v29 =	vadd.s32 v22, v24;
	v22 =	vmpcnt.ones.xlane vm10;
	vm9 =	vge.u32 v16, v11;
	(xrf0) =	vadd.scan.msk.s32 $0xffff, v25;
	(pc) =	sbr.rel @p0 .LBB2_70-.Ltmp34, $4  }
0x60a: {  	s3 =	sadd.s32 $0x40, s3;
	v23 =	vsel vm10, $0x1, v1;
	v28 =	vadd.s32 v29, v28;
	v31 =	vmpcnt.ones.xlane vm9;
	[tilespmem:v19+s31+$0x0] =	vst.idx.msk vm0, v15;
	v15 =	vmovc v32  }
0x60b: {  	v32 =	vsel vm9, $0x1, v1;
	v24 =	vadd.s32 v28, v22;
	(xrf0) =	vadd.scan.msk.s32 $0xffff, v23;
	v25 =	vld [tilespmem:s3+$0xFFFFFFE0];
	v23 =	vnsel vm8, $0x7F, v27  }
0x60c: {  	vm8 =	vmmov vm3;
	v22 =	vadd.s32 v24, v31;
	(xrf0) =	vadd.scan.msk.s32 $0xffff, v32;
	[tilespmem:v20+s31+$0x0] =	vst.idx.msk vm4, v14;
	v14 =	vmovc v30  }
0x60d: {  	v27 =	vld [tilespmem:s3+$0xFFFFFFF0];
	[tilespmem:v18+s31+$0x0] =	vst.idx.msk vm3, v13;
	v13 =	vmov v33;
	vm3 =	vmmov vm10  }
0x60e: {  	s4 =	sadd.s32 $0x40, s4  }
0x60f: {  	v30 =	vld [tilespmem:s4+$0xFFFFFFE0]  }
0x610: {  	v31 =	vld [tilespmem:s4+$0xFFFFFFF0];
	_ =	sdelay $0x3  }
0x611: {  	v32, _, _ =	vpop (xrf0);
	vm10 =	vmmov vm5;
	vm5 =	vmmov vm9;
	v33 =	vld [tilespmem:s4+$0x0];
	vm12 =	vge.u32 v30, v11  }
0x612: {  	vm7 =	vmmov vm7;
	v51, _, _ =	vpop (xrf0);
	v52 =	vld [tilespmem:s4+$0x10];
	vm9 =	vge.u32 v31, v11;
	v53 =	vsel vm12, $0x1, v1  }
0x613: {  	[tilespmem:v17+s0+$0x0] =	vst.idx.msk vm2, v26;
	v21 =	vadd.s32 v32, v21;
	v34, _, _ =	vpop (xrf0);
	v54 =	vsel vm9, $0x1, v1;
	(xrf0) =	vadd.scan.msk.s32 $0xffff, v53  }
0x614: {  	vm2 =	vmmov vm6;
	v21 =	vadd.s32 $0xFFFFFFFF, v21;
	v29 =	vadd.s32 v51, v29;
	(xrf0) =	vadd.scan.msk.s32 $0xffff, v54  }
0x615: {  	vm11 =	vlt.s32 v21, $0x7F;
	v29 =	vadd.s32 $0xFFFFFFFF, v29;
	v28 =	vadd.s32 v34, v28  }
0x616: {  	v21 =	vnsel vm11, $0x7F, v21;
	vm14 =	vlt.s32 v29, $0x7F;
	vm13 =	vge.u32 v33, v11  }
0x617: {  	[tilespmem:v23+s31+$0x0] =	vst.idx.msk vm1, v12;
	v29 =	vnsel vm14, $0x7F, v29;
	vm11 =	vge.u32 v52, v11;
	v11 =	vsel vm13, $0x1, v1  }
0x618: {  	v55, _, _ =	vpop (xrf0);
	v17 =	vadd.s32 $0xFFFFFFFF, v28;
	v56 =	vmpcnt.ones.xlane vm12;
	(xrf0) =	vadd.scan.msk.s32 $0xffff, v11;
	v11 =	vsel vm11, $0x1, v1  }
0x619: {  	v12 =	vld [tilespmem:s3+$0x0];
	[tilespmem:v19+s0+$0x0] =	vst.idx.msk vm0, v25;
	v24 =	vadd.s32 v55, v24;
	vm15 =	vlt.s32 v17, $0x7F;
	(xrf0) =	vadd.scan.msk.s32 $0xffff, v11;
	v19, _, _ =	vpop (xrf0)  }
0x61a: {  	v24 =	vadd.s32 $0xFFFFFFFF, v24;
	v57 =	vadd.s32 v22, v56;
	v19 =	vadd.s32 v19, v22;
	v22, _, _ =	vpop (xrf0)  }
0x61b: {  	v17 =	vnsel vm15, $0x7F, v17;
	[tilespmem:v21+s31+$0x0] =	vst.idx.msk vm7, v15;
	v15 =	vadd.s32 $0xFFFFFFFF, v19;
	v19 =	vadd.s32 v22, v57  }
0x61c: {  	v59 =	vld [tilespmem:s3+$0x10];
	[tilespmem:v20+s0+$0x0] =	vst.idx.msk vm4, v27;
	vm14 =	vlt.s32 v24, $0x7F;
	v11 =	vmpcnt.ones.xlane vm9  }
0x61d: {  	s22 =	sadd.s32 $0x40, s3;
	v58 =	vmpcnt.ones.xlane vm13;
	v20 =	vnsel vm14, $0x7F, v24;
	vm14 =	vmmov vm12;
	[tilespmem:v29+s31+$0x0] =	vst.idx.msk vm2, v14  }
0x61e: {  	[tilespmem:v18+s0+$0x0] =	vst.idx.msk vm8, v12;
	v12 =	vld [tilespmem:s22+$0xFFFFFFF0];
	v11 =	vadd.s32 v57, v11;
	vm15 =	vlt.s32 v15, $0x7F;
	v14 =	vadd.s32 $0xFFFFFFFF, v19;
	v19, _, _ =	vpop (xrf0)  }
0x61f: {  	v60 =	vadd.s32 v11, v58;
	v22 =	vld [tilespmem:s22+$0xFFFFFFE0];
	v15 =	vnsel vm15, $0x7F, v15;
	v11 =	vadd.s32 v19, v11;
	v18, _, _ =	vpop (xrf0)  }
0x620: {  	[tilespmem:v17+s31+$0x0] =	vst.idx.msk vm3, v13;
	vm15 =	vlt.s32 v14, $0x7F;
	v11 =	vadd.s32 $0xFFFFFFFF, v11;
	v13 =	vadd.s32 v18, v60  }
0x621: {  	[tilespmem:v23+s0+$0x0] =	vst.idx.msk vm10, v59;
	v14 =	vnsel vm15, $0x7F, v14;
	vm14 =	vlt.s32 v11, $0x7F;
	v13 =	vadd.s32 $0xFFFFFFFF, v13  }
0x622: {  	[tilespmem:v20+s31+$0x0] =	vst.idx.msk vm5, v16;
	v11 =	vnsel vm14, $0x7F, v11;
	vm15 =	vlt.s32 v13, $0x7F  }
0x623: {  	vm3 =	vmmov vm3;
	[tilespmem:v29+s0+$0x0] =	vst.idx.msk vm2, v12;
	v13 =	vnsel vm15, $0x7F, v13  }
0x624: {  	v16 =	vld [tilespmem:s22+$0x0];
	[tilespmem:v21+s0+$0x0] =	vst.idx.msk vm7, v22  }
0x625: {  	s3 =	sadd.s32 $0x40, s22;
	v12 =	vld [tilespmem:s22+$0x10];
	[tilespmem:v15+s31+$0x0] =	vst.idx.msk vm12, v30  }
0x626: {  	vm0 =	vmmov vm13;
	v18 =	vld [tilespmem:s3+$0xFFFFFFE0];
	[tilespmem:v14+s31+$0x0] =	vst.idx.msk vm9, v31  }
0x627: {  	vm14 =	vmmov vm0;
	v19 =	vld [tilespmem:s3+$0xFFFFFFF0];
	[tilespmem:v11+s31+$0x0] =	vst.idx.msk vm13, v33  }
0x628: {  	vm8 =	vmmov vm11;
	v21 =	vld [tilespmem:s3+$0x0];
	[tilespmem:v13+s31+$0x0] =	vst.idx.msk vm11, v52  }
0x629: {  	[tilespmem:v17+s0+$0x0] =	vst.idx.msk vm3, v16;
	v16 =	vld [tilespmem:s3+$0x10]  }
0x62a: {  	[tilespmem:v20+s0+$0x0] =	vst.idx.msk vm5, v12  }
0x62b: {  	[tilespmem:v15+s0+$0x0] =	vst.idx.msk vm12, v18  }
0x62c: {  	[tilespmem:v14+s0+$0x0] =	vst.idx.msk vm9, v19  }
0x62d: {  	[tilespmem:v11+s0+$0x0] =	vst.idx.msk vm14, v21  }
0x62e: {  	[tilespmem:v13+s0+$0x0] =	vst.idx.msk vm8, v16  }
0x62f: {  	v11 =	vld [tilespmem:$0x11500]  }
0x630: {  	v12 =	vld [tilespmem:$0x11510]  }
0x631: {  	v13 =	vld [tilespmem:$0x11520]  }
0x632: {  	v14 =	vld [tilespmem:$0x11530]  }
0x633: {  	v15 =	vld [tilespmem:$0x11540]  }
0x634: {  	v16 =	vld [tilespmem:$0x11550]  }
0x635: {  	v17 =	vld [tilespmem:$0x11560]  }
0x636: {  	v18 =	vld [tilespmem:$0x11570];
	_ =	sdelay $0x1  }
0x637: {  	vm10 =	vmmov vm5;
	vm1 =	vmmov vm9;
	v11 =	vxor.u32 $0x80000000, v11  }
0x638: {  	v20 =	vxor.u32 $0x80000000, v12;
	v21 =	vxor.u32 $0x80000000, v15;
	v12 =	vxor.u32 $0x80000000, v16  }
0x639: {  	v22 =	vxor.u32 $0x80000000, v13;
	v13 =	vxor.u32 $0x80000000, v14;
	v23 =	vxor.u32 $0x80000000, v17  }
0x63a: {  	v61 =	vxor.u32 $0x80000000, v18;
	vm0 =	vgt.s32 v21, v12;
	vm4 =	vgt.s32 v11, v20  }
0x63b: {  	vm1 =	vgt.s32 v22, v13;
	vm5 =	vgt.s32 v23, v61;
	v14 =	vsel vm0, v21, v12  }
0x63c: {  	v15 =	vsel vm4, v11, v20;
	v16 =	vsel vm1, v22, v13;
	v17 =	vsel vm5, v23, v61  }
0x63d: {  	vm0 =	vgt.s32 v15, v16;
	vm6 =	vgt.s32 v14, v17  }
0x63e: {  	v15 =	vsel vm0, v15, v16;
	v14 =	vsel vm6, v14, v17  }
0x63f: {  	vm0 =	vgt.s32 v15, v14  }
0x640: {  	v14 =	vsel vm0, v15, v14  }
0x641: {  	v14 =	vxor.u32 $0x80000000, v14  }
0x642: {  	(xrf0) =	vmax.scan.msk.u32 $0xffff, v14;
	_ =	sdelay $0x5  }
0x643: {  	v14, _, _ =	vpop (xrf0)  }
0x644: {  	(v2sf) =	vpush v14, $0xF;
	_ =	sdelay $0xe  }
0x645: {  	s23 =	spop (v2sf)  }
0x646: {  	s3 =	sxor.u32 $0x80000000, s23  }
0x647: {  	vm7 =	veq.s32 v20, s3  }
0x648: {  	v14 =	vmctz.xlane vm7  }
0x649: {  	vm15 =	vmmov vm8;
	vm8 =	veq.s32 v11, s3  }
0x64a: {  	v15 =	vmctz.xlane vm8;
	vm9 =	vlt.s32 v14, $0x10;
	v14 =	vadd.s32 $0x10, v14  }
0x64b: {  	vm10 =	veq.s32 v22, s3;
	v14 =	vnsel vm9, $0x7FFFFFFF, v14  }
0x64c: {  	v16 =	vmctz.xlane vm10;
	vm0 =	vlt.s32 v15, v14  }
0x64d: {  	vm11 =	vlt.s32 v15, $0x10;
	v15 =	vsel vm0, v15, v14  }
0x64e: {  	vm12 =	veq.s32 v13, s3;
	v14 =	vsel vm11, v15, v14;
	v15 =	vadd.s32 $0x20, v16  }
0x64f: {  	v17 =	vmctz.xlane vm12;
	vm13 =	vlt.s32 v14, v15  }
0x650: {  	vm14 =	vlt.s32 v16, $0x10;
	v15 =	vsel vm13, v14, v15  }
0x651: {  	vm15 =	veq.s32 v21, s3;
	v14 =	vsel vm14, v15, v14;
	v15 =	vadd.s32 $0x30, v17  }
0x652: {  	v16 =	vmctz.xlane vm15;
	vm4 =	vlt.s32 v14, v15  }
0x653: {  	vm5 =	vlt.s32 v17, $0x10;
	v15 =	vsel vm4, v14, v15  }
0x654: {  	vm6 =	veq.s32 v12, s3;
	v14 =	vsel vm5, v15, v14;
	v15 =	vadd.s32 $0x40, v16  }
0x655: {  	v17 =	vmctz.xlane vm6;
	vm7 =	vlt.s32 v14, v15  }
0x656: {  	vm8 =	vlt.s32 v16, $0x10;
	v15 =	vsel vm7, v14, v15  }
0x657: {  	vm9 =	veq.s32 v23, s3;
	v14 =	vsel vm8, v15, v14;
	v15 =	vadd.s32 $0x50, v17  }
0x658: {  	v16 =	vmctz.xlane vm9;
	vm10 =	vlt.s32 v14, v15  }
0x659: {  	vm11 =	vlt.s32 v17, $0x10;
	v15 =	vsel vm10, v14, v15  }
0x65a: {  	vm12 =	veq.s32 v61, s3;
	v14 =	vsel vm11, v15, v14;
	v15 =	vadd.s32 $0x60, v16  }
0x65b: {  	v17 =	vmctz.xlane vm12;
	vm13 =	vlt.s32 v14, v15  }
0x65c: {  	vm14 =	vlt.s32 v16, $0x10;
	v15 =	vsel vm13, v14, v15  }
0x65d: {  	v14 =	vsel vm14, v15, v14;
	v15 =	vadd.s32 $0x70, v17  }
0x65e: {  	v16 =	vmov s3;
	vm15 =	vlt.s32 v14, v15  }
0x65f: {  	s24 =	simm.s32 $0x0;
	vm4 =	vlt.s32 v17, $0x10;
	v16 =	vshra.s32 v16, $0x1F;
	v15 =	vsel vm15, v14, v15  }
0x660: {  	v19 =	vmov s24;
	v62 =	vand.u32 $0x7FFFFFFF, v16;
	v63 =	vsel vm4, v15, v14  }
0x661: {  	vm5 =	veq.s32 v63, v0;
	vm1 =	veq.s32 v63, v4;
	vm6 =	veq.s32 v63, v9  }
0x662: {  	vm7 =	veq.s32 v63, v10;
	vm8 =	veq.s32 v63, v6;
	vm9 =	veq.s32 v63, v7  }
0x663: {  	vm10 =	veq.s32 v63, v8;
	vm11 =	veq.s32 v63, v5;
	v16 =	vsel vm5, $0x80000000, v11  }
0x664: {  	v15 =	vsel vm1, $0x80000000, v13;
	v12 =	vsel vm7, $0x80000000, v12;
	v17 =	vsel vm8, $0x80000000, v20  }
0x665: {  	v14 =	vsel vm6, $0x80000000, v21;
	v13 =	vsel vm10, $0x80000000, v23;
	v18 =	vsel vm11, $0x80000000, v22  }
0x666: {  	v11 =	vsel vm9, $0x80000000, v61;
	vm2 =	vgt.s32 v14, v12;
	vm12 =	vgt.s32 v16, v17;
	v20 =	vld.idx.msk [tilespmem:v63+s0+$0x0], $0xffff  }
0x667: {  	vm13 =	vgt.s32 v18, v15;
	vm14 =	vgt.s32 v13, v11;
	v23 =	vsel vm2, v14, v12  }
0x668: {  	v21 =	vsel vm12, v16, v17;
	v22 =	vsel vm13, v18, v15;
	v24 =	vsel vm14, v13, v11  }
0x669: {  	v25 =	vxor.u32 s3, v62;
	vm0 =	vgt.s32 v21, v22;
	vm15 =	vgt.s32 v23, v24  }
0x66a: {  	s4 =	simm.s32 $0x2;
	s3 =	simm.s32 $0x1;
	[tilespmem:v19+s1+$0x0] =	vst.idx.msk $0x1, v25;
	v21 =	vsel vm0, v21, v22;
	v22 =	vsel vm15, v23, v24  }
.LBB2_72:
0x66b: {  	p0 =	sne.s32 s4, $0x3F;
	vm0 =	vgt.s32 v21, v22;
	[tilespmem:v19+s18+$0x0] =	vst.idx.msk $0x1, v20;
	s5 =	smov.u32 s4;
	s4 =	sadd.s32 $0x1, s4  }
0x66c: {  	v19 =	vsel vm0, v21, v22  }
0x66d: {  	v19 =	vxor.u32 $0x80000000, v19  }
0x66e: {  	(xrf0) =	vmax.scan.msk.u32 $0xffff, v19;
	_ =	sdelay $0x5  }
0x66f: {  	v19, _, _ =	vpop (xrf0)  }
0x670: {  	(v2sf) =	vpush v19, $0xF;
	_ =	sdelay $0xe  }
0x671: {  	s6 =	spop (v2sf)  }
0x672: {  	s6 =	sxor.u32 $0x80000000, s6  }
0x673: {  	vm0 =	veq.s32 v16, s6;
	vm1 =	veq.s32 v17, s6;
	vm2 =	veq.s32 v18, s6  }
0x674: {  	v19 =	vmctz.xlane vm1;
	v20 =	vmctz.xlane vm2;
	vm1 =	veq.s32 v15, s6  }
0x675: {  	vm2 =	veq.s32 v12, s6;
	v21 =	vmctz.xlane vm1;
	vm1 =	veq.s32 v14, s6  }
0x676: {  	v22 =	vmctz.xlane vm0;
	vm0 =	vlt.s32 v19, $0x10;
	v19 =	vadd.s32 $0x10, v19  }
0x677: {  	v24 =	vmctz.xlane vm2;
	v23 =	vmctz.xlane vm1;
	v19 =	vnsel vm0, $0x7FFFFFFF, v19  }
0x678: {  	vm2 =	veq.s32 v11, s6;
	vm1 =	veq.s32 v13, s6;
	vm0 =	vlt.s32 v22, v19  }
0x679: {  	vm3 =	vlt.s32 v22, $0x10;
	v25 =	vmctz.xlane vm1;
	v22 =	vsel vm0, v22, v19  }
0x67a: {  	v26 =	vmctz.xlane vm2;
	v19 =	vsel vm3, v22, v19;
	v22 =	vadd.s32 $0x20, v20  }
0x67b: {  	v27 =	vmov s6;
	vm0 =	vlt.s32 v19, v22  }
0x67c: {  	vm1 =	vlt.s32 v20, $0x10;
	v20 =	vsel vm0, v19, v22;
	v22 =	vshra.s32 v27, $0x1F  }
0x67d: {  	v19 =	vsel vm1, v20, v19;
	v20 =	vadd.s32 $0x30, v21;
	v22 =	vand.u32 $0x7FFFFFFF, v22  }
0x67e: {  	vm0 =	vlt.s32 v19, v20;
	v27 =	vxor.u32 s6, v22  }
0x67f: {  	vm1 =	vlt.s32 v21, $0x10;
	v20 =	vsel vm0, v19, v20  }
0x680: {  	v19 =	vsel vm1, v20, v19;
	v20 =	vadd.s32 $0x40, v23  }
0x681: {  	vm0 =	vlt.s32 v19, v20  }
0x682: {  	vm1 =	vlt.s32 v23, $0x10;
	v20 =	vsel vm0, v19, v20  }
0x683: {  	v19 =	vsel vm1, v20, v19;
	v20 =	vadd.s32 $0x50, v24  }
0x684: {  	vm0 =	vlt.s32 v19, v20  }
0x685: {  	vm1 =	vlt.s32 v24, $0x10;
	v20 =	vsel vm0, v19, v20  }
0x686: {  	v19 =	vsel vm1, v20, v19;
	v20 =	vadd.s32 $0x60, v25  }
0x687: {  	vm0 =	vlt.s32 v19, v20  }
0x688: {  	vm1 =	vlt.s32 v25, $0x10;
	v20 =	vsel vm0, v19, v20  }
0x689: {  	v19 =	vsel vm1, v20, v19;
	v20 =	vadd.s32 $0x70, v26  }
0x68a: {  	vm0 =	vlt.s32 v19, v20  }
0x68b: {  	vm1 =	vlt.s32 v26, $0x10;
	v20 =	vsel vm0, v19, v20  }
0x68c: {  	v21 =	vsel vm1, v20, v19;
	v19 =	vmov s3;
	s3 =	smov.u32 s5  }
0x68d: {  	vm0 =	veq.s32 v21, v0;
	vm1 =	veq.s32 v21, v4;
	vm2 =	veq.s32 v21, v9  }
0x68e: {  	v16 =	vsel vm0, $0x80000000, v16;
	v15 =	vsel vm1, $0x80000000, v15;
	vm0 =	veq.s32 v21, v10  }
0x68f: {  	vm1 =	veq.s32 v21, v6;
	v12 =	vsel vm0, $0x80000000, v12;
	vm0 =	veq.s32 v21, v7  }
0x690: {  	v14 =	vsel vm2, $0x80000000, v14;
	v17 =	vsel vm1, $0x80000000, v17;
	vm1 =	veq.s32 v21, v8  }
0x691: {  	vm3 =	veq.s32 v21, v5;
	vm2 =	vgt.s32 v14, v12;
	v13 =	vsel vm1, $0x80000000, v13;
	v20 =	vld.idx.msk [tilespmem:v21+s0+$0x0], $0xffff  }
.Ltmp35:
0x692: {  	v18 =	vsel vm3, $0x80000000, v18;
	v11 =	vsel vm0, $0x80000000, v11;
	v22 =	vsel vm2, v14, v12;
	(pc) =	sbr.rel @p0 .LBB2_72-.Ltmp35, $4  }
0x693: {  	vm0 =	vgt.s32 v16, v17;
	vm1 =	vgt.s32 v18, v15;
	vm2 =	vgt.s32 v13, v11  }
0x694: {  	v21 =	vsel vm0, v16, v17;
	v23 =	vsel vm1, v18, v15;
	v24 =	vsel vm2, v13, v11  }
0x695: {  	vm0 =	vgt.s32 v21, v23;
	vm1 =	vgt.s32 v22, v24  }
0x696: {  	v21 =	vsel vm0, v21, v23;
	v22 =	vsel vm1, v22, v24;
	[tilespmem:v19+s1+$0x0] =	vst.idx.msk $0x1, v27  }
0x697: {  	vm0 =	vgt.s32 v21, v22  }
0x698: {  	v4 =	vsel vm0, v21, v22  }
0x699: {  	v4 =	vxor.u32 $0x80000000, v4  }
0x69a: {  	(xrf0) =	vmax.scan.msk.u32 $0xffff, v4;
	_ =	sdelay $0x5  }
0x69b: {  	v4, _, _ =	vpop (xrf0)  }
0x69c: {  	(v2sf) =	vpush v4, $0xF;
	_ =	sdelay $0xe  }
0x69d: {  	s4 =	spop (v2sf)  }
0x69e: {  	s4 =	sxor.u32 $0x80000000, s4  }
0x69f: {  	vm7 =	veq.s32 v17, s4  }
0x6a0: {  	v4 =	vmctz.xlane vm7  }
0x6a1: {  	vm8 =	veq.s32 v16, s4  }
0x6a2: {  	v5 =	vmctz.xlane vm8;
	vm9 =	vlt.s32 v4, $0x10;
	v4 =	vadd.s32 $0x10, v4  }
0x6a3: {  	vm1 =	veq.s32 v18, s4;
	v4 =	vnsel vm9, $0x7FFFFFFF, v4  }
0x6a4: {  	v6 =	vmctz.xlane vm1;
	vm0 =	vlt.s32 v5, v4  }
0x6a5: {  	vm10 =	vlt.s32 v5, $0x10;
	v5 =	vsel vm0, v5, v4  }
0x6a6: {  	vm11 =	veq.s32 v15, s4;
	v4 =	vsel vm10, v5, v4;
	v5 =	vadd.s32 $0x20, v6  }
0x6a7: {  	v7 =	vmctz.xlane vm11;
	vm12 =	vlt.s32 v4, v5  }
0x6a8: {  	vm13 =	vlt.s32 v6, $0x10;
	v5 =	vsel vm12, v4, v5  }
0x6a9: {  	vm14 =	veq.s32 v14, s4;
	v4 =	vsel vm13, v5, v4;
	v5 =	vadd.s32 $0x30, v7  }
0x6aa: {  	v59 =	vmctz.xlane vm14;
	vm15 =	vlt.s32 v4, v5  }
0x6ab: {  	vm4 =	vlt.s32 v7, $0x10;
	v5 =	vsel vm15, v4, v5  }
0x6ac: {  	vm5 =	veq.s32 v12, s4;
	v4 =	vsel vm4, v5, v4;
	v5 =	vadd.s32 $0x40, v59  }
0x6ad: {  	v60 =	vmctz.xlane vm5;
	vm6 =	vlt.s32 v4, v5  }
0x6ae: {  	vm7 =	vlt.s32 v59, $0x10;
	v5 =	vsel vm6, v4, v5  }
0x6af: {  	vm8 =	veq.s32 v13, s4;
	v4 =	vsel vm7, v5, v4;
	v5 =	vadd.s32 $0x50, v60  }
0x6b0: {  	v61 =	vmctz.xlane vm8;
	vm9 =	vlt.s32 v4, v5  }
0x6b1: {  	vm10 =	vlt.s32 v60, $0x10;
	v5 =	vsel vm9, v4, v5  }
0x6b2: {  	vm11 =	veq.s32 v11, s4;
	v4 =	vsel vm10, v5, v4;
	v5 =	vadd.s32 $0x60, v61  }
0x6b3: {  	v62 =	vmctz.xlane vm11;
	vm12 =	vlt.s32 v4, v5  }
0x6b4: {  	vm13 =	vlt.s32 v61, $0x10;
	v5 =	vsel vm12, v4, v5  }
0x6b5: {  	v4 =	vsel vm13, v5, v4;
	v5 =	vadd.s32 $0x70, v62  }
0x6b6: {  	vm14 =	vlt.s32 v4, v5  }
0x6b7: {  	vm15 =	vlt.s32 v62, $0x10;
	v5 =	vsel vm14, v4, v5  }
0x6b8: {  	v4 =	vsel vm15, v5, v4;
	_ =	sdelay $0x3  }
0x6b9: {  	[tilespmem:v19+s18+$0x0] =	vst.idx.msk $0x1, v20;
	v5 =	vmov s3  }
0x6ba: {  	v63 =	vmov s4;
	v4 =	vld.idx.msk [tilespmem:v4+s0+$0x0], $0xffff  }
0x6bb: {  	v6 =	vshra.s32 v63, $0x1F  }
0x6bc: {  	v6 =	vand.u32 $0x7FFFFFFF, v6  }
0x6bd: {  	v6 =	vxor.u32 s4, v6  }
0x6be: {  	[tilespmem:v5+s1+$0x0] =	vst.idx.msk $0x1, v6  }
0x6bf: {  	[tilespmem:v5+s18+$0x0] =	vst.idx.msk $0x1, v4  }
0x6c0: {  	[hbm4b:s13+s2] =	stream.linear.scatter [tilespmem:s1], [sflag:$0x3], $0x80, $0x38;
	[tilespmem:$0x11700] =	vst v63  }
0x6c1: {  	_ =	swait.ge [sflag:s19], $0x80  }
0x6c2: {  	s21 =	sadd.s32 $0x1, s21;
	[sflag:s19] =	ssyncset.done $0x0  }
0x6c3: {  	p0 =	sne.s32 s21, s15;
	[sflag:s19] =	ssyncadd.s32 $0xFFFFFF80  }
0x6c4: {  	[hbm4b:s14+s2] =	stream.linear.scatter [tilespmem:s18], [sflag:$0x3], $0x80, $0x38;
	[tilespmem:$0x11700] =	vst v63  }
.Ltmp36:
0x6c5: {  	_ = 	snop;
	(pc) =	sbr.rel @p0 .LBB2_1-.Ltmp36, $4  }
.Ltmp37:
0x6c6: {  	_ = 	snop;
	(pc) =	sbr.rel @!p0 .LBB2_74-.Ltmp37, $4  }
0x6c7: {  	_ =	swait.ge [sflag:s19], $0x80  }
0x6c8: {  	[sflag:s19] =	ssyncset.done $0x0  }
0x6c9: {  	[sflag:s19] =	ssyncadd.s32 $0xFFFFFF80  }
0x6ca: {  	_ = 	snop  }
.LBB2_26:
.Ltmp38:
0x6cb: {  	(pc) =	sbr.rel .LBB2_31-.Ltmp38, $2  }
0x6cc: {  	_ =	sdelay $0x2  }
0x6cd: {  	s4 =	simm.s32 $0x0;
	p1 =	por $0x0, $0x0  }
.LBB2_62:
.Ltmp39:
0x6ce: {  	(pc) =	sbr.rel .LBB2_67-.Ltmp39, $2  }
0x6cf: {  	_ =	sdelay $0x2  }
0x6d0: {  	s4 =	simm.s32 $0x0;
	p1 =	por $0x0, $0x0  }
.LBB2_28:
.Ltmp40:
0x6d1: {  	(pc) =	sbr.rel .LBB2_31-.Ltmp40, $1  }
0x6d2: {  	_ =	sdelay $0x3  }
.LBB2_64:
.Ltmp41:
0x6d3: {  	(pc) =	sbr.rel .LBB2_67-.Ltmp41, $1  }
0x6d4: {  	_ =	sdelay $0x3  }
.LBB2_74:
0x6d5: {  	_ =	sfence.sel $0x180000  }
0x6d6: {  	[bflag:$0x0] =	sbarrier.arrive $0xFFFF  }
0x6d7: {  	_ =	strace $0x90000047  }
0x6d8: {  	s0 =	stileid.u32;
	[bflag:$0x2] =	sbarrier.arrive $0xFFFF  }
0x6d9: {  	p0 =	sne.s32 s0, $0x0;
	s0 =	rddreg [dreg:$0x3]  }
0x6da: {  	s0 =	sadd.s32 @!p0 $0x100000, s0  }
0x6db: {  	[sflag:s0] =	ssyncadd.tile.s32 @!p0 $0x1;
	_ =	shalt  }
.Lfunc_end2:
_tile_overlayer_lowered:
.L_overlay_start_2:
0x6dc: {  	(tag) =	ssettag $0x2  }
0x6dd: {  	s0 =	rddreg [dreg:$0x0];
	s2 =	stileid.u32  }
0x6de: {  	s1 =	rddreg [dreg:$0x1];
	p0 =	sne.s32 s2, $0x0  }
0x6df: {  	s3 =	rddreg [dreg:$0x2];
	[bflag:$0x3] =	sbarrier.arrive $0xFFFF;
	s2 =	simm.s32 @!p0 $0x1C03  }
0x6e0: {  	[timem:s3], [sflag:s2] =	dma.local @!p0 [hbm:s0], s1  }
0x6e1: {  	s0 =	simm.s32 @!p0 $0x3  }
0x6e2: {  	_ =	swait.ge @!p0 [sflag:s0], s1  }
0x6e3: {  	s1 =	ssub.s32 @!p0 $0x0, s1;
	[sflag:s0] =	ssyncset.done @!p0 $0x0  }
0x6e4: {  	[sflag:s0] =	ssyncadd.s32 @!p0 s1  }
0x6e5: {  	[bflag:$0x3] =	sbarrier.arrive $0xFFFF  }
0x6e6: {  	_ =	shalt  }

</sc_bundles>
